<compile_context>
chip_gen: v7x
topology: tpu7x:2x2x1
jax: 0.10.2.dev20260603
libtpu: 0.0.44.dev20260713+nightly
codegen_flags: <defaults>
</compile_context>

<pallas_src>
import functools

import jax
import jax.numpy as jnp
from jax import lax
from jax.experimental import pallas as pl
from jax.experimental.pallas import tpu as pltpu
from jax.experimental.pallas import tpu_sc as plsc

VOCAB = 1000000
D = 16
F = 26
B = 16384

NC = 2
NS = 16
NW = NC * NS
L = 16

_mesh = plsc.VectorSubcoreMesh(core_axis_name="c", subcore_axis_name="s")


CB = 1152
NBLK_B = (VOCAB // 128) * 128 // CB
VOCAB_PAD = VOCAB // 128 * 128 + 128
TAIL_OFF = NBLK_B * CB
NBUF = 3
NG = (NBLK_B // NW + NBUF) // NBUF + 1


@functools.partial(
    pl.kernel,
    mesh=_mesh,
    out_type=jax.ShapeDtypeStruct((VOCAB_PAD * D,), jnp.float32),
    scratch_types=[
        pltpu.VMEM((D, CB), jnp.float32),
        pltpu.VMEM((D, CB), jnp.float32),
        pltpu.VMEM((D, CB), jnp.float32),
        pltpu.VMEM((CB * D,), jnp.float32),
        pltpu.VMEM((CB * D,), jnp.float32),
        pltpu.VMEM((CB * D,), jnp.float32),
        pltpu.SemaphoreType.DMA,
        pltpu.SemaphoreType.DMA,
        pltpu.SemaphoreType.DMA,
        pltpu.SemaphoreType.DMA,
        pltpu.SemaphoreType.DMA,
        pltpu.SemaphoreType.DMA,
    ],
    compiler_params=pltpu.CompilerParams(
        needs_layout_passes=False, use_tc_tiling_on_sc=True),
)
def _transpose_kernel(embt_hbm, tail_hbm, out_hbm, st0, st1, st2,
                      ob0, ob1, ob2, ss0, ss1, ss2, ws0, ws1, ws2):
    stage = (st0, st1, st2)
    obuf = (ob0, ob1, ob2)
    ssem = (ss0, ss1, ss2)
    wsem = (ws0, ws1, ws2)
    wid = lax.axis_index("s") * NC + lax.axis_index("c")
    lanes = lax.iota(jnp.int32, L)

    def transpose_rows(slot, nrows):
        idx_d = [lanes * D + d for d in range(D)]

        @plsc.parallel_loop(0, nrows // L, unroll=2)
        def cchunk(c):
            off = c * (L * D)
            for d in range(D):
                v = stage[slot][d, pl.ds(c * L, L)]
                plsc.store_scatter(obuf[slot], [idx_d[d] + off], v)

    @pl.when(wid == NW - 1)
    def _tail():
        pltpu.sync_copy(tail_hbm.at[pl.ds(0, 8), :],
                        st0.at[pl.ds(0, 8), pl.ds(0, 128)])
        pltpu.sync_copy(tail_hbm.at[pl.ds(8, 8), :],
                        st0.at[pl.ds(8, 8), pl.ds(0, 128)])
        transpose_rows(0, 128)
        pltpu.sync_copy(ob0.at[pl.ds(0, 128 * D)],
                        out_hbm.at[pl.ds(TAIL_OFF * D, 128 * D)])

    def issue_stage(bid, slot):
        col = bid * CB
        pltpu.make_async_copy(
            embt_hbm.at[pl.ds(0, 8), pl.ds(col, CB)],
            stage[slot].at[pl.ds(0, 8), :], ssem[slot]).start()
        pltpu.make_async_copy(
            embt_hbm.at[pl.ds(8, 8), pl.ds(col, CB)],
            stage[slot].at[pl.ds(8, 8), :], ssem[slot]).start()

    def wait_stage(slot):
        pltpu.make_async_copy(
            embt_hbm.at[pl.ds(0, 8), pl.ds(0, CB)],
            stage[slot].at[pl.ds(0, 8), :], ssem[slot]).wait()
        pltpu.make_async_copy(
            embt_hbm.at[pl.ds(8, 8), pl.ds(0, CB)],
            stage[slot].at[pl.ds(8, 8), :], ssem[slot]).wait()

    def wait_write(slot):
        pltpu.make_async_copy(
            obuf[slot], out_hbm.at[pl.ds(0, CB * D)],
            wsem[slot]).wait()

    for b in range(NBUF):
        bid0 = wid + NW * b

        @pl.when(bid0 < NBLK_B)
        def _prime(bid0=bid0, b=b):
            issue_stage(bid0, b)

    def grp(g, carry):
        for b in range(NBUF):
            j = g * NBUF + b
            bid = wid + NW * j
            ok = bid < NBLK_B

            @pl.when(ok)
            def _wait(b=b):
                wait_stage(b)

            @pl.when(jnp.logical_and(ok, j >= NBUF))
            def _wait_w(b=b):
                wait_write(b)

            @pl.when(ok)
            def _do(bid=bid, b=b):
                transpose_rows(b, CB)
                pltpu.make_async_copy(
                    obuf[b],
                    out_hbm.at[pl.ds(bid * (CB * D), CB * D)],
                    wsem[b]).start()

            @pl.when(bid + NW * NBUF < NBLK_B)
            def _next(bid=bid, b=b):
                issue_stage(bid + NW * NBUF, b)
        return carry

    lax.fori_loop(0, NG, grp, 0)

    for b in range(NBUF):
        @pl.when(wid + NW * b < NBLK_B)
        def _drain(b=b):
            wait_write(b)



ROWS_PER_W = B // NW
CH = 64
NCH = ROWS_PER_W // CH
IPC = CH * F
NIDX = IPC // 128
NCB = 4


@functools.partial(
    pl.kernel,
    mesh=_mesh,
    out_type=jax.ShapeDtypeStruct((B,), jnp.float32),
    scratch_types=[
        pltpu.VMEM((IPC,), jnp.int32),
        pltpu.VMEM((IPC,), jnp.int32),
        pltpu.VMEM((IPC,), jnp.int32),
        pltpu.VMEM((IPC,), jnp.int32),
        pltpu.VMEM((IPC, D), jnp.float32),
        pltpu.VMEM((IPC, D), jnp.float32),
        pltpu.VMEM((IPC, D), jnp.float32),
        pltpu.VMEM((IPC, D), jnp.float32),
        pltpu.VMEM((IPC + 2 * L,), jnp.float32),
        pltpu.VMEM((IPC + 2 * L,), jnp.float32),
        pltpu.VMEM((IPC + 2 * L,), jnp.float32),
        pltpu.VMEM((IPC + 2 * L,), jnp.float32),
        pltpu.VMEM((ROWS_PER_W,), jnp.float32),
        pltpu.VMEM((L,), jnp.float32),
        pltpu.SemaphoreType.DMA,
        pltpu.SemaphoreType.DMA,
        pltpu.SemaphoreType.DMA,
        pltpu.SemaphoreType.DMA,
    ],
    compiler_params=pltpu.CompilerParams(
        needs_layout_passes=False, use_tc_tiling_on_sc=False),
)
def _fm_kernel(x_hbm, emb_hbm, lin_hbm, bias_hbm, out_hbm,
               idx0, idx1, idx2, idx3, rows0, rows1, rows2, rows3,
               lin0, lin1, lin2, lin3, out_v, bias_v,
               gs0, gs1, gs2, gs3):
    idx = (idx0, idx1, idx2, idx3)
    rows = (rows0, rows1, rows2, rows3)
    lin = (lin0, lin1, lin2, lin3)
    gsem = (gs0, gs1, gs2, gs3)
    wid = lax.axis_index("s") * NC + lax.axis_index("c")
    ibase = wid * (ROWS_PER_W * F)

    pltpu.sync_copy(bias_hbm, bias_v)
    bias_vec = bias_v[...]
    lanes = lax.iota(jnp.int32, L)

    def issue_gathers(c, slot):
        off = ibase + c * IPC
        pltpu.sync_copy(x_hbm.at[pl.ds(off, IPC)], idx[slot])
        pltpu.make_async_copy(
            emb_hbm.at[idx[slot]], rows[slot], gsem[slot]).start()
        pltpu.make_async_copy(
            lin_hbm.at[idx[slot]], lin[slot].at[pl.ds(0, IPC)],
            gsem[slot]).start()

    def wait_gathers(slot):
        pltpu.make_async_copy(
            emb_hbm.at[idx[slot]], rows[slot], gsem[slot]).wait()
        pltpu.make_async_copy(
            lin_hbm.at[idx[slot]], lin[slot].at[pl.ds(0, IPC)],
            gsem[slot]).wait()

    def compute_chunk(c, slot):
        rows_v = rows[slot]
        lin_v = lin[slot]

        def group_body(g, carry2):
            rowbase = g * L

            def row_body(j, cross_vec):
                p = (rowbase + j) * F
                v0 = rows_v[p, :]
                v1 = rows_v[p + 1, :]
                s0, q0 = v0, v0 * v0
                s1, q1 = v1, v1 * v1
                for f in range(2, F, 2):
                    va = rows_v[p + f, :]
                    s0 = s0 + va
                    q0 = q0 + va * va
                for f in range(3, F, 2):
                    vb = rows_v[p + f, :]
                    s1 = s1 + vb
                    q1 = q1 + vb * vb
                s = s0 + s1
                q = q0 + q1
                la = lin_v[pl.ds(p, L)]
                lb = lin_v[pl.ds(p + L, L)]
                lb = jnp.where(lanes < F - L, lb, 0.0)
                total_vec = la + lb + 0.5 * (s * s - q)
                red = jnp.sum(total_vec)
                return jnp.where(lanes == j, red, cross_vec)

            cross_vec = lax.fori_loop(0, L, row_body,
                                      jnp.zeros((L,), jnp.float32))
            z = cross_vec + bias_vec
            yv = 1.0 / (1.0 + jnp.exp(-z))
            out_v[pl.ds(c * CH + rowbase, L)] = yv
            return carry2

        lax.fori_loop(0, CH // L, group_body, 0)

    for pc in range(NCB - 1):
        issue_gathers(pc, pc)

    def grp(g, carry):
        for b in range(NCB):
            c = g * NCB + b
            wait_gathers(b)

            @pl.when(c + NCB - 1 < NCH)
            def _nxt(c=c, b=b):
                issue_gathers(c + NCB - 1, (b + NCB - 1) % NCB)

            compute_chunk(c, b)
        return carry

    lax.fori_loop(0, NCH // NCB, grp, 0)
    pltpu.sync_copy(out_v, out_hbm.at[pl.ds(wid * ROWS_PER_W, ROWS_PER_W)])


def kernel(X, y, emb_table, lin_w, bias):
    emb_t = emb_table.T
    tail = jnp.pad(emb_table[TAIL_OFF:], ((0, 64), (0, 0))).T
    flat = _transpose_kernel(emb_t, tail)
    emb_lin = flat.reshape(VOCAB_PAD, D)
    x_flat = X.reshape(-1).astype(jnp.int32)
    lin_flat = lin_w.reshape(-1)
    bias16 = jnp.broadcast_to(bias.astype(jnp.float32), (L,))
    y_pred = _fm_kernel(x_flat, emb_lin, lin_flat, bias16)
    return (y.reshape(B, 1), y_pred.reshape(B, 1))

# --- scband reference (transcript-rebuilt; emitter-appended) ---
"""Pipeline reference for scband-facorization-machine-79620103733923 (READ-ONLY COPY).

The authoritative reference and input builder live on the scoring server;
editing this copy changes nothing except your own understanding.
"""

import jax, jax.numpy as jnp
import numpy as np

VOCAB = 1000000
DIM = 16
FIELDS = 26
BATCH = 16384


def setup_inputs(seed: int = 0) -> dict:
    key = jax.random.key(seed)
    k1, k2, k3, k4 = jax.random.split(key, 4)
    X = jax.random.randint(k1, (BATCH, FIELDS), 0, VOCAB)
    y = jax.random.uniform(k2, (BATCH,), dtype=jnp.float32)
    emb_table = jax.random.normal(k3, (VOCAB, DIM), dtype=jnp.float32) * 0.01
    lin_w = jax.random.normal(k4, (VOCAB, 1), dtype=jnp.float32) * 0.01
    bias = jnp.zeros((1,), dtype=jnp.float32)
    return {"X": X, "y": y, "emb_table": emb_table, "lin_w": lin_w, "bias": bias}


def reference(X, y, emb_table, lin_w, bias):
    # EmbeddingDict: gather per-field embeddings from the (flattened) table
    X_emb = jnp.take(emb_table, X, axis=0)              # [B, F, D]
    # FMLayer: first-order linear term (embedding lookup of scalar weights)
    linear = jnp.take(lin_w, X, axis=0).sum(axis=1) + bias  # [B, 1]
    # second-order pairwise interaction: 0.5 * ((sum v)^2 - sum v^2)
    sum_emb = jnp.sum(X_emb, axis=1)                    # [B, D]
    square_of_sum = sum_emb * sum_emb                   # [B, D]
    sum_of_square = jnp.sum(X_emb * X_emb, axis=1)      # [B, D]
    cross = 0.5 * jnp.sum(square_of_sum - sum_of_square, axis=-1, keepdims=True)  # [B, 1]
    y_pred = jax.nn.sigmoid(linear + cross)             # [B, 1]
    y_true = y.reshape(y_pred.shape)
    return (y_true, y_pred)

if __name__ == "__main__":
    import jax
    _d = setup_inputs()
    print(jax.jit(kernel)(*tuple(_d.values())))

</pallas_src>

<mosaic_0001>
#map = affine_map<(d0, d1) -> (0, 0)>
#map1 = affine_map<(d0, d1) -> (0)>
module attributes {stable_mosaic.version = 14 : i64} {
  func.func @_transpose_kernel(%arg0: i32, %arg1: i32, %arg2: memref<16x1000000xf32, #tpu.memory_space<hbm>>, %arg3: memref<16x128xf32, #tpu.memory_space<hbm>>, %arg4: memref<16001024xf32, #tpu.memory_space<hbm>>, %arg5: memref<16x1152xf32, #tpu.memory_space<vmem>>, %arg6: memref<16x1152xf32, #tpu.memory_space<vmem>>, %arg7: memref<16x1152xf32, #tpu.memory_space<vmem>>, %arg8: memref<18432xf32, #tpu.memory_space<vmem>>, %arg9: memref<18432xf32, #tpu.memory_space<vmem>>, %arg10: memref<18432xf32, #tpu.memory_space<vmem>>, %arg11: memref<!tpu.dma_semaphore, #tpu.memory_space<semaphore_mem>>, %arg12: memref<!tpu.dma_semaphore, #tpu.memory_space<semaphore_mem>>, %arg13: memref<!tpu.dma_semaphore, #tpu.memory_space<semaphore_mem>>, %arg14: memref<!tpu.dma_semaphore, #tpu.memory_space<semaphore_mem>>, %arg15: memref<!tpu.dma_semaphore, #tpu.memory_space<semaphore_mem>>, %arg16: memref<!tpu.dma_semaphore, #tpu.memory_space<semaphore_mem>>) attributes {dimension_semantics = [#tpu.dimension_semantics<core_parallel>, #tpu.dimension_semantics<subcore_parallel>], iteration_bounds = array<i64: 2, 16>, scalar_prefetch = 0 : i64, scratch_operands = 12 : i64, tpu.core_type = #tpu.core_type<sc_vector_subcore>, window_params = [{transform_indices = #map}, {transform_indices = #map}, {transform_indices = #map1}]} {
    %mul3A = arith.constant 2 : i32
    %mul3A_0 = arith.muli %arg1, %mul3A : i32
    %add3A = arith.addi %mul3A_0, %arg0 : i32
    %iota3A = tpu.iota {dimensions = array<i32: 0>} : vector<16xi32>
    %eq3A = arith.constant 31 : i32
    %eq3A_1 = arith.cmpi eq, %add3A, %eq3A : i32
    %convert_element_type3A = arith.extui %eq3A_1 : i1 to i32
    %cond3A = arith.constant 0 : i32
    %cond3A_2 = arith.cmpi ne, %convert_element_type3A, %cond3A : i32
    scf.if %cond3A_2 {
      "tpu.region"() ({
        %run_scoped3A = tpu.sem_alloc : memref<!tpu.dma_semaphore, #tpu.memory_space<semaphore_mem>>
        %dma_start3A = arith.constant 0 : i32
        %dma_start3A_147 = arith.constant 0 : i32
        %dma_start3A_148 = tpu.memref_slice %arg5[%dma_start3A, %dma_start3A_147] : memref<16x1152xf32, #tpu.memory_space<vmem>> -> memref<8x128xf32, #tpu.memory_space<vmem>>
        %dma_start3A_149 = arith.constant 0 : i32
        %dma_start3A_150 = arith.constant 0 : i32
        %dma_start3A_151 = tpu.memref_slice %arg3[%dma_start3A_149, %dma_start3A_150] : memref<16x128xf32, #tpu.memory_space<hbm>> -> memref<8x128xf32, #tpu.memory_space<hbm>>
        %dma_start3A_152 = arith.constant 0 : i32
        %dma_start3A_153 = arith.constant 0 : i32
        %dma_start3A_154 = tpu.memref_slice %arg5[%dma_start3A_152, %dma_start3A_153] : memref<16x1152xf32, #tpu.memory_space<vmem>> -> memref<8x128xf32, #tpu.memory_space<vmem>>
        %dma_start3A_155 = arith.constant 0 : i32
        %dma_start3A_156 = arith.constant 0 : i32
        %dma_start3A_157 = tpu.memref_slice %arg3[%dma_start3A_155, %dma_start3A_156] : memref<16x128xf32, #tpu.memory_space<hbm>> -> memref<8x128xf32, #tpu.memory_space<hbm>>
        tpu.enqueue_dma source(%dma_start3A_157 : memref<8x128xf32, #tpu.memory_space<hbm>>) target(%dma_start3A_154 : memref<8x128xf32, #tpu.memory_space<vmem>>) target_semaphore(%run_scoped3A : memref<!tpu.dma_semaphore, #tpu.memory_space<semaphore_mem>>)
        %dma_wait3A = arith.constant 0 : i32
        %dma_wait3A_158 = arith.constant 0 : i32
        %dma_wait3A_159 = tpu.memref_slice %arg5[%dma_wait3A, %dma_wait3A_158] : memref<16x1152xf32, #tpu.memory_space<vmem>> -> memref<8x128xf32, #tpu.memory_space<vmem>>
        %dma_wait3A_160 = arith.constant 0 : i32
        %dma_wait3A_161 = arith.constant 0 : i32
        %dma_wait3A_162 = tpu.memref_slice %arg3[%dma_wait3A_160, %dma_wait3A_161] : memref<16x128xf32, #tpu.memory_space<hbm>> -> memref<8x128xf32, #tpu.memory_space<hbm>>
        %dma_wait3A_163 = arith.constant 0 : i32
        %dma_wait3A_164 = arith.constant 0 : i32
        %dma_wait3A_165 = tpu.memref_slice %arg5[%dma_wait3A_163, %dma_wait3A_164] : memref<16x1152xf32, #tpu.memory_space<vmem>> -> memref<8x128xf32, #tpu.memory_space<vmem>>
        %dma_wait3A_166 = arith.constant 0 : i32
        %dma_wait3A_167 = arith.constant 0 : i32
        %dma_wait3A_168 = tpu.memref_slice %arg3[%dma_wait3A_166, %dma_wait3A_167] : memref<16x128xf32, #tpu.memory_space<hbm>> -> memref<8x128xf32, #tpu.memory_space<hbm>>
        tpu.wait_dma2 semaphore(%run_scoped3A : memref<!tpu.dma_semaphore, #tpu.memory_space<semaphore_mem>>) src(%dma_wait3A_168 : memref<8x128xf32, #tpu.memory_space<hbm>>) dst(%dma_wait3A_165 : memref<8x128xf32, #tpu.memory_space<vmem>>)
        tpu.yield
      }) : () -> ()
      "tpu.region"() ({
        %run_scoped3A = tpu.sem_alloc : memref<!tpu.dma_semaphore, #tpu.memory_space<semaphore_mem>>
        %dma_start3A = arith.constant 8 : i32
        %dma_start3A_147 = arith.constant 0 : i32
        %dma_start3A_148 = tpu.memref_slice %arg5[%dma_start3A, %dma_start3A_147] : memref<16x1152xf32, #tpu.memory_space<vmem>> -> memref<8x128xf32, #tpu.memory_space<vmem>>
        %dma_start3A_149 = arith.constant 8 : i32
        %dma_start3A_150 = arith.constant 0 : i32
        %dma_start3A_151 = tpu.memref_slice %arg3[%dma_start3A_149, %dma_start3A_150] : memref<16x128xf32, #tpu.memory_space<hbm>> -> memref<8x128xf32, #tpu.memory_space<hbm>>
        %dma_start3A_152 = arith.constant 8 : i32
        %dma_start3A_153 = arith.constant 0 : i32
        %dma_start3A_154 = tpu.memref_slice %arg5[%dma_start3A_152, %dma_start3A_153] : memref<16x1152xf32, #tpu.memory_space<vmem>> -> memref<8x128xf32, #tpu.memory_space<vmem>>
        %dma_start3A_155 = arith.constant 8 : i32
        %dma_start3A_156 = arith.constant 0 : i32
        %dma_start3A_157 = tpu.memref_slice %arg3[%dma_start3A_155, %dma_start3A_156] : memref<16x128xf32, #tpu.memory_space<hbm>> -> memref<8x128xf32, #tpu.memory_space<hbm>>
        tpu.enqueue_dma source(%dma_start3A_157 : memref<8x128xf32, #tpu.memory_space<hbm>>) target(%dma_start3A_154 : memref<8x128xf32, #tpu.memory_space<vmem>>) target_semaphore(%run_scoped3A : memref<!tpu.dma_semaphore, #tpu.memory_space<semaphore_mem>>)
        %dma_wait3A = arith.constant 8 : i32
        %dma_wait3A_158 = arith.constant 0 : i32
        %dma_wait3A_159 = tpu.memref_slice %arg5[%dma_wait3A, %dma_wait3A_158] : memref<16x1152xf32, #tpu.memory_space<vmem>> -> memref<8x128xf32, #tpu.memory_space<vmem>>
        %dma_wait3A_160 = arith.constant 8 : i32
        %dma_wait3A_161 = arith.constant 0 : i32
        %dma_wait3A_162 = tpu.memref_slice %arg3[%dma_wait3A_160, %dma_wait3A_161] : memref<16x128xf32, #tpu.memory_space<hbm>> -> memref<8x128xf32, #tpu.memory_space<hbm>>
        %dma_wait3A_163 = arith.constant 8 : i32
        %dma_wait3A_164 = arith.constant 0 : i32
        %dma_wait3A_165 = tpu.memref_slice %arg5[%dma_wait3A_163, %dma_wait3A_164] : memref<16x1152xf32, #tpu.memory_space<vmem>> -> memref<8x128xf32, #tpu.memory_space<vmem>>
        %dma_wait3A_166 = arith.constant 8 : i32
        %dma_wait3A_167 = arith.constant 0 : i32
        %dma_wait3A_168 = tpu.memref_slice %arg3[%dma_wait3A_166, %dma_wait3A_167] : memref<16x128xf32, #tpu.memory_space<hbm>> -> memref<8x128xf32, #tpu.memory_space<hbm>>
        tpu.wait_dma2 semaphore(%run_scoped3A : memref<!tpu.dma_semaphore, #tpu.memory_space<semaphore_mem>>) src(%dma_wait3A_168 : memref<8x128xf32, #tpu.memory_space<hbm>>) dst(%dma_wait3A_165 : memref<8x128xf32, #tpu.memory_space<vmem>>)
        tpu.yield
      }) : () -> ()
      %mul3A_49 = arith.constant 16 : i32
      %mul3A_50 = vector.broadcast %mul3A_49 : i32 to vector<16xi32>
      %mul3A_51 = arith.muli %iota3A, %mul3A_50 : vector<16xi32>
      %add3A_52 = arith.constant 0 : i32
      %add3A_53 = vector.broadcast %add3A_52 : i32 to vector<16xi32>
      %add3A_54 = arith.addi %mul3A_51, %add3A_53 : vector<16xi32>
      %mul3A_55 = arith.constant 16 : i32
      %mul3A_56 = vector.broadcast %mul3A_55 : i32 to vector<16xi32>
      %mul3A_57 = arith.muli %iota3A, %mul3A_56 : vector<16xi32>
      %add3A_58 = arith.constant 1 : i32
      %add3A_59 = vector.broadcast %add3A_58 : i32 to vector<16xi32>
      %add3A_60 = arith.addi %mul3A_57, %add3A_59 : vector<16xi32>
      %mul3A_61 = arith.constant 16 : i32
      %mul3A_62 = vector.broadcast %mul3A_61 : i32 to vector<16xi32>
      %mul3A_63 = arith.muli %iota3A, %mul3A_62 : vector<16xi32>
      %add3A_64 = arith.constant 2 : i32
      %add3A_65 = vector.broadcast %add3A_64 : i32 to vector<16xi32>
      %add3A_66 = arith.addi %mul3A_63, %add3A_65 : vector<16xi32>
      %mul3A_67 = arith.constant 16 : i32
      %mul3A_68 = vector.broadcast %mul3A_67 : i32 to vector<16xi32>
      %mul3A_69 = arith.muli %iota3A, %mul3A_68 : vector<16xi32>
      %add3A_70 = arith.constant 3 : i32
      %add3A_71 = vector.broadcast %add3A_70 : i32 to vector<16xi32>
      %add3A_72 = arith.addi %mul3A_69, %add3A_71 : vector<16xi32>
      %mul3A_73 = arith.constant 16 : i32
      %mul3A_74 = vector.broadcast %mul3A_73 : i32 to vector<16xi32>
      %mul3A_75 = arith.muli %iota3A, %mul3A_74 : vector<16xi32>
      %add3A_76 = arith.constant 4 : i32
      %add3A_77 = vector.broadcast %add3A_76 : i32 to vector<16xi32>
      %add3A_78 = arith.addi %mul3A_75, %add3A_77 : vector<16xi32>
      %mul3A_79 = arith.constant 16 : i32
      %mul3A_80 = vector.broadcast %mul3A_79 : i32 to vector<16xi32>
      %mul3A_81 = arith.muli %iota3A, %mul3A_80 : vector<16xi32>
      %add3A_82 = arith.constant 5 : i32
      %add3A_83 = vector.broadcast %add3A_82 : i32 to vector<16xi32>
      %add3A_84 = arith.addi %mul3A_81, %add3A_83 : vector<16xi32>
      %mul3A_85 = arith.constant 16 : i32
      %mul3A_86 = vector.broadcast %mul3A_85 : i32 to vector<16xi32>
      %mul3A_87 = arith.muli %iota3A, %mul3A_86 : vector<16xi32>
      %add3A_88 = arith.constant 6 : i32
      %add3A_89 = vector.broadcast %add3A_88 : i32 to vector<16xi32>
      %add3A_90 = arith.addi %mul3A_87, %add3A_89 : vector<16xi32>
      %mul3A_91 = arith.constant 16 : i32
      %mul3A_92 = vector.broadcast %mul3A_91 : i32 to vector<16xi32>
      %mul3A_93 = arith.muli %iota3A, %mul3A_92 : vector<16xi32>
      %add3A_94 = arith.constant 7 : i32
      %add3A_95 = vector.broadcast %add3A_94 : i32 to vector<16xi32>
      %add3A_96 = arith.addi %mul3A_93, %add3A_95 : vector<16xi32>
      %mul3A_97 = arith.constant 16 : i32
      %mul3A_98 = vector.broadcast %mul3A_97 : i32 to vector<16xi32>
      %mul3A_99 = arith.muli %iota3A, %mul3A_98 : vector<16xi32>
      %add3A_100 = arith.constant 8 : i32
      %add3A_101 = vector.broadcast %add3A_100 : i32 to vector<16xi32>
      %add3A_102 = arith.addi %mul3A_99, %add3A_101 : vector<16xi32>
      %mul3A_103 = arith.constant 16 : i32
      %mul3A_104 = vector.broadcast %mul3A_103 : i32 to vector<16xi32>
      %mul3A_105 = arith.muli %iota3A, %mul3A_104 : vector<16xi32>
      %add3A_106 = arith.constant 9 : i32
      %add3A_107 = vector.broadcast %add3A_106 : i32 to vector<16xi32>
      %add3A_108 = arith.addi %mul3A_105, %add3A_107 : vector<16xi32>
      %mul3A_109 = arith.constant 16 : i32
      %mul3A_110 = vector.broadcast %mul3A_109 : i32 to vector<16xi32>
      %mul3A_111 = arith.muli %iota3A, %mul3A_110 : vector<16xi32>
      %add3A_112 = arith.constant 10 : i32
      %add3A_113 = vector.broadcast %add3A_112 : i32 to vector<16xi32>
      %add3A_114 = arith.addi %mul3A_111, %add3A_113 : vector<16xi32>
      %mul3A_115 = arith.constant 16 : i32
      %mul3A_116 = vector.broadcast %mul3A_115 : i32 to vector<16xi32>
      %mul3A_117 = arith.muli %iota3A, %mul3A_116 : vector<16xi32>
      %add3A_118 = arith.constant 11 : i32
      %add3A_119 = vector.broadcast %add3A_118 : i32 to vector<16xi32>
      %add3A_120 = arith.addi %mul3A_117, %add3A_119 : vector<16xi32>
      %mul3A_121 = arith.constant 16 : i32
      %mul3A_122 = vector.broadcast %mul3A_121 : i32 to vector<16xi32>
      %mul3A_123 = arith.muli %iota3A, %mul3A_122 : vector<16xi32>
      %add3A_124 = arith.constant 12 : i32
      %add3A_125 = vector.broadcast %add3A_124 : i32 to vector<16xi32>
      %add3A_126 = arith.addi %mul3A_123, %add3A_125 : vector<16xi32>
      %mul3A_127 = arith.constant 16 : i32
      %mul3A_128 = vector.broadcast %mul3A_127 : i32 to vector<16xi32>
      %mul3A_129 = arith.muli %iota3A, %mul3A_128 : vector<16xi32>
      %add3A_130 = arith.constant 13 : i32
      %add3A_131 = vector.broadcast %add3A_130 : i32 to vector<16xi32>
      %add3A_132 = arith.addi %mul3A_129, %add3A_131 : vector<16xi32>
      %mul3A_133 = arith.constant 16 : i32
      %mul3A_134 = vector.broadcast %mul3A_133 : i32 to vector<16xi32>
      %mul3A_135 = arith.muli %iota3A, %mul3A_134 : vector<16xi32>
      %add3A_136 = arith.constant 14 : i32
      %add3A_137 = vector.broadcast %add3A_136 : i32 to vector<16xi32>
      %add3A_138 = arith.addi %mul3A_135, %add3A_137 : vector<16xi32>
      %mul3A_139 = arith.constant 16 : i32
      %mul3A_140 = vector.broadcast %mul3A_139 : i32 to vector<16xi32>
      %mul3A_141 = arith.muli %iota3A, %mul3A_140 : vector<16xi32>
      %add3A_142 = arith.constant 15 : i32
      %add3A_143 = vector.broadcast %add3A_142 : i32 to vector<16xi32>
      %add3A_144 = arith.addi %mul3A_141, %add3A_143 : vector<16xi32>
      %parallel_loop3A = arith.constant 0 : i32
      %parallel_loop3A_145 = arith.constant 8 : i32
      %parallel_loop3A_146 = arith.constant 1 : i32
      scf.for %parallel_loop3A_147 = %parallel_loop3A to %parallel_loop3A_145 step %parallel_loop3A_146  : i32 {
        %parallel_loop3A_148 = arith.constant 256 : i32
        %parallel_loop3A_149 = arith.muli %parallel_loop3A_147, %parallel_loop3A_148 : i32
        %parallel_loop3A_150 = arith.constant 16 : i32
        %parallel_loop3A_151 = arith.muli %parallel_loop3A_147, %parallel_loop3A_150 : i32
        %parallel_loop3A_152 = arith.constant 0 : i32
        %parallel_loop3A_153 = arith.index_cast %parallel_loop3A_152 : i32 to index
        %parallel_loop3A_154 = arith.index_cast %parallel_loop3A_151 : i32 to index
        %parallel_loop3A_155 = tpu.vector_load %arg5[%parallel_loop3A_153, %parallel_loop3A_154] {strides = array<i32>} : memref<16x1152xf32, #tpu.memory_space<vmem>>, vector<16xf32>,
        %parallel_loop3A_156 = vector.broadcast %parallel_loop3A_149 : i32 to vector<16xi32>
        %parallel_loop3A_157 = arith.addi %add3A_54, %parallel_loop3A_156 : vector<16xi32>
        tpu.vector_store_idx %arg8[%parallel_loop3A_157], %parallel_loop3A_155 : memref<18432xf32, #tpu.memory_space<vmem>>[vector<16xi32>], vector<16xf32>,
        %parallel_loop3A_158 = arith.constant 16 : i32
        %parallel_loop3A_159 = arith.muli %parallel_loop3A_147, %parallel_loop3A_158 : i32
        %parallel_loop3A_160 = arith.constant 1 : i32
        %parallel_loop3A_161 = arith.index_cast %parallel_loop3A_160 : i32 to index
        %parallel_loop3A_162 = arith.index_cast %parallel_loop3A_159 : i32 to index
        %parallel_loop3A_163 = tpu.vector_load %arg5[%parallel_loop3A_161, %parallel_loop3A_162] {strides = array<i32>} : memref<16x1152xf32, #tpu.memory_space<vmem>>, vector<16xf32>,
        %parallel_loop3A_164 = vector.broadcast %parallel_loop3A_149 : i32 to vector<16xi32>
        %parallel_loop3A_165 = arith.addi %add3A_60, %parallel_loop3A_164 : vector<16xi32>
        tpu.vector_store_idx %arg8[%parallel_loop3A_165], %parallel_loop3A_163 : memref<18432xf32, #tpu.memory_space<vmem>>[vector<16xi32>], vector<16xf32>,
        %parallel_loop3A_166 = arith.constant 16 : i32
        %parallel_loop3A_167 = arith.muli %parallel_loop3A_147, %parallel_loop3A_166 : i32
        %parallel_loop3A_168 = arith.constant 2 : i32
        %parallel_loop3A_169 = arith.index_cast %parallel_loop3A_168 : i32 to index
        %parallel_loop3A_170 = arith.index_cast %parallel_loop3A_167 : i32 to index
        %parallel_loop3A_171 = tpu.vector_load %arg5[%parallel_loop3A_169, %parallel_loop3A_170] {strides = array<i32>} : memref<16x1152xf32, #tpu.memory_space<vmem>>, vector<16xf32>,
        %parallel_loop3A_172 = vector.broadcast %parallel_loop3A_149 : i32 to vector<16xi32>
        %parallel_loop3A_173 = arith.addi %add3A_66, %parallel_loop3A_172 : vector<16xi32>
        tpu.vector_store_idx %arg8[%parallel_loop3A_173], %parallel_loop3A_171 : memref<18432xf32, #tpu.memory_space<vmem>>[vector<16xi32>], vector<16xf32>,
        %parallel_loop3A_174 = arith.constant 16 : i32
        %parallel_loop3A_175 = arith.muli %parallel_loop3A_147, %parallel_loop3A_174 : i32
        %parallel_loop3A_176 = arith.constant 3 : i32
        %parallel_loop3A_177 = arith.index_cast %parallel_loop3A_176 : i32 to index
        %parallel_loop3A_178 = arith.index_cast %parallel_loop3A_175 : i32 to index
        %parallel_loop3A_179 = tpu.vector_load %arg5[%parallel_loop3A_177, %parallel_loop3A_178] {strides = array<i32>} : memref<16x1152xf32, #tpu.memory_space<vmem>>, vector<16xf32>,
        %parallel_loop3A_180 = vector.broadcast %parallel_loop3A_149 : i32 to vector<16xi32>
        %parallel_loop3A_181 = arith.addi %add3A_72, %parallel_loop3A_180 : vector<16xi32>
        tpu.vector_store_idx %arg8[%parallel_loop3A_181], %parallel_loop3A_179 : memref<18432xf32, #tpu.memory_space<vmem>>[vector<16xi32>], vector<16xf32>,
        %parallel_loop3A_182 = arith.constant 16 : i32
        %parallel_loop3A_183 = arith.muli %parallel_loop3A_147, %parallel_loop3A_182 : i32
        %parallel_loop3A_184 = arith.constant 4 : i32
        %parallel_loop3A_185 = arith.index_cast %parallel_loop3A_184 : i32 to index
        %parallel_loop3A_186 = arith.index_cast %parallel_loop3A_183 : i32 to index
        %parallel_loop3A_187 = tpu.vector_load %arg5[%parallel_loop3A_185, %parallel_loop3A_186] {strides = array<i32>} : memref<16x1152xf32, #tpu.memory_space<vmem>>, vector<16xf32>,
        %parallel_loop3A_188 = vector.broadcast %parallel_loop3A_149 : i32 to vector<16xi32>
        %parallel_loop3A_189 = arith.addi %add3A_78, %parallel_loop3A_188 : vector<16xi32>
        tpu.vector_store_idx %arg8[%parallel_loop3A_189], %parallel_loop3A_187 : memref<18432xf32, #tpu.memory_space<vmem>>[vector<16xi32>], vector<16xf32>,
        %parallel_loop3A_190 = arith.constant 16 : i32
        %parallel_loop3A_191 = arith.muli %parallel_loop3A_147, %parallel_loop3A_190 : i32
        %parallel_loop3A_192 = arith.constant 5 : i32
        %parallel_loop3A_193 = arith.index_cast %parallel_loop3A_192 : i32 to index
        %parallel_loop3A_194 = arith.index_cast %parallel_loop3A_191 : i32 to index
        %parallel_loop3A_195 = tpu.vector_load %arg5[%parallel_loop3A_193, %parallel_loop3A_194] {strides = array<i32>} : memref<16x1152xf32, #tpu.memory_space<vmem>>, vector<16xf32>,
        %parallel_loop3A_196 = vector.broadcast %parallel_loop3A_149 : i32 to vector<16xi32>
        %parallel_loop3A_197 = arith.addi %add3A_84, %parallel_loop3A_196 : vector<16xi32>
        tpu.vector_store_idx %arg8[%parallel_loop3A_197], %parallel_loop3A_195 : memref<18432xf32, #tpu.memory_space<vmem>>[vector<16xi32>], vector<16xf32>,
        %parallel_loop3A_198 = arith.constant 16 : i32
        %parallel_loop3A_199 = arith.muli %parallel_loop3A_147, %parallel_loop3A_198 : i32
        %parallel_loop3A_200 = arith.constant 6 : i32
        %parallel_loop3A_201 = arith.index_cast %parallel_loop3A_200 : i32 to index
        %parallel_loop3A_202 = arith.index_cast %parallel_loop3A_199 : i32 to index
        %parallel_loop3A_203 = tpu.vector_load %arg5[%parallel_loop3A_201, %parallel_loop3A_202] {strides = array<i32>} : memref<16x1152xf32, #tpu.memory_space<vmem>>, vector<16xf32>,
        %parallel_loop3A_204 = vector.broadcast %parallel_loop3A_149 : i32 to vector<16xi32>
        %parallel_loop3A_205 = arith.addi %add3A_90, %parallel_loop3A_204 : vector<16xi32>
        tpu.vector_store_idx %arg8[%parallel_loop3A_205], %parallel_loop3A_203 : memref<18432xf32, #tpu.memory_space<vmem>>[vector<16xi32>], vector<16xf32>,
        %parallel_loop3A_206 = arith.constant 16 : i32
        %parallel_loop3A_207 = arith.muli %parallel_loop3A_147, %parallel_loop3A_206 : i32
        %parallel_loop3A_208 = arith.constant 7 : i32
        %parallel_loop3A_209 = arith.index_cast %parallel_loop3A_208 : i32 to index
        %parallel_loop3A_210 = arith.index_cast %parallel_loop3A_207 : i32 to index
        %parallel_loop3A_211 = tpu.vector_load %arg5[%parallel_loop3A_209, %parallel_loop3A_210] {strides = array<i32>} : memref<16x1152xf32, #tpu.memory_space<vmem>>, vector<16xf32>,
        %parallel_loop3A_212 = vector.broadcast %parallel_loop3A_149 : i32 to vector<16xi32>
        %parallel_loop3A_213 = arith.addi %add3A_96, %parallel_loop3A_212 : vector<16xi32>
        tpu.vector_store_idx %arg8[%parallel_loop3A_213], %parallel_loop3A_211 : memref<18432xf32, #tpu.memory_space<vmem>>[vector<16xi32>], vector<16xf32>,
        %parallel_loop3A_214 = arith.constant 16 : i32
        %parallel_loop3A_215 = arith.muli %parallel_loop3A_147, %parallel_loop3A_214 : i32
        %parallel_loop3A_216 = arith.constant 8 : i32
        %parallel_loop3A_217 = arith.index_cast %parallel_loop3A_216 : i32 to index
        %parallel_loop3A_218 = arith.index_cast %parallel_loop3A_215 : i32 to index
        %parallel_loop3A_219 = tpu.vector_load %arg5[%parallel_loop3A_217, %parallel_loop3A_218] {strides = array<i32>} : memref<16x1152xf32, #tpu.memory_space<vmem>>, vector<16xf32>,
        %parallel_loop3A_220 = vector.broadcast %parallel_loop3A_149 : i32 to vector<16xi32>
        %parallel_loop3A_221 = arith.addi %add3A_102, %parallel_loop3A_220 : vector<16xi32>
        tpu.vector_store_idx %arg8[%parallel_loop3A_221], %parallel_loop3A_219 : memref<18432xf32, #tpu.memory_space<vmem>>[vector<16xi32>], vector<16xf32>,
        %parallel_loop3A_222 = arith.constant 16 : i32
        %parallel_loop3A_223 = arith.muli %parallel_loop3A_147, %parallel_loop3A_222 : i32
        %parallel_loop3A_224 = arith.constant 9 : i32
        %parallel_loop3A_225 = arith.index_cast %parallel_loop3A_224 : i32 to index
        %parallel_loop3A_226 = arith.index_cast %parallel_loop3A_223 : i32 to index
        %parallel_loop3A_227 = tpu.vector_load %arg5[%parallel_loop3A_225, %parallel_loop3A_226] {strides = array<i32>} : memref<16x1152xf32, #tpu.memory_space<vmem>>, vector<16xf32>,
        %parallel_loop3A_228 = vector.broadcast %parallel_loop3A_149 : i32 to vector<16xi32>
        %parallel_loop3A_229 = arith.addi %add3A_108, %parallel_loop3A_228 : vector<16xi32>
        tpu.vector_store_idx %arg8[%parallel_loop3A_229], %parallel_loop3A_227 : memref<18432xf32, #tpu.memory_space<vmem>>[vector<16xi32>], vector<16xf32>,
        %parallel_loop3A_230 = arith.constant 16 : i32
        %parallel_loop3A_231 = arith.muli %parallel_loop3A_147, %parallel_loop3A_230 : i32
        %parallel_loop3A_232 = arith.constant 10 : i32
        %parallel_loop3A_233 = arith.index_cast %parallel_loop3A_232 : i32 to index
        %parallel_loop3A_234 = arith.index_cast %parallel_loop3A_231 : i32 to index
        %parallel_loop3A_235 = tpu.vector_load %arg5[%parallel_loop3A_233, %parallel_loop3A_234] {strides = array<i32>} : memref<16x1152xf32, #tpu.memory_space<vmem>>, vector<16xf32>,
        %parallel_loop3A_236 = vector.broadcast %parallel_loop3A_149 : i32 to vector<16xi32>
        %parallel_loop3A_237 = arith.addi %add3A_114, %parallel_loop3A_236 : vector<16xi32>
        tpu.vector_store_idx %arg8[%parallel_loop3A_237], %parallel_loop3A_235 : memref<18432xf32, #tpu.memory_space<vmem>>[vector<16xi32>], vector<16xf32>,
        %parallel_loop3A_238 = arith.constant 16 : i32
        %parallel_loop3A_239 = arith.muli %parallel_loop3A_147, %parallel_loop3A_238 : i32
        %parallel_loop3A_240 = arith.constant 11 : i32
        %parallel_loop3A_241 = arith.index_cast %parallel_loop3A_240 : i32 to index
        %parallel_loop3A_242 = arith.index_cast %parallel_loop3A_239 : i32 to index
        %parallel_loop3A_243 = tpu.vector_load %arg5[%parallel_loop3A_241, %parallel_loop3A_242] {strides = array<i32>} : memref<16x1152xf32, #tpu.memory_space<vmem>>, vector<16xf32>,
        %parallel_loop3A_244 = vector.broadcast %parallel_loop3A_149 : i32 to vector<16xi32>
        %parallel_loop3A_245 = arith.addi %add3A_120, %parallel_loop3A_244 : vector<16xi32>
        tpu.vector_store_idx %arg8[%parallel_loop3A_245], %parallel_loop3A_243 : memref<18432xf32, #tpu.memory_space<vmem>>[vector<16xi32>], vector<16xf32>,
        %parallel_loop3A_246 = arith.constant 16 : i32
        %parallel_loop3A_247 = arith.muli %parallel_loop3A_147, %parallel_loop3A_246 : i32
        %parallel_loop3A_248 = arith.constant 12 : i32
        %parallel_loop3A_249 = arith.index_cast %parallel_loop3A_248 : i32 to index
        %parallel_loop3A_250 = arith.index_cast %parallel_loop3A_247 : i32 to index
        %parallel_loop3A_251 = tpu.vector_load %arg5[%parallel_loop3A_249, %parallel_loop3A_250] {strides = array<i32>} : memref<16x1152xf32, #tpu.memory_space<vmem>>, vector<16xf32>,
        %parallel_loop3A_252 = vector.broadcast %parallel_loop3A_149 : i32 to vector<16xi32>
        %parallel_loop3A_253 = arith.addi %add3A_126, %parallel_loop3A_252 : vector<16xi32>
        tpu.vector_store_idx %arg8[%parallel_loop3A_253], %parallel_loop3A_251 : memref<18432xf32, #tpu.memory_space<vmem>>[vector<16xi32>], vector<16xf32>,
        %parallel_loop3A_254 = arith.constant 16 : i32
        %parallel_loop3A_255 = arith.muli %parallel_loop3A_147, %parallel_loop3A_254 : i32
        %parallel_loop3A_256 = arith.constant 13 : i32
        %parallel_loop3A_257 = arith.index_cast %parallel_loop3A_256 : i32 to index
        %parallel_loop3A_258 = arith.index_cast %parallel_loop3A_255 : i32 to index
        %parallel_loop3A_259 = tpu.vector_load %arg5[%parallel_loop3A_257, %parallel_loop3A_258] {strides = array<i32>} : memref<16x1152xf32, #tpu.memory_space<vmem>>, vector<16xf32>,
        %parallel_loop3A_260 = vector.broadcast %parallel_loop3A_149 : i32 to vector<16xi32>
        %parallel_loop3A_261 = arith.addi %add3A_132, %parallel_loop3A_260 : vector<16xi32>
        tpu.vector_store_idx %arg8[%parallel_loop3A_261], %parallel_loop3A_259 : memref<18432xf32, #tpu.memory_space<vmem>>[vector<16xi32>], vector<16xf32>,
        %parallel_loop3A_262 = arith.constant 16 : i32
        %parallel_loop3A_263 = arith.muli %parallel_loop3A_147, %parallel_loop3A_262 : i32
        %parallel_loop3A_264 = arith.constant 14 : i32
        %parallel_loop3A_265 = arith.index_cast %parallel_loop3A_264 : i32 to index
        %parallel_loop3A_266 = arith.index_cast %parallel_loop3A_263 : i32 to index
        %parallel_loop3A_267 = tpu.vector_load %arg5[%parallel_loop3A_265, %parallel_loop3A_266] {strides = array<i32>} : memref<16x1152xf32, #tpu.memory_space<vmem>>, vector<16xf32>,
        %parallel_loop3A_268 = vector.broadcast %parallel_loop3A_149 : i32 to vector<16xi32>
        %parallel_loop3A_269 = arith.addi %add3A_138, %parallel_loop3A_268 : vector<16xi32>
        tpu.vector_store_idx %arg8[%parallel_loop3A_269], %parallel_loop3A_267 : memref<18432xf32, #tpu.memory_space<vmem>>[vector<16xi32>], vector<16xf32>,
        %parallel_loop3A_270 = arith.constant 16 : i32
        %parallel_loop3A_271 = arith.muli %parallel_loop3A_147, %parallel_loop3A_270 : i32
        %parallel_loop3A_272 = arith.constant 15 : i32
        %parallel_loop3A_273 = arith.index_cast %parallel_loop3A_272 : i32 to index
        %parallel_loop3A_274 = arith.index_cast %parallel_loop3A_271 : i32 to index
        %parallel_loop3A_275 = tpu.vector_load %arg5[%parallel_loop3A_273, %parallel_loop3A_274] {strides = array<i32>} : memref<16x1152xf32, #tpu.memory_space<vmem>>, vector<16xf32>,
        %parallel_loop3A_276 = vector.broadcast %parallel_loop3A_149 : i32 to vector<16xi32>
        %parallel_loop3A_277 = arith.addi %add3A_144, %parallel_loop3A_276 : vector<16xi32>
        tpu.vector_store_idx %arg8[%parallel_loop3A_277], %parallel_loop3A_275 : memref<18432xf32, #tpu.memory_space<vmem>>[vector<16xi32>], vector<16xf32>,
      } {sc.loop_unroll_factor = 2 : i64, sc.parallel_access}
      "tpu.region"() ({
        %run_scoped3A = tpu.sem_alloc : memref<!tpu.dma_semaphore, #tpu.memory_space<semaphore_mem>>
        %dma_start3A = arith.constant 0 : i32
        %dma_start3A_147 = tpu.memref_slice %arg8[%dma_start3A] : memref<18432xf32, #tpu.memory_space<vmem>> -> memref<2048xf32, #tpu.memory_space<vmem>>
        %dma_start3A_148 = arith.constant 15998976 : i32
        %dma_start3A_149 = tpu.memref_slice %arg4[%dma_start3A_148] : memref<16001024xf32, #tpu.memory_space<hbm>> -> memref<2048xf32, #tpu.memory_space<hbm>>
        %dma_start3A_150 = arith.constant 15998976 : i32
        %dma_start3A_151 = tpu.memref_slice %arg4[%dma_start3A_150] : memref<16001024xf32, #tpu.memory_space<hbm>> -> memref<2048xf32, #tpu.memory_space<hbm>>
        %dma_start3A_152 = arith.constant 0 : i32
        %dma_start3A_153 = tpu.memref_slice %arg8[%dma_start3A_152] : memref<18432xf32, #tpu.memory_space<vmem>> -> memref<2048xf32, #tpu.memory_space<vmem>>
        tpu.enqueue_dma source(%dma_start3A_153 : memref<2048xf32, #tpu.memory_space<vmem>>) target(%dma_start3A_151 : memref<2048xf32, #tpu.memory_space<hbm>>) target_semaphore(%run_scoped3A : memref<!tpu.dma_semaphore, #tpu.memory_space<semaphore_mem>>)
        %dma_wait3A = arith.constant 0 : i32
        %dma_wait3A_154 = tpu.memref_slice %arg8[%dma_wait3A] : memref<18432xf32, #tpu.memory_space<vmem>> -> memref<2048xf32, #tpu.memory_space<vmem>>
        %dma_wait3A_155 = arith.constant 15998976 : i32
        %dma_wait3A_156 = tpu.memref_slice %arg4[%dma_wait3A_155] : memref<16001024xf32, #tpu.memory_space<hbm>> -> memref<2048xf32, #tpu.memory_space<hbm>>
        %dma_wait3A_157 = arith.constant 15998976 : i32
        %dma_wait3A_158 = tpu.memref_slice %arg4[%dma_wait3A_157] : memref<16001024xf32, #tpu.memory_space<hbm>> -> memref<2048xf32, #tpu.memory_space<hbm>>
        %dma_wait3A_159 = arith.constant 0 : i32
        %dma_wait3A_160 = tpu.memref_slice %arg8[%dma_wait3A_159] : memref<18432xf32, #tpu.memory_space<vmem>> -> memref<2048xf32, #tpu.memory_space<vmem>>
        tpu.wait_dma2 semaphore(%run_scoped3A : memref<!tpu.dma_semaphore, #tpu.memory_space<semaphore_mem>>) src(%dma_wait3A_160 : memref<2048xf32, #tpu.memory_space<vmem>>) dst(%dma_wait3A_158 : memref<2048xf32, #tpu.memory_space<hbm>>)
        tpu.yield
      }) : () -> ()
    } else {
    }
    %add3A_3 = arith.constant 0 : i32
    %add3A_4 = arith.addi %add3A, %add3A_3 : i32
    %lt3A = arith.constant 868 : i32
    %lt3A_5 = arith.cmpi slt, %add3A_4, %lt3A : i32
    %convert_element_type3A_6 = arith.extui %lt3A_5 : i1 to i32
    %cond3A_7 = arith.constant 0 : i32
    %cond3A_8 = arith.cmpi ne, %convert_element_type3A_6, %cond3A_7 : i32
    scf.if %cond3A_8 {
      %mul3A_49 = arith.constant 1152 : i32
      %mul3A_50 = arith.muli %add3A_4, %mul3A_49 : i32
      %dma_start3A = arith.constant 0 : i32
      %dma_start3A_51 = arith.constant 0 : i32
      %dma_start3A_52 = tpu.memref_slice %arg5[%dma_start3A, %dma_start3A_51] : memref<16x1152xf32, #tpu.memory_space<vmem>> -> memref<8x1152xf32, #tpu.memory_space<vmem>>
      %dma_start3A_53 = arith.constant 0 : i32
      %dma_start3A_54 = tpu.memref_slice %arg2[%dma_start3A_53, %mul3A_50] : memref<16x1000000xf32, #tpu.memory_space<hbm>> -> memref<8x1152xf32, #tpu.memory_space<hbm>>
      %dma_start3A_55 = arith.constant 0 : i32
      %dma_start3A_56 = arith.constant 0 : i32
      %dma_start3A_57 = tpu.memref_slice %arg5[%dma_start3A_55, %dma_start3A_56] : memref<16x1152xf32, #tpu.memory_space<vmem>> -> memref<8x1152xf32, #tpu.memory_space<vmem>>
      %dma_start3A_58 = arith.constant 0 : i32
      %dma_start3A_59 = tpu.memref_slice %arg2[%dma_start3A_58, %mul3A_50] : memref<16x1000000xf32, #tpu.memory_space<hbm>> -> memref<8x1152xf32, #tpu.memory_space<hbm>>
      tpu.enqueue_dma source(%dma_start3A_59 : memref<8x1152xf32, #tpu.memory_space<hbm>>) target(%dma_start3A_57 : memref<8x1152xf32, #tpu.memory_space<vmem>>) target_semaphore(%arg11 : memref<!tpu.dma_semaphore, #tpu.memory_space<semaphore_mem>>)
      %dma_start3A_60 = arith.constant 8 : i32
      %dma_start3A_61 = arith.constant 0 : i32
      %dma_start3A_62 = tpu.memref_slice %arg5[%dma_start3A_60, %dma_start3A_61] : memref<16x1152xf32, #tpu.memory_space<vmem>> -> memref<8x1152xf32, #tpu.memory_space<vmem>>
      %dma_start3A_63 = arith.constant 8 : i32
      %dma_start3A_64 = tpu.memref_slice %arg2[%dma_start3A_63, %mul3A_50] : memref<16x1000000xf32, #tpu.memory_space<hbm>> -> memref<8x1152xf32, #tpu.memory_space<hbm>>
      %dma_start3A_65 = arith.constant 8 : i32
      %dma_start3A_66 = arith.constant 0 : i32
      %dma_start3A_67 = tpu.memref_slice %arg5[%dma_start3A_65, %dma_start3A_66] : memref<16x1152xf32, #tpu.memory_space<vmem>> -> memref<8x1152xf32, #tpu.memory_space<vmem>>
      %dma_start3A_68 = arith.constant 8 : i32
      %dma_start3A_69 = tpu.memref_slice %arg2[%dma_start3A_68, %mul3A_50] : memref<16x1000000xf32, #tpu.memory_space<hbm>> -> memref<8x1152xf32, #tpu.memory_space<hbm>>
      tpu.enqueue_dma source(%dma_start3A_69 : memref<8x1152xf32, #tpu.memory_space<hbm>>) target(%dma_start3A_67 : memref<8x1152xf32, #tpu.memory_space<vmem>>) target_semaphore(%arg11 : memref<!tpu.dma_semaphore, #tpu.memory_space<semaphore_mem>>)
    } else {
    }
    %add3A_9 = arith.constant 32 : i32
    %add3A_10 = arith.addi %add3A, %add3A_9 : i32
    %lt3A_11 = arith.constant 868 : i32
    %lt3A_12 = arith.cmpi slt, %add3A_10, %lt3A_11 : i32
    %convert_element_type3A_13 = arith.extui %lt3A_12 : i1 to i32
    %cond3A_14 = arith.constant 0 : i32
    %cond3A_15 = arith.cmpi ne, %convert_element_type3A_13, %cond3A_14 : i32
    scf.if %cond3A_15 {
      %mul3A_49 = arith.constant 1152 : i32
      %mul3A_50 = arith.muli %add3A_10, %mul3A_49 : i32
      %dma_start3A = arith.constant 0 : i32
      %dma_start3A_51 = arith.constant 0 : i32
      %dma_start3A_52 = tpu.memref_slice %arg6[%dma_start3A, %dma_start3A_51] : memref<16x1152xf32, #tpu.memory_space<vmem>> -> memref<8x1152xf32, #tpu.memory_space<vmem>>
      %dma_start3A_53 = arith.constant 0 : i32
      %dma_start3A_54 = tpu.memref_slice %arg2[%dma_start3A_53, %mul3A_50] : memref<16x1000000xf32, #tpu.memory_space<hbm>> -> memref<8x1152xf32, #tpu.memory_space<hbm>>
      %dma_start3A_55 = arith.constant 0 : i32
      %dma_start3A_56 = arith.constant 0 : i32
      %dma_start3A_57 = tpu.memref_slice %arg6[%dma_start3A_55, %dma_start3A_56] : memref<16x1152xf32, #tpu.memory_space<vmem>> -> memref<8x1152xf32, #tpu.memory_space<vmem>>
      %dma_start3A_58 = arith.constant 0 : i32
      %dma_start3A_59 = tpu.memref_slice %arg2[%dma_start3A_58, %mul3A_50] : memref<16x1000000xf32, #tpu.memory_space<hbm>> -> memref<8x1152xf32, #tpu.memory_space<hbm>>
      tpu.enqueue_dma source(%dma_start3A_59 : memref<8x1152xf32, #tpu.memory_space<hbm>>) target(%dma_start3A_57 : memref<8x1152xf32, #tpu.memory_space<vmem>>) target_semaphore(%arg12 : memref<!tpu.dma_semaphore, #tpu.memory_space<semaphore_mem>>)
      %dma_start3A_60 = arith.constant 8 : i32
      %dma_start3A_61 = arith.constant 0 : i32
      %dma_start3A_62 = tpu.memref_slice %arg6[%dma_start3A_60, %dma_start3A_61] : memref<16x1152xf32, #tpu.memory_space<vmem>> -> memref<8x1152xf32, #tpu.memory_space<vmem>>
      %dma_start3A_63 = arith.constant 8 : i32
      %dma_start3A_64 = tpu.memref_slice %arg2[%dma_start3A_63, %mul3A_50] : memref<16x1000000xf32, #tpu.memory_space<hbm>> -> memref<8x1152xf32, #tpu.memory_space<hbm>>
      %dma_start3A_65 = arith.constant 8 : i32
      %dma_start3A_66 = arith.constant 0 : i32
      %dma_start3A_67 = tpu.memref_slice %arg6[%dma_start3A_65, %dma_start3A_66] : memref<16x1152xf32, #tpu.memory_space<vmem>> -> memref<8x1152xf32, #tpu.memory_space<vmem>>
      %dma_start3A_68 = arith.constant 8 : i32
      %dma_start3A_69 = tpu.memref_slice %arg2[%dma_start3A_68, %mul3A_50] : memref<16x1000000xf32, #tpu.memory_space<hbm>> -> memref<8x1152xf32, #tpu.memory_space<hbm>>
      tpu.enqueue_dma source(%dma_start3A_69 : memref<8x1152xf32, #tpu.memory_space<hbm>>) target(%dma_start3A_67 : memref<8x1152xf32, #tpu.memory_space<vmem>>) target_semaphore(%arg12 : memref<!tpu.dma_semaphore, #tpu.memory_space<semaphore_mem>>)
    } else {
    }
    %add3A_16 = arith.constant 64 : i32
    %add3A_17 = arith.addi %add3A, %add3A_16 : i32
    %lt3A_18 = arith.constant 868 : i32
    %lt3A_19 = arith.cmpi slt, %add3A_17, %lt3A_18 : i32
    %convert_element_type3A_20 = arith.extui %lt3A_19 : i1 to i32
    %cond3A_21 = arith.constant 0 : i32
    %cond3A_22 = arith.cmpi ne, %convert_element_type3A_20, %cond3A_21 : i32
    scf.if %cond3A_22 {
      %mul3A_49 = arith.constant 1152 : i32
      %mul3A_50 = arith.muli %add3A_17, %mul3A_49 : i32
      %dma_start3A = arith.constant 0 : i32
      %dma_start3A_51 = arith.constant 0 : i32
      %dma_start3A_52 = tpu.memref_slice %arg7[%dma_start3A, %dma_start3A_51] : memref<16x1152xf32, #tpu.memory_space<vmem>> -> memref<8x1152xf32, #tpu.memory_space<vmem>>
      %dma_start3A_53 = arith.constant 0 : i32
      %dma_start3A_54 = tpu.memref_slice %arg2[%dma_start3A_53, %mul3A_50] : memref<16x1000000xf32, #tpu.memory_space<hbm>> -> memref<8x1152xf32, #tpu.memory_space<hbm>>
      %dma_start3A_55 = arith.constant 0 : i32
      %dma_start3A_56 = arith.constant 0 : i32
      %dma_start3A_57 = tpu.memref_slice %arg7[%dma_start3A_55, %dma_start3A_56] : memref<16x1152xf32, #tpu.memory_space<vmem>> -> memref<8x1152xf32, #tpu.memory_space<vmem>>
      %dma_start3A_58 = arith.constant 0 : i32
      %dma_start3A_59 = tpu.memref_slice %arg2[%dma_start3A_58, %mul3A_50] : memref<16x1000000xf32, #tpu.memory_space<hbm>> -> memref<8x1152xf32, #tpu.memory_space<hbm>>
      tpu.enqueue_dma source(%dma_start3A_59 : memref<8x1152xf32, #tpu.memory_space<hbm>>) target(%dma_start3A_57 : memref<8x1152xf32, #tpu.memory_space<vmem>>) target_semaphore(%arg13 : memref<!tpu.dma_semaphore, #tpu.memory_space<semaphore_mem>>)
      %dma_start3A_60 = arith.constant 8 : i32
      %dma_start3A_61 = arith.constant 0 : i32
      %dma_start3A_62 = tpu.memref_slice %arg7[%dma_start3A_60, %dma_start3A_61] : memref<16x1152xf32, #tpu.memory_space<vmem>> -> memref<8x1152xf32, #tpu.memory_space<vmem>>
      %dma_start3A_63 = arith.constant 8 : i32
      %dma_start3A_64 = tpu.memref_slice %arg2[%dma_start3A_63, %mul3A_50] : memref<16x1000000xf32, #tpu.memory_space<hbm>> -> memref<8x1152xf32, #tpu.memory_space<hbm>>
      %dma_start3A_65 = arith.constant 8 : i32
      %dma_start3A_66 = arith.constant 0 : i32
      %dma_start3A_67 = tpu.memref_slice %arg7[%dma_start3A_65, %dma_start3A_66] : memref<16x1152xf32, #tpu.memory_space<vmem>> -> memref<8x1152xf32, #tpu.memory_space<vmem>>
      %dma_start3A_68 = arith.constant 8 : i32
      %dma_start3A_69 = tpu.memref_slice %arg2[%dma_start3A_68, %mul3A_50] : memref<16x1000000xf32, #tpu.memory_space<hbm>> -> memref<8x1152xf32, #tpu.memory_space<hbm>>
      tpu.enqueue_dma source(%dma_start3A_69 : memref<8x1152xf32, #tpu.memory_space<hbm>>) target(%dma_start3A_67 : memref<8x1152xf32, #tpu.memory_space<vmem>>) target_semaphore(%arg13 : memref<!tpu.dma_semaphore, #tpu.memory_space<semaphore_mem>>)
    } else {
    }
    %scan3A = arith.constant 0 : i32
    %scan3A_23 = arith.constant 0 : i32
    %scan3A_24 = arith.constant 11 : i32
    %scan3A_25 = arith.addi %scan3A_23, %scan3A_24 : i32
    %scan3A_26 = arith.constant 1 : i32
    scf.for %scan3A_49 = %scan3A_23 to %scan3A_25 step %scan3A_26  : i32 {
      %mul3A_50 = arith.constant 3 : i32
      %mul3A_51 = arith.muli %scan3A_49, %mul3A_50 : i32
      %add3A_52 = arith.constant 0 : i32
      %add3A_53 = arith.addi %mul3A_51, %add3A_52 : i32
      %mul3A_54 = arith.constant 32 : i32
      %mul3A_55 = arith.muli %mul3A_54, %add3A_53 : i32
      %add3A_56 = arith.addi %add3A, %mul3A_55 : i32
      %lt3A_57 = arith.constant 868 : i32
      %lt3A_58 = arith.cmpi slt, %add3A_56, %lt3A_57 : i32
      %convert_element_type3A_59 = arith.extui %lt3A_58 : i1 to i32
      %cond3A_60 = arith.constant 0 : i32
      %cond3A_61 = arith.cmpi ne, %convert_element_type3A_59, %cond3A_60 : i32
      scf.if %cond3A_61 {
        %dma_wait3A = arith.constant 0 : i32
        %dma_wait3A_132 = arith.constant 0 : i32
        %dma_wait3A_133 = tpu.memref_slice %arg5[%dma_wait3A, %dma_wait3A_132] : memref<16x1152xf32, #tpu.memory_space<vmem>> -> memref<8x1152xf32, #tpu.memory_space<vmem>>
        %dma_wait3A_134 = arith.constant 0 : i32
        %dma_wait3A_135 = arith.constant 0 : i32
        %dma_wait3A_136 = tpu.memref_slice %arg2[%dma_wait3A_134, %dma_wait3A_135] : memref<16x1000000xf32, #tpu.memory_space<hbm>> -> memref<8x1152xf32, #tpu.memory_space<hbm>>
        %dma_wait3A_137 = arith.constant 0 : i32
        %dma_wait3A_138 = arith.constant 0 : i32
        %dma_wait3A_139 = tpu.memref_slice %arg5[%dma_wait3A_137, %dma_wait3A_138] : memref<16x1152xf32, #tpu.memory_space<vmem>> -> memref<8x1152xf32, #tpu.memory_space<vmem>>
        %dma_wait3A_140 = arith.constant 0 : i32
        %dma_wait3A_141 = arith.constant 0 : i32
        %dma_wait3A_142 = tpu.memref_slice %arg2[%dma_wait3A_140, %dma_wait3A_141] : memref<16x1000000xf32, #tpu.memory_space<hbm>> -> memref<8x1152xf32, #tpu.memory_space<hbm>>
        tpu.wait_dma2 semaphore(%arg11 : memref<!tpu.dma_semaphore, #tpu.memory_space<semaphore_mem>>) src(%dma_wait3A_142 : memref<8x1152xf32, #tpu.memory_space<hbm>>) dst(%dma_wait3A_139 : memref<8x1152xf32, #tpu.memory_space<vmem>>)
        %dma_wait3A_143 = arith.constant 8 : i32
        %dma_wait3A_144 = arith.constant 0 : i32
        %dma_wait3A_145 = tpu.memref_slice %arg5[%dma_wait3A_143, %dma_wait3A_144] : memref<16x1152xf32, #tpu.memory_space<vmem>> -> memref<8x1152xf32, #tpu.memory_space<vmem>>
        %dma_wait3A_146 = arith.constant 8 : i32
        %dma_wait3A_147 = arith.constant 0 : i32
        %dma_wait3A_148 = tpu.memref_slice %arg2[%dma_wait3A_146, %dma_wait3A_147] : memref<16x1000000xf32, #tpu.memory_space<hbm>> -> memref<8x1152xf32, #tpu.memory_space<hbm>>
        %dma_wait3A_149 = arith.constant 8 : i32
        %dma_wait3A_150 = arith.constant 0 : i32
        %dma_wait3A_151 = tpu.memref_slice %arg5[%dma_wait3A_149, %dma_wait3A_150] : memref<16x1152xf32, #tpu.memory_space<vmem>> -> memref<8x1152xf32, #tpu.memory_space<vmem>>
        %dma_wait3A_152 = arith.constant 8 : i32
        %dma_wait3A_153 = arith.constant 0 : i32
        %dma_wait3A_154 = tpu.memref_slice %arg2[%dma_wait3A_152, %dma_wait3A_153] : memref<16x1000000xf32, #tpu.memory_space<hbm>> -> memref<8x1152xf32, #tpu.memory_space<hbm>>
        tpu.wait_dma2 semaphore(%arg11 : memref<!tpu.dma_semaphore, #tpu.memory_space<semaphore_mem>>) src(%dma_wait3A_154 : memref<8x1152xf32, #tpu.memory_space<hbm>>) dst(%dma_wait3A_151 : memref<8x1152xf32, #tpu.memory_space<vmem>>)
      } else {
      }
      %ge3A = arith.constant 3 : i32
      %ge3A_62 = arith.cmpi sge, %add3A_53, %ge3A : i32
      %and3A = arith.andi %lt3A_58, %ge3A_62 : i1
      %convert_element_type3A_63 = arith.extui %and3A : i1 to i32
      %cond3A_64 = arith.constant 0 : i32
      %cond3A_65 = arith.cmpi ne, %convert_element_type3A_63, %cond3A_64 : i32
      scf.if %cond3A_65 {
        %dma_wait3A = arith.constant 0 : i32
        %dma_wait3A_132 = tpu.memref_slice %arg4[%dma_wait3A] : memref<16001024xf32, #tpu.memory_space<hbm>> -> memref<18432xf32, #tpu.memory_space<hbm>>
        %dma_wait3A_133 = arith.constant 0 : i32
        %dma_wait3A_134 = tpu.memref_slice %arg4[%dma_wait3A_133] : memref<16001024xf32, #tpu.memory_space<hbm>> -> memref<18432xf32, #tpu.memory_space<hbm>>
        tpu.wait_dma2 semaphore(%arg14 : memref<!tpu.dma_semaphore, #tpu.memory_space<semaphore_mem>>) src(%arg8 : memref<18432xf32, #tpu.memory_space<vmem>>) dst(%dma_wait3A_134 : memref<18432xf32, #tpu.memory_space<hbm>>)
      } else {
      }
      %convert_element_type3A_66 = arith.extui %lt3A_58 : i1 to i32
      %cond3A_67 = arith.constant 0 : i32
      %cond3A_68 = arith.cmpi ne, %convert_element_type3A_66, %cond3A_67 : i32
      scf.if %cond3A_68 {
        %mul3A_132 = arith.constant 16 : i32
        %mul3A_133 = vector.broadcast %mul3A_132 : i32 to vector<16xi32>
        %mul3A_134 = arith.muli %iota3A, %mul3A_133 : vector<16xi32>
        %add3A_135 = arith.constant 0 : i32
        %add3A_136 = vector.broadcast %add3A_135 : i32 to vector<16xi32>
        %add3A_137 = arith.addi %mul3A_134, %add3A_136 : vector<16xi32>
        %mul3A_138 = arith.constant 16 : i32
        %mul3A_139 = vector.broadcast %mul3A_138 : i32 to vector<16xi32>
        %mul3A_140 = arith.muli %iota3A, %mul3A_139 : vector<16xi32>
        %add3A_141 = arith.constant 1 : i32
        %add3A_142 = vector.broadcast %add3A_141 : i32 to vector<16xi32>
        %add3A_143 = arith.addi %mul3A_140, %add3A_142 : vector<16xi32>
        %mul3A_144 = arith.constant 16 : i32
        %mul3A_145 = vector.broadcast %mul3A_144 : i32 to vector<16xi32>
        %mul3A_146 = arith.muli %iota3A, %mul3A_145 : vector<16xi32>
        %add3A_147 = arith.constant 2 : i32
        %add3A_148 = vector.broadcast %add3A_147 : i32 to vector<16xi32>
        %add3A_149 = arith.addi %mul3A_146, %add3A_148 : vector<16xi32>
        %mul3A_150 = arith.constant 16 : i32
        %mul3A_151 = vector.broadcast %mul3A_150 : i32 to vector<16xi32>
        %mul3A_152 = arith.muli %iota3A, %mul3A_151 : vector<16xi32>
        %add3A_153 = arith.constant 3 : i32
        %add3A_154 = vector.broadcast %add3A_153 : i32 to vector<16xi32>
        %add3A_155 = arith.addi %mul3A_152, %add3A_154 : vector<16xi32>
        %mul3A_156 = arith.constant 16 : i32
        %mul3A_157 = vector.broadcast %mul3A_156 : i32 to vector<16xi32>
        %mul3A_158 = arith.muli %iota3A, %mul3A_157 : vector<16xi32>
        %add3A_159 = arith.constant 4 : i32
        %add3A_160 = vector.broadcast %add3A_159 : i32 to vector<16xi32>
        %add3A_161 = arith.addi %mul3A_158, %add3A_160 : vector<16xi32>
        %mul3A_162 = arith.constant 16 : i32
        %mul3A_163 = vector.broadcast %mul3A_162 : i32 to vector<16xi32>
        %mul3A_164 = arith.muli %iota3A, %mul3A_163 : vector<16xi32>
        %add3A_165 = arith.constant 5 : i32
        %add3A_166 = vector.broadcast %add3A_165 : i32 to vector<16xi32>
        %add3A_167 = arith.addi %mul3A_164, %add3A_166 : vector<16xi32>
        %mul3A_168 = arith.constant 16 : i32
        %mul3A_169 = vector.broadcast %mul3A_168 : i32 to vector<16xi32>
        %mul3A_170 = arith.muli %iota3A, %mul3A_169 : vector<16xi32>
        %add3A_171 = arith.constant 6 : i32
        %add3A_172 = vector.broadcast %add3A_171 : i32 to vector<16xi32>
        %add3A_173 = arith.addi %mul3A_170, %add3A_172 : vector<16xi32>
        %mul3A_174 = arith.constant 16 : i32
        %mul3A_175 = vector.broadcast %mul3A_174 : i32 to vector<16xi32>
        %mul3A_176 = arith.muli %iota3A, %mul3A_175 : vector<16xi32>
        %add3A_177 = arith.constant 7 : i32
        %add3A_178 = vector.broadcast %add3A_177 : i32 to vector<16xi32>
        %add3A_179 = arith.addi %mul3A_176, %add3A_178 : vector<16xi32>
        %mul3A_180 = arith.constant 16 : i32
        %mul3A_181 = vector.broadcast %mul3A_180 : i32 to vector<16xi32>
        %mul3A_182 = arith.muli %iota3A, %mul3A_181 : vector<16xi32>
        %add3A_183 = arith.constant 8 : i32
        %add3A_184 = vector.broadcast %add3A_183 : i32 to vector<16xi32>
        %add3A_185 = arith.addi %mul3A_182, %add3A_184 : vector<16xi32>
        %mul3A_186 = arith.constant 16 : i32
        %mul3A_187 = vector.broadcast %mul3A_186 : i32 to vector<16xi32>
        %mul3A_188 = arith.muli %iota3A, %mul3A_187 : vector<16xi32>
        %add3A_189 = arith.constant 9 : i32
        %add3A_190 = vector.broadcast %add3A_189 : i32 to vector<16xi32>
        %add3A_191 = arith.addi %mul3A_188, %add3A_190 : vector<16xi32>
        %mul3A_192 = arith.constant 16 : i32
        %mul3A_193 = vector.broadcast %mul3A_192 : i32 to vector<16xi32>
        %mul3A_194 = arith.muli %iota3A, %mul3A_193 : vector<16xi32>
        %add3A_195 = arith.constant 10 : i32
        %add3A_196 = vector.broadcast %add3A_195 : i32 to vector<16xi32>
        %add3A_197 = arith.addi %mul3A_194, %add3A_196 : vector<16xi32>
        %mul3A_198 = arith.constant 16 : i32
        %mul3A_199 = vector.broadcast %mul3A_198 : i32 to vector<16xi32>
        %mul3A_200 = arith.muli %iota3A, %mul3A_199 : vector<16xi32>
        %add3A_201 = arith.constant 11 : i32
        %add3A_202 = vector.broadcast %add3A_201 : i32 to vector<16xi32>
        %add3A_203 = arith.addi %mul3A_200, %add3A_202 : vector<16xi32>
        %mul3A_204 = arith.constant 16 : i32
        %mul3A_205 = vector.broadcast %mul3A_204 : i32 to vector<16xi32>
        %mul3A_206 = arith.muli %iota3A, %mul3A_205 : vector<16xi32>
        %add3A_207 = arith.constant 12 : i32
        %add3A_208 = vector.broadcast %add3A_207 : i32 to vector<16xi32>
        %add3A_209 = arith.addi %mul3A_206, %add3A_208 : vector<16xi32>
        %mul3A_210 = arith.constant 16 : i32
        %mul3A_211 = vector.broadcast %mul3A_210 : i32 to vector<16xi32>
        %mul3A_212 = arith.muli %iota3A, %mul3A_211 : vector<16xi32>
        %add3A_213 = arith.constant 13 : i32
        %add3A_214 = vector.broadcast %add3A_213 : i32 to vector<16xi32>
        %add3A_215 = arith.addi %mul3A_212, %add3A_214 : vector<16xi32>
        %mul3A_216 = arith.constant 16 : i32
        %mul3A_217 = vector.broadcast %mul3A_216 : i32 to vector<16xi32>
        %mul3A_218 = arith.muli %iota3A, %mul3A_217 : vector<16xi32>
        %add3A_219 = arith.constant 14 : i32
        %add3A_220 = vector.broadcast %add3A_219 : i32 to vector<16xi32>
        %add3A_221 = arith.addi %mul3A_218, %add3A_220 : vector<16xi32>
        %mul3A_222 = arith.constant 16 : i32
        %mul3A_223 = vector.broadcast %mul3A_222 : i32 to vector<16xi32>
        %mul3A_224 = arith.muli %iota3A, %mul3A_223 : vector<16xi32>
        %add3A_225 = arith.constant 15 : i32
        %add3A_226 = vector.broadcast %add3A_225 : i32 to vector<16xi32>
        %add3A_227 = arith.addi %mul3A_224, %add3A_226 : vector<16xi32>
        %parallel_loop3A = arith.constant 0 : i32
        %parallel_loop3A_228 = arith.constant 72 : i32
        %parallel_loop3A_229 = arith.constant 1 : i32
        scf.for %parallel_loop3A_233 = %parallel_loop3A to %parallel_loop3A_228 step %parallel_loop3A_229  : i32 {
          %parallel_loop3A_234 = arith.constant 256 : i32
          %parallel_loop3A_235 = arith.muli %parallel_loop3A_233, %parallel_loop3A_234 : i32
          %parallel_loop3A_236 = arith.constant 16 : i32
          %parallel_loop3A_237 = arith.muli %parallel_loop3A_233, %parallel_loop3A_236 : i32
          %parallel_loop3A_238 = arith.constant 0 : i32
          %parallel_loop3A_239 = arith.index_cast %parallel_loop3A_238 : i32 to index
          %parallel_loop3A_240 = arith.index_cast %parallel_loop3A_237 : i32 to index
          %parallel_loop3A_241 = tpu.vector_load %arg5[%parallel_loop3A_239, %parallel_loop3A_240] {strides = array<i32>} : memref<16x1152xf32, #tpu.memory_space<vmem>>, vector<16xf32>,
          %parallel_loop3A_242 = vector.broadcast %parallel_loop3A_235 : i32 to vector<16xi32>
          %parallel_loop3A_243 = arith.addi %add3A_137, %parallel_loop3A_242 : vector<16xi32>
          tpu.vector_store_idx %arg8[%parallel_loop3A_243], %parallel_loop3A_241 : memref<18432xf32, #tpu.memory_space<vmem>>[vector<16xi32>], vector<16xf32>,
          %parallel_loop3A_244 = arith.constant 16 : i32
          %parallel_loop3A_245 = arith.muli %parallel_loop3A_233, %parallel_loop3A_244 : i32
          %parallel_loop3A_246 = arith.constant 1 : i32
          %parallel_loop3A_247 = arith.index_cast %parallel_loop3A_246 : i32 to index
          %parallel_loop3A_248 = arith.index_cast %parallel_loop3A_245 : i32 to index
          %parallel_loop3A_249 = tpu.vector_load %arg5[%parallel_loop3A_247, %parallel_loop3A_248] {strides = array<i32>} : memref<16x1152xf32, #tpu.memory_space<vmem>>, vector<16xf32>,
          %parallel_loop3A_250 = vector.broadcast %parallel_loop3A_235 : i32 to vector<16xi32>
          %parallel_loop3A_251 = arith.addi %add3A_143, %parallel_loop3A_250 : vector<16xi32>
          tpu.vector_store_idx %arg8[%parallel_loop3A_251], %parallel_loop3A_249 : memref<18432xf32, #tpu.memory_space<vmem>>[vector<16xi32>], vector<16xf32>,
          %parallel_loop3A_252 = arith.constant 16 : i32
          %parallel_loop3A_253 = arith.muli %parallel_loop3A_233, %parallel_loop3A_252 : i32
          %parallel_loop3A_254 = arith.constant 2 : i32
          %parallel_loop3A_255 = arith.index_cast %parallel_loop3A_254 : i32 to index
          %parallel_loop3A_256 = arith.index_cast %parallel_loop3A_253 : i32 to index
          %parallel_loop3A_257 = tpu.vector_load %arg5[%parallel_loop3A_255, %parallel_loop3A_256] {strides = array<i32>} : memref<16x1152xf32, #tpu.memory_space<vmem>>, vector<16xf32>,
          %parallel_loop3A_258 = vector.broadcast %parallel_loop3A_235 : i32 to vector<16xi32>
          %parallel_loop3A_259 = arith.addi %add3A_149, %parallel_loop3A_258 : vector<16xi32>
          tpu.vector_store_idx %arg8[%parallel_loop3A_259], %parallel_loop3A_257 : memref<18432xf32, #tpu.memory_space<vmem>>[vector<16xi32>], vector<16xf32>,
          %parallel_loop3A_260 = arith.constant 16 : i32
          %parallel_loop3A_261 = arith.muli %parallel_loop3A_233, %parallel_loop3A_260 : i32
          %parallel_loop3A_262 = arith.constant 3 : i32
          %parallel_loop3A_263 = arith.index_cast %parallel_loop3A_262 : i32 to index
          %parallel_loop3A_264 = arith.index_cast %parallel_loop3A_261 : i32 to index
          %parallel_loop3A_265 = tpu.vector_load %arg5[%parallel_loop3A_263, %parallel_loop3A_264] {strides = array<i32>} : memref<16x1152xf32, #tpu.memory_space<vmem>>, vector<16xf32>,
          %parallel_loop3A_266 = vector.broadcast %parallel_loop3A_235 : i32 to vector<16xi32>
          %parallel_loop3A_267 = arith.addi %add3A_155, %parallel_loop3A_266 : vector<16xi32>
          tpu.vector_store_idx %arg8[%parallel_loop3A_267], %parallel_loop3A_265 : memref<18432xf32, #tpu.memory_space<vmem>>[vector<16xi32>], vector<16xf32>,
          %parallel_loop3A_268 = arith.constant 16 : i32
          %parallel_loop3A_269 = arith.muli %parallel_loop3A_233, %parallel_loop3A_268 : i32
          %parallel_loop3A_270 = arith.constant 4 : i32
          %parallel_loop3A_271 = arith.index_cast %parallel_loop3A_270 : i32 to index
          %parallel_loop3A_272 = arith.index_cast %parallel_loop3A_269 : i32 to index
          %parallel_loop3A_273 = tpu.vector_load %arg5[%parallel_loop3A_271, %parallel_loop3A_272] {strides = array<i32>} : memref<16x1152xf32, #tpu.memory_space<vmem>>, vector<16xf32>,
          %parallel_loop3A_274 = vector.broadcast %parallel_loop3A_235 : i32 to vector<16xi32>
          %parallel_loop3A_275 = arith.addi %add3A_161, %parallel_loop3A_274 : vector<16xi32>
          tpu.vector_store_idx %arg8[%parallel_loop3A_275], %parallel_loop3A_273 : memref<18432xf32, #tpu.memory_space<vmem>>[vector<16xi32>], vector<16xf32>,
          %parallel_loop3A_276 = arith.constant 16 : i32
          %parallel_loop3A_277 = arith.muli %parallel_loop3A_233, %parallel_loop3A_276 : i32
          %parallel_loop3A_278 = arith.constant 5 : i32
          %parallel_loop3A_279 = arith.index_cast %parallel_loop3A_278 : i32 to index
          %parallel_loop3A_280 = arith.index_cast %parallel_loop3A_277 : i32 to index
          %parallel_loop3A_281 = tpu.vector_load %arg5[%parallel_loop3A_279, %parallel_loop3A_280] {strides = array<i32>} : memref<16x1152xf32, #tpu.memory_space<vmem>>, vector<16xf32>,
          %parallel_loop3A_282 = vector.broadcast %parallel_loop3A_235 : i32 to vector<16xi32>
          %parallel_loop3A_283 = arith.addi %add3A_167, %parallel_loop3A_282 : vector<16xi32>
          tpu.vector_store_idx %arg8[%parallel_loop3A_283], %parallel_loop3A_281 : memref<18432xf32, #tpu.memory_space<vmem>>[vector<16xi32>], vector<16xf32>,
          %parallel_loop3A_284 = arith.constant 16 : i32
          %parallel_loop3A_285 = arith.muli %parallel_loop3A_233, %parallel_loop3A_284 : i32
          %parallel_loop3A_286 = arith.constant 6 : i32
          %parallel_loop3A_287 = arith.index_cast %parallel_loop3A_286 : i32 to index
          %parallel_loop3A_288 = arith.index_cast %parallel_loop3A_285 : i32 to index
          %parallel_loop3A_289 = tpu.vector_load %arg5[%parallel_loop3A_287, %parallel_loop3A_288] {strides = array<i32>} : memref<16x1152xf32, #tpu.memory_space<vmem>>, vector<16xf32>,
          %parallel_loop3A_290 = vector.broadcast %parallel_loop3A_235 : i32 to vector<16xi32>
          %parallel_loop3A_291 = arith.addi %add3A_173, %parallel_loop3A_290 : vector<16xi32>
          tpu.vector_store_idx %arg8[%parallel_loop3A_291], %parallel_loop3A_289 : memref<18432xf32, #tpu.memory_space<vmem>>[vector<16xi32>], vector<16xf32>,
          %parallel_loop3A_292 = arith.constant 16 : i32
          %parallel_loop3A_293 = arith.muli %parallel_loop3A_233, %parallel_loop3A_292 : i32
          %parallel_loop3A_294 = arith.constant 7 : i32
          %parallel_loop3A_295 = arith.index_cast %parallel_loop3A_294 : i32 to index
          %parallel_loop3A_296 = arith.index_cast %parallel_loop3A_293 : i32 to index
          %parallel_loop3A_297 = tpu.vector_load %arg5[%parallel_loop3A_295, %parallel_loop3A_296] {strides = array<i32>} : memref<16x1152xf32, #tpu.memory_space<vmem>>, vector<16xf32>,
          %parallel_loop3A_298 = vector.broadcast %parallel_loop3A_235 : i32 to vector<16xi32>
          %parallel_loop3A_299 = arith.addi %add3A_179, %parallel_loop3A_298 : vector<16xi32>
          tpu.vector_store_idx %arg8[%parallel_loop3A_299], %parallel_loop3A_297 : memref<18432xf32, #tpu.memory_space<vmem>>[vector<16xi32>], vector<16xf32>,
          %parallel_loop3A_300 = arith.constant 16 : i32
          %parallel_loop3A_301 = arith.muli %parallel_loop3A_233, %parallel_loop3A_300 : i32
          %parallel_loop3A_302 = arith.constant 8 : i32
          %parallel_loop3A_303 = arith.index_cast %parallel_loop3A_302 : i32 to index
          %parallel_loop3A_304 = arith.index_cast %parallel_loop3A_301 : i32 to index
          %parallel_loop3A_305 = tpu.vector_load %arg5[%parallel_loop3A_303, %parallel_loop3A_304] {strides = array<i32>} : memref<16x1152xf32, #tpu.memory_space<vmem>>, vector<16xf32>,
          %parallel_loop3A_306 = vector.broadcast %parallel_loop3A_235 : i32 to vector<16xi32>
          %parallel_loop3A_307 = arith.addi %add3A_185, %parallel_loop3A_306 : vector<16xi32>
          tpu.vector_store_idx %arg8[%parallel_loop3A_307], %parallel_loop3A_305 : memref<18432xf32, #tpu.memory_space<vmem>>[vector<16xi32>], vector<16xf32>,
          %parallel_loop3A_308 = arith.constant 16 : i32
          %parallel_loop3A_309 = arith.muli %parallel_loop3A_233, %parallel_loop3A_308 : i32
          %parallel_loop3A_310 = arith.constant 9 : i32
          %parallel_loop3A_311 = arith.index_cast %parallel_loop3A_310 : i32 to index
          %parallel_loop3A_312 = arith.index_cast %parallel_loop3A_309 : i32 to index
          %parallel_loop3A_313 = tpu.vector_load %arg5[%parallel_loop3A_311, %parallel_loop3A_312] {strides = array<i32>} : memref<16x1152xf32, #tpu.memory_space<vmem>>, vector<16xf32>,
          %parallel_loop3A_314 = vector.broadcast %parallel_loop3A_235 : i32 to vector<16xi32>
          %parallel_loop3A_315 = arith.addi %add3A_191, %parallel_loop3A_314 : vector<16xi32>
          tpu.vector_store_idx %arg8[%parallel_loop3A_315], %parallel_loop3A_313 : memref<18432xf32, #tpu.memory_space<vmem>>[vector<16xi32>], vector<16xf32>,
          %parallel_loop3A_316 = arith.constant 16 : i32
          %parallel_loop3A_317 = arith.muli %parallel_loop3A_233, %parallel_loop3A_316 : i32
          %parallel_loop3A_318 = arith.constant 10 : i32
          %parallel_loop3A_319 = arith.index_cast %parallel_loop3A_318 : i32 to index
          %parallel_loop3A_320 = arith.index_cast %parallel_loop3A_317 : i32 to index
          %parallel_loop3A_321 = tpu.vector_load %arg5[%parallel_loop3A_319, %parallel_loop3A_320] {strides = array<i32>} : memref<16x1152xf32, #tpu.memory_space<vmem>>, vector<16xf32>,
          %parallel_loop3A_322 = vector.broadcast %parallel_loop3A_235 : i32 to vector<16xi32>
          %parallel_loop3A_323 = arith.addi %add3A_197, %parallel_loop3A_322 : vector<16xi32>
          tpu.vector_store_idx %arg8[%parallel_loop3A_323], %parallel_loop3A_321 : memref<18432xf32, #tpu.memory_space<vmem>>[vector<16xi32>], vector<16xf32>,
          %parallel_loop3A_324 = arith.constant 16 : i32
          %parallel_loop3A_325 = arith.muli %parallel_loop3A_233, %parallel_loop3A_324 : i32
          %parallel_loop3A_326 = arith.constant 11 : i32
          %parallel_loop3A_327 = arith.index_cast %parallel_loop3A_326 : i32 to index
          %parallel_loop3A_328 = arith.index_cast %parallel_loop3A_325 : i32 to index
          %parallel_loop3A_329 = tpu.vector_load %arg5[%parallel_loop3A_327, %parallel_loop3A_328] {strides = array<i32>} : memref<16x1152xf32, #tpu.memory_space<vmem>>, vector<16xf32>,
          %parallel_loop3A_330 = vector.broadcast %parallel_loop3A_235 : i32 to vector<16xi32>
          %parallel_loop3A_331 = arith.addi %add3A_203, %parallel_loop3A_330 : vector<16xi32>
          tpu.vector_store_idx %arg8[%parallel_loop3A_331], %parallel_loop3A_329 : memref<18432xf32, #tpu.memory_space<vmem>>[vector<16xi32>], vector<16xf32>,
          %parallel_loop3A_332 = arith.constant 16 : i32
          %parallel_loop3A_333 = arith.muli %parallel_loop3A_233, %parallel_loop3A_332 : i32
          %parallel_loop3A_334 = arith.constant 12 : i32
          %parallel_loop3A_335 = arith.index_cast %parallel_loop3A_334 : i32 to index
          %parallel_loop3A_336 = arith.index_cast %parallel_loop3A_333 : i32 to index
          %parallel_loop3A_337 = tpu.vector_load %arg5[%parallel_loop3A_335, %parallel_loop3A_336] {strides = array<i32>} : memref<16x1152xf32, #tpu.memory_space<vmem>>, vector<16xf32>,
          %parallel_loop3A_338 = vector.broadcast %parallel_loop3A_235 : i32 to vector<16xi32>
          %parallel_loop3A_339 = arith.addi %add3A_209, %parallel_loop3A_338 : vector<16xi32>
          tpu.vector_store_idx %arg8[%parallel_loop3A_339], %parallel_loop3A_337 : memref<18432xf32, #tpu.memory_space<vmem>>[vector<16xi32>], vector<16xf32>,
          %parallel_loop3A_340 = arith.constant 16 : i32
          %parallel_loop3A_341 = arith.muli %parallel_loop3A_233, %parallel_loop3A_340 : i32
          %parallel_loop3A_342 = arith.constant 13 : i32
          %parallel_loop3A_343 = arith.index_cast %parallel_loop3A_342 : i32 to index
          %parallel_loop3A_344 = arith.index_cast %parallel_loop3A_341 : i32 to index
          %parallel_loop3A_345 = tpu.vector_load %arg5[%parallel_loop3A_343, %parallel_loop3A_344] {strides = array<i32>} : memref<16x1152xf32, #tpu.memory_space<vmem>>, vector<16xf32>,
          %parallel_loop3A_346 = vector.broadcast %parallel_loop3A_235 : i32 to vector<16xi32>
          %parallel_loop3A_347 = arith.addi %add3A_215, %parallel_loop3A_346 : vector<16xi32>
          tpu.vector_store_idx %arg8[%parallel_loop3A_347], %parallel_loop3A_345 : memref<18432xf32, #tpu.memory_space<vmem>>[vector<16xi32>], vector<16xf32>,
          %parallel_loop3A_348 = arith.constant 16 : i32
          %parallel_loop3A_349 = arith.muli %parallel_loop3A_233, %parallel_loop3A_348 : i32
          %parallel_loop3A_350 = arith.constant 14 : i32
          %parallel_loop3A_351 = arith.index_cast %parallel_loop3A_350 : i32 to index
          %parallel_loop3A_352 = arith.index_cast %parallel_loop3A_349 : i32 to index
          %parallel_loop3A_353 = tpu.vector_load %arg5[%parallel_loop3A_351, %parallel_loop3A_352] {strides = array<i32>} : memref<16x1152xf32, #tpu.memory_space<vmem>>, vector<16xf32>,
          %parallel_loop3A_354 = vector.broadcast %parallel_loop3A_235 : i32 to vector<16xi32>
          %parallel_loop3A_355 = arith.addi %add3A_221, %parallel_loop3A_354 : vector<16xi32>
          tpu.vector_store_idx %arg8[%parallel_loop3A_355], %parallel_loop3A_353 : memref<18432xf32, #tpu.memory_space<vmem>>[vector<16xi32>], vector<16xf32>,
          %parallel_loop3A_356 = arith.constant 16 : i32
          %parallel_loop3A_357 = arith.muli %parallel_loop3A_233, %parallel_loop3A_356 : i32
          %parallel_loop3A_358 = arith.constant 15 : i32
          %parallel_loop3A_359 = arith.index_cast %parallel_loop3A_358 : i32 to index
          %parallel_loop3A_360 = arith.index_cast %parallel_loop3A_357 : i32 to index
          %parallel_loop3A_361 = tpu.vector_load %arg5[%parallel_loop3A_359, %parallel_loop3A_360] {strides = array<i32>} : memref<16x1152xf32, #tpu.memory_space<vmem>>, vector<16xf32>,
          %parallel_loop3A_362 = vector.broadcast %parallel_loop3A_235 : i32 to vector<16xi32>
          %parallel_loop3A_363 = arith.addi %add3A_227, %parallel_loop3A_362 : vector<16xi32>
          tpu.vector_store_idx %arg8[%parallel_loop3A_363], %parallel_loop3A_361 : memref<18432xf32, #tpu.memory_space<vmem>>[vector<16xi32>], vector<16xf32>,
        } {sc.loop_unroll_factor = 2 : i64, sc.parallel_access}
        %mul3A_230 = arith.constant 18432 : i32
        %mul3A_231 = arith.muli %add3A_56, %mul3A_230 : i32
        %dma_start3A = tpu.memref_slice %arg4[%mul3A_231] : memref<16001024xf32, #tpu.memory_space<hbm>> -> memref<18432xf32, #tpu.memory_space<hbm>>
        %dma_start3A_232 = tpu.memref_slice %arg4[%mul3A_231] : memref<16001024xf32, #tpu.memory_space<hbm>> -> memref<18432xf32, #tpu.memory_space<hbm>>
        tpu.enqueue_dma source(%arg8 : memref<18432xf32, #tpu.memory_space<vmem>>) target(%dma_start3A_232 : memref<18432xf32, #tpu.memory_space<hbm>>) target_semaphore(%arg14 : memref<!tpu.dma_semaphore, #tpu.memory_space<semaphore_mem>>)
      } else {
      }
      %add3A_69 = arith.constant 96 : i32
      %add3A_70 = arith.addi %add3A_56, %add3A_69 : i32
      %lt3A_71 = arith.constant 868 : i32
      %lt3A_72 = arith.cmpi slt, %add3A_70, %lt3A_71 : i32
      %convert_element_type3A_73 = arith.extui %lt3A_72 : i1 to i32
      %cond3A_74 = arith.constant 0 : i32
      %cond3A_75 = arith.cmpi ne, %convert_element_type3A_73, %cond3A_74 : i32
      scf.if %cond3A_75 {
        %add3A_132 = arith.constant 96 : i32
        %add3A_133 = arith.addi %add3A_56, %add3A_132 : i32
        %mul3A_134 = arith.constant 1152 : i32
        %mul3A_135 = arith.muli %add3A_133, %mul3A_134 : i32
        %dma_start3A = arith.constant 0 : i32
        %dma_start3A_136 = arith.constant 0 : i32
        %dma_start3A_137 = tpu.memref_slice %arg5[%dma_start3A, %dma_start3A_136] : memref<16x1152xf32, #tpu.memory_space<vmem>> -> memref<8x1152xf32, #tpu.memory_space<vmem>>
        %dma_start3A_138 = arith.constant 0 : i32
        %dma_start3A_139 = tpu.memref_slice %arg2[%dma_start3A_138, %mul3A_135] : memref<16x1000000xf32, #tpu.memory_space<hbm>> -> memref<8x1152xf32, #tpu.memory_space<hbm>>
        %dma_start3A_140 = arith.constant 0 : i32
        %dma_start3A_141 = arith.constant 0 : i32
        %dma_start3A_142 = tpu.memref_slice %arg5[%dma_start3A_140, %dma_start3A_141] : memref<16x1152xf32, #tpu.memory_space<vmem>> -> memref<8x1152xf32, #tpu.memory_space<vmem>>
        %dma_start3A_143 = arith.constant 0 : i32
        %dma_start3A_144 = tpu.memref_slice %arg2[%dma_start3A_143, %mul3A_135] : memref<16x1000000xf32, #tpu.memory_space<hbm>> -> memref<8x1152xf32, #tpu.memory_space<hbm>>
        tpu.enqueue_dma source(%dma_start3A_144 : memref<8x1152xf32, #tpu.memory_space<hbm>>) target(%dma_start3A_142 : memref<8x1152xf32, #tpu.memory_space<vmem>>) target_semaphore(%arg11 : memref<!tpu.dma_semaphore, #tpu.memory_space<semaphore_mem>>)
        %dma_start3A_145 = arith.constant 8 : i32
        %dma_start3A_146 = arith.constant 0 : i32
        %dma_start3A_147 = tpu.memref_slice %arg5[%dma_start3A_145, %dma_start3A_146] : memref<16x1152xf32, #tpu.memory_space<vmem>> -> memref<8x1152xf32, #tpu.memory_space<vmem>>
        %dma_start3A_148 = arith.constant 8 : i32
        %dma_start3A_149 = tpu.memref_slice %arg2[%dma_start3A_148, %mul3A_135] : memref<16x1000000xf32, #tpu.memory_space<hbm>> -> memref<8x1152xf32, #tpu.memory_space<hbm>>
        %dma_start3A_150 = arith.constant 8 : i32
        %dma_start3A_151 = arith.constant 0 : i32
        %dma_start3A_152 = tpu.memref_slice %arg5[%dma_start3A_150, %dma_start3A_151] : memref<16x1152xf32, #tpu.memory_space<vmem>> -> memref<8x1152xf32, #tpu.memory_space<vmem>>
        %dma_start3A_153 = arith.constant 8 : i32
        %dma_start3A_154 = tpu.memref_slice %arg2[%dma_start3A_153, %mul3A_135] : memref<16x1000000xf32, #tpu.memory_space<hbm>> -> memref<8x1152xf32, #tpu.memory_space<hbm>>
        tpu.enqueue_dma source(%dma_start3A_154 : memref<8x1152xf32, #tpu.memory_space<hbm>>) target(%dma_start3A_152 : memref<8x1152xf32, #tpu.memory_space<vmem>>) target_semaphore(%arg11 : memref<!tpu.dma_semaphore, #tpu.memory_space<semaphore_mem>>)
      } else {
      }
      %mul3A_76 = arith.constant 3 : i32
      %mul3A_77 = arith.muli %scan3A_49, %mul3A_76 : i32
      %add3A_78 = arith.constant 1 : i32
      %add3A_79 = arith.addi %mul3A_77, %add3A_78 : i32
      %mul3A_80 = arith.constant 32 : i32
      %mul3A_81 = arith.muli %mul3A_80, %add3A_79 : i32
      %add3A_82 = arith.addi %add3A, %mul3A_81 : i32
      %lt3A_83 = arith.constant 868 : i32
      %lt3A_84 = arith.cmpi slt, %add3A_82, %lt3A_83 : i32
      %convert_element_type3A_85 = arith.extui %lt3A_84 : i1 to i32
      %cond3A_86 = arith.constant 0 : i32
      %cond3A_87 = arith.cmpi ne, %convert_element_type3A_85, %cond3A_86 : i32
      scf.if %cond3A_87 {
        %dma_wait3A = arith.constant 0 : i32
        %dma_wait3A_132 = arith.constant 0 : i32
        %dma_wait3A_133 = tpu.memref_slice %arg6[%dma_wait3A, %dma_wait3A_132] : memref<16x1152xf32, #tpu.memory_space<vmem>> -> memref<8x1152xf32, #tpu.memory_space<vmem>>
        %dma_wait3A_134 = arith.constant 0 : i32
        %dma_wait3A_135 = arith.constant 0 : i32
        %dma_wait3A_136 = tpu.memref_slice %arg2[%dma_wait3A_134, %dma_wait3A_135] : memref<16x1000000xf32, #tpu.memory_space<hbm>> -> memref<8x1152xf32, #tpu.memory_space<hbm>>
        %dma_wait3A_137 = arith.constant 0 : i32
        %dma_wait3A_138 = arith.constant 0 : i32
        %dma_wait3A_139 = tpu.memref_slice %arg6[%dma_wait3A_137, %dma_wait3A_138] : memref<16x1152xf32, #tpu.memory_space<vmem>> -> memref<8x1152xf32, #tpu.memory_space<vmem>>
        %dma_wait3A_140 = arith.constant 0 : i32
        %dma_wait3A_141 = arith.constant 0 : i32
        %dma_wait3A_142 = tpu.memref_slice %arg2[%dma_wait3A_140, %dma_wait3A_141] : memref<16x1000000xf32, #tpu.memory_space<hbm>> -> memref<8x1152xf32, #tpu.memory_space<hbm>>
        tpu.wait_dma2 semaphore(%arg12 : memref<!tpu.dma_semaphore, #tpu.memory_space<semaphore_mem>>) src(%dma_wait3A_142 : memref<8x1152xf32, #tpu.memory_space<hbm>>) dst(%dma_wait3A_139 : memref<8x1152xf32, #tpu.memory_space<vmem>>)
        %dma_wait3A_143 = arith.constant 8 : i32
        %dma_wait3A_144 = arith.constant 0 : i32
        %dma_wait3A_145 = tpu.memref_slice %arg6[%dma_wait3A_143, %dma_wait3A_144] : memref<16x1152xf32, #tpu.memory_space<vmem>> -> memref<8x1152xf32, #tpu.memory_space<vmem>>
        %dma_wait3A_146 = arith.constant 8 : i32
        %dma_wait3A_147 = arith.constant 0 : i32
        %dma_wait3A_148 = tpu.memref_slice %arg2[%dma_wait3A_146, %dma_wait3A_147] : memref<16x1000000xf32, #tpu.memory_space<hbm>> -> memref<8x1152xf32, #tpu.memory_space<hbm>>
        %dma_wait3A_149 = arith.constant 8 : i32
        %dma_wait3A_150 = arith.constant 0 : i32
        %dma_wait3A_151 = tpu.memref_slice %arg6[%dma_wait3A_149, %dma_wait3A_150] : memref<16x1152xf32, #tpu.memory_space<vmem>> -> memref<8x1152xf32, #tpu.memory_space<vmem>>
        %dma_wait3A_152 = arith.constant 8 : i32
        %dma_wait3A_153 = arith.constant 0 : i32
        %dma_wait3A_154 = tpu.memref_slice %arg2[%dma_wait3A_152, %dma_wait3A_153] : memref<16x1000000xf32, #tpu.memory_space<hbm>> -> memref<8x1152xf32, #tpu.memory_space<hbm>>
        tpu.wait_dma2 semaphore(%arg12 : memref<!tpu.dma_semaphore, #tpu.memory_space<semaphore_mem>>) src(%dma_wait3A_154 : memref<8x1152xf32, #tpu.memory_space<hbm>>) dst(%dma_wait3A_151 : memref<8x1152xf32, #tpu.memory_space<vmem>>)
      } else {
      }
      %ge3A_88 = arith.constant 3 : i32
      %ge3A_89 = arith.cmpi sge, %add3A_79, %ge3A_88 : i32
      %and3A_90 = arith.andi %lt3A_84, %ge3A_89 : i1
      %convert_element_type3A_91 = arith.extui %and3A_90 : i1 to i32
      %cond3A_92 = arith.constant 0 : i32
      %cond3A_93 = arith.cmpi ne, %convert_element_type3A_91, %cond3A_92 : i32
      scf.if %cond3A_93 {
        %dma_wait3A = arith.constant 0 : i32
        %dma_wait3A_132 = tpu.memref_slice %arg4[%dma_wait3A] : memref<16001024xf32, #tpu.memory_space<hbm>> -> memref<18432xf32, #tpu.memory_space<hbm>>
        %dma_wait3A_133 = arith.constant 0 : i32
        %dma_wait3A_134 = tpu.memref_slice %arg4[%dma_wait3A_133] : memref<16001024xf32, #tpu.memory_space<hbm>> -> memref<18432xf32, #tpu.memory_space<hbm>>
        tpu.wait_dma2 semaphore(%arg15 : memref<!tpu.dma_semaphore, #tpu.memory_space<semaphore_mem>>) src(%arg9 : memref<18432xf32, #tpu.memory_space<vmem>>) dst(%dma_wait3A_134 : memref<18432xf32, #tpu.memory_space<hbm>>)
      } else {
      }
      %convert_element_type3A_94 = arith.extui %lt3A_84 : i1 to i32
      %cond3A_95 = arith.constant 0 : i32
      %cond3A_96 = arith.cmpi ne, %convert_element_type3A_94, %cond3A_95 : i32
      scf.if %cond3A_96 {
        %mul3A_132 = arith.constant 16 : i32
        %mul3A_133 = vector.broadcast %mul3A_132 : i32 to vector<16xi32>
        %mul3A_134 = arith.muli %iota3A, %mul3A_133 : vector<16xi32>
        %add3A_135 = arith.constant 0 : i32
        %add3A_136 = vector.broadcast %add3A_135 : i32 to vector<16xi32>
        %add3A_137 = arith.addi %mul3A_134, %add3A_136 : vector<16xi32>
        %mul3A_138 = arith.constant 16 : i32
        %mul3A_139 = vector.broadcast %mul3A_138 : i32 to vector<16xi32>
        %mul3A_140 = arith.muli %iota3A, %mul3A_139 : vector<16xi32>
        %add3A_141 = arith.constant 1 : i32
        %add3A_142 = vector.broadcast %add3A_141 : i32 to vector<16xi32>
        %add3A_143 = arith.addi %mul3A_140, %add3A_142 : vector<16xi32>
        %mul3A_144 = arith.constant 16 : i32
        %mul3A_145 = vector.broadcast %mul3A_144 : i32 to vector<16xi32>
        %mul3A_146 = arith.muli %iota3A, %mul3A_145 : vector<16xi32>
        %add3A_147 = arith.constant 2 : i32
        %add3A_148 = vector.broadcast %add3A_147 : i32 to vector<16xi32>
        %add3A_149 = arith.addi %mul3A_146, %add3A_148 : vector<16xi32>
        %mul3A_150 = arith.constant 16 : i32
        %mul3A_151 = vector.broadcast %mul3A_150 : i32 to vector<16xi32>
        %mul3A_152 = arith.muli %iota3A, %mul3A_151 : vector<16xi32>
        %add3A_153 = arith.constant 3 : i32
        %add3A_154 = vector.broadcast %add3A_153 : i32 to vector<16xi32>
        %add3A_155 = arith.addi %mul3A_152, %add3A_154 : vector<16xi32>
        %mul3A_156 = arith.constant 16 : i32
        %mul3A_157 = vector.broadcast %mul3A_156 : i32 to vector<16xi32>
        %mul3A_158 = arith.muli %iota3A, %mul3A_157 : vector<16xi32>
        %add3A_159 = arith.constant 4 : i32
        %add3A_160 = vector.broadcast %add3A_159 : i32 to vector<16xi32>
        %add3A_161 = arith.addi %mul3A_158, %add3A_160 : vector<16xi32>
        %mul3A_162 = arith.constant 16 : i32
        %mul3A_163 = vector.broadcast %mul3A_162 : i32 to vector<16xi32>
        %mul3A_164 = arith.muli %iota3A, %mul3A_163 : vector<16xi32>
        %add3A_165 = arith.constant 5 : i32
        %add3A_166 = vector.broadcast %add3A_165 : i32 to vector<16xi32>
        %add3A_167 = arith.addi %mul3A_164, %add3A_166 : vector<16xi32>
        %mul3A_168 = arith.constant 16 : i32
        %mul3A_169 = vector.broadcast %mul3A_168 : i32 to vector<16xi32>
        %mul3A_170 = arith.muli %iota3A, %mul3A_169 : vector<16xi32>
        %add3A_171 = arith.constant 6 : i32
        %add3A_172 = vector.broadcast %add3A_171 : i32 to vector<16xi32>
        %add3A_173 = arith.addi %mul3A_170, %add3A_172 : vector<16xi32>
        %mul3A_174 = arith.constant 16 : i32
        %mul3A_175 = vector.broadcast %mul3A_174 : i32 to vector<16xi32>
        %mul3A_176 = arith.muli %iota3A, %mul3A_175 : vector<16xi32>
        %add3A_177 = arith.constant 7 : i32
        %add3A_178 = vector.broadcast %add3A_177 : i32 to vector<16xi32>
        %add3A_179 = arith.addi %mul3A_176, %add3A_178 : vector<16xi32>
        %mul3A_180 = arith.constant 16 : i32
        %mul3A_181 = vector.broadcast %mul3A_180 : i32 to vector<16xi32>
        %mul3A_182 = arith.muli %iota3A, %mul3A_181 : vector<16xi32>
        %add3A_183 = arith.constant 8 : i32
        %add3A_184 = vector.broadcast %add3A_183 : i32 to vector<16xi32>
        %add3A_185 = arith.addi %mul3A_182, %add3A_184 : vector<16xi32>
        %mul3A_186 = arith.constant 16 : i32
        %mul3A_187 = vector.broadcast %mul3A_186 : i32 to vector<16xi32>
        %mul3A_188 = arith.muli %iota3A, %mul3A_187 : vector<16xi32>
        %add3A_189 = arith.constant 9 : i32
        %add3A_190 = vector.broadcast %add3A_189 : i32 to vector<16xi32>
        %add3A_191 = arith.addi %mul3A_188, %add3A_190 : vector<16xi32>
        %mul3A_192 = arith.constant 16 : i32
        %mul3A_193 = vector.broadcast %mul3A_192 : i32 to vector<16xi32>
        %mul3A_194 = arith.muli %iota3A, %mul3A_193 : vector<16xi32>
        %add3A_195 = arith.constant 10 : i32
        %add3A_196 = vector.broadcast %add3A_195 : i32 to vector<16xi32>
        %add3A_197 = arith.addi %mul3A_194, %add3A_196 : vector<16xi32>
        %mul3A_198 = arith.constant 16 : i32
        %mul3A_199 = vector.broadcast %mul3A_198 : i32 to vector<16xi32>
        %mul3A_200 = arith.muli %iota3A, %mul3A_199 : vector<16xi32>
        %add3A_201 = arith.constant 11 : i32
        %add3A_202 = vector.broadcast %add3A_201 : i32 to vector<16xi32>
        %add3A_203 = arith.addi %mul3A_200, %add3A_202 : vector<16xi32>
        %mul3A_204 = arith.constant 16 : i32
        %mul3A_205 = vector.broadcast %mul3A_204 : i32 to vector<16xi32>
        %mul3A_206 = arith.muli %iota3A, %mul3A_205 : vector<16xi32>
        %add3A_207 = arith.constant 12 : i32
        %add3A_208 = vector.broadcast %add3A_207 : i32 to vector<16xi32>
        %add3A_209 = arith.addi %mul3A_206, %add3A_208 : vector<16xi32>
        %mul3A_210 = arith.constant 16 : i32
        %mul3A_211 = vector.broadcast %mul3A_210 : i32 to vector<16xi32>
        %mul3A_212 = arith.muli %iota3A, %mul3A_211 : vector<16xi32>
        %add3A_213 = arith.constant 13 : i32
        %add3A_214 = vector.broadcast %add3A_213 : i32 to vector<16xi32>
        %add3A_215 = arith.addi %mul3A_212, %add3A_214 : vector<16xi32>
        %mul3A_216 = arith.constant 16 : i32
        %mul3A_217 = vector.broadcast %mul3A_216 : i32 to vector<16xi32>
        %mul3A_218 = arith.muli %iota3A, %mul3A_217 : vector<16xi32>
        %add3A_219 = arith.constant 14 : i32
        %add3A_220 = vector.broadcast %add3A_219 : i32 to vector<16xi32>
        %add3A_221 = arith.addi %mul3A_218, %add3A_220 : vector<16xi32>
        %mul3A_222 = arith.constant 16 : i32
        %mul3A_223 = vector.broadcast %mul3A_222 : i32 to vector<16xi32>
        %mul3A_224 = arith.muli %iota3A, %mul3A_223 : vector<16xi32>
        %add3A_225 = arith.constant 15 : i32
        %add3A_226 = vector.broadcast %add3A_225 : i32 to vector<16xi32>
        %add3A_227 = arith.addi %mul3A_224, %add3A_226 : vector<16xi32>
        %parallel_loop3A = arith.constant 0 : i32
        %parallel_loop3A_228 = arith.constant 72 : i32
        %parallel_loop3A_229 = arith.constant 1 : i32
        scf.for %parallel_loop3A_233 = %parallel_loop3A to %parallel_loop3A_228 step %parallel_loop3A_229  : i32 {
          %parallel_loop3A_234 = arith.constant 256 : i32
          %parallel_loop3A_235 = arith.muli %parallel_loop3A_233, %parallel_loop3A_234 : i32
          %parallel_loop3A_236 = arith.constant 16 : i32
          %parallel_loop3A_237 = arith.muli %parallel_loop3A_233, %parallel_loop3A_236 : i32
          %parallel_loop3A_238 = arith.constant 0 : i32
          %parallel_loop3A_239 = arith.index_cast %parallel_loop3A_238 : i32 to index
          %parallel_loop3A_240 = arith.index_cast %parallel_loop3A_237 : i32 to index
          %parallel_loop3A_241 = tpu.vector_load %arg6[%parallel_loop3A_239, %parallel_loop3A_240] {strides = array<i32>} : memref<16x1152xf32, #tpu.memory_space<vmem>>, vector<16xf32>,
          %parallel_loop3A_242 = vector.broadcast %parallel_loop3A_235 : i32 to vector<16xi32>
          %parallel_loop3A_243 = arith.addi %add3A_137, %parallel_loop3A_242 : vector<16xi32>
          tpu.vector_store_idx %arg9[%parallel_loop3A_243], %parallel_loop3A_241 : memref<18432xf32, #tpu.memory_space<vmem>>[vector<16xi32>], vector<16xf32>,
          %parallel_loop3A_244 = arith.constant 16 : i32
          %parallel_loop3A_245 = arith.muli %parallel_loop3A_233, %parallel_loop3A_244 : i32
          %parallel_loop3A_246 = arith.constant 1 : i32
          %parallel_loop3A_247 = arith.index_cast %parallel_loop3A_246 : i32 to index
          %parallel_loop3A_248 = arith.index_cast %parallel_loop3A_245 : i32 to index
          %parallel_loop3A_249 = tpu.vector_load %arg6[%parallel_loop3A_247, %parallel_loop3A_248] {strides = array<i32>} : memref<16x1152xf32, #tpu.memory_space<vmem>>, vector<16xf32>,
          %parallel_loop3A_250 = vector.broadcast %parallel_loop3A_235 : i32 to vector<16xi32>
          %parallel_loop3A_251 = arith.addi %add3A_143, %parallel_loop3A_250 : vector<16xi32>
          tpu.vector_store_idx %arg9[%parallel_loop3A_251], %parallel_loop3A_249 : memref<18432xf32, #tpu.memory_space<vmem>>[vector<16xi32>], vector<16xf32>,
          %parallel_loop3A_252 = arith.constant 16 : i32
          %parallel_loop3A_253 = arith.muli %parallel_loop3A_233, %parallel_loop3A_252 : i32
          %parallel_loop3A_254 = arith.constant 2 : i32
          %parallel_loop3A_255 = arith.index_cast %parallel_loop3A_254 : i32 to index
          %parallel_loop3A_256 = arith.index_cast %parallel_loop3A_253 : i32 to index
          %parallel_loop3A_257 = tpu.vector_load %arg6[%parallel_loop3A_255, %parallel_loop3A_256] {strides = array<i32>} : memref<16x1152xf32, #tpu.memory_space<vmem>>, vector<16xf32>,
          %parallel_loop3A_258 = vector.broadcast %parallel_loop3A_235 : i32 to vector<16xi32>
          %parallel_loop3A_259 = arith.addi %add3A_149, %parallel_loop3A_258 : vector<16xi32>
          tpu.vector_store_idx %arg9[%parallel_loop3A_259], %parallel_loop3A_257 : memref<18432xf32, #tpu.memory_space<vmem>>[vector<16xi32>], vector<16xf32>,
          %parallel_loop3A_260 = arith.constant 16 : i32
          %parallel_loop3A_261 = arith.muli %parallel_loop3A_233, %parallel_loop3A_260 : i32
          %parallel_loop3A_262 = arith.constant 3 : i32
          %parallel_loop3A_263 = arith.index_cast %parallel_loop3A_262 : i32 to index
          %parallel_loop3A_264 = arith.index_cast %parallel_loop3A_261 : i32 to index
          %parallel_loop3A_265 = tpu.vector_load %arg6[%parallel_loop3A_263, %parallel_loop3A_264] {strides = array<i32>} : memref<16x1152xf32, #tpu.memory_space<vmem>>, vector<16xf32>,
          %parallel_loop3A_266 = vector.broadcast %parallel_loop3A_235 : i32 to vector<16xi32>
          %parallel_loop3A_267 = arith.addi %add3A_155, %parallel_loop3A_266 : vector<16xi32>
          tpu.vector_store_idx %arg9[%parallel_loop3A_267], %parallel_loop3A_265 : memref<18432xf32, #tpu.memory_space<vmem>>[vector<16xi32>], vector<16xf32>,
          %parallel_loop3A_268 = arith.constant 16 : i32
          %parallel_loop3A_269 = arith.muli %parallel_loop3A_233, %parallel_loop3A_268 : i32
          %parallel_loop3A_270 = arith.constant 4 : i32
          %parallel_loop3A_271 = arith.index_cast %parallel_loop3A_270 : i32 to index
          %parallel_loop3A_272 = arith.index_cast %parallel_loop3A_269 : i32 to index
          %parallel_loop3A_273 = tpu.vector_load %arg6[%parallel_loop3A_271, %parallel_loop3A_272] {strides = array<i32>} : memref<16x1152xf32, #tpu.memory_space<vmem>>, vector<16xf32>,
          %parallel_loop3A_274 = vector.broadcast %parallel_loop3A_235 : i32 to vector<16xi32>
          %parallel_loop3A_275 = arith.addi %add3A_161, %parallel_loop3A_274 : vector<16xi32>
          tpu.vector_store_idx %arg9[%parallel_loop3A_275], %parallel_loop3A_273 : memref<18432xf32, #tpu.memory_space<vmem>>[vector<16xi32>], vector<16xf32>,
          %parallel_loop3A_276 = arith.constant 16 : i32
          %parallel_loop3A_277 = arith.muli %parallel_loop3A_233, %parallel_loop3A_276 : i32
          %parallel_loop3A_278 = arith.constant 5 : i32
          %parallel_loop3A_279 = arith.index_cast %parallel_loop3A_278 : i32 to index
          %parallel_loop3A_280 = arith.index_cast %parallel_loop3A_277 : i32 to index
          %parallel_loop3A_281 = tpu.vector_load %arg6[%parallel_loop3A_279, %parallel_loop3A_280] {strides = array<i32>} : memref<16x1152xf32, #tpu.memory_space<vmem>>, vector<16xf32>,
          %parallel_loop3A_282 = vector.broadcast %parallel_loop3A_235 : i32 to vector<16xi32>
          %parallel_loop3A_283 = arith.addi %add3A_167, %parallel_loop3A_282 : vector<16xi32>
          tpu.vector_store_idx %arg9[%parallel_loop3A_283], %parallel_loop3A_281 : memref<18432xf32, #tpu.memory_space<vmem>>[vector<16xi32>], vector<16xf32>,
          %parallel_loop3A_284 = arith.constant 16 : i32
          %parallel_loop3A_285 = arith.muli %parallel_loop3A_233, %parallel_loop3A_284 : i32
          %parallel_loop3A_286 = arith.constant 6 : i32
          %parallel_loop3A_287 = arith.index_cast %parallel_loop3A_286 : i32 to index
          %parallel_loop3A_288 = arith.index_cast %parallel_loop3A_285 : i32 to index
          %parallel_loop3A_289 = tpu.vector_load %arg6[%parallel_loop3A_287, %parallel_loop3A_288] {strides = array<i32>} : memref<16x1152xf32, #tpu.memory_space<vmem>>, vector<16xf32>,
          %parallel_loop3A_290 = vector.broadcast %parallel_loop3A_235 : i32 to vector<16xi32>
          %parallel_loop3A_291 = arith.addi %add3A_173, %parallel_loop3A_290 : vector<16xi32>
          tpu.vector_store_idx %arg9[%parallel_loop3A_291], %parallel_loop3A_289 : memref<18432xf32, #tpu.memory_space<vmem>>[vector<16xi32>], vector<16xf32>,
          %parallel_loop3A_292 = arith.constant 16 : i32
          %parallel_loop3A_293 = arith.muli %parallel_loop3A_233, %parallel_loop3A_292 : i32
          %parallel_loop3A_294 = arith.constant 7 : i32
          %parallel_loop3A_295 = arith.index_cast %parallel_loop3A_294 : i32 to index
          %parallel_loop3A_296 = arith.index_cast %parallel_loop3A_293 : i32 to index
          %parallel_loop3A_297 = tpu.vector_load %arg6[%parallel_loop3A_295, %parallel_loop3A_296] {strides = array<i32>} : memref<16x1152xf32, #tpu.memory_space<vmem>>, vector<16xf32>,
          %parallel_loop3A_298 = vector.broadcast %parallel_loop3A_235 : i32 to vector<16xi32>
          %parallel_loop3A_299 = arith.addi %add3A_179, %parallel_loop3A_298 : vector<16xi32>
          tpu.vector_store_idx %arg9[%parallel_loop3A_299], %parallel_loop3A_297 : memref<18432xf32, #tpu.memory_space<vmem>>[vector<16xi32>], vector<16xf32>,
          %parallel_loop3A_300 = arith.constant 16 : i32
          %parallel_loop3A_301 = arith.muli %parallel_loop3A_233, %parallel_loop3A_300 : i32
          %parallel_loop3A_302 = arith.constant 8 : i32
          %parallel_loop3A_303 = arith.index_cast %parallel_loop3A_302 : i32 to index
          %parallel_loop3A_304 = arith.index_cast %parallel_loop3A_301 : i32 to index
          %parallel_loop3A_305 = tpu.vector_load %arg6[%parallel_loop3A_303, %parallel_loop3A_304] {strides = array<i32>} : memref<16x1152xf32, #tpu.memory_space<vmem>>, vector<16xf32>,
          %parallel_loop3A_306 = vector.broadcast %parallel_loop3A_235 : i32 to vector<16xi32>
          %parallel_loop3A_307 = arith.addi %add3A_185, %parallel_loop3A_306 : vector<16xi32>
          tpu.vector_store_idx %arg9[%parallel_loop3A_307], %parallel_loop3A_305 : memref<18432xf32, #tpu.memory_space<vmem>>[vector<16xi32>], vector<16xf32>,
          %parallel_loop3A_308 = arith.constant 16 : i32
          %parallel_loop3A_309 = arith.muli %parallel_loop3A_233, %parallel_loop3A_308 : i32
          %parallel_loop3A_310 = arith.constant 9 : i32
          %parallel_loop3A_311 = arith.index_cast %parallel_loop3A_310 : i32 to index
          %parallel_loop3A_312 = arith.index_cast %parallel_loop3A_309 : i32 to index
          %parallel_loop3A_313 = tpu.vector_load %arg6[%parallel_loop3A_311, %parallel_loop3A_312] {strides = array<i32>} : memref<16x1152xf32, #tpu.memory_space<vmem>>, vector<16xf32>,
          %parallel_loop3A_314 = vector.broadcast %parallel_loop3A_235 : i32 to vector<16xi32>
          %parallel_loop3A_315 = arith.addi %add3A_191, %parallel_loop3A_314 : vector<16xi32>
          tpu.vector_store_idx %arg9[%parallel_loop3A_315], %parallel_loop3A_313 : memref<18432xf32, #tpu.memory_space<vmem>>[vector<16xi32>], vector<16xf32>,
          %parallel_loop3A_316 = arith.constant 16 : i32
          %parallel_loop3A_317 = arith.muli %parallel_loop3A_233, %parallel_loop3A_316 : i32
          %parallel_loop3A_318 = arith.constant 10 : i32
          %parallel_loop3A_319 = arith.index_cast %parallel_loop3A_318 : i32 to index
          %parallel_loop3A_320 = arith.index_cast %parallel_loop3A_317 : i32 to index
          %parallel_loop3A_321 = tpu.vector_load %arg6[%parallel_loop3A_319, %parallel_loop3A_320] {strides = array<i32>} : memref<16x1152xf32, #tpu.memory_space<vmem>>, vector<16xf32>,
          %parallel_loop3A_322 = vector.broadcast %parallel_loop3A_235 : i32 to vector<16xi32>
          %parallel_loop3A_323 = arith.addi %add3A_197, %parallel_loop3A_322 : vector<16xi32>
          tpu.vector_store_idx %arg9[%parallel_loop3A_323], %parallel_loop3A_321 : memref<18432xf32, #tpu.memory_space<vmem>>[vector<16xi32>], vector<16xf32>,
          %parallel_loop3A_324 = arith.constant 16 : i32
          %parallel_loop3A_325 = arith.muli %parallel_loop3A_233, %parallel_loop3A_324 : i32
          %parallel_loop3A_326 = arith.constant 11 : i32
          %parallel_loop3A_327 = arith.index_cast %parallel_loop3A_326 : i32 to index
          %parallel_loop3A_328 = arith.index_cast %parallel_loop3A_325 : i32 to index
          %parallel_loop3A_329 = tpu.vector_load %arg6[%parallel_loop3A_327, %parallel_loop3A_328] {strides = array<i32>} : memref<16x1152xf32, #tpu.memory_space<vmem>>, vector<16xf32>,
          %parallel_loop3A_330 = vector.broadcast %parallel_loop3A_235 : i32 to vector<16xi32>
          %parallel_loop3A_331 = arith.addi %add3A_203, %parallel_loop3A_330 : vector<16xi32>
          tpu.vector_store_idx %arg9[%parallel_loop3A_331], %parallel_loop3A_329 : memref<18432xf32, #tpu.memory_space<vmem>>[vector<16xi32>], vector<16xf32>,
          %parallel_loop3A_332 = arith.constant 16 : i32
          %parallel_loop3A_333 = arith.muli %parallel_loop3A_233, %parallel_loop3A_332 : i32
          %parallel_loop3A_334 = arith.constant 12 : i32
          %parallel_loop3A_335 = arith.index_cast %parallel_loop3A_334 : i32 to index
          %parallel_loop3A_336 = arith.index_cast %parallel_loop3A_333 : i32 to index
          %parallel_loop3A_337 = tpu.vector_load %arg6[%parallel_loop3A_335, %parallel_loop3A_336] {strides = array<i32>} : memref<16x1152xf32, #tpu.memory_space<vmem>>, vector<16xf32>,
          %parallel_loop3A_338 = vector.broadcast %parallel_loop3A_235 : i32 to vector<16xi32>
          %parallel_loop3A_339 = arith.addi %add3A_209, %parallel_loop3A_338 : vector<16xi32>
          tpu.vector_store_idx %arg9[%parallel_loop3A_339], %parallel_loop3A_337 : memref<18432xf32, #tpu.memory_space<vmem>>[vector<16xi32>], vector<16xf32>,
          %parallel_loop3A_340 = arith.constant 16 : i32
          %parallel_loop3A_341 = arith.muli %parallel_loop3A_233, %parallel_loop3A_340 : i32
          %parallel_loop3A_342 = arith.constant 13 : i32
          %parallel_loop3A_343 = arith.index_cast %parallel_loop3A_342 : i32 to index
          %parallel_loop3A_344 = arith.index_cast %parallel_loop3A_341 : i32 to index
          %parallel_loop3A_345 = tpu.vector_load %arg6[%parallel_loop3A_343, %parallel_loop3A_344] {strides = array<i32>} : memref<16x1152xf32, #tpu.memory_space<vmem>>, vector<16xf32>,
          %parallel_loop3A_346 = vector.broadcast %parallel_loop3A_235 : i32 to vector<16xi32>
          %parallel_loop3A_347 = arith.addi %add3A_215, %parallel_loop3A_346 : vector<16xi32>
          tpu.vector_store_idx %arg9[%parallel_loop3A_347], %parallel_loop3A_345 : memref<18432xf32, #tpu.memory_space<vmem>>[vector<16xi32>], vector<16xf32>,
          %parallel_loop3A_348 = arith.constant 16 : i32
          %parallel_loop3A_349 = arith.muli %parallel_loop3A_233, %parallel_loop3A_348 : i32
          %parallel_loop3A_350 = arith.constant 14 : i32
          %parallel_loop3A_351 = arith.index_cast %parallel_loop3A_350 : i32 to index
          %parallel_loop3A_352 = arith.index_cast %parallel_loop3A_349 : i32 to index
          %parallel_loop3A_353 = tpu.vector_load %arg6[%parallel_loop3A_351, %parallel_loop3A_352] {strides = array<i32>} : memref<16x1152xf32, #tpu.memory_space<vmem>>, vector<16xf32>,
          %parallel_loop3A_354 = vector.broadcast %parallel_loop3A_235 : i32 to vector<16xi32>
          %parallel_loop3A_355 = arith.addi %add3A_221, %parallel_loop3A_354 : vector<16xi32>
          tpu.vector_store_idx %arg9[%parallel_loop3A_355], %parallel_loop3A_353 : memref<18432xf32, #tpu.memory_space<vmem>>[vector<16xi32>], vector<16xf32>,
          %parallel_loop3A_356 = arith.constant 16 : i32
          %parallel_loop3A_357 = arith.muli %parallel_loop3A_233, %parallel_loop3A_356 : i32
          %parallel_loop3A_358 = arith.constant 15 : i32
          %parallel_loop3A_359 = arith.index_cast %parallel_loop3A_358 : i32 to index
          %parallel_loop3A_360 = arith.index_cast %parallel_loop3A_357 : i32 to index
          %parallel_loop3A_361 = tpu.vector_load %arg6[%parallel_loop3A_359, %parallel_loop3A_360] {strides = array<i32>} : memref<16x1152xf32, #tpu.memory_space<vmem>>, vector<16xf32>,
          %parallel_loop3A_362 = vector.broadcast %parallel_loop3A_235 : i32 to vector<16xi32>
          %parallel_loop3A_363 = arith.addi %add3A_227, %parallel_loop3A_362 : vector<16xi32>
          tpu.vector_store_idx %arg9[%parallel_loop3A_363], %parallel_loop3A_361 : memref<18432xf32, #tpu.memory_space<vmem>>[vector<16xi32>], vector<16xf32>,
        } {sc.loop_unroll_factor = 2 : i64, sc.parallel_access}
        %mul3A_230 = arith.constant 18432 : i32
        %mul3A_231 = arith.muli %add3A_82, %mul3A_230 : i32
        %dma_start3A = tpu.memref_slice %arg4[%mul3A_231] : memref<16001024xf32, #tpu.memory_space<hbm>> -> memref<18432xf32, #tpu.memory_space<hbm>>
        %dma_start3A_232 = tpu.memref_slice %arg4[%mul3A_231] : memref<16001024xf32, #tpu.memory_space<hbm>> -> memref<18432xf32, #tpu.memory_space<hbm>>
        tpu.enqueue_dma source(%arg9 : memref<18432xf32, #tpu.memory_space<vmem>>) target(%dma_start3A_232 : memref<18432xf32, #tpu.memory_space<hbm>>) target_semaphore(%arg15 : memref<!tpu.dma_semaphore, #tpu.memory_space<semaphore_mem>>)
      } else {
      }
      %add3A_97 = arith.constant 96 : i32
      %add3A_98 = arith.addi %add3A_82, %add3A_97 : i32
      %lt3A_99 = arith.constant 868 : i32
      %lt3A_100 = arith.cmpi slt, %add3A_98, %lt3A_99 : i32
      %convert_element_type3A_101 = arith.extui %lt3A_100 : i1 to i32
      %cond3A_102 = arith.constant 0 : i32
      %cond3A_103 = arith.cmpi ne, %convert_element_type3A_101, %cond3A_102 : i32
      scf.if %cond3A_103 {
        %add3A_132 = arith.constant 96 : i32
        %add3A_133 = arith.addi %add3A_82, %add3A_132 : i32
        %mul3A_134 = arith.constant 1152 : i32
        %mul3A_135 = arith.muli %add3A_133, %mul3A_134 : i32
        %dma_start3A = arith.constant 0 : i32
        %dma_start3A_136 = arith.constant 0 : i32
        %dma_start3A_137 = tpu.memref_slice %arg6[%dma_start3A, %dma_start3A_136] : memref<16x1152xf32, #tpu.memory_space<vmem>> -> memref<8x1152xf32, #tpu.memory_space<vmem>>
        %dma_start3A_138 = arith.constant 0 : i32
        %dma_start3A_139 = tpu.memref_slice %arg2[%dma_start3A_138, %mul3A_135] : memref<16x1000000xf32, #tpu.memory_space<hbm>> -> memref<8x1152xf32, #tpu.memory_space<hbm>>
        %dma_start3A_140 = arith.constant 0 : i32
        %dma_start3A_141 = arith.constant 0 : i32
        %dma_start3A_142 = tpu.memref_slice %arg6[%dma_start3A_140, %dma_start3A_141] : memref<16x1152xf32, #tpu.memory_space<vmem>> -> memref<8x1152xf32, #tpu.memory_space<vmem>>
        %dma_start3A_143 = arith.constant 0 : i32
        %dma_start3A_144 = tpu.memref_slice %arg2[%dma_start3A_143, %mul3A_135] : memref<16x1000000xf32, #tpu.memory_space<hbm>> -> memref<8x1152xf32, #tpu.memory_space<hbm>>
        tpu.enqueue_dma source(%dma_start3A_144 : memref<8x1152xf32, #tpu.memory_space<hbm>>) target(%dma_start3A_142 : memref<8x1152xf32, #tpu.memory_space<vmem>>) target_semaphore(%arg12 : memref<!tpu.dma_semaphore, #tpu.memory_space<semaphore_mem>>)
        %dma_start3A_145 = arith.constant 8 : i32
        %dma_start3A_146 = arith.constant 0 : i32
        %dma_start3A_147 = tpu.memref_slice %arg6[%dma_start3A_145, %dma_start3A_146] : memref<16x1152xf32, #tpu.memory_space<vmem>> -> memref<8x1152xf32, #tpu.memory_space<vmem>>
        %dma_start3A_148 = arith.constant 8 : i32
        %dma_start3A_149 = tpu.memref_slice %arg2[%dma_start3A_148, %mul3A_135] : memref<16x1000000xf32, #tpu.memory_space<hbm>> -> memref<8x1152xf32, #tpu.memory_space<hbm>>
        %dma_start3A_150 = arith.constant 8 : i32
        %dma_start3A_151 = arith.constant 0 : i32
        %dma_start3A_152 = tpu.memref_slice %arg6[%dma_start3A_150, %dma_start3A_151] : memref<16x1152xf32, #tpu.memory_space<vmem>> -> memref<8x1152xf32, #tpu.memory_space<vmem>>
        %dma_start3A_153 = arith.constant 8 : i32
        %dma_start3A_154 = tpu.memref_slice %arg2[%dma_start3A_153, %mul3A_135] : memref<16x1000000xf32, #tpu.memory_space<hbm>> -> memref<8x1152xf32, #tpu.memory_space<hbm>>
        tpu.enqueue_dma source(%dma_start3A_154 : memref<8x1152xf32, #tpu.memory_space<hbm>>) target(%dma_start3A_152 : memref<8x1152xf32, #tpu.memory_space<vmem>>) target_semaphore(%arg12 : memref<!tpu.dma_semaphore, #tpu.memory_space<semaphore_mem>>)
      } else {
      }
      %mul3A_104 = arith.constant 3 : i32
      %mul3A_105 = arith.muli %scan3A_49, %mul3A_104 : i32
      %add3A_106 = arith.constant 2 : i32
      %add3A_107 = arith.addi %mul3A_105, %add3A_106 : i32
      %mul3A_108 = arith.constant 32 : i32
      %mul3A_109 = arith.muli %mul3A_108, %add3A_107 : i32
      %add3A_110 = arith.addi %add3A, %mul3A_109 : i32
      %lt3A_111 = arith.constant 868 : i32
      %lt3A_112 = arith.cmpi slt, %add3A_110, %lt3A_111 : i32
      %convert_element_type3A_113 = arith.extui %lt3A_112 : i1 to i32
      %cond3A_114 = arith.constant 0 : i32
      %cond3A_115 = arith.cmpi ne, %convert_element_type3A_113, %cond3A_114 : i32
      scf.if %cond3A_115 {
        %dma_wait3A = arith.constant 0 : i32
        %dma_wait3A_132 = arith.constant 0 : i32
        %dma_wait3A_133 = tpu.memref_slice %arg7[%dma_wait3A, %dma_wait3A_132] : memref<16x1152xf32, #tpu.memory_space<vmem>> -> memref<8x1152xf32, #tpu.memory_space<vmem>>
        %dma_wait3A_134 = arith.constant 0 : i32
        %dma_wait3A_135 = arith.constant 0 : i32
        %dma_wait3A_136 = tpu.memref_slice %arg2[%dma_wait3A_134, %dma_wait3A_135] : memref<16x1000000xf32, #tpu.memory_space<hbm>> -> memref<8x1152xf32, #tpu.memory_space<hbm>>
        %dma_wait3A_137 = arith.constant 0 : i32
        %dma_wait3A_138 = arith.constant 0 : i32
        %dma_wait3A_139 = tpu.memref_slice %arg7[%dma_wait3A_137, %dma_wait3A_138] : memref<16x1152xf32, #tpu.memory_space<vmem>> -> memref<8x1152xf32, #tpu.memory_space<vmem>>
        %dma_wait3A_140 = arith.constant 0 : i32
        %dma_wait3A_141 = arith.constant 0 : i32
        %dma_wait3A_142 = tpu.memref_slice %arg2[%dma_wait3A_140, %dma_wait3A_141] : memref<16x1000000xf32, #tpu.memory_space<hbm>> -> memref<8x1152xf32, #tpu.memory_space<hbm>>
        tpu.wait_dma2 semaphore(%arg13 : memref<!tpu.dma_semaphore, #tpu.memory_space<semaphore_mem>>) src(%dma_wait3A_142 : memref<8x1152xf32, #tpu.memory_space<hbm>>) dst(%dma_wait3A_139 : memref<8x1152xf32, #tpu.memory_space<vmem>>)
        %dma_wait3A_143 = arith.constant 8 : i32
        %dma_wait3A_144 = arith.constant 0 : i32
        %dma_wait3A_145 = tpu.memref_slice %arg7[%dma_wait3A_143, %dma_wait3A_144] : memref<16x1152xf32, #tpu.memory_space<vmem>> -> memref<8x1152xf32, #tpu.memory_space<vmem>>
        %dma_wait3A_146 = arith.constant 8 : i32
        %dma_wait3A_147 = arith.constant 0 : i32
        %dma_wait3A_148 = tpu.memref_slice %arg2[%dma_wait3A_146, %dma_wait3A_147] : memref<16x1000000xf32, #tpu.memory_space<hbm>> -> memref<8x1152xf32, #tpu.memory_space<hbm>>
        %dma_wait3A_149 = arith.constant 8 : i32
        %dma_wait3A_150 = arith.constant 0 : i32
        %dma_wait3A_151 = tpu.memref_slice %arg7[%dma_wait3A_149, %dma_wait3A_150] : memref<16x1152xf32, #tpu.memory_space<vmem>> -> memref<8x1152xf32, #tpu.memory_space<vmem>>
        %dma_wait3A_152 = arith.constant 8 : i32
        %dma_wait3A_153 = arith.constant 0 : i32
        %dma_wait3A_154 = tpu.memref_slice %arg2[%dma_wait3A_152, %dma_wait3A_153] : memref<16x1000000xf32, #tpu.memory_space<hbm>> -> memref<8x1152xf32, #tpu.memory_space<hbm>>
        tpu.wait_dma2 semaphore(%arg13 : memref<!tpu.dma_semaphore, #tpu.memory_space<semaphore_mem>>) src(%dma_wait3A_154 : memref<8x1152xf32, #tpu.memory_space<hbm>>) dst(%dma_wait3A_151 : memref<8x1152xf32, #tpu.memory_space<vmem>>)
      } else {
      }
      %ge3A_116 = arith.constant 3 : i32
      %ge3A_117 = arith.cmpi sge, %add3A_107, %ge3A_116 : i32
      %and3A_118 = arith.andi %lt3A_112, %ge3A_117 : i1
      %convert_element_type3A_119 = arith.extui %and3A_118 : i1 to i32
      %cond3A_120 = arith.constant 0 : i32
      %cond3A_121 = arith.cmpi ne, %convert_element_type3A_119, %cond3A_120 : i32
      scf.if %cond3A_121 {
        %dma_wait3A = arith.constant 0 : i32
        %dma_wait3A_132 = tpu.memref_slice %arg4[%dma_wait3A] : memref<16001024xf32, #tpu.memory_space<hbm>> -> memref<18432xf32, #tpu.memory_space<hbm>>
        %dma_wait3A_133 = arith.constant 0 : i32
        %dma_wait3A_134 = tpu.memref_slice %arg4[%dma_wait3A_133] : memref<16001024xf32, #tpu.memory_space<hbm>> -> memref<18432xf32, #tpu.memory_space<hbm>>
        tpu.wait_dma2 semaphore(%arg16 : memref<!tpu.dma_semaphore, #tpu.memory_space<semaphore_mem>>) src(%arg10 : memref<18432xf32, #tpu.memory_space<vmem>>) dst(%dma_wait3A_134 : memref<18432xf32, #tpu.memory_space<hbm>>)
      } else {
      }
      %convert_element_type3A_122 = arith.extui %lt3A_112 : i1 to i32
      %cond3A_123 = arith.constant 0 : i32
      %cond3A_124 = arith.cmpi ne, %convert_element_type3A_122, %cond3A_123 : i32
      scf.if %cond3A_124 {
        %mul3A_132 = arith.constant 16 : i32
        %mul3A_133 = vector.broadcast %mul3A_132 : i32 to vector<16xi32>
        %mul3A_134 = arith.muli %iota3A, %mul3A_133 : vector<16xi32>
        %add3A_135 = arith.constant 0 : i32
        %add3A_136 = vector.broadcast %add3A_135 : i32 to vector<16xi32>
        %add3A_137 = arith.addi %mul3A_134, %add3A_136 : vector<16xi32>
        %mul3A_138 = arith.constant 16 : i32
        %mul3A_139 = vector.broadcast %mul3A_138 : i32 to vector<16xi32>
        %mul3A_140 = arith.muli %iota3A, %mul3A_139 : vector<16xi32>
        %add3A_141 = arith.constant 1 : i32
        %add3A_142 = vector.broadcast %add3A_141 : i32 to vector<16xi32>
        %add3A_143 = arith.addi %mul3A_140, %add3A_142 : vector<16xi32>
        %mul3A_144 = arith.constant 16 : i32
        %mul3A_145 = vector.broadcast %mul3A_144 : i32 to vector<16xi32>
        %mul3A_146 = arith.muli %iota3A, %mul3A_145 : vector<16xi32>
        %add3A_147 = arith.constant 2 : i32
        %add3A_148 = vector.broadcast %add3A_147 : i32 to vector<16xi32>
        %add3A_149 = arith.addi %mul3A_146, %add3A_148 : vector<16xi32>
        %mul3A_150 = arith.constant 16 : i32
        %mul3A_151 = vector.broadcast %mul3A_150 : i32 to vector<16xi32>
        %mul3A_152 = arith.muli %iota3A, %mul3A_151 : vector<16xi32>
        %add3A_153 = arith.constant 3 : i32
        %add3A_154 = vector.broadcast %add3A_153 : i32 to vector<16xi32>
        %add3A_155 = arith.addi %mul3A_152, %add3A_154 : vector<16xi32>
        %mul3A_156 = arith.constant 16 : i32
        %mul3A_157 = vector.broadcast %mul3A_156 : i32 to vector<16xi32>
        %mul3A_158 = arith.muli %iota3A, %mul3A_157 : vector<16xi32>
        %add3A_159 = arith.constant 4 : i32
        %add3A_160 = vector.broadcast %add3A_159 : i32 to vector<16xi32>
        %add3A_161 = arith.addi %mul3A_158, %add3A_160 : vector<16xi32>
        %mul3A_162 = arith.constant 16 : i32
        %mul3A_163 = vector.broadcast %mul3A_162 : i32 to vector<16xi32>
        %mul3A_164 = arith.muli %iota3A, %mul3A_163 : vector<16xi32>
        %add3A_165 = arith.constant 5 : i32
        %add3A_166 = vector.broadcast %add3A_165 : i32 to vector<16xi32>
        %add3A_167 = arith.addi %mul3A_164, %add3A_166 : vector<16xi32>
        %mul3A_168 = arith.constant 16 : i32
        %mul3A_169 = vector.broadcast %mul3A_168 : i32 to vector<16xi32>
        %mul3A_170 = arith.muli %iota3A, %mul3A_169 : vector<16xi32>
        %add3A_171 = arith.constant 6 : i32
        %add3A_172 = vector.broadcast %add3A_171 : i32 to vector<16xi32>
        %add3A_173 = arith.addi %mul3A_170, %add3A_172 : vector<16xi32>
        %mul3A_174 = arith.constant 16 : i32
        %mul3A_175 = vector.broadcast %mul3A_174 : i32 to vector<16xi32>
        %mul3A_176 = arith.muli %iota3A, %mul3A_175 : vector<16xi32>
        %add3A_177 = arith.constant 7 : i32
        %add3A_178 = vector.broadcast %add3A_177 : i32 to vector<16xi32>
        %add3A_179 = arith.addi %mul3A_176, %add3A_178 : vector<16xi32>
        %mul3A_180 = arith.constant 16 : i32
        %mul3A_181 = vector.broadcast %mul3A_180 : i32 to vector<16xi32>
        %mul3A_182 = arith.muli %iota3A, %mul3A_181 : vector<16xi32>
        %add3A_183 = arith.constant 8 : i32
        %add3A_184 = vector.broadcast %add3A_183 : i32 to vector<16xi32>
        %add3A_185 = arith.addi %mul3A_182, %add3A_184 : vector<16xi32>
        %mul3A_186 = arith.constant 16 : i32
        %mul3A_187 = vector.broadcast %mul3A_186 : i32 to vector<16xi32>
        %mul3A_188 = arith.muli %iota3A, %mul3A_187 : vector<16xi32>
        %add3A_189 = arith.constant 9 : i32
        %add3A_190 = vector.broadcast %add3A_189 : i32 to vector<16xi32>
        %add3A_191 = arith.addi %mul3A_188, %add3A_190 : vector<16xi32>
        %mul3A_192 = arith.constant 16 : i32
        %mul3A_193 = vector.broadcast %mul3A_192 : i32 to vector<16xi32>
        %mul3A_194 = arith.muli %iota3A, %mul3A_193 : vector<16xi32>
        %add3A_195 = arith.constant 10 : i32
        %add3A_196 = vector.broadcast %add3A_195 : i32 to vector<16xi32>
        %add3A_197 = arith.addi %mul3A_194, %add3A_196 : vector<16xi32>
        %mul3A_198 = arith.constant 16 : i32
        %mul3A_199 = vector.broadcast %mul3A_198 : i32 to vector<16xi32>
        %mul3A_200 = arith.muli %iota3A, %mul3A_199 : vector<16xi32>
        %add3A_201 = arith.constant 11 : i32
        %add3A_202 = vector.broadcast %add3A_201 : i32 to vector<16xi32>
        %add3A_203 = arith.addi %mul3A_200, %add3A_202 : vector<16xi32>
        %mul3A_204 = arith.constant 16 : i32
        %mul3A_205 = vector.broadcast %mul3A_204 : i32 to vector<16xi32>
        %mul3A_206 = arith.muli %iota3A, %mul3A_205 : vector<16xi32>
        %add3A_207 = arith.constant 12 : i32
        %add3A_208 = vector.broadcast %add3A_207 : i32 to vector<16xi32>
        %add3A_209 = arith.addi %mul3A_206, %add3A_208 : vector<16xi32>
        %mul3A_210 = arith.constant 16 : i32
        %mul3A_211 = vector.broadcast %mul3A_210 : i32 to vector<16xi32>
        %mul3A_212 = arith.muli %iota3A, %mul3A_211 : vector<16xi32>
        %add3A_213 = arith.constant 13 : i32
        %add3A_214 = vector.broadcast %add3A_213 : i32 to vector<16xi32>
        %add3A_215 = arith.addi %mul3A_212, %add3A_214 : vector<16xi32>
        %mul3A_216 = arith.constant 16 : i32
        %mul3A_217 = vector.broadcast %mul3A_216 : i32 to vector<16xi32>
        %mul3A_218 = arith.muli %iota3A, %mul3A_217 : vector<16xi32>
        %add3A_219 = arith.constant 14 : i32
        %add3A_220 = vector.broadcast %add3A_219 : i32 to vector<16xi32>
        %add3A_221 = arith.addi %mul3A_218, %add3A_220 : vector<16xi32>
        %mul3A_222 = arith.constant 16 : i32
        %mul3A_223 = vector.broadcast %mul3A_222 : i32 to vector<16xi32>
        %mul3A_224 = arith.muli %iota3A, %mul3A_223 : vector<16xi32>
        %add3A_225 = arith.constant 15 : i32
        %add3A_226 = vector.broadcast %add3A_225 : i32 to vector<16xi32>
        %add3A_227 = arith.addi %mul3A_224, %add3A_226 : vector<16xi32>
        %parallel_loop3A = arith.constant 0 : i32
        %parallel_loop3A_228 = arith.constant 72 : i32
        %parallel_loop3A_229 = arith.constant 1 : i32
        scf.for %parallel_loop3A_233 = %parallel_loop3A to %parallel_loop3A_228 step %parallel_loop3A_229  : i32 {
          %parallel_loop3A_234 = arith.constant 256 : i32
          %parallel_loop3A_235 = arith.muli %parallel_loop3A_233, %parallel_loop3A_234 : i32
          %parallel_loop3A_236 = arith.constant 16 : i32
          %parallel_loop3A_237 = arith.muli %parallel_loop3A_233, %parallel_loop3A_236 : i32
          %parallel_loop3A_238 = arith.constant 0 : i32
          %parallel_loop3A_239 = arith.index_cast %parallel_loop3A_238 : i32 to index
          %parallel_loop3A_240 = arith.index_cast %parallel_loop3A_237 : i32 to index
          %parallel_loop3A_241 = tpu.vector_load %arg7[%parallel_loop3A_239, %parallel_loop3A_240] {strides = array<i32>} : memref<16x1152xf32, #tpu.memory_space<vmem>>, vector<16xf32>,
          %parallel_loop3A_242 = vector.broadcast %parallel_loop3A_235 : i32 to vector<16xi32>
          %parallel_loop3A_243 = arith.addi %add3A_137, %parallel_loop3A_242 : vector<16xi32>
          tpu.vector_store_idx %arg10[%parallel_loop3A_243], %parallel_loop3A_241 : memref<18432xf32, #tpu.memory_space<vmem>>[vector<16xi32>], vector<16xf32>,
          %parallel_loop3A_244 = arith.constant 16 : i32
          %parallel_loop3A_245 = arith.muli %parallel_loop3A_233, %parallel_loop3A_244 : i32
          %parallel_loop3A_246 = arith.constant 1 : i32
          %parallel_loop3A_247 = arith.index_cast %parallel_loop3A_246 : i32 to index
          %parallel_loop3A_248 = arith.index_cast %parallel_loop3A_245 : i32 to index
          %parallel_loop3A_249 = tpu.vector_load %arg7[%parallel_loop3A_247, %parallel_loop3A_248] {strides = array<i32>} : memref<16x1152xf32, #tpu.memory_space<vmem>>, vector<16xf32>,
          %parallel_loop3A_250 = vector.broadcast %parallel_loop3A_235 : i32 to vector<16xi32>
          %parallel_loop3A_251 = arith.addi %add3A_143, %parallel_loop3A_250 : vector<16xi32>
          tpu.vector_store_idx %arg10[%parallel_loop3A_251], %parallel_loop3A_249 : memref<18432xf32, #tpu.memory_space<vmem>>[vector<16xi32>], vector<16xf32>,
          %parallel_loop3A_252 = arith.constant 16 : i32
          %parallel_loop3A_253 = arith.muli %parallel_loop3A_233, %parallel_loop3A_252 : i32
          %parallel_loop3A_254 = arith.constant 2 : i32
          %parallel_loop3A_255 = arith.index_cast %parallel_loop3A_254 : i32 to index
          %parallel_loop3A_256 = arith.index_cast %parallel_loop3A_253 : i32 to index
          %parallel_loop3A_257 = tpu.vector_load %arg7[%parallel_loop3A_255, %parallel_loop3A_256] {strides = array<i32>} : memref<16x1152xf32, #tpu.memory_space<vmem>>, vector<16xf32>,
          %parallel_loop3A_258 = vector.broadcast %parallel_loop3A_235 : i32 to vector<16xi32>
          %parallel_loop3A_259 = arith.addi %add3A_149, %parallel_loop3A_258 : vector<16xi32>
          tpu.vector_store_idx %arg10[%parallel_loop3A_259], %parallel_loop3A_257 : memref<18432xf32, #tpu.memory_space<vmem>>[vector<16xi32>], vector<16xf32>,
          %parallel_loop3A_260 = arith.constant 16 : i32
          %parallel_loop3A_261 = arith.muli %parallel_loop3A_233, %parallel_loop3A_260 : i32
          %parallel_loop3A_262 = arith.constant 3 : i32
          %parallel_loop3A_263 = arith.index_cast %parallel_loop3A_262 : i32 to index
          %parallel_loop3A_264 = arith.index_cast %parallel_loop3A_261 : i32 to index
          %parallel_loop3A_265 = tpu.vector_load %arg7[%parallel_loop3A_263, %parallel_loop3A_264] {strides = array<i32>} : memref<16x1152xf32, #tpu.memory_space<vmem>>, vector<16xf32>,
          %parallel_loop3A_266 = vector.broadcast %parallel_loop3A_235 : i32 to vector<16xi32>
          %parallel_loop3A_267 = arith.addi %add3A_155, %parallel_loop3A_266 : vector<16xi32>
          tpu.vector_store_idx %arg10[%parallel_loop3A_267], %parallel_loop3A_265 : memref<18432xf32, #tpu.memory_space<vmem>>[vector<16xi32>], vector<16xf32>,
          %parallel_loop3A_268 = arith.constant 16 : i32
          %parallel_loop3A_269 = arith.muli %parallel_loop3A_233, %parallel_loop3A_268 : i32
          %parallel_loop3A_270 = arith.constant 4 : i32
          %parallel_loop3A_271 = arith.index_cast %parallel_loop3A_270 : i32 to index
          %parallel_loop3A_272 = arith.index_cast %parallel_loop3A_269 : i32 to index
          %parallel_loop3A_273 = tpu.vector_load %arg7[%parallel_loop3A_271, %parallel_loop3A_272] {strides = array<i32>} : memref<16x1152xf32, #tpu.memory_space<vmem>>, vector<16xf32>,
          %parallel_loop3A_274 = vector.broadcast %parallel_loop3A_235 : i32 to vector<16xi32>
          %parallel_loop3A_275 = arith.addi %add3A_161, %parallel_loop3A_274 : vector<16xi32>
          tpu.vector_store_idx %arg10[%parallel_loop3A_275], %parallel_loop3A_273 : memref<18432xf32, #tpu.memory_space<vmem>>[vector<16xi32>], vector<16xf32>,
          %parallel_loop3A_276 = arith.constant 16 : i32
          %parallel_loop3A_277 = arith.muli %parallel_loop3A_233, %parallel_loop3A_276 : i32
          %parallel_loop3A_278 = arith.constant 5 : i32
          %parallel_loop3A_279 = arith.index_cast %parallel_loop3A_278 : i32 to index
          %parallel_loop3A_280 = arith.index_cast %parallel_loop3A_277 : i32 to index
          %parallel_loop3A_281 = tpu.vector_load %arg7[%parallel_loop3A_279, %parallel_loop3A_280] {strides = array<i32>} : memref<16x1152xf32, #tpu.memory_space<vmem>>, vector<16xf32>,
          %parallel_loop3A_282 = vector.broadcast %parallel_loop3A_235 : i32 to vector<16xi32>
          %parallel_loop3A_283 = arith.addi %add3A_167, %parallel_loop3A_282 : vector<16xi32>
          tpu.vector_store_idx %arg10[%parallel_loop3A_283], %parallel_loop3A_281 : memref<18432xf32, #tpu.memory_space<vmem>>[vector<16xi32>], vector<16xf32>,
          %parallel_loop3A_284 = arith.constant 16 : i32
          %parallel_loop3A_285 = arith.muli %parallel_loop3A_233, %parallel_loop3A_284 : i32
          %parallel_loop3A_286 = arith.constant 6 : i32
          %parallel_loop3A_287 = arith.index_cast %parallel_loop3A_286 : i32 to index
          %parallel_loop3A_288 = arith.index_cast %parallel_loop3A_285 : i32 to index
          %parallel_loop3A_289 = tpu.vector_load %arg7[%parallel_loop3A_287, %parallel_loop3A_288] {strides = array<i32>} : memref<16x1152xf32, #tpu.memory_space<vmem>>, vector<16xf32>,
          %parallel_loop3A_290 = vector.broadcast %parallel_loop3A_235 : i32 to vector<16xi32>
          %parallel_loop3A_291 = arith.addi %add3A_173, %parallel_loop3A_290 : vector<16xi32>
          tpu.vector_store_idx %arg10[%parallel_loop3A_291], %parallel_loop3A_289 : memref<18432xf32, #tpu.memory_space<vmem>>[vector<16xi32>], vector<16xf32>,
          %parallel_loop3A_292 = arith.constant 16 : i32
          %parallel_loop3A_293 = arith.muli %parallel_loop3A_233, %parallel_loop3A_292 : i32
          %parallel_loop3A_294 = arith.constant 7 : i32
          %parallel_loop3A_295 = arith.index_cast %parallel_loop3A_294 : i32 to index
          %parallel_loop3A_296 = arith.index_cast %parallel_loop3A_293 : i32 to index
          %parallel_loop3A_297 = tpu.vector_load %arg7[%parallel_loop3A_295, %parallel_loop3A_296] {strides = array<i32>} : memref<16x1152xf32, #tpu.memory_space<vmem>>, vector<16xf32>,
          %parallel_loop3A_298 = vector.broadcast %parallel_loop3A_235 : i32 to vector<16xi32>
          %parallel_loop3A_299 = arith.addi %add3A_179, %parallel_loop3A_298 : vector<16xi32>
          tpu.vector_store_idx %arg10[%parallel_loop3A_299], %parallel_loop3A_297 : memref<18432xf32, #tpu.memory_space<vmem>>[vector<16xi32>], vector<16xf32>,
          %parallel_loop3A_300 = arith.constant 16 : i32
          %parallel_loop3A_301 = arith.muli %parallel_loop3A_233, %parallel_loop3A_300 : i32
          %parallel_loop3A_302 = arith.constant 8 : i32
          %parallel_loop3A_303 = arith.index_cast %parallel_loop3A_302 : i32 to index
          %parallel_loop3A_304 = arith.index_cast %parallel_loop3A_301 : i32 to index
          %parallel_loop3A_305 = tpu.vector_load %arg7[%parallel_loop3A_303, %parallel_loop3A_304] {strides = array<i32>} : memref<16x1152xf32, #tpu.memory_space<vmem>>, vector<16xf32>,
          %parallel_loop3A_306 = vector.broadcast %parallel_loop3A_235 : i32 to vector<16xi32>
          %parallel_loop3A_307 = arith.addi %add3A_185, %parallel_loop3A_306 : vector<16xi32>
          tpu.vector_store_idx %arg10[%parallel_loop3A_307], %parallel_loop3A_305 : memref<18432xf32, #tpu.memory_space<vmem>>[vector<16xi32>], vector<16xf32>,
          %parallel_loop3A_308 = arith.constant 16 : i32
          %parallel_loop3A_309 = arith.muli %parallel_loop3A_233, %parallel_loop3A_308 : i32
          %parallel_loop3A_310 = arith.constant 9 : i32
          %parallel_loop3A_311 = arith.index_cast %parallel_loop3A_310 : i32 to index
          %parallel_loop3A_312 = arith.index_cast %parallel_loop3A_309 : i32 to index
          %parallel_loop3A_313 = tpu.vector_load %arg7[%parallel_loop3A_311, %parallel_loop3A_312] {strides = array<i32>} : memref<16x1152xf32, #tpu.memory_space<vmem>>, vector<16xf32>,
          %parallel_loop3A_314 = vector.broadcast %parallel_loop3A_235 : i32 to vector<16xi32>
          %parallel_loop3A_315 = arith.addi %add3A_191, %parallel_loop3A_314 : vector<16xi32>
          tpu.vector_store_idx %arg10[%parallel_loop3A_315], %parallel_loop3A_313 : memref<18432xf32, #tpu.memory_space<vmem>>[vector<16xi32>], vector<16xf32>,
          %parallel_loop3A_316 = arith.constant 16 : i32
          %parallel_loop3A_317 = arith.muli %parallel_loop3A_233, %parallel_loop3A_316 : i32
          %parallel_loop3A_318 = arith.constant 10 : i32
          %parallel_loop3A_319 = arith.index_cast %parallel_loop3A_318 : i32 to index
          %parallel_loop3A_320 = arith.index_cast %parallel_loop3A_317 : i32 to index
          %parallel_loop3A_321 = tpu.vector_load %arg7[%parallel_loop3A_319, %parallel_loop3A_320] {strides = array<i32>} : memref<16x1152xf32, #tpu.memory_space<vmem>>, vector<16xf32>,
          %parallel_loop3A_322 = vector.broadcast %parallel_loop3A_235 : i32 to vector<16xi32>
          %parallel_loop3A_323 = arith.addi %add3A_197, %parallel_loop3A_322 : vector<16xi32>
          tpu.vector_store_idx %arg10[%parallel_loop3A_323], %parallel_loop3A_321 : memref<18432xf32, #tpu.memory_space<vmem>>[vector<16xi32>], vector<16xf32>,
          %parallel_loop3A_324 = arith.constant 16 : i32
          %parallel_loop3A_325 = arith.muli %parallel_loop3A_233, %parallel_loop3A_324 : i32
          %parallel_loop3A_326 = arith.constant 11 : i32
          %parallel_loop3A_327 = arith.index_cast %parallel_loop3A_326 : i32 to index
          %parallel_loop3A_328 = arith.index_cast %parallel_loop3A_325 : i32 to index
          %parallel_loop3A_329 = tpu.vector_load %arg7[%parallel_loop3A_327, %parallel_loop3A_328] {strides = array<i32>} : memref<16x1152xf32, #tpu.memory_space<vmem>>, vector<16xf32>,
          %parallel_loop3A_330 = vector.broadcast %parallel_loop3A_235 : i32 to vector<16xi32>
          %parallel_loop3A_331 = arith.addi %add3A_203, %parallel_loop3A_330 : vector<16xi32>
          tpu.vector_store_idx %arg10[%parallel_loop3A_331], %parallel_loop3A_329 : memref<18432xf32, #tpu.memory_space<vmem>>[vector<16xi32>], vector<16xf32>,
          %parallel_loop3A_332 = arith.constant 16 : i32
          %parallel_loop3A_333 = arith.muli %parallel_loop3A_233, %parallel_loop3A_332 : i32
          %parallel_loop3A_334 = arith.constant 12 : i32
          %parallel_loop3A_335 = arith.index_cast %parallel_loop3A_334 : i32 to index
          %parallel_loop3A_336 = arith.index_cast %parallel_loop3A_333 : i32 to index
          %parallel_loop3A_337 = tpu.vector_load %arg7[%parallel_loop3A_335, %parallel_loop3A_336] {strides = array<i32>} : memref<16x1152xf32, #tpu.memory_space<vmem>>, vector<16xf32>,
          %parallel_loop3A_338 = vector.broadcast %parallel_loop3A_235 : i32 to vector<16xi32>
          %parallel_loop3A_339 = arith.addi %add3A_209, %parallel_loop3A_338 : vector<16xi32>
          tpu.vector_store_idx %arg10[%parallel_loop3A_339], %parallel_loop3A_337 : memref<18432xf32, #tpu.memory_space<vmem>>[vector<16xi32>], vector<16xf32>,
          %parallel_loop3A_340 = arith.constant 16 : i32
          %parallel_loop3A_341 = arith.muli %parallel_loop3A_233, %parallel_loop3A_340 : i32
          %parallel_loop3A_342 = arith.constant 13 : i32
          %parallel_loop3A_343 = arith.index_cast %parallel_loop3A_342 : i32 to index
          %parallel_loop3A_344 = arith.index_cast %parallel_loop3A_341 : i32 to index
          %parallel_loop3A_345 = tpu.vector_load %arg7[%parallel_loop3A_343, %parallel_loop3A_344] {strides = array<i32>} : memref<16x1152xf32, #tpu.memory_space<vmem>>, vector<16xf32>,
          %parallel_loop3A_346 = vector.broadcast %parallel_loop3A_235 : i32 to vector<16xi32>
          %parallel_loop3A_347 = arith.addi %add3A_215, %parallel_loop3A_346 : vector<16xi32>
          tpu.vector_store_idx %arg10[%parallel_loop3A_347], %parallel_loop3A_345 : memref<18432xf32, #tpu.memory_space<vmem>>[vector<16xi32>], vector<16xf32>,
          %parallel_loop3A_348 = arith.constant 16 : i32
          %parallel_loop3A_349 = arith.muli %parallel_loop3A_233, %parallel_loop3A_348 : i32
          %parallel_loop3A_350 = arith.constant 14 : i32
          %parallel_loop3A_351 = arith.index_cast %parallel_loop3A_350 : i32 to index
          %parallel_loop3A_352 = arith.index_cast %parallel_loop3A_349 : i32 to index
          %parallel_loop3A_353 = tpu.vector_load %arg7[%parallel_loop3A_351, %parallel_loop3A_352] {strides = array<i32>} : memref<16x1152xf32, #tpu.memory_space<vmem>>, vector<16xf32>,
          %parallel_loop3A_354 = vector.broadcast %parallel_loop3A_235 : i32 to vector<16xi32>
          %parallel_loop3A_355 = arith.addi %add3A_221, %parallel_loop3A_354 : vector<16xi32>
          tpu.vector_store_idx %arg10[%parallel_loop3A_355], %parallel_loop3A_353 : memref<18432xf32, #tpu.memory_space<vmem>>[vector<16xi32>], vector<16xf32>,
          %parallel_loop3A_356 = arith.constant 16 : i32
          %parallel_loop3A_357 = arith.muli %parallel_loop3A_233, %parallel_loop3A_356 : i32
          %parallel_loop3A_358 = arith.constant 15 : i32
          %parallel_loop3A_359 = arith.index_cast %parallel_loop3A_358 : i32 to index
          %parallel_loop3A_360 = arith.index_cast %parallel_loop3A_357 : i32 to index
          %parallel_loop3A_361 = tpu.vector_load %arg7[%parallel_loop3A_359, %parallel_loop3A_360] {strides = array<i32>} : memref<16x1152xf32, #tpu.memory_space<vmem>>, vector<16xf32>,
          %parallel_loop3A_362 = vector.broadcast %parallel_loop3A_235 : i32 to vector<16xi32>
          %parallel_loop3A_363 = arith.addi %add3A_227, %parallel_loop3A_362 : vector<16xi32>
          tpu.vector_store_idx %arg10[%parallel_loop3A_363], %parallel_loop3A_361 : memref<18432xf32, #tpu.memory_space<vmem>>[vector<16xi32>], vector<16xf32>,
        } {sc.loop_unroll_factor = 2 : i64, sc.parallel_access}
        %mul3A_230 = arith.constant 18432 : i32
        %mul3A_231 = arith.muli %add3A_110, %mul3A_230 : i32
        %dma_start3A = tpu.memref_slice %arg4[%mul3A_231] : memref<16001024xf32, #tpu.memory_space<hbm>> -> memref<18432xf32, #tpu.memory_space<hbm>>
        %dma_start3A_232 = tpu.memref_slice %arg4[%mul3A_231] : memref<16001024xf32, #tpu.memory_space<hbm>> -> memref<18432xf32, #tpu.memory_space<hbm>>
        tpu.enqueue_dma source(%arg10 : memref<18432xf32, #tpu.memory_space<vmem>>) target(%dma_start3A_232 : memref<18432xf32, #tpu.memory_space<hbm>>) target_semaphore(%arg16 : memref<!tpu.dma_semaphore, #tpu.memory_space<semaphore_mem>>)
      } else {
      }
      %add3A_125 = arith.constant 96 : i32
      %add3A_126 = arith.addi %add3A_110, %add3A_125 : i32
      %lt3A_127 = arith.constant 868 : i32
      %lt3A_128 = arith.cmpi slt, %add3A_126, %lt3A_127 : i32
      %convert_element_type3A_129 = arith.extui %lt3A_128 : i1 to i32
      %cond3A_130 = arith.constant 0 : i32
      %cond3A_131 = arith.cmpi ne, %convert_element_type3A_129, %cond3A_130 : i32
      scf.if %cond3A_131 {
        %add3A_132 = arith.constant 96 : i32
        %add3A_133 = arith.addi %add3A_110, %add3A_132 : i32
        %mul3A_134 = arith.constant 1152 : i32
        %mul3A_135 = arith.muli %add3A_133, %mul3A_134 : i32
        %dma_start3A = arith.constant 0 : i32
        %dma_start3A_136 = arith.constant 0 : i32
        %dma_start3A_137 = tpu.memref_slice %arg7[%dma_start3A, %dma_start3A_136] : memref<16x1152xf32, #tpu.memory_space<vmem>> -> memref<8x1152xf32, #tpu.memory_space<vmem>>
        %dma_start3A_138 = arith.constant 0 : i32
        %dma_start3A_139 = tpu.memref_slice %arg2[%dma_start3A_138, %mul3A_135] : memref<16x1000000xf32, #tpu.memory_space<hbm>> -> memref<8x1152xf32, #tpu.memory_space<hbm>>
        %dma_start3A_140 = arith.constant 0 : i32
        %dma_start3A_141 = arith.constant 0 : i32
        %dma_start3A_142 = tpu.memref_slice %arg7[%dma_start3A_140, %dma_start3A_141] : memref<16x1152xf32, #tpu.memory_space<vmem>> -> memref<8x1152xf32, #tpu.memory_space<vmem>>
        %dma_start3A_143 = arith.constant 0 : i32
        %dma_start3A_144 = tpu.memref_slice %arg2[%dma_start3A_143, %mul3A_135] : memref<16x1000000xf32, #tpu.memory_space<hbm>> -> memref<8x1152xf32, #tpu.memory_space<hbm>>
        tpu.enqueue_dma source(%dma_start3A_144 : memref<8x1152xf32, #tpu.memory_space<hbm>>) target(%dma_start3A_142 : memref<8x1152xf32, #tpu.memory_space<vmem>>) target_semaphore(%arg13 : memref<!tpu.dma_semaphore, #tpu.memory_space<semaphore_mem>>)
        %dma_start3A_145 = arith.constant 8 : i32
        %dma_start3A_146 = arith.constant 0 : i32
        %dma_start3A_147 = tpu.memref_slice %arg7[%dma_start3A_145, %dma_start3A_146] : memref<16x1152xf32, #tpu.memory_space<vmem>> -> memref<8x1152xf32, #tpu.memory_space<vmem>>
        %dma_start3A_148 = arith.constant 8 : i32
        %dma_start3A_149 = tpu.memref_slice %arg2[%dma_start3A_148, %mul3A_135] : memref<16x1000000xf32, #tpu.memory_space<hbm>> -> memref<8x1152xf32, #tpu.memory_space<hbm>>
        %dma_start3A_150 = arith.constant 8 : i32
        %dma_start3A_151 = arith.constant 0 : i32
        %dma_start3A_152 = tpu.memref_slice %arg7[%dma_start3A_150, %dma_start3A_151] : memref<16x1152xf32, #tpu.memory_space<vmem>> -> memref<8x1152xf32, #tpu.memory_space<vmem>>
        %dma_start3A_153 = arith.constant 8 : i32
        %dma_start3A_154 = tpu.memref_slice %arg2[%dma_start3A_153, %mul3A_135] : memref<16x1000000xf32, #tpu.memory_space<hbm>> -> memref<8x1152xf32, #tpu.memory_space<hbm>>
        tpu.enqueue_dma source(%dma_start3A_154 : memref<8x1152xf32, #tpu.memory_space<hbm>>) target(%dma_start3A_152 : memref<8x1152xf32, #tpu.memory_space<vmem>>) target_semaphore(%arg13 : memref<!tpu.dma_semaphore, #tpu.memory_space<semaphore_mem>>)
      } else {
      }
    }
    %scan3A_27 = arith.constant 11 : i32
    %add3A_28 = arith.constant 0 : i32
    %add3A_29 = arith.addi %add3A, %add3A_28 : i32
    %lt3A_30 = arith.constant 868 : i32
    %lt3A_31 = arith.cmpi slt, %add3A_29, %lt3A_30 : i32
    %convert_element_type3A_32 = arith.extui %lt3A_31 : i1 to i32
    %cond3A_33 = arith.constant 0 : i32
    %cond3A_34 = arith.cmpi ne, %convert_element_type3A_32, %cond3A_33 : i32
    scf.if %cond3A_34 {
      %dma_wait3A = arith.constant 0 : i32
      %dma_wait3A_49 = tpu.memref_slice %arg4[%dma_wait3A] : memref<16001024xf32, #tpu.memory_space<hbm>> -> memref<18432xf32, #tpu.memory_space<hbm>>
      %dma_wait3A_50 = arith.constant 0 : i32
      %dma_wait3A_51 = tpu.memref_slice %arg4[%dma_wait3A_50] : memref<16001024xf32, #tpu.memory_space<hbm>> -> memref<18432xf32, #tpu.memory_space<hbm>>
      tpu.wait_dma2 semaphore(%arg14 : memref<!tpu.dma_semaphore, #tpu.memory_space<semaphore_mem>>) src(%arg8 : memref<18432xf32, #tpu.memory_space<vmem>>) dst(%dma_wait3A_51 : memref<18432xf32, #tpu.memory_space<hbm>>)
    } else {
    }
    %add3A_35 = arith.constant 32 : i32
    %add3A_36 = arith.addi %add3A, %add3A_35 : i32
    %lt3A_37 = arith.constant 868 : i32
    %lt3A_38 = arith.cmpi slt, %add3A_36, %lt3A_37 : i32
    %convert_element_type3A_39 = arith.extui %lt3A_38 : i1 to i32
    %cond3A_40 = arith.constant 0 : i32
    %cond3A_41 = arith.cmpi ne, %convert_element_type3A_39, %cond3A_40 : i32
    scf.if %cond3A_41 {
      %dma_wait3A = arith.constant 0 : i32
      %dma_wait3A_49 = tpu.memref_slice %arg4[%dma_wait3A] : memref<16001024xf32, #tpu.memory_space<hbm>> -> memref<18432xf32, #tpu.memory_space<hbm>>
      %dma_wait3A_50 = arith.constant 0 : i32
      %dma_wait3A_51 = tpu.memref_slice %arg4[%dma_wait3A_50] : memref<16001024xf32, #tpu.memory_space<hbm>> -> memref<18432xf32, #tpu.memory_space<hbm>>
      tpu.wait_dma2 semaphore(%arg15 : memref<!tpu.dma_semaphore, #tpu.memory_space<semaphore_mem>>) src(%arg9 : memref<18432xf32, #tpu.memory_space<vmem>>) dst(%dma_wait3A_51 : memref<18432xf32, #tpu.memory_space<hbm>>)
    } else {
    }
    %add3A_42 = arith.constant 64 : i32
    %add3A_43 = arith.addi %add3A, %add3A_42 : i32
    %lt3A_44 = arith.constant 868 : i32
    %lt3A_45 = arith.cmpi slt, %add3A_43, %lt3A_44 : i32
    %convert_element_type3A_46 = arith.extui %lt3A_45 : i1 to i32
    %cond3A_47 = arith.constant 0 : i32
    %cond3A_48 = arith.cmpi ne, %convert_element_type3A_46, %cond3A_47 : i32
    scf.if %cond3A_48 {
      %dma_wait3A = arith.constant 0 : i32
      %dma_wait3A_49 = tpu.memref_slice %arg4[%dma_wait3A] : memref<16001024xf32, #tpu.memory_space<hbm>> -> memref<18432xf32, #tpu.memory_space<hbm>>
      %dma_wait3A_50 = arith.constant 0 : i32
      %dma_wait3A_51 = tpu.memref_slice %arg4[%dma_wait3A_50] : memref<16001024xf32, #tpu.memory_space<hbm>> -> memref<18432xf32, #tpu.memory_space<hbm>>
      tpu.wait_dma2 semaphore(%arg16 : memref<!tpu.dma_semaphore, #tpu.memory_space<semaphore_mem>>) src(%arg10 : memref<18432xf32, #tpu.memory_space<vmem>>) dst(%dma_wait3A_51 : memref<18432xf32, #tpu.memory_space<hbm>>)
    } else {
    }
    return
  }
}

#map = affine_map<(d0, d1) -> (0)>
#map1 = affine_map<(d0, d1) -> (0, 0)>
module attributes {stable_mosaic.version = 14 : i64} {
  func.func @_fm_kernel(%arg0: i32, %arg1: i32, %arg2: memref<425984xi32, #tpu.memory_space<hbm>>, %arg3: memref<1000064x16xf32, #tpu.memory_space<hbm>>, %arg4: memref<1000000xf32, #tpu.memory_space<hbm>>, %arg5: memref<16xf32, #tpu.memory_space<hbm>>, %arg6: memref<16384xf32, #tpu.memory_space<hbm>>, %arg7: memref<1664xi32, #tpu.memory_space<vmem>>, %arg8: memref<1664xi32, #tpu.memory_space<vmem>>, %arg9: memref<1664xi32, #tpu.memory_space<vmem>>, %arg10: memref<1664xi32, #tpu.memory_space<vmem>>, %arg11: memref<1664x16xf32, #tpu.memory_space<vmem>>, %arg12: memref<1664x16xf32, #tpu.memory_space<vmem>>, %arg13: memref<1664x16xf32, #tpu.memory_space<vmem>>, %arg14: memref<1664x16xf32, #tpu.memory_space<vmem>>, %arg15: memref<1696xf32, #tpu.memory_space<vmem>>, %arg16: memref<1696xf32, #tpu.memory_space<vmem>>, %arg17: memref<1696xf32, #tpu.memory_space<vmem>>, %arg18: memref<1696xf32, #tpu.memory_space<vmem>>, %arg19: memref<512xf32, #tpu.memory_space<vmem>>, %arg20: memref<16xf32, #tpu.memory_space<vmem>>, %arg21: memref<!tpu.dma_semaphore, #tpu.memory_space<semaphore_mem>>, %arg22: memref<!tpu.dma_semaphore, #tpu.memory_space<semaphore_mem>>, %arg23: memref<!tpu.dma_semaphore, #tpu.memory_space<semaphore_mem>>, %arg24: memref<!tpu.dma_semaphore, #tpu.memory_space<semaphore_mem>>) attributes {dimension_semantics = [#tpu.dimension_semantics<core_parallel>, #tpu.dimension_semantics<subcore_parallel>], iteration_bounds = array<i64: 2, 16>, scalar_prefetch = 0 : i64, scratch_operands = 18 : i64, tpu.core_type = #tpu.core_type<sc_vector_subcore>, window_params = [{transform_indices = #map}, {transform_indices = #map1}, {transform_indices = #map}, {transform_indices = #map}, {transform_indices = #map}]} {
    %mul3A = arith.constant 2 : i32
    %mul3A_0 = arith.muli %arg1, %mul3A : i32
    %add3A = arith.addi %mul3A_0, %arg0 : i32
    %mul3A_1 = arith.constant 13312 : i32
    %mul3A_2 = arith.muli %add3A, %mul3A_1 : i32
    "tpu.region"() ({
      %run_scoped3A = tpu.sem_alloc : memref<!tpu.dma_semaphore, #tpu.memory_space<semaphore_mem>>
      tpu.enqueue_dma source(%arg5 : memref<16xf32, #tpu.memory_space<hbm>>) target(%arg20 : memref<16xf32, #tpu.memory_space<vmem>>) target_semaphore(%run_scoped3A : memref<!tpu.dma_semaphore, #tpu.memory_space<semaphore_mem>>)
      tpu.wait_dma2 semaphore(%run_scoped3A : memref<!tpu.dma_semaphore, #tpu.memory_space<semaphore_mem>>) src(%arg5 : memref<16xf32, #tpu.memory_space<hbm>>) dst(%arg20 : memref<16xf32, #tpu.memory_space<vmem>>)
      tpu.yield
    }) : () -> ()
    %get3A = arith.constant 0 : index
    %get3A_3 = tpu.vector_load %arg20[%get3A] {strides = array<i32>} : memref<16xf32, #tpu.memory_space<vmem>>, vector<16xf32>,
    %iota3A = tpu.iota {dimensions = array<i32: 0>} : vector<16xi32>
    %add3A_4 = arith.constant 0 : i32
    %add3A_5 = arith.addi %mul3A_2, %add3A_4 : i32
    "tpu.region"() ({
      %run_scoped3A = tpu.sem_alloc : memref<!tpu.dma_semaphore, #tpu.memory_space<semaphore_mem>>
      %dma_start3A_37 = tpu.memref_slice %arg2[%add3A_5] : memref<425984xi32, #tpu.memory_space<hbm>> -> memref<1664xi32, #tpu.memory_space<hbm>>
      %dma_start3A_38 = tpu.memref_slice %arg2[%add3A_5] : memref<425984xi32, #tpu.memory_space<hbm>> -> memref<1664xi32, #tpu.memory_space<hbm>>
      tpu.enqueue_dma source(%dma_start3A_38 : memref<1664xi32, #tpu.memory_space<hbm>>) target(%arg7 : memref<1664xi32, #tpu.memory_space<vmem>>) target_semaphore(%run_scoped3A : memref<!tpu.dma_semaphore, #tpu.memory_space<semaphore_mem>>)
      %dma_wait3A = tpu.memref_slice %arg2[%add3A_5] : memref<425984xi32, #tpu.memory_space<hbm>> -> memref<1664xi32, #tpu.memory_space<hbm>>
      %dma_wait3A_39 = tpu.memref_slice %arg2[%add3A_5] : memref<425984xi32, #tpu.memory_space<hbm>> -> memref<1664xi32, #tpu.memory_space<hbm>>
      tpu.wait_dma2 semaphore(%run_scoped3A : memref<!tpu.dma_semaphore, #tpu.memory_space<semaphore_mem>>) src(%dma_wait3A_39 : memref<1664xi32, #tpu.memory_space<hbm>>) dst(%arg7 : memref<1664xi32, #tpu.memory_space<vmem>>)
      tpu.yield
    }) : () -> ()
    %dma_start3A = arith.constant 0 : i32
    %dma_start3A_6 = arith.constant 0 : i32
    %dma_start3A_7 = tpu.memref_slice %arg3[%dma_start3A, %dma_start3A_6] : memref<1000064x16xf32, #tpu.memory_space<hbm>> -> memref<1000064x16xf32, #tpu.memory_space<hbm>>
    tpu.enqueue_indirect_dma source(%dma_start3A_7 : memref<1000064x16xf32, #tpu.memory_space<hbm>>) target(%arg11 : memref<1664x16xf32, #tpu.memory_space<vmem>>) offsets(%arg7 : memref<1664xi32, #tpu.memory_space<vmem>>) semaphore(%arg21 : memref<!tpu.dma_semaphore, #tpu.memory_space<semaphore_mem>>)
    %dma_start3A_8 = arith.constant 0 : i32
    %dma_start3A_9 = tpu.memref_slice %arg15[%dma_start3A_8] : memref<1696xf32, #tpu.memory_space<vmem>> -> memref<1664xf32, #tpu.memory_space<vmem>>
    %dma_start3A_10 = arith.constant 0 : i32
    %dma_start3A_11 = tpu.memref_slice %arg4[%dma_start3A_10] : memref<1000000xf32, #tpu.memory_space<hbm>> -> memref<1000000xf32, #tpu.memory_space<hbm>>
    tpu.enqueue_indirect_dma source(%dma_start3A_11 : memref<1000000xf32, #tpu.memory_space<hbm>>) target(%dma_start3A_9 : memref<1664xf32, #tpu.memory_space<vmem>>) offsets(%arg7 : memref<1664xi32, #tpu.memory_space<vmem>>) semaphore(%arg21 : memref<!tpu.dma_semaphore, #tpu.memory_space<semaphore_mem>>)
    %add3A_12 = arith.constant 1664 : i32
    %add3A_13 = arith.addi %mul3A_2, %add3A_12 : i32
    "tpu.region"() ({
      %run_scoped3A = tpu.sem_alloc : memref<!tpu.dma_semaphore, #tpu.memory_space<semaphore_mem>>
      %dma_start3A_37 = tpu.memref_slice %arg2[%add3A_13] : memref<425984xi32, #tpu.memory_space<hbm>> -> memref<1664xi32, #tpu.memory_space<hbm>>
      %dma_start3A_38 = tpu.memref_slice %arg2[%add3A_13] : memref<425984xi32, #tpu.memory_space<hbm>> -> memref<1664xi32, #tpu.memory_space<hbm>>
      tpu.enqueue_dma source(%dma_start3A_38 : memref<1664xi32, #tpu.memory_space<hbm>>) target(%arg8 : memref<1664xi32, #tpu.memory_space<vmem>>) target_semaphore(%run_scoped3A : memref<!tpu.dma_semaphore, #tpu.memory_space<semaphore_mem>>)
      %dma_wait3A = tpu.memref_slice %arg2[%add3A_13] : memref<425984xi32, #tpu.memory_space<hbm>> -> memref<1664xi32, #tpu.memory_space<hbm>>
      %dma_wait3A_39 = tpu.memref_slice %arg2[%add3A_13] : memref<425984xi32, #tpu.memory_space<hbm>> -> memref<1664xi32, #tpu.memory_space<hbm>>
      tpu.wait_dma2 semaphore(%run_scoped3A : memref<!tpu.dma_semaphore, #tpu.memory_space<semaphore_mem>>) src(%dma_wait3A_39 : memref<1664xi32, #tpu.memory_space<hbm>>) dst(%arg8 : memref<1664xi32, #tpu.memory_space<vmem>>)
      tpu.yield
    }) : () -> ()
    %dma_start3A_14 = arith.constant 0 : i32
    %dma_start3A_15 = arith.constant 0 : i32
    %dma_start3A_16 = tpu.memref_slice %arg3[%dma_start3A_14, %dma_start3A_15] : memref<1000064x16xf32, #tpu.memory_space<hbm>> -> memref<1000064x16xf32, #tpu.memory_space<hbm>>
    tpu.enqueue_indirect_dma source(%dma_start3A_16 : memref<1000064x16xf32, #tpu.memory_space<hbm>>) target(%arg12 : memref<1664x16xf32, #tpu.memory_space<vmem>>) offsets(%arg8 : memref<1664xi32, #tpu.memory_space<vmem>>) semaphore(%arg22 : memref<!tpu.dma_semaphore, #tpu.memory_space<semaphore_mem>>)
    %dma_start3A_17 = arith.constant 0 : i32
    %dma_start3A_18 = tpu.memref_slice %arg16[%dma_start3A_17] : memref<1696xf32, #tpu.memory_space<vmem>> -> memref<1664xf32, #tpu.memory_space<vmem>>
    %dma_start3A_19 = arith.constant 0 : i32
    %dma_start3A_20 = tpu.memref_slice %arg4[%dma_start3A_19] : memref<1000000xf32, #tpu.memory_space<hbm>> -> memref<1000000xf32, #tpu.memory_space<hbm>>
    tpu.enqueue_indirect_dma source(%dma_start3A_20 : memref<1000000xf32, #tpu.memory_space<hbm>>) target(%dma_start3A_18 : memref<1664xf32, #tpu.memory_space<vmem>>) offsets(%arg8 : memref<1664xi32, #tpu.memory_space<vmem>>) semaphore(%arg22 : memref<!tpu.dma_semaphore, #tpu.memory_space<semaphore_mem>>)
    %add3A_21 = arith.constant 3328 : i32
    %add3A_22 = arith.addi %mul3A_2, %add3A_21 : i32
    "tpu.region"() ({
      %run_scoped3A = tpu.sem_alloc : memref<!tpu.dma_semaphore, #tpu.memory_space<semaphore_mem>>
      %dma_start3A_37 = tpu.memref_slice %arg2[%add3A_22] : memref<425984xi32, #tpu.memory_space<hbm>> -> memref<1664xi32, #tpu.memory_space<hbm>>
      %dma_start3A_38 = tpu.memref_slice %arg2[%add3A_22] : memref<425984xi32, #tpu.memory_space<hbm>> -> memref<1664xi32, #tpu.memory_space<hbm>>
      tpu.enqueue_dma source(%dma_start3A_38 : memref<1664xi32, #tpu.memory_space<hbm>>) target(%arg9 : memref<1664xi32, #tpu.memory_space<vmem>>) target_semaphore(%run_scoped3A : memref<!tpu.dma_semaphore, #tpu.memory_space<semaphore_mem>>)
      %dma_wait3A = tpu.memref_slice %arg2[%add3A_22] : memref<425984xi32, #tpu.memory_space<hbm>> -> memref<1664xi32, #tpu.memory_space<hbm>>
      %dma_wait3A_39 = tpu.memref_slice %arg2[%add3A_22] : memref<425984xi32, #tpu.memory_space<hbm>> -> memref<1664xi32, #tpu.memory_space<hbm>>
      tpu.wait_dma2 semaphore(%run_scoped3A : memref<!tpu.dma_semaphore, #tpu.memory_space<semaphore_mem>>) src(%dma_wait3A_39 : memref<1664xi32, #tpu.memory_space<hbm>>) dst(%arg9 : memref<1664xi32, #tpu.memory_space<vmem>>)
      tpu.yield
    }) : () -> ()
    %dma_start3A_23 = arith.constant 0 : i32
    %dma_start3A_24 = arith.constant 0 : i32
    %dma_start3A_25 = tpu.memref_slice %arg3[%dma_start3A_23, %dma_start3A_24] : memref<1000064x16xf32, #tpu.memory_space<hbm>> -> memref<1000064x16xf32, #tpu.memory_space<hbm>>
    tpu.enqueue_indirect_dma source(%dma_start3A_25 : memref<1000064x16xf32, #tpu.memory_space<hbm>>) target(%arg13 : memref<1664x16xf32, #tpu.memory_space<vmem>>) offsets(%arg9 : memref<1664xi32, #tpu.memory_space<vmem>>) semaphore(%arg23 : memref<!tpu.dma_semaphore, #tpu.memory_space<semaphore_mem>>)
    %dma_start3A_26 = arith.constant 0 : i32
    %dma_start3A_27 = tpu.memref_slice %arg17[%dma_start3A_26] : memref<1696xf32, #tpu.memory_space<vmem>> -> memref<1664xf32, #tpu.memory_space<vmem>>
    %dma_start3A_28 = arith.constant 0 : i32
    %dma_start3A_29 = tpu.memref_slice %arg4[%dma_start3A_28] : memref<1000000xf32, #tpu.memory_space<hbm>> -> memref<1000000xf32, #tpu.memory_space<hbm>>
    tpu.enqueue_indirect_dma source(%dma_start3A_29 : memref<1000000xf32, #tpu.memory_space<hbm>>) target(%dma_start3A_27 : memref<1664xf32, #tpu.memory_space<vmem>>) offsets(%arg9 : memref<1664xi32, #tpu.memory_space<vmem>>) semaphore(%arg23 : memref<!tpu.dma_semaphore, #tpu.memory_space<semaphore_mem>>)
    %scan3A = arith.constant 0 : i32
    %scan3A_30 = arith.constant 0 : i32
    %scan3A_31 = arith.constant 2 : i32
    %scan3A_32 = arith.addi %scan3A_30, %scan3A_31 : i32
    %scan3A_33 = arith.constant 1 : i32
    scf.for %scan3A_37 = %scan3A_30 to %scan3A_32 step %scan3A_33  : i32 {
      %mul3A_38 = arith.constant 4 : i32
      %mul3A_39 = arith.muli %scan3A_37, %mul3A_38 : i32
      %add3A_40 = arith.constant 0 : i32
      %add3A_41 = arith.addi %mul3A_39, %add3A_40 : i32
      %dma_wait3A = arith.constant 0 : i32
      %dma_wait3A_42 = arith.constant 0 : i32
      %dma_wait3A_43 = tpu.memref_slice %arg3[%dma_wait3A, %dma_wait3A_42] : memref<1000064x16xf32, #tpu.memory_space<hbm>> -> memref<1000064x16xf32, #tpu.memory_space<hbm>>
      tpu.wait_indirect_dma semaphore(%arg21 : memref<!tpu.dma_semaphore, #tpu.memory_space<semaphore_mem>>) src(%dma_wait3A_43 : memref<1000064x16xf32, #tpu.memory_space<hbm>>) dst(%arg11 : memref<1664x16xf32, #tpu.memory_space<vmem>>)
      %dma_wait3A_44 = arith.constant 0 : i32
      %dma_wait3A_45 = tpu.memref_slice %arg15[%dma_wait3A_44] : memref<1696xf32, #tpu.memory_space<vmem>> -> memref<1664xf32, #tpu.memory_space<vmem>>
      %dma_wait3A_46 = arith.constant 0 : i32
      %dma_wait3A_47 = tpu.memref_slice %arg4[%dma_wait3A_46] : memref<1000000xf32, #tpu.memory_space<hbm>> -> memref<1000000xf32, #tpu.memory_space<hbm>>
      tpu.wait_indirect_dma semaphore(%arg21 : memref<!tpu.dma_semaphore, #tpu.memory_space<semaphore_mem>>) src(%dma_wait3A_47 : memref<1000000xf32, #tpu.memory_space<hbm>>) dst(%dma_wait3A_45 : memref<1664xf32, #tpu.memory_space<vmem>>)
      %add3A_48 = arith.constant 4 : i32
      %add3A_49 = arith.addi %add3A_41, %add3A_48 : i32
      %sub3A = arith.constant 1 : i32
      %sub3A_50 = arith.subi %add3A_49, %sub3A : i32
      %lt3A = arith.constant 8 : i32
      %lt3A_51 = arith.cmpi slt, %sub3A_50, %lt3A : i32
      %convert_element_type3A = arith.extui %lt3A_51 : i1 to i32
      %cond3A = arith.constant 0 : i32
      %cond3A_52 = arith.cmpi ne, %convert_element_type3A, %cond3A : i32
      scf.if %cond3A_52 {
        %add3A_137 = arith.constant 4 : i32
        %add3A_138 = arith.addi %add3A_41, %add3A_137 : i32
        %sub3A_139 = arith.constant 1 : i32
        %sub3A_140 = arith.subi %add3A_138, %sub3A_139 : i32
        %mul3A_141 = arith.constant 1664 : i32
        %mul3A_142 = arith.muli %sub3A_140, %mul3A_141 : i32
        %add3A_143 = arith.addi %mul3A_2, %mul3A_142 : i32
        "tpu.region"() ({
          %run_scoped3A = tpu.sem_alloc : memref<!tpu.dma_semaphore, #tpu.memory_space<semaphore_mem>>
          %dma_start3A_151 = tpu.memref_slice %arg2[%add3A_143] : memref<425984xi32, #tpu.memory_space<hbm>> -> memref<1664xi32, #tpu.memory_space<hbm>>
          %dma_start3A_152 = tpu.memref_slice %arg2[%add3A_143] : memref<425984xi32, #tpu.memory_space<hbm>> -> memref<1664xi32, #tpu.memory_space<hbm>>
          tpu.enqueue_dma source(%dma_start3A_152 : memref<1664xi32, #tpu.memory_space<hbm>>) target(%arg10 : memref<1664xi32, #tpu.memory_space<vmem>>) target_semaphore(%run_scoped3A : memref<!tpu.dma_semaphore, #tpu.memory_space<semaphore_mem>>)
          %dma_wait3A_153 = tpu.memref_slice %arg2[%add3A_143] : memref<425984xi32, #tpu.memory_space<hbm>> -> memref<1664xi32, #tpu.memory_space<hbm>>
          %dma_wait3A_154 = tpu.memref_slice %arg2[%add3A_143] : memref<425984xi32, #tpu.memory_space<hbm>> -> memref<1664xi32, #tpu.memory_space<hbm>>
          tpu.wait_dma2 semaphore(%run_scoped3A : memref<!tpu.dma_semaphore, #tpu.memory_space<semaphore_mem>>) src(%dma_wait3A_154 : memref<1664xi32, #tpu.memory_space<hbm>>) dst(%arg10 : memref<1664xi32, #tpu.memory_space<vmem>>)
          tpu.yield
        }) : () -> ()
        %dma_start3A_144 = arith.constant 0 : i32
        %dma_start3A_145 = arith.constant 0 : i32
        %dma_start3A_146 = tpu.memref_slice %arg3[%dma_start3A_144, %dma_start3A_145] : memref<1000064x16xf32, #tpu.memory_space<hbm>> -> memref<1000064x16xf32, #tpu.memory_space<hbm>>
        tpu.enqueue_indirect_dma source(%dma_start3A_146 : memref<1000064x16xf32, #tpu.memory_space<hbm>>) target(%arg14 : memref<1664x16xf32, #tpu.memory_space<vmem>>) offsets(%arg10 : memref<1664xi32, #tpu.memory_space<vmem>>) semaphore(%arg24 : memref<!tpu.dma_semaphore, #tpu.memory_space<semaphore_mem>>)
        %dma_start3A_147 = arith.constant 0 : i32
        %dma_start3A_148 = tpu.memref_slice %arg18[%dma_start3A_147] : memref<1696xf32, #tpu.memory_space<vmem>> -> memref<1664xf32, #tpu.memory_space<vmem>>
        %dma_start3A_149 = arith.constant 0 : i32
        %dma_start3A_150 = tpu.memref_slice %arg4[%dma_start3A_149] : memref<1000000xf32, #tpu.memory_space<hbm>> -> memref<1000000xf32, #tpu.memory_space<hbm>>
        tpu.enqueue_indirect_dma source(%dma_start3A_150 : memref<1000000xf32, #tpu.memory_space<hbm>>) target(%dma_start3A_148 : memref<1664xf32, #tpu.memory_space<vmem>>) offsets(%arg10 : memref<1664xi32, #tpu.memory_space<vmem>>) semaphore(%arg24 : memref<!tpu.dma_semaphore, #tpu.memory_space<semaphore_mem>>)
      } else {
      }
      %scan3A_53 = arith.constant 0 : i32
      %scan3A_54 = arith.constant 0 : i32
      %scan3A_55 = arith.constant 4 : i32
      %scan3A_56 = arith.addi %scan3A_54, %scan3A_55 : i32
      %scan3A_57 = arith.constant 1 : i32
      scf.for %scan3A_137 = %scan3A_54 to %scan3A_56 step %scan3A_57  : i32 {
        %mul3A_138 = arith.constant 16 : i32
        %mul3A_139 = arith.muli %scan3A_137, %mul3A_138 : i32
        %broadcast_in_dim3A = arith.constant 0.000000e+00 : f32
        %broadcast_in_dim3A_140 = vector.broadcast %broadcast_in_dim3A : f32 to vector<16xf32>
        %scan3A_141 = arith.constant 0 : i32
        %scan3A_142 = arith.constant 16 : i32
        %scan3A_143 = arith.addi %scan3A_141, %scan3A_142 : i32
        %scan3A_144 = arith.constant 1 : i32
        %scan3A_145 = scf.for %scan3A_159 = %scan3A_141 to %scan3A_143 step %scan3A_144 iter_args(%scan3A_160 = %broadcast_in_dim3A_140) -> (vector<16xf32>)  : i32 {
          %add3A_161 = arith.addi %mul3A_139, %scan3A_159 : i32
          %mul3A_162 = arith.constant 26 : i32
          %mul3A_163 = arith.muli %add3A_161, %mul3A_162 : i32
          %get3A_164 = arith.index_cast %mul3A_163 : i32 to index
          %get3A_165 = arith.constant 0 : index
          %get3A_166 = tpu.vector_load %arg11[%get3A_164, %get3A_165] {strides = array<i32>} : memref<1664x16xf32, #tpu.memory_space<vmem>>, vector<16xf32>,
          %add3A_167 = arith.constant 1 : i32
          %add3A_168 = arith.addi %mul3A_163, %add3A_167 : i32
          %get3A_169 = arith.index_cast %add3A_168 : i32 to index
          %get3A_170 = arith.constant 0 : index
          %get3A_171 = tpu.vector_load %arg11[%get3A_169, %get3A_170] {strides = array<i32>} : memref<1664x16xf32, #tpu.memory_space<vmem>>, vector<16xf32>,
          %mul3A_172 = arith.mulf %get3A_166, %get3A_166 : vector<16xf32>
          %mul3A_173 = arith.mulf %get3A_171, %get3A_171 : vector<16xf32>
          %add3A_174 = arith.constant 2 : i32
          %add3A_175 = arith.addi %mul3A_163, %add3A_174 : i32
          %get3A_176 = arith.index_cast %add3A_175 : i32 to index
          %get3A_177 = arith.constant 0 : index
          %get3A_178 = tpu.vector_load %arg11[%get3A_176, %get3A_177] {strides = array<i32>} : memref<1664x16xf32, #tpu.memory_space<vmem>>, vector<16xf32>,
          %add3A_179 = arith.addf %get3A_166, %get3A_178 : vector<16xf32>
          %mul3A_180 = arith.mulf %get3A_178, %get3A_178 : vector<16xf32>
          %add3A_181 = arith.addf %mul3A_172, %mul3A_180 : vector<16xf32>
          %add3A_182 = arith.constant 4 : i32
          %add3A_183 = arith.addi %mul3A_163, %add3A_182 : i32
          %get3A_184 = arith.index_cast %add3A_183 : i32 to index
          %get3A_185 = arith.constant 0 : index
          %get3A_186 = tpu.vector_load %arg11[%get3A_184, %get3A_185] {strides = array<i32>} : memref<1664x16xf32, #tpu.memory_space<vmem>>, vector<16xf32>,
          %add3A_187 = arith.addf %add3A_179, %get3A_186 : vector<16xf32>
          %mul3A_188 = arith.mulf %get3A_186, %get3A_186 : vector<16xf32>
          %add3A_189 = arith.addf %add3A_181, %mul3A_188 : vector<16xf32>
          %add3A_190 = arith.constant 6 : i32
          %add3A_191 = arith.addi %mul3A_163, %add3A_190 : i32
          %get3A_192 = arith.index_cast %add3A_191 : i32 to index
          %get3A_193 = arith.constant 0 : index
          %get3A_194 = tpu.vector_load %arg11[%get3A_192, %get3A_193] {strides = array<i32>} : memref<1664x16xf32, #tpu.memory_space<vmem>>, vector<16xf32>,
          %add3A_195 = arith.addf %add3A_187, %get3A_194 : vector<16xf32>
          %mul3A_196 = arith.mulf %get3A_194, %get3A_194 : vector<16xf32>
          %add3A_197 = arith.addf %add3A_189, %mul3A_196 : vector<16xf32>
          %add3A_198 = arith.constant 8 : i32
          %add3A_199 = arith.addi %mul3A_163, %add3A_198 : i32
          %get3A_200 = arith.index_cast %add3A_199 : i32 to index
          %get3A_201 = arith.constant 0 : index
          %get3A_202 = tpu.vector_load %arg11[%get3A_200, %get3A_201] {strides = array<i32>} : memref<1664x16xf32, #tpu.memory_space<vmem>>, vector<16xf32>,
          %add3A_203 = arith.addf %add3A_195, %get3A_202 : vector<16xf32>
          %mul3A_204 = arith.mulf %get3A_202, %get3A_202 : vector<16xf32>
          %add3A_205 = arith.addf %add3A_197, %mul3A_204 : vector<16xf32>
          %add3A_206 = arith.constant 10 : i32
          %add3A_207 = arith.addi %mul3A_163, %add3A_206 : i32
          %get3A_208 = arith.index_cast %add3A_207 : i32 to index
          %get3A_209 = arith.constant 0 : index
          %get3A_210 = tpu.vector_load %arg11[%get3A_208, %get3A_209] {strides = array<i32>} : memref<1664x16xf32, #tpu.memory_space<vmem>>, vector<16xf32>,
          %add3A_211 = arith.addf %add3A_203, %get3A_210 : vector<16xf32>
          %mul3A_212 = arith.mulf %get3A_210, %get3A_210 : vector<16xf32>
          %add3A_213 = arith.addf %add3A_205, %mul3A_212 : vector<16xf32>
          %add3A_214 = arith.constant 12 : i32
          %add3A_215 = arith.addi %mul3A_163, %add3A_214 : i32
          %get3A_216 = arith.index_cast %add3A_215 : i32 to index
          %get3A_217 = arith.constant 0 : index
          %get3A_218 = tpu.vector_load %arg11[%get3A_216, %get3A_217] {strides = array<i32>} : memref<1664x16xf32, #tpu.memory_space<vmem>>, vector<16xf32>,
          %add3A_219 = arith.addf %add3A_211, %get3A_218 : vector<16xf32>
          %mul3A_220 = arith.mulf %get3A_218, %get3A_218 : vector<16xf32>
          %add3A_221 = arith.addf %add3A_213, %mul3A_220 : vector<16xf32>
          %add3A_222 = arith.constant 14 : i32
          %add3A_223 = arith.addi %mul3A_163, %add3A_222 : i32
          %get3A_224 = arith.index_cast %add3A_223 : i32 to index
          %get3A_225 = arith.constant 0 : index
          %get3A_226 = tpu.vector_load %arg11[%get3A_224, %get3A_225] {strides = array<i32>} : memref<1664x16xf32, #tpu.memory_space<vmem>>, vector<16xf32>,
          %add3A_227 = arith.addf %add3A_219, %get3A_226 : vector<16xf32>
          %mul3A_228 = arith.mulf %get3A_226, %get3A_226 : vector<16xf32>
          %add3A_229 = arith.addf %add3A_221, %mul3A_228 : vector<16xf32>
          %add3A_230 = arith.constant 16 : i32
          %add3A_231 = arith.addi %mul3A_163, %add3A_230 : i32
          %get3A_232 = arith.index_cast %add3A_231 : i32 to index
          %get3A_233 = arith.constant 0 : index
          %get3A_234 = tpu.vector_load %arg11[%get3A_232, %get3A_233] {strides = array<i32>} : memref<1664x16xf32, #tpu.memory_space<vmem>>, vector<16xf32>,
          %add3A_235 = arith.addf %add3A_227, %get3A_234 : vector<16xf32>
          %mul3A_236 = arith.mulf %get3A_234, %get3A_234 : vector<16xf32>
          %add3A_237 = arith.addf %add3A_229, %mul3A_236 : vector<16xf32>
          %add3A_238 = arith.constant 18 : i32
          %add3A_239 = arith.addi %mul3A_163, %add3A_238 : i32
          %get3A_240 = arith.index_cast %add3A_239 : i32 to index
          %get3A_241 = arith.constant 0 : index
          %get3A_242 = tpu.vector_load %arg11[%get3A_240, %get3A_241] {strides = array<i32>} : memref<1664x16xf32, #tpu.memory_space<vmem>>, vector<16xf32>,
          %add3A_243 = arith.addf %add3A_235, %get3A_242 : vector<16xf32>
          %mul3A_244 = arith.mulf %get3A_242, %get3A_242 : vector<16xf32>
          %add3A_245 = arith.addf %add3A_237, %mul3A_244 : vector<16xf32>
          %add3A_246 = arith.constant 20 : i32
          %add3A_247 = arith.addi %mul3A_163, %add3A_246 : i32
          %get3A_248 = arith.index_cast %add3A_247 : i32 to index
          %get3A_249 = arith.constant 0 : index
          %get3A_250 = tpu.vector_load %arg11[%get3A_248, %get3A_249] {strides = array<i32>} : memref<1664x16xf32, #tpu.memory_space<vmem>>, vector<16xf32>,
          %add3A_251 = arith.addf %add3A_243, %get3A_250 : vector<16xf32>
          %mul3A_252 = arith.mulf %get3A_250, %get3A_250 : vector<16xf32>
          %add3A_253 = arith.addf %add3A_245, %mul3A_252 : vector<16xf32>
          %add3A_254 = arith.constant 22 : i32
          %add3A_255 = arith.addi %mul3A_163, %add3A_254 : i32
          %get3A_256 = arith.index_cast %add3A_255 : i32 to index
          %get3A_257 = arith.constant 0 : index
          %get3A_258 = tpu.vector_load %arg11[%get3A_256, %get3A_257] {strides = array<i32>} : memref<1664x16xf32, #tpu.memory_space<vmem>>, vector<16xf32>,
          %add3A_259 = arith.addf %add3A_251, %get3A_258 : vector<16xf32>
          %mul3A_260 = arith.mulf %get3A_258, %get3A_258 : vector<16xf32>
          %add3A_261 = arith.addf %add3A_253, %mul3A_260 : vector<16xf32>
          %add3A_262 = arith.constant 24 : i32
          %add3A_263 = arith.addi %mul3A_163, %add3A_262 : i32
          %get3A_264 = arith.index_cast %add3A_263 : i32 to index
          %get3A_265 = arith.constant 0 : index
          %get3A_266 = tpu.vector_load %arg11[%get3A_264, %get3A_265] {strides = array<i32>} : memref<1664x16xf32, #tpu.memory_space<vmem>>, vector<16xf32>,
          %add3A_267 = arith.addf %add3A_259, %get3A_266 : vector<16xf32>
          %mul3A_268 = arith.mulf %get3A_266, %get3A_266 : vector<16xf32>
          %add3A_269 = arith.addf %add3A_261, %mul3A_268 : vector<16xf32>
          %add3A_270 = arith.constant 3 : i32
          %add3A_271 = arith.addi %mul3A_163, %add3A_270 : i32
          %get3A_272 = arith.index_cast %add3A_271 : i32 to index
          %get3A_273 = arith.constant 0 : index
          %get3A_274 = tpu.vector_load %arg11[%get3A_272, %get3A_273] {strides = array<i32>} : memref<1664x16xf32, #tpu.memory_space<vmem>>, vector<16xf32>,
          %add3A_275 = arith.addf %get3A_171, %get3A_274 : vector<16xf32>
          %mul3A_276 = arith.mulf %get3A_274, %get3A_274 : vector<16xf32>
          %add3A_277 = arith.addf %mul3A_173, %mul3A_276 : vector<16xf32>
          %add3A_278 = arith.constant 5 : i32
          %add3A_279 = arith.addi %mul3A_163, %add3A_278 : i32
          %get3A_280 = arith.index_cast %add3A_279 : i32 to index
          %get3A_281 = arith.constant 0 : index
          %get3A_282 = tpu.vector_load %arg11[%get3A_280, %get3A_281] {strides = array<i32>} : memref<1664x16xf32, #tpu.memory_space<vmem>>, vector<16xf32>,
          %add3A_283 = arith.addf %add3A_275, %get3A_282 : vector<16xf32>
          %mul3A_284 = arith.mulf %get3A_282, %get3A_282 : vector<16xf32>
          %add3A_285 = arith.addf %add3A_277, %mul3A_284 : vector<16xf32>
          %add3A_286 = arith.constant 7 : i32
          %add3A_287 = arith.addi %mul3A_163, %add3A_286 : i32
          %get3A_288 = arith.index_cast %add3A_287 : i32 to index
          %get3A_289 = arith.constant 0 : index
          %get3A_290 = tpu.vector_load %arg11[%get3A_288, %get3A_289] {strides = array<i32>} : memref<1664x16xf32, #tpu.memory_space<vmem>>, vector<16xf32>,
          %add3A_291 = arith.addf %add3A_283, %get3A_290 : vector<16xf32>
          %mul3A_292 = arith.mulf %get3A_290, %get3A_290 : vector<16xf32>
          %add3A_293 = arith.addf %add3A_285, %mul3A_292 : vector<16xf32>
          %add3A_294 = arith.constant 9 : i32
          %add3A_295 = arith.addi %mul3A_163, %add3A_294 : i32
          %get3A_296 = arith.index_cast %add3A_295 : i32 to index
          %get3A_297 = arith.constant 0 : index
          %get3A_298 = tpu.vector_load %arg11[%get3A_296, %get3A_297] {strides = array<i32>} : memref<1664x16xf32, #tpu.memory_space<vmem>>, vector<16xf32>,
          %add3A_299 = arith.addf %add3A_291, %get3A_298 : vector<16xf32>
          %mul3A_300 = arith.mulf %get3A_298, %get3A_298 : vector<16xf32>
          %add3A_301 = arith.addf %add3A_293, %mul3A_300 : vector<16xf32>
          %add3A_302 = arith.constant 11 : i32
          %add3A_303 = arith.addi %mul3A_163, %add3A_302 : i32
          %get3A_304 = arith.index_cast %add3A_303 : i32 to index
          %get3A_305 = arith.constant 0 : index
          %get3A_306 = tpu.vector_load %arg11[%get3A_304, %get3A_305] {strides = array<i32>} : memref<1664x16xf32, #tpu.memory_space<vmem>>, vector<16xf32>,
          %add3A_307 = arith.addf %add3A_299, %get3A_306 : vector<16xf32>
          %mul3A_308 = arith.mulf %get3A_306, %get3A_306 : vector<16xf32>
          %add3A_309 = arith.addf %add3A_301, %mul3A_308 : vector<16xf32>
          %add3A_310 = arith.constant 13 : i32
          %add3A_311 = arith.addi %mul3A_163, %add3A_310 : i32
          %get3A_312 = arith.index_cast %add3A_311 : i32 to index
          %get3A_313 = arith.constant 0 : index
          %get3A_314 = tpu.vector_load %arg11[%get3A_312, %get3A_313] {strides = array<i32>} : memref<1664x16xf32, #tpu.memory_space<vmem>>, vector<16xf32>,
          %add3A_315 = arith.addf %add3A_307, %get3A_314 : vector<16xf32>
          %mul3A_316 = arith.mulf %get3A_314, %get3A_314 : vector<16xf32>
          %add3A_317 = arith.addf %add3A_309, %mul3A_316 : vector<16xf32>
          %add3A_318 = arith.constant 15 : i32
          %add3A_319 = arith.addi %mul3A_163, %add3A_318 : i32
          %get3A_320 = arith.index_cast %add3A_319 : i32 to index
          %get3A_321 = arith.constant 0 : index
          %get3A_322 = tpu.vector_load %arg11[%get3A_320, %get3A_321] {strides = array<i32>} : memref<1664x16xf32, #tpu.memory_space<vmem>>, vector<16xf32>,
          %add3A_323 = arith.addf %add3A_315, %get3A_322 : vector<16xf32>
          %mul3A_324 = arith.mulf %get3A_322, %get3A_322 : vector<16xf32>
          %add3A_325 = arith.addf %add3A_317, %mul3A_324 : vector<16xf32>
          %add3A_326 = arith.constant 17 : i32
          %add3A_327 = arith.addi %mul3A_163, %add3A_326 : i32
          %get3A_328 = arith.index_cast %add3A_327 : i32 to index
          %get3A_329 = arith.constant 0 : index
          %get3A_330 = tpu.vector_load %arg11[%get3A_328, %get3A_329] {strides = array<i32>} : memref<1664x16xf32, #tpu.memory_space<vmem>>, vector<16xf32>,
          %add3A_331 = arith.addf %add3A_323, %get3A_330 : vector<16xf32>
          %mul3A_332 = arith.mulf %get3A_330, %get3A_330 : vector<16xf32>
          %add3A_333 = arith.addf %add3A_325, %mul3A_332 : vector<16xf32>
          %add3A_334 = arith.constant 19 : i32
          %add3A_335 = arith.addi %mul3A_163, %add3A_334 : i32
          %get3A_336 = arith.index_cast %add3A_335 : i32 to index
          %get3A_337 = arith.constant 0 : index
          %get3A_338 = tpu.vector_load %arg11[%get3A_336, %get3A_337] {strides = array<i32>} : memref<1664x16xf32, #tpu.memory_space<vmem>>, vector<16xf32>,
          %add3A_339 = arith.addf %add3A_331, %get3A_338 : vector<16xf32>
          %mul3A_340 = arith.mulf %get3A_338, %get3A_338 : vector<16xf32>
          %add3A_341 = arith.addf %add3A_333, %mul3A_340 : vector<16xf32>
          %add3A_342 = arith.constant 21 : i32
          %add3A_343 = arith.addi %mul3A_163, %add3A_342 : i32
          %get3A_344 = arith.index_cast %add3A_343 : i32 to index
          %get3A_345 = arith.constant 0 : index
          %get3A_346 = tpu.vector_load %arg11[%get3A_344, %get3A_345] {strides = array<i32>} : memref<1664x16xf32, #tpu.memory_space<vmem>>, vector<16xf32>,
          %add3A_347 = arith.addf %add3A_339, %get3A_346 : vector<16xf32>
          %mul3A_348 = arith.mulf %get3A_346, %get3A_346 : vector<16xf32>
          %add3A_349 = arith.addf %add3A_341, %mul3A_348 : vector<16xf32>
          %add3A_350 = arith.constant 23 : i32
          %add3A_351 = arith.addi %mul3A_163, %add3A_350 : i32
          %get3A_352 = arith.index_cast %add3A_351 : i32 to index
          %get3A_353 = arith.constant 0 : index
          %get3A_354 = tpu.vector_load %arg11[%get3A_352, %get3A_353] {strides = array<i32>} : memref<1664x16xf32, #tpu.memory_space<vmem>>, vector<16xf32>,
          %add3A_355 = arith.addf %add3A_347, %get3A_354 : vector<16xf32>
          %mul3A_356 = arith.mulf %get3A_354, %get3A_354 : vector<16xf32>
          %add3A_357 = arith.addf %add3A_349, %mul3A_356 : vector<16xf32>
          %add3A_358 = arith.constant 25 : i32
          %add3A_359 = arith.addi %mul3A_163, %add3A_358 : i32
          %get3A_360 = arith.index_cast %add3A_359 : i32 to index
          %get3A_361 = arith.constant 0 : index
          %get3A_362 = tpu.vector_load %arg11[%get3A_360, %get3A_361] {strides = array<i32>} : memref<1664x16xf32, #tpu.memory_space<vmem>>, vector<16xf32>,
          %add3A_363 = arith.addf %add3A_355, %get3A_362 : vector<16xf32>
          %mul3A_364 = arith.mulf %get3A_362, %get3A_362 : vector<16xf32>
          %add3A_365 = arith.addf %add3A_357, %mul3A_364 : vector<16xf32>
          %add3A_366 = arith.addf %add3A_267, %add3A_363 : vector<16xf32>
          %add3A_367 = arith.addf %add3A_269, %add3A_365 : vector<16xf32>
          %get3A_368 = arith.index_cast %mul3A_163 : i32 to index
          %get3A_369 = tpu.vector_load %arg15[%get3A_368] {strides = array<i32>} : memref<1696xf32, #tpu.memory_space<vmem>>, vector<16xf32>,
          %add3A_370 = arith.constant 16 : i32
          %add3A_371 = arith.addi %mul3A_163, %add3A_370 : i32
          %get3A_372 = arith.index_cast %add3A_371 : i32 to index
          %get3A_373 = tpu.vector_load %arg15[%get3A_372] {strides = array<i32>} : memref<1696xf32, #tpu.memory_space<vmem>>, vector<16xf32>,
          %lt3A_374 = arith.constant 10 : i32
          %lt3A_375 = vector.broadcast %lt3A_374 : i32 to vector<16xi32>
          %lt3A_376 = arith.cmpi slt, %iota3A, %lt3A_375 : vector<16xi32>
          %jit3A = arith.constant 0.000000e+00 : f32
          %broadcast_in_dim3A_377 = vector.broadcast %jit3A : f32 to vector<16xf32>
          %select_n3A = arith.select %lt3A_376, %get3A_373, %broadcast_in_dim3A_377 : vector<16xi1>, vector<16xf32>
          %add3A_378 = arith.addf %get3A_369, %select_n3A : vector<16xf32>
          %mul3A_379 = arith.mulf %add3A_366, %add3A_366 : vector<16xf32>
          %sub3A_380 = arith.subf %mul3A_379, %add3A_367 : vector<16xf32>
          %mul3A_381 = arith.constant 5.000000e-01 : f32
          %mul3A_382 = vector.broadcast %mul3A_381 : f32 to vector<16xf32>
          %mul3A_383 = arith.mulf %mul3A_382, %sub3A_380 : vector<16xf32>
          %add3A_384 = arith.addf %add3A_378, %mul3A_383 : vector<16xf32>
          %reduce_sum3A = arith.constant true
          %reduce_sum3A_385 = vector.broadcast %reduce_sum3A : i1 to vector<16xi1>
          %reduce_sum3A_386 = tpu.scan <sum>, %add3A_384 masked %reduce_sum3A_385 : vector<16xf32>, vector<16xi1> -> vector<16xf32>
          %reduce_sum3A_387 = vector.extract %reduce_sum3A_386[15] : f32 from vector<16xf32>
          %eq3A = vector.broadcast %scan3A_159 : i32 to vector<16xi32>
          %eq3A_388 = arith.cmpi eq, %iota3A, %eq3A : vector<16xi32>
          %broadcast_in_dim3A_389 = vector.broadcast %reduce_sum3A_387 : f32 to vector<16xf32>
          %select_n3A_390 = arith.select %eq3A_388, %broadcast_in_dim3A_389, %scan3A_160 : vector<16xi1>, vector<16xf32>
          scf.yield %select_n3A_390 : vector<16xf32>
        }
        %scan3A_146 = arith.constant 16 : i32
        %add3A_147 = arith.addf %scan3A_145, %get3A_3 : vector<16xf32>
        %neg3A = arith.constant 0.000000e+00 : f32
        %neg3A_148 = vector.broadcast %neg3A : f32 to vector<16xf32>
        %neg3A_149 = arith.subf %neg3A_148, %add3A_147 : vector<16xf32>
        %exp3A = math.exp %neg3A_149 : vector<16xf32>
        %add3A_150 = arith.constant 1.000000e+00 : f32
        %add3A_151 = vector.broadcast %add3A_150 : f32 to vector<16xf32>
        %add3A_152 = arith.addf %add3A_151, %exp3A : vector<16xf32>
        %div3A = arith.constant 1.000000e+00 : f32
        %div3A_153 = vector.broadcast %div3A : f32 to vector<16xf32>
        %div3A_154 = arith.divf %div3A_153, %add3A_152 : vector<16xf32>
        %mul3A_155 = arith.constant 64 : i32
        %mul3A_156 = arith.muli %add3A_41, %mul3A_155 : i32
        %add3A_157 = arith.addi %mul3A_156, %mul3A_139 : i32
        %swap3A = arith.index_cast %add3A_157 : i32 to index
        %swap3A_158 = tpu.vector_load %arg19[%swap3A] {strides = array<i32>} : memref<512xf32, #tpu.memory_space<vmem>>, vector<16xf32>,
        tpu.vector_store %arg19[%swap3A], %div3A_154 {strides = array<i32>} : memref<512xf32, #tpu.memory_space<vmem>>, vector<16xf32>,
      }
      %scan3A_58 = arith.constant 4 : i32
      %mul3A_59 = arith.constant 4 : i32
      %mul3A_60 = arith.muli %scan3A_37, %mul3A_59 : i32
      %add3A_61 = arith.constant 1 : i32
      %add3A_62 = arith.addi %mul3A_60, %add3A_61 : i32
      %dma_wait3A_63 = arith.constant 0 : i32
      %dma_wait3A_64 = arith.constant 0 : i32
      %dma_wait3A_65 = tpu.memref_slice %arg3[%dma_wait3A_63, %dma_wait3A_64] : memref<1000064x16xf32, #tpu.memory_space<hbm>> -> memref<1000064x16xf32, #tpu.memory_space<hbm>>
      tpu.wait_indirect_dma semaphore(%arg22 : memref<!tpu.dma_semaphore, #tpu.memory_space<semaphore_mem>>) src(%dma_wait3A_65 : memref<1000064x16xf32, #tpu.memory_space<hbm>>) dst(%arg12 : memref<1664x16xf32, #tpu.memory_space<vmem>>)
      %dma_wait3A_66 = arith.constant 0 : i32
      %dma_wait3A_67 = tpu.memref_slice %arg16[%dma_wait3A_66] : memref<1696xf32, #tpu.memory_space<vmem>> -> memref<1664xf32, #tpu.memory_space<vmem>>
      %dma_wait3A_68 = arith.constant 0 : i32
      %dma_wait3A_69 = tpu.memref_slice %arg4[%dma_wait3A_68] : memref<1000000xf32, #tpu.memory_space<hbm>> -> memref<1000000xf32, #tpu.memory_space<hbm>>
      tpu.wait_indirect_dma semaphore(%arg22 : memref<!tpu.dma_semaphore, #tpu.memory_space<semaphore_mem>>) src(%dma_wait3A_69 : memref<1000000xf32, #tpu.memory_space<hbm>>) dst(%dma_wait3A_67 : memref<1664xf32, #tpu.memory_space<vmem>>)
      %add3A_70 = arith.constant 4 : i32
      %add3A_71 = arith.addi %add3A_62, %add3A_70 : i32
      %sub3A_72 = arith.constant 1 : i32
      %sub3A_73 = arith.subi %add3A_71, %sub3A_72 : i32
      %lt3A_74 = arith.constant 8 : i32
      %lt3A_75 = arith.cmpi slt, %sub3A_73, %lt3A_74 : i32
      %convert_element_type3A_76 = arith.extui %lt3A_75 : i1 to i32
      %cond3A_77 = arith.constant 0 : i32
      %cond3A_78 = arith.cmpi ne, %convert_element_type3A_76, %cond3A_77 : i32
      scf.if %cond3A_78 {
        %add3A_137 = arith.constant 4 : i32
        %add3A_138 = arith.addi %add3A_62, %add3A_137 : i32
        %sub3A_139 = arith.constant 1 : i32
        %sub3A_140 = arith.subi %add3A_138, %sub3A_139 : i32
        %mul3A_141 = arith.constant 1664 : i32
        %mul3A_142 = arith.muli %sub3A_140, %mul3A_141 : i32
        %add3A_143 = arith.addi %mul3A_2, %mul3A_142 : i32
        "tpu.region"() ({
          %run_scoped3A = tpu.sem_alloc : memref<!tpu.dma_semaphore, #tpu.memory_space<semaphore_mem>>
          %dma_start3A_151 = tpu.memref_slice %arg2[%add3A_143] : memref<425984xi32, #tpu.memory_space<hbm>> -> memref<1664xi32, #tpu.memory_space<hbm>>
          %dma_start3A_152 = tpu.memref_slice %arg2[%add3A_143] : memref<425984xi32, #tpu.memory_space<hbm>> -> memref<1664xi32, #tpu.memory_space<hbm>>
          tpu.enqueue_dma source(%dma_start3A_152 : memref<1664xi32, #tpu.memory_space<hbm>>) target(%arg7 : memref<1664xi32, #tpu.memory_space<vmem>>) target_semaphore(%run_scoped3A : memref<!tpu.dma_semaphore, #tpu.memory_space<semaphore_mem>>)
          %dma_wait3A_153 = tpu.memref_slice %arg2[%add3A_143] : memref<425984xi32, #tpu.memory_space<hbm>> -> memref<1664xi32, #tpu.memory_space<hbm>>
          %dma_wait3A_154 = tpu.memref_slice %arg2[%add3A_143] : memref<425984xi32, #tpu.memory_space<hbm>> -> memref<1664xi32, #tpu.memory_space<hbm>>
          tpu.wait_dma2 semaphore(%run_scoped3A : memref<!tpu.dma_semaphore, #tpu.memory_space<semaphore_mem>>) src(%dma_wait3A_154 : memref<1664xi32, #tpu.memory_space<hbm>>) dst(%arg7 : memref<1664xi32, #tpu.memory_space<vmem>>)
          tpu.yield
        }) : () -> ()
        %dma_start3A_144 = arith.constant 0 : i32
        %dma_start3A_145 = arith.constant 0 : i32
        %dma_start3A_146 = tpu.memref_slice %arg3[%dma_start3A_144, %dma_start3A_145] : memref<1000064x16xf32, #tpu.memory_space<hbm>> -> memref<1000064x16xf32, #tpu.memory_space<hbm>>
        tpu.enqueue_indirect_dma source(%dma_start3A_146 : memref<1000064x16xf32, #tpu.memory_space<hbm>>) target(%arg11 : memref<1664x16xf32, #tpu.memory_space<vmem>>) offsets(%arg7 : memref<1664xi32, #tpu.memory_space<vmem>>) semaphore(%arg21 : memref<!tpu.dma_semaphore, #tpu.memory_space<semaphore_mem>>)
        %dma_start3A_147 = arith.constant 0 : i32
        %dma_start3A_148 = tpu.memref_slice %arg15[%dma_start3A_147] : memref<1696xf32, #tpu.memory_space<vmem>> -> memref<1664xf32, #tpu.memory_space<vmem>>
        %dma_start3A_149 = arith.constant 0 : i32
        %dma_start3A_150 = tpu.memref_slice %arg4[%dma_start3A_149] : memref<1000000xf32, #tpu.memory_space<hbm>> -> memref<1000000xf32, #tpu.memory_space<hbm>>
        tpu.enqueue_indirect_dma source(%dma_start3A_150 : memref<1000000xf32, #tpu.memory_space<hbm>>) target(%dma_start3A_148 : memref<1664xf32, #tpu.memory_space<vmem>>) offsets(%arg7 : memref<1664xi32, #tpu.memory_space<vmem>>) semaphore(%arg21 : memref<!tpu.dma_semaphore, #tpu.memory_space<semaphore_mem>>)
      } else {
      }
      %scan3A_79 = arith.constant 0 : i32
      %scan3A_80 = arith.constant 0 : i32
      %scan3A_81 = arith.constant 4 : i32
      %scan3A_82 = arith.addi %scan3A_80, %scan3A_81 : i32
      %scan3A_83 = arith.constant 1 : i32
      scf.for %scan3A_137 = %scan3A_80 to %scan3A_82 step %scan3A_83  : i32 {
        %mul3A_138 = arith.constant 16 : i32
        %mul3A_139 = arith.muli %scan3A_137, %mul3A_138 : i32
        %broadcast_in_dim3A = arith.constant 0.000000e+00 : f32
        %broadcast_in_dim3A_140 = vector.broadcast %broadcast_in_dim3A : f32 to vector<16xf32>
        %scan3A_141 = arith.constant 0 : i32
        %scan3A_142 = arith.constant 16 : i32
        %scan3A_143 = arith.addi %scan3A_141, %scan3A_142 : i32
        %scan3A_144 = arith.constant 1 : i32
        %scan3A_145 = scf.for %scan3A_159 = %scan3A_141 to %scan3A_143 step %scan3A_144 iter_args(%scan3A_160 = %broadcast_in_dim3A_140) -> (vector<16xf32>)  : i32 {
          %add3A_161 = arith.addi %mul3A_139, %scan3A_159 : i32
          %mul3A_162 = arith.constant 26 : i32
          %mul3A_163 = arith.muli %add3A_161, %mul3A_162 : i32
          %get3A_164 = arith.index_cast %mul3A_163 : i32 to index
          %get3A_165 = arith.constant 0 : index
          %get3A_166 = tpu.vector_load %arg12[%get3A_164, %get3A_165] {strides = array<i32>} : memref<1664x16xf32, #tpu.memory_space<vmem>>, vector<16xf32>,
          %add3A_167 = arith.constant 1 : i32
          %add3A_168 = arith.addi %mul3A_163, %add3A_167 : i32
          %get3A_169 = arith.index_cast %add3A_168 : i32 to index
          %get3A_170 = arith.constant 0 : index
          %get3A_171 = tpu.vector_load %arg12[%get3A_169, %get3A_170] {strides = array<i32>} : memref<1664x16xf32, #tpu.memory_space<vmem>>, vector<16xf32>,
          %mul3A_172 = arith.mulf %get3A_166, %get3A_166 : vector<16xf32>
          %mul3A_173 = arith.mulf %get3A_171, %get3A_171 : vector<16xf32>
          %add3A_174 = arith.constant 2 : i32
          %add3A_175 = arith.addi %mul3A_163, %add3A_174 : i32
          %get3A_176 = arith.index_cast %add3A_175 : i32 to index
          %get3A_177 = arith.constant 0 : index
          %get3A_178 = tpu.vector_load %arg12[%get3A_176, %get3A_177] {strides = array<i32>} : memref<1664x16xf32, #tpu.memory_space<vmem>>, vector<16xf32>,
          %add3A_179 = arith.addf %get3A_166, %get3A_178 : vector<16xf32>
          %mul3A_180 = arith.mulf %get3A_178, %get3A_178 : vector<16xf32>
          %add3A_181 = arith.addf %mul3A_172, %mul3A_180 : vector<16xf32>
          %add3A_182 = arith.constant 4 : i32
          %add3A_183 = arith.addi %mul3A_163, %add3A_182 : i32
          %get3A_184 = arith.index_cast %add3A_183 : i32 to index
          %get3A_185 = arith.constant 0 : index
          %get3A_186 = tpu.vector_load %arg12[%get3A_184, %get3A_185] {strides = array<i32>} : memref<1664x16xf32, #tpu.memory_space<vmem>>, vector<16xf32>,
          %add3A_187 = arith.addf %add3A_179, %get3A_186 : vector<16xf32>
          %mul3A_188 = arith.mulf %get3A_186, %get3A_186 : vector<16xf32>
          %add3A_189 = arith.addf %add3A_181, %mul3A_188 : vector<16xf32>
          %add3A_190 = arith.constant 6 : i32
          %add3A_191 = arith.addi %mul3A_163, %add3A_190 : i32
          %get3A_192 = arith.index_cast %add3A_191 : i32 to index
          %get3A_193 = arith.constant 0 : index
          %get3A_194 = tpu.vector_load %arg12[%get3A_192, %get3A_193] {strides = array<i32>} : memref<1664x16xf32, #tpu.memory_space<vmem>>, vector<16xf32>,
          %add3A_195 = arith.addf %add3A_187, %get3A_194 : vector<16xf32>
          %mul3A_196 = arith.mulf %get3A_194, %get3A_194 : vector<16xf32>
          %add3A_197 = arith.addf %add3A_189, %mul3A_196 : vector<16xf32>
          %add3A_198 = arith.constant 8 : i32
          %add3A_199 = arith.addi %mul3A_163, %add3A_198 : i32
          %get3A_200 = arith.index_cast %add3A_199 : i32 to index
          %get3A_201 = arith.constant 0 : index
          %get3A_202 = tpu.vector_load %arg12[%get3A_200, %get3A_201] {strides = array<i32>} : memref<1664x16xf32, #tpu.memory_space<vmem>>, vector<16xf32>,
          %add3A_203 = arith.addf %add3A_195, %get3A_202 : vector<16xf32>
          %mul3A_204 = arith.mulf %get3A_202, %get3A_202 : vector<16xf32>
          %add3A_205 = arith.addf %add3A_197, %mul3A_204 : vector<16xf32>
          %add3A_206 = arith.constant 10 : i32
          %add3A_207 = arith.addi %mul3A_163, %add3A_206 : i32
          %get3A_208 = arith.index_cast %add3A_207 : i32 to index
          %get3A_209 = arith.constant 0 : index
          %get3A_210 = tpu.vector_load %arg12[%get3A_208, %get3A_209] {strides = array<i32>} : memref<1664x16xf32, #tpu.memory_space<vmem>>, vector<16xf32>,
          %add3A_211 = arith.addf %add3A_203, %get3A_210 : vector<16xf32>
          %mul3A_212 = arith.mulf %get3A_210, %get3A_210 : vector<16xf32>
          %add3A_213 = arith.addf %add3A_205, %mul3A_212 : vector<16xf32>
          %add3A_214 = arith.constant 12 : i32
          %add3A_215 = arith.addi %mul3A_163, %add3A_214 : i32
          %get3A_216 = arith.index_cast %add3A_215 : i32 to index
          %get3A_217 = arith.constant 0 : index
          %get3A_218 = tpu.vector_load %arg12[%get3A_216, %get3A_217] {strides = array<i32>} : memref<1664x16xf32, #tpu.memory_space<vmem>>, vector<16xf32>,
          %add3A_219 = arith.addf %add3A_211, %get3A_218 : vector<16xf32>
          %mul3A_220 = arith.mulf %get3A_218, %get3A_218 : vector<16xf32>
          %add3A_221 = arith.addf %add3A_213, %mul3A_220 : vector<16xf32>
          %add3A_222 = arith.constant 14 : i32
          %add3A_223 = arith.addi %mul3A_163, %add3A_222 : i32
          %get3A_224 = arith.index_cast %add3A_223 : i32 to index
          %get3A_225 = arith.constant 0 : index
          %get3A_226 = tpu.vector_load %arg12[%get3A_224, %get3A_225] {strides = array<i32>} : memref<1664x16xf32, #tpu.memory_space<vmem>>, vector<16xf32>,
          %add3A_227 = arith.addf %add3A_219, %get3A_226 : vector<16xf32>
          %mul3A_228 = arith.mulf %get3A_226, %get3A_226 : vector<16xf32>
          %add3A_229 = arith.addf %add3A_221, %mul3A_228 : vector<16xf32>
          %add3A_230 = arith.constant 16 : i32
          %add3A_231 = arith.addi %mul3A_163, %add3A_230 : i32
          %get3A_232 = arith.index_cast %add3A_231 : i32 to index
          %get3A_233 = arith.constant 0 : index
          %get3A_234 = tpu.vector_load %arg12[%get3A_232, %get3A_233] {strides = array<i32>} : memref<1664x16xf32, #tpu.memory_space<vmem>>, vector<16xf32>,
          %add3A_235 = arith.addf %add3A_227, %get3A_234 : vector<16xf32>
          %mul3A_236 = arith.mulf %get3A_234, %get3A_234 : vector<16xf32>
          %add3A_237 = arith.addf %add3A_229, %mul3A_236 : vector<16xf32>
          %add3A_238 = arith.constant 18 : i32
          %add3A_239 = arith.addi %mul3A_163, %add3A_238 : i32
          %get3A_240 = arith.index_cast %add3A_239 : i32 to index
          %get3A_241 = arith.constant 0 : index
          %get3A_242 = tpu.vector_load %arg12[%get3A_240, %get3A_241] {strides = array<i32>} : memref<1664x16xf32, #tpu.memory_space<vmem>>, vector<16xf32>,
          %add3A_243 = arith.addf %add3A_235, %get3A_242 : vector<16xf32>
          %mul3A_244 = arith.mulf %get3A_242, %get3A_242 : vector<16xf32>
          %add3A_245 = arith.addf %add3A_237, %mul3A_244 : vector<16xf32>
          %add3A_246 = arith.constant 20 : i32
          %add3A_247 = arith.addi %mul3A_163, %add3A_246 : i32
          %get3A_248 = arith.index_cast %add3A_247 : i32 to index
          %get3A_249 = arith.constant 0 : index
          %get3A_250 = tpu.vector_load %arg12[%get3A_248, %get3A_249] {strides = array<i32>} : memref<1664x16xf32, #tpu.memory_space<vmem>>, vector<16xf32>,
          %add3A_251 = arith.addf %add3A_243, %get3A_250 : vector<16xf32>
          %mul3A_252 = arith.mulf %get3A_250, %get3A_250 : vector<16xf32>
          %add3A_253 = arith.addf %add3A_245, %mul3A_252 : vector<16xf32>
          %add3A_254 = arith.constant 22 : i32
          %add3A_255 = arith.addi %mul3A_163, %add3A_254 : i32
          %get3A_256 = arith.index_cast %add3A_255 : i32 to index
          %get3A_257 = arith.constant 0 : index
          %get3A_258 = tpu.vector_load %arg12[%get3A_256, %get3A_257] {strides = array<i32>} : memref<1664x16xf32, #tpu.memory_space<vmem>>, vector<16xf32>,
          %add3A_259 = arith.addf %add3A_251, %get3A_258 : vector<16xf32>
          %mul3A_260 = arith.mulf %get3A_258, %get3A_258 : vector<16xf32>
          %add3A_261 = arith.addf %add3A_253, %mul3A_260 : vector<16xf32>
          %add3A_262 = arith.constant 24 : i32
          %add3A_263 = arith.addi %mul3A_163, %add3A_262 : i32
          %get3A_264 = arith.index_cast %add3A_263 : i32 to index
          %get3A_265 = arith.constant 0 : index
          %get3A_266 = tpu.vector_load %arg12[%get3A_264, %get3A_265] {strides = array<i32>} : memref<1664x16xf32, #tpu.memory_space<vmem>>, vector<16xf32>,
          %add3A_267 = arith.addf %add3A_259, %get3A_266 : vector<16xf32>
          %mul3A_268 = arith.mulf %get3A_266, %get3A_266 : vector<16xf32>
          %add3A_269 = arith.addf %add3A_261, %mul3A_268 : vector<16xf32>
          %add3A_270 = arith.constant 3 : i32
          %add3A_271 = arith.addi %mul3A_163, %add3A_270 : i32
          %get3A_272 = arith.index_cast %add3A_271 : i32 to index
          %get3A_273 = arith.constant 0 : index
          %get3A_274 = tpu.vector_load %arg12[%get3A_272, %get3A_273] {strides = array<i32>} : memref<1664x16xf32, #tpu.memory_space<vmem>>, vector<16xf32>,
          %add3A_275 = arith.addf %get3A_171, %get3A_274 : vector<16xf32>
          %mul3A_276 = arith.mulf %get3A_274, %get3A_274 : vector<16xf32>
          %add3A_277 = arith.addf %mul3A_173, %mul3A_276 : vector<16xf32>
          %add3A_278 = arith.constant 5 : i32
          %add3A_279 = arith.addi %mul3A_163, %add3A_278 : i32
          %get3A_280 = arith.index_cast %add3A_279 : i32 to index
          %get3A_281 = arith.constant 0 : index
          %get3A_282 = tpu.vector_load %arg12[%get3A_280, %get3A_281] {strides = array<i32>} : memref<1664x16xf32, #tpu.memory_space<vmem>>, vector<16xf32>,
          %add3A_283 = arith.addf %add3A_275, %get3A_282 : vector<16xf32>
          %mul3A_284 = arith.mulf %get3A_282, %get3A_282 : vector<16xf32>
          %add3A_285 = arith.addf %add3A_277, %mul3A_284 : vector<16xf32>
          %add3A_286 = arith.constant 7 : i32
          %add3A_287 = arith.addi %mul3A_163, %add3A_286 : i32
          %get3A_288 = arith.index_cast %add3A_287 : i32 to index
          %get3A_289 = arith.constant 0 : index
          %get3A_290 = tpu.vector_load %arg12[%get3A_288, %get3A_289] {strides = array<i32>} : memref<1664x16xf32, #tpu.memory_space<vmem>>, vector<16xf32>,
          %add3A_291 = arith.addf %add3A_283, %get3A_290 : vector<16xf32>
          %mul3A_292 = arith.mulf %get3A_290, %get3A_290 : vector<16xf32>
          %add3A_293 = arith.addf %add3A_285, %mul3A_292 : vector<16xf32>
          %add3A_294 = arith.constant 9 : i32
          %add3A_295 = arith.addi %mul3A_163, %add3A_294 : i32
          %get3A_296 = arith.index_cast %add3A_295 : i32 to index
          %get3A_297 = arith.constant 0 : index
          %get3A_298 = tpu.vector_load %arg12[%get3A_296, %get3A_297] {strides = array<i32>} : memref<1664x16xf32, #tpu.memory_space<vmem>>, vector<16xf32>,
          %add3A_299 = arith.addf %add3A_291, %get3A_298 : vector<16xf32>
          %mul3A_300 = arith.mulf %get3A_298, %get3A_298 : vector<16xf32>
          %add3A_301 = arith.addf %add3A_293, %mul3A_300 : vector<16xf32>
          %add3A_302 = arith.constant 11 : i32
          %add3A_303 = arith.addi %mul3A_163, %add3A_302 : i32
          %get3A_304 = arith.index_cast %add3A_303 : i32 to index
          %get3A_305 = arith.constant 0 : index
          %get3A_306 = tpu.vector_load %arg12[%get3A_304, %get3A_305] {strides = array<i32>} : memref<1664x16xf32, #tpu.memory_space<vmem>>, vector<16xf32>,
          %add3A_307 = arith.addf %add3A_299, %get3A_306 : vector<16xf32>
          %mul3A_308 = arith.mulf %get3A_306, %get3A_306 : vector<16xf32>
          %add3A_309 = arith.addf %add3A_301, %mul3A_308 : vector<16xf32>
          %add3A_310 = arith.constant 13 : i32
          %add3A_311 = arith.addi %mul3A_163, %add3A_310 : i32
          %get3A_312 = arith.index_cast %add3A_311 : i32 to index
          %get3A_313 = arith.constant 0 : index
          %get3A_314 = tpu.vector_load %arg12[%get3A_312, %get3A_313] {strides = array<i32>} : memref<1664x16xf32, #tpu.memory_space<vmem>>, vector<16xf32>,
          %add3A_315 = arith.addf %add3A_307, %get3A_314 : vector<16xf32>
          %mul3A_316 = arith.mulf %get3A_314, %get3A_314 : vector<16xf32>
          %add3A_317 = arith.addf %add3A_309, %mul3A_316 : vector<16xf32>
          %add3A_318 = arith.constant 15 : i32
          %add3A_319 = arith.addi %mul3A_163, %add3A_318 : i32
          %get3A_320 = arith.index_cast %add3A_319 : i32 to index
          %get3A_321 = arith.constant 0 : index
          %get3A_322 = tpu.vector_load %arg12[%get3A_320, %get3A_321] {strides = array<i32>} : memref<1664x16xf32, #tpu.memory_space<vmem>>, vector<16xf32>,
          %add3A_323 = arith.addf %add3A_315, %get3A_322 : vector<16xf32>
          %mul3A_324 = arith.mulf %get3A_322, %get3A_322 : vector<16xf32>
          %add3A_325 = arith.addf %add3A_317, %mul3A_324 : vector<16xf32>
          %add3A_326 = arith.constant 17 : i32
          %add3A_327 = arith.addi %mul3A_163, %add3A_326 : i32
          %get3A_328 = arith.index_cast %add3A_327 : i32 to index
          %get3A_329 = arith.constant 0 : index
          %get3A_330 = tpu.vector_load %arg12[%get3A_328, %get3A_329] {strides = array<i32>} : memref<1664x16xf32, #tpu.memory_space<vmem>>, vector<16xf32>,
          %add3A_331 = arith.addf %add3A_323, %get3A_330 : vector<16xf32>
          %mul3A_332 = arith.mulf %get3A_330, %get3A_330 : vector<16xf32>
          %add3A_333 = arith.addf %add3A_325, %mul3A_332 : vector<16xf32>
          %add3A_334 = arith.constant 19 : i32
          %add3A_335 = arith.addi %mul3A_163, %add3A_334 : i32
          %get3A_336 = arith.index_cast %add3A_335 : i32 to index
          %get3A_337 = arith.constant 0 : index
          %get3A_338 = tpu.vector_load %arg12[%get3A_336, %get3A_337] {strides = array<i32>} : memref<1664x16xf32, #tpu.memory_space<vmem>>, vector<16xf32>,
          %add3A_339 = arith.addf %add3A_331, %get3A_338 : vector<16xf32>
          %mul3A_340 = arith.mulf %get3A_338, %get3A_338 : vector<16xf32>
          %add3A_341 = arith.addf %add3A_333, %mul3A_340 : vector<16xf32>
          %add3A_342 = arith.constant 21 : i32
          %add3A_343 = arith.addi %mul3A_163, %add3A_342 : i32
          %get3A_344 = arith.index_cast %add3A_343 : i32 to index
          %get3A_345 = arith.constant 0 : index
          %get3A_346 = tpu.vector_load %arg12[%get3A_344, %get3A_345] {strides = array<i32>} : memref<1664x16xf32, #tpu.memory_space<vmem>>, vector<16xf32>,
          %add3A_347 = arith.addf %add3A_339, %get3A_346 : vector<16xf32>
          %mul3A_348 = arith.mulf %get3A_346, %get3A_346 : vector<16xf32>
          %add3A_349 = arith.addf %add3A_341, %mul3A_348 : vector<16xf32>
          %add3A_350 = arith.constant 23 : i32
          %add3A_351 = arith.addi %mul3A_163, %add3A_350 : i32
          %get3A_352 = arith.index_cast %add3A_351 : i32 to index
          %get3A_353 = arith.constant 0 : index
          %get3A_354 = tpu.vector_load %arg12[%get3A_352, %get3A_353] {strides = array<i32>} : memref<1664x16xf32, #tpu.memory_space<vmem>>, vector<16xf32>,
          %add3A_355 = arith.addf %add3A_347, %get3A_354 : vector<16xf32>
          %mul3A_356 = arith.mulf %get3A_354, %get3A_354 : vector<16xf32>
          %add3A_357 = arith.addf %add3A_349, %mul3A_356 : vector<16xf32>
          %add3A_358 = arith.constant 25 : i32
          %add3A_359 = arith.addi %mul3A_163, %add3A_358 : i32
          %get3A_360 = arith.index_cast %add3A_359 : i32 to index
          %get3A_361 = arith.constant 0 : index
          %get3A_362 = tpu.vector_load %arg12[%get3A_360, %get3A_361] {strides = array<i32>} : memref<1664x16xf32, #tpu.memory_space<vmem>>, vector<16xf32>,
          %add3A_363 = arith.addf %add3A_355, %get3A_362 : vector<16xf32>
          %mul3A_364 = arith.mulf %get3A_362, %get3A_362 : vector<16xf32>
          %add3A_365 = arith.addf %add3A_357, %mul3A_364 : vector<16xf32>
          %add3A_366 = arith.addf %add3A_267, %add3A_363 : vector<16xf32>
          %add3A_367 = arith.addf %add3A_269, %add3A_365 : vector<16xf32>
          %get3A_368 = arith.index_cast %mul3A_163 : i32 to index
          %get3A_369 = tpu.vector_load %arg16[%get3A_368] {strides = array<i32>} : memref<1696xf32, #tpu.memory_space<vmem>>, vector<16xf32>,
          %add3A_370 = arith.constant 16 : i32
          %add3A_371 = arith.addi %mul3A_163, %add3A_370 : i32
          %get3A_372 = arith.index_cast %add3A_371 : i32 to index
          %get3A_373 = tpu.vector_load %arg16[%get3A_372] {strides = array<i32>} : memref<1696xf32, #tpu.memory_space<vmem>>, vector<16xf32>,
          %lt3A_374 = arith.constant 10 : i32
          %lt3A_375 = vector.broadcast %lt3A_374 : i32 to vector<16xi32>
          %lt3A_376 = arith.cmpi slt, %iota3A, %lt3A_375 : vector<16xi32>
          %jit3A = arith.constant 0.000000e+00 : f32
          %broadcast_in_dim3A_377 = vector.broadcast %jit3A : f32 to vector<16xf32>
          %select_n3A = arith.select %lt3A_376, %get3A_373, %broadcast_in_dim3A_377 : vector<16xi1>, vector<16xf32>
          %add3A_378 = arith.addf %get3A_369, %select_n3A : vector<16xf32>
          %mul3A_379 = arith.mulf %add3A_366, %add3A_366 : vector<16xf32>
          %sub3A_380 = arith.subf %mul3A_379, %add3A_367 : vector<16xf32>
          %mul3A_381 = arith.constant 5.000000e-01 : f32
          %mul3A_382 = vector.broadcast %mul3A_381 : f32 to vector<16xf32>
          %mul3A_383 = arith.mulf %mul3A_382, %sub3A_380 : vector<16xf32>
          %add3A_384 = arith.addf %add3A_378, %mul3A_383 : vector<16xf32>
          %reduce_sum3A = arith.constant true
          %reduce_sum3A_385 = vector.broadcast %reduce_sum3A : i1 to vector<16xi1>
          %reduce_sum3A_386 = tpu.scan <sum>, %add3A_384 masked %reduce_sum3A_385 : vector<16xf32>, vector<16xi1> -> vector<16xf32>
          %reduce_sum3A_387 = vector.extract %reduce_sum3A_386[15] : f32 from vector<16xf32>
          %eq3A = vector.broadcast %scan3A_159 : i32 to vector<16xi32>
          %eq3A_388 = arith.cmpi eq, %iota3A, %eq3A : vector<16xi32>
          %broadcast_in_dim3A_389 = vector.broadcast %reduce_sum3A_387 : f32 to vector<16xf32>
          %select_n3A_390 = arith.select %eq3A_388, %broadcast_in_dim3A_389, %scan3A_160 : vector<16xi1>, vector<16xf32>
          scf.yield %select_n3A_390 : vector<16xf32>
        }
        %scan3A_146 = arith.constant 16 : i32
        %add3A_147 = arith.addf %scan3A_145, %get3A_3 : vector<16xf32>
        %neg3A = arith.constant 0.000000e+00 : f32
        %neg3A_148 = vector.broadcast %neg3A : f32 to vector<16xf32>
        %neg3A_149 = arith.subf %neg3A_148, %add3A_147 : vector<16xf32>
        %exp3A = math.exp %neg3A_149 : vector<16xf32>
        %add3A_150 = arith.constant 1.000000e+00 : f32
        %add3A_151 = vector.broadcast %add3A_150 : f32 to vector<16xf32>
        %add3A_152 = arith.addf %add3A_151, %exp3A : vector<16xf32>
        %div3A = arith.constant 1.000000e+00 : f32
        %div3A_153 = vector.broadcast %div3A : f32 to vector<16xf32>
        %div3A_154 = arith.divf %div3A_153, %add3A_152 : vector<16xf32>
        %mul3A_155 = arith.constant 64 : i32
        %mul3A_156 = arith.muli %add3A_62, %mul3A_155 : i32
        %add3A_157 = arith.addi %mul3A_156, %mul3A_139 : i32
        %swap3A = arith.index_cast %add3A_157 : i32 to index
        %swap3A_158 = tpu.vector_load %arg19[%swap3A] {strides = array<i32>} : memref<512xf32, #tpu.memory_space<vmem>>, vector<16xf32>,
        tpu.vector_store %arg19[%swap3A], %div3A_154 {strides = array<i32>} : memref<512xf32, #tpu.memory_space<vmem>>, vector<16xf32>,
      }
      %scan3A_84 = arith.constant 4 : i32
      %mul3A_85 = arith.constant 4 : i32
      %mul3A_86 = arith.muli %scan3A_37, %mul3A_85 : i32
      %add3A_87 = arith.constant 2 : i32
      %add3A_88 = arith.addi %mul3A_86, %add3A_87 : i32
      %dma_wait3A_89 = arith.constant 0 : i32
      %dma_wait3A_90 = arith.constant 0 : i32
      %dma_wait3A_91 = tpu.memref_slice %arg3[%dma_wait3A_89, %dma_wait3A_90] : memref<1000064x16xf32, #tpu.memory_space<hbm>> -> memref<1000064x16xf32, #tpu.memory_space<hbm>>
      tpu.wait_indirect_dma semaphore(%arg23 : memref<!tpu.dma_semaphore, #tpu.memory_space<semaphore_mem>>) src(%dma_wait3A_91 : memref<1000064x16xf32, #tpu.memory_space<hbm>>) dst(%arg13 : memref<1664x16xf32, #tpu.memory_space<vmem>>)
      %dma_wait3A_92 = arith.constant 0 : i32
      %dma_wait3A_93 = tpu.memref_slice %arg17[%dma_wait3A_92] : memref<1696xf32, #tpu.memory_space<vmem>> -> memref<1664xf32, #tpu.memory_space<vmem>>
      %dma_wait3A_94 = arith.constant 0 : i32
      %dma_wait3A_95 = tpu.memref_slice %arg4[%dma_wait3A_94] : memref<1000000xf32, #tpu.memory_space<hbm>> -> memref<1000000xf32, #tpu.memory_space<hbm>>
      tpu.wait_indirect_dma semaphore(%arg23 : memref<!tpu.dma_semaphore, #tpu.memory_space<semaphore_mem>>) src(%dma_wait3A_95 : memref<1000000xf32, #tpu.memory_space<hbm>>) dst(%dma_wait3A_93 : memref<1664xf32, #tpu.memory_space<vmem>>)
      %add3A_96 = arith.constant 4 : i32
      %add3A_97 = arith.addi %add3A_88, %add3A_96 : i32
      %sub3A_98 = arith.constant 1 : i32
      %sub3A_99 = arith.subi %add3A_97, %sub3A_98 : i32
      %lt3A_100 = arith.constant 8 : i32
      %lt3A_101 = arith.cmpi slt, %sub3A_99, %lt3A_100 : i32
      %convert_element_type3A_102 = arith.extui %lt3A_101 : i1 to i32
      %cond3A_103 = arith.constant 0 : i32
      %cond3A_104 = arith.cmpi ne, %convert_element_type3A_102, %cond3A_103 : i32
      scf.if %cond3A_104 {
        %add3A_137 = arith.constant 4 : i32
        %add3A_138 = arith.addi %add3A_88, %add3A_137 : i32
        %sub3A_139 = arith.constant 1 : i32
        %sub3A_140 = arith.subi %add3A_138, %sub3A_139 : i32
        %mul3A_141 = arith.constant 1664 : i32
        %mul3A_142 = arith.muli %sub3A_140, %mul3A_141 : i32
        %add3A_143 = arith.addi %mul3A_2, %mul3A_142 : i32
        "tpu.region"() ({
          %run_scoped3A = tpu.sem_alloc : memref<!tpu.dma_semaphore, #tpu.memory_space<semaphore_mem>>
          %dma_start3A_151 = tpu.memref_slice %arg2[%add3A_143] : memref<425984xi32, #tpu.memory_space<hbm>> -> memref<1664xi32, #tpu.memory_space<hbm>>
          %dma_start3A_152 = tpu.memref_slice %arg2[%add3A_143] : memref<425984xi32, #tpu.memory_space<hbm>> -> memref<1664xi32, #tpu.memory_space<hbm>>
          tpu.enqueue_dma source(%dma_start3A_152 : memref<1664xi32, #tpu.memory_space<hbm>>) target(%arg8 : memref<1664xi32, #tpu.memory_space<vmem>>) target_semaphore(%run_scoped3A : memref<!tpu.dma_semaphore, #tpu.memory_space<semaphore_mem>>)
          %dma_wait3A_153 = tpu.memref_slice %arg2[%add3A_143] : memref<425984xi32, #tpu.memory_space<hbm>> -> memref<1664xi32, #tpu.memory_space<hbm>>
          %dma_wait3A_154 = tpu.memref_slice %arg2[%add3A_143] : memref<425984xi32, #tpu.memory_space<hbm>> -> memref<1664xi32, #tpu.memory_space<hbm>>
          tpu.wait_dma2 semaphore(%run_scoped3A : memref<!tpu.dma_semaphore, #tpu.memory_space<semaphore_mem>>) src(%dma_wait3A_154 : memref<1664xi32, #tpu.memory_space<hbm>>) dst(%arg8 : memref<1664xi32, #tpu.memory_space<vmem>>)
          tpu.yield
        }) : () -> ()
        %dma_start3A_144 = arith.constant 0 : i32
        %dma_start3A_145 = arith.constant 0 : i32
        %dma_start3A_146 = tpu.memref_slice %arg3[%dma_start3A_144, %dma_start3A_145] : memref<1000064x16xf32, #tpu.memory_space<hbm>> -> memref<1000064x16xf32, #tpu.memory_space<hbm>>
        tpu.enqueue_indirect_dma source(%dma_start3A_146 : memref<1000064x16xf32, #tpu.memory_space<hbm>>) target(%arg12 : memref<1664x16xf32, #tpu.memory_space<vmem>>) offsets(%arg8 : memref<1664xi32, #tpu.memory_space<vmem>>) semaphore(%arg22 : memref<!tpu.dma_semaphore, #tpu.memory_space<semaphore_mem>>)
        %dma_start3A_147 = arith.constant 0 : i32
        %dma_start3A_148 = tpu.memref_slice %arg16[%dma_start3A_147] : memref<1696xf32, #tpu.memory_space<vmem>> -> memref<1664xf32, #tpu.memory_space<vmem>>
        %dma_start3A_149 = arith.constant 0 : i32
        %dma_start3A_150 = tpu.memref_slice %arg4[%dma_start3A_149] : memref<1000000xf32, #tpu.memory_space<hbm>> -> memref<1000000xf32, #tpu.memory_space<hbm>>
        tpu.enqueue_indirect_dma source(%dma_start3A_150 : memref<1000000xf32, #tpu.memory_space<hbm>>) target(%dma_start3A_148 : memref<1664xf32, #tpu.memory_space<vmem>>) offsets(%arg8 : memref<1664xi32, #tpu.memory_space<vmem>>) semaphore(%arg22 : memref<!tpu.dma_semaphore, #tpu.memory_space<semaphore_mem>>)
      } else {
      }
      %scan3A_105 = arith.constant 0 : i32
      %scan3A_106 = arith.constant 0 : i32
      %scan3A_107 = arith.constant 4 : i32
      %scan3A_108 = arith.addi %scan3A_106, %scan3A_107 : i32
      %scan3A_109 = arith.constant 1 : i32
      scf.for %scan3A_137 = %scan3A_106 to %scan3A_108 step %scan3A_109  : i32 {
        %mul3A_138 = arith.constant 16 : i32
        %mul3A_139 = arith.muli %scan3A_137, %mul3A_138 : i32
        %broadcast_in_dim3A = arith.constant 0.000000e+00 : f32
        %broadcast_in_dim3A_140 = vector.broadcast %broadcast_in_dim3A : f32 to vector<16xf32>
        %scan3A_141 = arith.constant 0 : i32
        %scan3A_142 = arith.constant 16 : i32
        %scan3A_143 = arith.addi %scan3A_141, %scan3A_142 : i32
        %scan3A_144 = arith.constant 1 : i32
        %scan3A_145 = scf.for %scan3A_159 = %scan3A_141 to %scan3A_143 step %scan3A_144 iter_args(%scan3A_160 = %broadcast_in_dim3A_140) -> (vector<16xf32>)  : i32 {
          %add3A_161 = arith.addi %mul3A_139, %scan3A_159 : i32
          %mul3A_162 = arith.constant 26 : i32
          %mul3A_163 = arith.muli %add3A_161, %mul3A_162 : i32
          %get3A_164 = arith.index_cast %mul3A_163 : i32 to index
          %get3A_165 = arith.constant 0 : index
          %get3A_166 = tpu.vector_load %arg13[%get3A_164, %get3A_165] {strides = array<i32>} : memref<1664x16xf32, #tpu.memory_space<vmem>>, vector<16xf32>,
          %add3A_167 = arith.constant 1 : i32
          %add3A_168 = arith.addi %mul3A_163, %add3A_167 : i32
          %get3A_169 = arith.index_cast %add3A_168 : i32 to index
          %get3A_170 = arith.constant 0 : index
          %get3A_171 = tpu.vector_load %arg13[%get3A_169, %get3A_170] {strides = array<i32>} : memref<1664x16xf32, #tpu.memory_space<vmem>>, vector<16xf32>,
          %mul3A_172 = arith.mulf %get3A_166, %get3A_166 : vector<16xf32>
          %mul3A_173 = arith.mulf %get3A_171, %get3A_171 : vector<16xf32>
          %add3A_174 = arith.constant 2 : i32
          %add3A_175 = arith.addi %mul3A_163, %add3A_174 : i32
          %get3A_176 = arith.index_cast %add3A_175 : i32 to index
          %get3A_177 = arith.constant 0 : index
          %get3A_178 = tpu.vector_load %arg13[%get3A_176, %get3A_177] {strides = array<i32>} : memref<1664x16xf32, #tpu.memory_space<vmem>>, vector<16xf32>,
          %add3A_179 = arith.addf %get3A_166, %get3A_178 : vector<16xf32>
          %mul3A_180 = arith.mulf %get3A_178, %get3A_178 : vector<16xf32>
          %add3A_181 = arith.addf %mul3A_172, %mul3A_180 : vector<16xf32>
          %add3A_182 = arith.constant 4 : i32
          %add3A_183 = arith.addi %mul3A_163, %add3A_182 : i32
          %get3A_184 = arith.index_cast %add3A_183 : i32 to index
          %get3A_185 = arith.constant 0 : index
          %get3A_186 = tpu.vector_load %arg13[%get3A_184, %get3A_185] {strides = array<i32>} : memref<1664x16xf32, #tpu.memory_space<vmem>>, vector<16xf32>,
          %add3A_187 = arith.addf %add3A_179, %get3A_186 : vector<16xf32>
          %mul3A_188 = arith.mulf %get3A_186, %get3A_186 : vector<16xf32>
          %add3A_189 = arith.addf %add3A_181, %mul3A_188 : vector<16xf32>
          %add3A_190 = arith.constant 6 : i32
          %add3A_191 = arith.addi %mul3A_163, %add3A_190 : i32
          %get3A_192 = arith.index_cast %add3A_191 : i32 to index
          %get3A_193 = arith.constant 0 : index
          %get3A_194 = tpu.vector_load %arg13[%get3A_192, %get3A_193] {strides = array<i32>} : memref<1664x16xf32, #tpu.memory_space<vmem>>, vector<16xf32>,
          %add3A_195 = arith.addf %add3A_187, %get3A_194 : vector<16xf32>
          %mul3A_196 = arith.mulf %get3A_194, %get3A_194 : vector<16xf32>
          %add3A_197 = arith.addf %add3A_189, %mul3A_196 : vector<16xf32>
          %add3A_198 = arith.constant 8 : i32
          %add3A_199 = arith.addi %mul3A_163, %add3A_198 : i32
          %get3A_200 = arith.index_cast %add3A_199 : i32 to index
          %get3A_201 = arith.constant 0 : index
          %get3A_202 = tpu.vector_load %arg13[%get3A_200, %get3A_201] {strides = array<i32>} : memref<1664x16xf32, #tpu.memory_space<vmem>>, vector<16xf32>,
          %add3A_203 = arith.addf %add3A_195, %get3A_202 : vector<16xf32>
          %mul3A_204 = arith.mulf %get3A_202, %get3A_202 : vector<16xf32>
          %add3A_205 = arith.addf %add3A_197, %mul3A_204 : vector<16xf32>
          %add3A_206 = arith.constant 10 : i32
          %add3A_207 = arith.addi %mul3A_163, %add3A_206 : i32
          %get3A_208 = arith.index_cast %add3A_207 : i32 to index
          %get3A_209 = arith.constant 0 : index
          %get3A_210 = tpu.vector_load %arg13[%get3A_208, %get3A_209] {strides = array<i32>} : memref<1664x16xf32, #tpu.memory_space<vmem>>, vector<16xf32>,
          %add3A_211 = arith.addf %add3A_203, %get3A_210 : vector<16xf32>
          %mul3A_212 = arith.mulf %get3A_210, %get3A_210 : vector<16xf32>
          %add3A_213 = arith.addf %add3A_205, %mul3A_212 : vector<16xf32>
          %add3A_214 = arith.constant 12 : i32
          %add3A_215 = arith.addi %mul3A_163, %add3A_214 : i32
          %get3A_216 = arith.index_cast %add3A_215 : i32 to index
          %get3A_217 = arith.constant 0 : index
          %get3A_218 = tpu.vector_load %arg13[%get3A_216, %get3A_217] {strides = array<i32>} : memref<1664x16xf32, #tpu.memory_space<vmem>>, vector<16xf32>,
          %add3A_219 = arith.addf %add3A_211, %get3A_218 : vector<16xf32>
          %mul3A_220 = arith.mulf %get3A_218, %get3A_218 : vector<16xf32>
          %add3A_221 = arith.addf %add3A_213, %mul3A_220 : vector<16xf32>
          %add3A_222 = arith.constant 14 : i32
          %add3A_223 = arith.addi %mul3A_163, %add3A_222 : i32
          %get3A_224 = arith.index_cast %add3A_223 : i32 to index
          %get3A_225 = arith.constant 0 : index
          %get3A_226 = tpu.vector_load %arg13[%get3A_224, %get3A_225] {strides = array<i32>} : memref<1664x16xf32, #tpu.memory_space<vmem>>, vector<16xf32>,
          %add3A_227 = arith.addf %add3A_219, %get3A_226 : vector<16xf32>
          %mul3A_228 = arith.mulf %get3A_226, %get3A_226 : vector<16xf32>
          %add3A_229 = arith.addf %add3A_221, %mul3A_228 : vector<16xf32>
          %add3A_230 = arith.constant 16 : i32
          %add3A_231 = arith.addi %mul3A_163, %add3A_230 : i32
          %get3A_232 = arith.index_cast %add3A_231 : i32 to index
          %get3A_233 = arith.constant 0 : index
          %get3A_234 = tpu.vector_load %arg13[%get3A_232, %get3A_233] {strides = array<i32>} : memref<1664x16xf32, #tpu.memory_space<vmem>>, vector<16xf32>,
          %add3A_235 = arith.addf %add3A_227, %get3A_234 : vector<16xf32>
          %mul3A_236 = arith.mulf %get3A_234, %get3A_234 : vector<16xf32>
          %add3A_237 = arith.addf %add3A_229, %mul3A_236 : vector<16xf32>
          %add3A_238 = arith.constant 18 : i32
          %add3A_239 = arith.addi %mul3A_163, %add3A_238 : i32
          %get3A_240 = arith.index_cast %add3A_239 : i32 to index
          %get3A_241 = arith.constant 0 : index
          %get3A_242 = tpu.vector_load %arg13[%get3A_240, %get3A_241] {strides = array<i32>} : memref<1664x16xf32, #tpu.memory_space<vmem>>, vector<16xf32>,
          %add3A_243 = arith.addf %add3A_235, %get3A_242 : vector<16xf32>
          %mul3A_244 = arith.mulf %get3A_242, %get3A_242 : vector<16xf32>
          %add3A_245 = arith.addf %add3A_237, %mul3A_244 : vector<16xf32>
          %add3A_246 = arith.constant 20 : i32
          %add3A_247 = arith.addi %mul3A_163, %add3A_246 : i32
          %get3A_248 = arith.index_cast %add3A_247 : i32 to index
          %get3A_249 = arith.constant 0 : index
          %get3A_250 = tpu.vector_load %arg13[%get3A_248, %get3A_249] {strides = array<i32>} : memref<1664x16xf32, #tpu.memory_space<vmem>>, vector<16xf32>,
          %add3A_251 = arith.addf %add3A_243, %get3A_250 : vector<16xf32>
          %mul3A_252 = arith.mulf %get3A_250, %get3A_250 : vector<16xf32>
          %add3A_253 = arith.addf %add3A_245, %mul3A_252 : vector<16xf32>
          %add3A_254 = arith.constant 22 : i32
          %add3A_255 = arith.addi %mul3A_163, %add3A_254 : i32
          %get3A_256 = arith.index_cast %add3A_255 : i32 to index
          %get3A_257 = arith.constant 0 : index
          %get3A_258 = tpu.vector_load %arg13[%get3A_256, %get3A_257] {strides = array<i32>} : memref<1664x16xf32, #tpu.memory_space<vmem>>, vector<16xf32>,
          %add3A_259 = arith.addf %add3A_251, %get3A_258 : vector<16xf32>
          %mul3A_260 = arith.mulf %get3A_258, %get3A_258 : vector<16xf32>
          %add3A_261 = arith.addf %add3A_253, %mul3A_260 : vector<16xf32>
          %add3A_262 = arith.constant 24 : i32
          %add3A_263 = arith.addi %mul3A_163, %add3A_262 : i32
          %get3A_264 = arith.index_cast %add3A_263 : i32 to index
          %get3A_265 = arith.constant 0 : index
          %get3A_266 = tpu.vector_load %arg13[%get3A_264, %get3A_265] {strides = array<i32>} : memref<1664x16xf32, #tpu.memory_space<vmem>>, vector<16xf32>,
          %add3A_267 = arith.addf %add3A_259, %get3A_266 : vector<16xf32>
          %mul3A_268 = arith.mulf %get3A_266, %get3A_266 : vector<16xf32>
          %add3A_269 = arith.addf %add3A_261, %mul3A_268 : vector<16xf32>
          %add3A_270 = arith.constant 3 : i32
          %add3A_271 = arith.addi %mul3A_163, %add3A_270 : i32
          %get3A_272 = arith.index_cast %add3A_271 : i32 to index
          %get3A_273 = arith.constant 0 : index
          %get3A_274 = tpu.vector_load %arg13[%get3A_272, %get3A_273] {strides = array<i32>} : memref<1664x16xf32, #tpu.memory_space<vmem>>, vector<16xf32>,
          %add3A_275 = arith.addf %get3A_171, %get3A_274 : vector<16xf32>
          %mul3A_276 = arith.mulf %get3A_274, %get3A_274 : vector<16xf32>
          %add3A_277 = arith.addf %mul3A_173, %mul3A_276 : vector<16xf32>
          %add3A_278 = arith.constant 5 : i32
          %add3A_279 = arith.addi %mul3A_163, %add3A_278 : i32
          %get3A_280 = arith.index_cast %add3A_279 : i32 to index
          %get3A_281 = arith.constant 0 : index
          %get3A_282 = tpu.vector_load %arg13[%get3A_280, %get3A_281] {strides = array<i32>} : memref<1664x16xf32, #tpu.memory_space<vmem>>, vector<16xf32>,
          %add3A_283 = arith.addf %add3A_275, %get3A_282 : vector<16xf32>
          %mul3A_284 = arith.mulf %get3A_282, %get3A_282 : vector<16xf32>
          %add3A_285 = arith.addf %add3A_277, %mul3A_284 : vector<16xf32>
          %add3A_286 = arith.constant 7 : i32
          %add3A_287 = arith.addi %mul3A_163, %add3A_286 : i32
          %get3A_288 = arith.index_cast %add3A_287 : i32 to index
          %get3A_289 = arith.constant 0 : index
          %get3A_290 = tpu.vector_load %arg13[%get3A_288, %get3A_289] {strides = array<i32>} : memref<1664x16xf32, #tpu.memory_space<vmem>>, vector<16xf32>,
          %add3A_291 = arith.addf %add3A_283, %get3A_290 : vector<16xf32>
          %mul3A_292 = arith.mulf %get3A_290, %get3A_290 : vector<16xf32>
          %add3A_293 = arith.addf %add3A_285, %mul3A_292 : vector<16xf32>
          %add3A_294 = arith.constant 9 : i32
          %add3A_295 = arith.addi %mul3A_163, %add3A_294 : i32
          %get3A_296 = arith.index_cast %add3A_295 : i32 to index
          %get3A_297 = arith.constant 0 : index
          %get3A_298 = tpu.vector_load %arg13[%get3A_296, %get3A_297] {strides = array<i32>} : memref<1664x16xf32, #tpu.memory_space<vmem>>, vector<16xf32>,
          %add3A_299 = arith.addf %add3A_291, %get3A_298 : vector<16xf32>
          %mul3A_300 = arith.mulf %get3A_298, %get3A_298 : vector<16xf32>
          %add3A_301 = arith.addf %add3A_293, %mul3A_300 : vector<16xf32>
          %add3A_302 = arith.constant 11 : i32
          %add3A_303 = arith.addi %mul3A_163, %add3A_302 : i32
          %get3A_304 = arith.index_cast %add3A_303 : i32 to index
          %get3A_305 = arith.constant 0 : index
          %get3A_306 = tpu.vector_load %arg13[%get3A_304, %get3A_305] {strides = array<i32>} : memref<1664x16xf32, #tpu.memory_space<vmem>>, vector<16xf32>,
          %add3A_307 = arith.addf %add3A_299, %get3A_306 : vector<16xf32>
          %mul3A_308 = arith.mulf %get3A_306, %get3A_306 : vector<16xf32>
          %add3A_309 = arith.addf %add3A_301, %mul3A_308 : vector<16xf32>
          %add3A_310 = arith.constant 13 : i32
          %add3A_311 = arith.addi %mul3A_163, %add3A_310 : i32
          %get3A_312 = arith.index_cast %add3A_311 : i32 to index
          %get3A_313 = arith.constant 0 : index
          %get3A_314 = tpu.vector_load %arg13[%get3A_312, %get3A_313] {strides = array<i32>} : memref<1664x16xf32, #tpu.memory_space<vmem>>, vector<16xf32>,
          %add3A_315 = arith.addf %add3A_307, %get3A_314 : vector<16xf32>
          %mul3A_316 = arith.mulf %get3A_314, %get3A_314 : vector<16xf32>
          %add3A_317 = arith.addf %add3A_309, %mul3A_316 : vector<16xf32>
          %add3A_318 = arith.constant 15 : i32
          %add3A_319 = arith.addi %mul3A_163, %add3A_318 : i32
          %get3A_320 = arith.index_cast %add3A_319 : i32 to index
          %get3A_321 = arith.constant 0 : index
          %get3A_322 = tpu.vector_load %arg13[%get3A_320, %get3A_321] {strides = array<i32>} : memref<1664x16xf32, #tpu.memory_space<vmem>>, vector<16xf32>,
          %add3A_323 = arith.addf %add3A_315, %get3A_322 : vector<16xf32>
          %mul3A_324 = arith.mulf %get3A_322, %get3A_322 : vector<16xf32>
          %add3A_325 = arith.addf %add3A_317, %mul3A_324 : vector<16xf32>
          %add3A_326 = arith.constant 17 : i32
          %add3A_327 = arith.addi %mul3A_163, %add3A_326 : i32
          %get3A_328 = arith.index_cast %add3A_327 : i32 to index
          %get3A_329 = arith.constant 0 : index
          %get3A_330 = tpu.vector_load %arg13[%get3A_328, %get3A_329] {strides = array<i32>} : memref<1664x16xf32, #tpu.memory_space<vmem>>, vector<16xf32>,
          %add3A_331 = arith.addf %add3A_323, %get3A_330 : vector<16xf32>
          %mul3A_332 = arith.mulf %get3A_330, %get3A_330 : vector<16xf32>
          %add3A_333 = arith.addf %add3A_325, %mul3A_332 : vector<16xf32>
          %add3A_334 = arith.constant 19 : i32
          %add3A_335 = arith.addi %mul3A_163, %add3A_334 : i32
          %get3A_336 = arith.index_cast %add3A_335 : i32 to index
          %get3A_337 = arith.constant 0 : index
          %get3A_338 = tpu.vector_load %arg13[%get3A_336, %get3A_337] {strides = array<i32>} : memref<1664x16xf32, #tpu.memory_space<vmem>>, vector<16xf32>,
          %add3A_339 = arith.addf %add3A_331, %get3A_338 : vector<16xf32>
          %mul3A_340 = arith.mulf %get3A_338, %get3A_338 : vector<16xf32>
          %add3A_341 = arith.addf %add3A_333, %mul3A_340 : vector<16xf32>
          %add3A_342 = arith.constant 21 : i32
          %add3A_343 = arith.addi %mul3A_163, %add3A_342 : i32
          %get3A_344 = arith.index_cast %add3A_343 : i32 to index
          %get3A_345 = arith.constant 0 : index
          %get3A_346 = tpu.vector_load %arg13[%get3A_344, %get3A_345] {strides = array<i32>} : memref<1664x16xf32, #tpu.memory_space<vmem>>, vector<16xf32>,
          %add3A_347 = arith.addf %add3A_339, %get3A_346 : vector<16xf32>
          %mul3A_348 = arith.mulf %get3A_346, %get3A_346 : vector<16xf32>
          %add3A_349 = arith.addf %add3A_341, %mul3A_348 : vector<16xf32>
          %add3A_350 = arith.constant 23 : i32
          %add3A_351 = arith.addi %mul3A_163, %add3A_350 : i32
          %get3A_352 = arith.index_cast %add3A_351 : i32 to index
          %get3A_353 = arith.constant 0 : index
          %get3A_354 = tpu.vector_load %arg13[%get3A_352, %get3A_353] {strides = array<i32>} : memref<1664x16xf32, #tpu.memory_space<vmem>>, vector<16xf32>,
          %add3A_355 = arith.addf %add3A_347, %get3A_354 : vector<16xf32>
          %mul3A_356 = arith.mulf %get3A_354, %get3A_354 : vector<16xf32>
          %add3A_357 = arith.addf %add3A_349, %mul3A_356 : vector<16xf32>
          %add3A_358 = arith.constant 25 : i32
          %add3A_359 = arith.addi %mul3A_163, %add3A_358 : i32
          %get3A_360 = arith.index_cast %add3A_359 : i32 to index
          %get3A_361 = arith.constant 0 : index
          %get3A_362 = tpu.vector_load %arg13[%get3A_360, %get3A_361] {strides = array<i32>} : memref<1664x16xf32, #tpu.memory_space<vmem>>, vector<16xf32>,
          %add3A_363 = arith.addf %add3A_355, %get3A_362 : vector<16xf32>
          %mul3A_364 = arith.mulf %get3A_362, %get3A_362 : vector<16xf32>
          %add3A_365 = arith.addf %add3A_357, %mul3A_364 : vector<16xf32>
          %add3A_366 = arith.addf %add3A_267, %add3A_363 : vector<16xf32>
          %add3A_367 = arith.addf %add3A_269, %add3A_365 : vector<16xf32>
          %get3A_368 = arith.index_cast %mul3A_163 : i32 to index
          %get3A_369 = tpu.vector_load %arg17[%get3A_368] {strides = array<i32>} : memref<1696xf32, #tpu.memory_space<vmem>>, vector<16xf32>,
          %add3A_370 = arith.constant 16 : i32
          %add3A_371 = arith.addi %mul3A_163, %add3A_370 : i32
          %get3A_372 = arith.index_cast %add3A_371 : i32 to index
          %get3A_373 = tpu.vector_load %arg17[%get3A_372] {strides = array<i32>} : memref<1696xf32, #tpu.memory_space<vmem>>, vector<16xf32>,
          %lt3A_374 = arith.constant 10 : i32
          %lt3A_375 = vector.broadcast %lt3A_374 : i32 to vector<16xi32>
          %lt3A_376 = arith.cmpi slt, %iota3A, %lt3A_375 : vector<16xi32>
          %jit3A = arith.constant 0.000000e+00 : f32
          %broadcast_in_dim3A_377 = vector.broadcast %jit3A : f32 to vector<16xf32>
          %select_n3A = arith.select %lt3A_376, %get3A_373, %broadcast_in_dim3A_377 : vector<16xi1>, vector<16xf32>
          %add3A_378 = arith.addf %get3A_369, %select_n3A : vector<16xf32>
          %mul3A_379 = arith.mulf %add3A_366, %add3A_366 : vector<16xf32>
          %sub3A_380 = arith.subf %mul3A_379, %add3A_367 : vector<16xf32>
          %mul3A_381 = arith.constant 5.000000e-01 : f32
          %mul3A_382 = vector.broadcast %mul3A_381 : f32 to vector<16xf32>
          %mul3A_383 = arith.mulf %mul3A_382, %sub3A_380 : vector<16xf32>
          %add3A_384 = arith.addf %add3A_378, %mul3A_383 : vector<16xf32>
          %reduce_sum3A = arith.constant true
          %reduce_sum3A_385 = vector.broadcast %reduce_sum3A : i1 to vector<16xi1>
          %reduce_sum3A_386 = tpu.scan <sum>, %add3A_384 masked %reduce_sum3A_385 : vector<16xf32>, vector<16xi1> -> vector<16xf32>
          %reduce_sum3A_387 = vector.extract %reduce_sum3A_386[15] : f32 from vector<16xf32>
          %eq3A = vector.broadcast %scan3A_159 : i32 to vector<16xi32>
          %eq3A_388 = arith.cmpi eq, %iota3A, %eq3A : vector<16xi32>
          %broadcast_in_dim3A_389 = vector.broadcast %reduce_sum3A_387 : f32 to vector<16xf32>
          %select_n3A_390 = arith.select %eq3A_388, %broadcast_in_dim3A_389, %scan3A_160 : vector<16xi1>, vector<16xf32>
          scf.yield %select_n3A_390 : vector<16xf32>
        }
        %scan3A_146 = arith.constant 16 : i32
        %add3A_147 = arith.addf %scan3A_145, %get3A_3 : vector<16xf32>
        %neg3A = arith.constant 0.000000e+00 : f32
        %neg3A_148 = vector.broadcast %neg3A : f32 to vector<16xf32>
        %neg3A_149 = arith.subf %neg3A_148, %add3A_147 : vector<16xf32>
        %exp3A = math.exp %neg3A_149 : vector<16xf32>
        %add3A_150 = arith.constant 1.000000e+00 : f32
        %add3A_151 = vector.broadcast %add3A_150 : f32 to vector<16xf32>
        %add3A_152 = arith.addf %add3A_151, %exp3A : vector<16xf32>
        %div3A = arith.constant 1.000000e+00 : f32
        %div3A_153 = vector.broadcast %div3A : f32 to vector<16xf32>
        %div3A_154 = arith.divf %div3A_153, %add3A_152 : vector<16xf32>
        %mul3A_155 = arith.constant 64 : i32
        %mul3A_156 = arith.muli %add3A_88, %mul3A_155 : i32
        %add3A_157 = arith.addi %mul3A_156, %mul3A_139 : i32
        %swap3A = arith.index_cast %add3A_157 : i32 to index
        %swap3A_158 = tpu.vector_load %arg19[%swap3A] {strides = array<i32>} : memref<512xf32, #tpu.memory_space<vmem>>, vector<16xf32>,
        tpu.vector_store %arg19[%swap3A], %div3A_154 {strides = array<i32>} : memref<512xf32, #tpu.memory_space<vmem>>, vector<16xf32>,
      }
      %scan3A_110 = arith.constant 4 : i32
      %mul3A_111 = arith.constant 4 : i32
      %mul3A_112 = arith.muli %scan3A_37, %mul3A_111 : i32
      %add3A_113 = arith.constant 3 : i32
      %add3A_114 = arith.addi %mul3A_112, %add3A_113 : i32
      %dma_wait3A_115 = arith.constant 0 : i32
      %dma_wait3A_116 = arith.constant 0 : i32
      %dma_wait3A_117 = tpu.memref_slice %arg3[%dma_wait3A_115, %dma_wait3A_116] : memref<1000064x16xf32, #tpu.memory_space<hbm>> -> memref<1000064x16xf32, #tpu.memory_space<hbm>>
      tpu.wait_indirect_dma semaphore(%arg24 : memref<!tpu.dma_semaphore, #tpu.memory_space<semaphore_mem>>) src(%dma_wait3A_117 : memref<1000064x16xf32, #tpu.memory_space<hbm>>) dst(%arg14 : memref<1664x16xf32, #tpu.memory_space<vmem>>)
      %dma_wait3A_118 = arith.constant 0 : i32
      %dma_wait3A_119 = tpu.memref_slice %arg18[%dma_wait3A_118] : memref<1696xf32, #tpu.memory_space<vmem>> -> memref<1664xf32, #tpu.memory_space<vmem>>
      %dma_wait3A_120 = arith.constant 0 : i32
      %dma_wait3A_121 = tpu.memref_slice %arg4[%dma_wait3A_120] : memref<1000000xf32, #tpu.memory_space<hbm>> -> memref<1000000xf32, #tpu.memory_space<hbm>>
      tpu.wait_indirect_dma semaphore(%arg24 : memref<!tpu.dma_semaphore, #tpu.memory_space<semaphore_mem>>) src(%dma_wait3A_121 : memref<1000000xf32, #tpu.memory_space<hbm>>) dst(%dma_wait3A_119 : memref<1664xf32, #tpu.memory_space<vmem>>)
      %add3A_122 = arith.constant 4 : i32
      %add3A_123 = arith.addi %add3A_114, %add3A_122 : i32
      %sub3A_124 = arith.constant 1 : i32
      %sub3A_125 = arith.subi %add3A_123, %sub3A_124 : i32
      %lt3A_126 = arith.constant 8 : i32
      %lt3A_127 = arith.cmpi slt, %sub3A_125, %lt3A_126 : i32
      %convert_element_type3A_128 = arith.extui %lt3A_127 : i1 to i32
      %cond3A_129 = arith.constant 0 : i32
      %cond3A_130 = arith.cmpi ne, %convert_element_type3A_128, %cond3A_129 : i32
      scf.if %cond3A_130 {
        %add3A_137 = arith.constant 4 : i32
        %add3A_138 = arith.addi %add3A_114, %add3A_137 : i32
        %sub3A_139 = arith.constant 1 : i32
        %sub3A_140 = arith.subi %add3A_138, %sub3A_139 : i32
        %mul3A_141 = arith.constant 1664 : i32
        %mul3A_142 = arith.muli %sub3A_140, %mul3A_141 : i32
        %add3A_143 = arith.addi %mul3A_2, %mul3A_142 : i32
        "tpu.region"() ({
          %run_scoped3A = tpu.sem_alloc : memref<!tpu.dma_semaphore, #tpu.memory_space<semaphore_mem>>
          %dma_start3A_151 = tpu.memref_slice %arg2[%add3A_143] : memref<425984xi32, #tpu.memory_space<hbm>> -> memref<1664xi32, #tpu.memory_space<hbm>>
          %dma_start3A_152 = tpu.memref_slice %arg2[%add3A_143] : memref<425984xi32, #tpu.memory_space<hbm>> -> memref<1664xi32, #tpu.memory_space<hbm>>
          tpu.enqueue_dma source(%dma_start3A_152 : memref<1664xi32, #tpu.memory_space<hbm>>) target(%arg9 : memref<1664xi32, #tpu.memory_space<vmem>>) target_semaphore(%run_scoped3A : memref<!tpu.dma_semaphore, #tpu.memory_space<semaphore_mem>>)
          %dma_wait3A_153 = tpu.memref_slice %arg2[%add3A_143] : memref<425984xi32, #tpu.memory_space<hbm>> -> memref<1664xi32, #tpu.memory_space<hbm>>
          %dma_wait3A_154 = tpu.memref_slice %arg2[%add3A_143] : memref<425984xi32, #tpu.memory_space<hbm>> -> memref<1664xi32, #tpu.memory_space<hbm>>
          tpu.wait_dma2 semaphore(%run_scoped3A : memref<!tpu.dma_semaphore, #tpu.memory_space<semaphore_mem>>) src(%dma_wait3A_154 : memref<1664xi32, #tpu.memory_space<hbm>>) dst(%arg9 : memref<1664xi32, #tpu.memory_space<vmem>>)
          tpu.yield
        }) : () -> ()
        %dma_start3A_144 = arith.constant 0 : i32
        %dma_start3A_145 = arith.constant 0 : i32
        %dma_start3A_146 = tpu.memref_slice %arg3[%dma_start3A_144, %dma_start3A_145] : memref<1000064x16xf32, #tpu.memory_space<hbm>> -> memref<1000064x16xf32, #tpu.memory_space<hbm>>
        tpu.enqueue_indirect_dma source(%dma_start3A_146 : memref<1000064x16xf32, #tpu.memory_space<hbm>>) target(%arg13 : memref<1664x16xf32, #tpu.memory_space<vmem>>) offsets(%arg9 : memref<1664xi32, #tpu.memory_space<vmem>>) semaphore(%arg23 : memref<!tpu.dma_semaphore, #tpu.memory_space<semaphore_mem>>)
        %dma_start3A_147 = arith.constant 0 : i32
        %dma_start3A_148 = tpu.memref_slice %arg17[%dma_start3A_147] : memref<1696xf32, #tpu.memory_space<vmem>> -> memref<1664xf32, #tpu.memory_space<vmem>>
        %dma_start3A_149 = arith.constant 0 : i32
        %dma_start3A_150 = tpu.memref_slice %arg4[%dma_start3A_149] : memref<1000000xf32, #tpu.memory_space<hbm>> -> memref<1000000xf32, #tpu.memory_space<hbm>>
        tpu.enqueue_indirect_dma source(%dma_start3A_150 : memref<1000000xf32, #tpu.memory_space<hbm>>) target(%dma_start3A_148 : memref<1664xf32, #tpu.memory_space<vmem>>) offsets(%arg9 : memref<1664xi32, #tpu.memory_space<vmem>>) semaphore(%arg23 : memref<!tpu.dma_semaphore, #tpu.memory_space<semaphore_mem>>)
      } else {
      }
      %scan3A_131 = arith.constant 0 : i32
      %scan3A_132 = arith.constant 0 : i32
      %scan3A_133 = arith.constant 4 : i32
      %scan3A_134 = arith.addi %scan3A_132, %scan3A_133 : i32
      %scan3A_135 = arith.constant 1 : i32
      scf.for %scan3A_137 = %scan3A_132 to %scan3A_134 step %scan3A_135  : i32 {
        %mul3A_138 = arith.constant 16 : i32
        %mul3A_139 = arith.muli %scan3A_137, %mul3A_138 : i32
        %broadcast_in_dim3A = arith.constant 0.000000e+00 : f32
        %broadcast_in_dim3A_140 = vector.broadcast %broadcast_in_dim3A : f32 to vector<16xf32>
        %scan3A_141 = arith.constant 0 : i32
        %scan3A_142 = arith.constant 16 : i32
        %scan3A_143 = arith.addi %scan3A_141, %scan3A_142 : i32
        %scan3A_144 = arith.constant 1 : i32
        %scan3A_145 = scf.for %scan3A_159 = %scan3A_141 to %scan3A_143 step %scan3A_144 iter_args(%scan3A_160 = %broadcast_in_dim3A_140) -> (vector<16xf32>)  : i32 {
          %add3A_161 = arith.addi %mul3A_139, %scan3A_159 : i32
          %mul3A_162 = arith.constant 26 : i32
          %mul3A_163 = arith.muli %add3A_161, %mul3A_162 : i32
          %get3A_164 = arith.index_cast %mul3A_163 : i32 to index
          %get3A_165 = arith.constant 0 : index
          %get3A_166 = tpu.vector_load %arg14[%get3A_164, %get3A_165] {strides = array<i32>} : memref<1664x16xf32, #tpu.memory_space<vmem>>, vector<16xf32>,
          %add3A_167 = arith.constant 1 : i32
          %add3A_168 = arith.addi %mul3A_163, %add3A_167 : i32
          %get3A_169 = arith.index_cast %add3A_168 : i32 to index
          %get3A_170 = arith.constant 0 : index
          %get3A_171 = tpu.vector_load %arg14[%get3A_169, %get3A_170] {strides = array<i32>} : memref<1664x16xf32, #tpu.memory_space<vmem>>, vector<16xf32>,
          %mul3A_172 = arith.mulf %get3A_166, %get3A_166 : vector<16xf32>
          %mul3A_173 = arith.mulf %get3A_171, %get3A_171 : vector<16xf32>
          %add3A_174 = arith.constant 2 : i32
          %add3A_175 = arith.addi %mul3A_163, %add3A_174 : i32
          %get3A_176 = arith.index_cast %add3A_175 : i32 to index
          %get3A_177 = arith.constant 0 : index
          %get3A_178 = tpu.vector_load %arg14[%get3A_176, %get3A_177] {strides = array<i32>} : memref<1664x16xf32, #tpu.memory_space<vmem>>, vector<16xf32>,
          %add3A_179 = arith.addf %get3A_166, %get3A_178 : vector<16xf32>
          %mul3A_180 = arith.mulf %get3A_178, %get3A_178 : vector<16xf32>
          %add3A_181 = arith.addf %mul3A_172, %mul3A_180 : vector<16xf32>
          %add3A_182 = arith.constant 4 : i32
          %add3A_183 = arith.addi %mul3A_163, %add3A_182 : i32
          %get3A_184 = arith.index_cast %add3A_183 : i32 to index
          %get3A_185 = arith.constant 0 : index
          %get3A_186 = tpu.vector_load %arg14[%get3A_184, %get3A_185] {strides = array<i32>} : memref<1664x16xf32, #tpu.memory_space<vmem>>, vector<16xf32>,
          %add3A_187 = arith.addf %add3A_179, %get3A_186 : vector<16xf32>
          %mul3A_188 = arith.mulf %get3A_186, %get3A_186 : vector<16xf32>
          %add3A_189 = arith.addf %add3A_181, %mul3A_188 : vector<16xf32>
          %add3A_190 = arith.constant 6 : i32
          %add3A_191 = arith.addi %mul3A_163, %add3A_190 : i32
          %get3A_192 = arith.index_cast %add3A_191 : i32 to index
          %get3A_193 = arith.constant 0 : index
          %get3A_194 = tpu.vector_load %arg14[%get3A_192, %get3A_193] {strides = array<i32>} : memref<1664x16xf32, #tpu.memory_space<vmem>>, vector<16xf32>,
          %add3A_195 = arith.addf %add3A_187, %get3A_194 : vector<16xf32>
          %mul3A_196 = arith.mulf %get3A_194, %get3A_194 : vector<16xf32>
          %add3A_197 = arith.addf %add3A_189, %mul3A_196 : vector<16xf32>
          %add3A_198 = arith.constant 8 : i32
          %add3A_199 = arith.addi %mul3A_163, %add3A_198 : i32
          %get3A_200 = arith.index_cast %add3A_199 : i32 to index
          %get3A_201 = arith.constant 0 : index
          %get3A_202 = tpu.vector_load %arg14[%get3A_200, %get3A_201] {strides = array<i32>} : memref<1664x16xf32, #tpu.memory_space<vmem>>, vector<16xf32>,
          %add3A_203 = arith.addf %add3A_195, %get3A_202 : vector<16xf32>
          %mul3A_204 = arith.mulf %get3A_202, %get3A_202 : vector<16xf32>
          %add3A_205 = arith.addf %add3A_197, %mul3A_204 : vector<16xf32>
          %add3A_206 = arith.constant 10 : i32
          %add3A_207 = arith.addi %mul3A_163, %add3A_206 : i32
          %get3A_208 = arith.index_cast %add3A_207 : i32 to index
          %get3A_209 = arith.constant 0 : index
          %get3A_210 = tpu.vector_load %arg14[%get3A_208, %get3A_209] {strides = array<i32>} : memref<1664x16xf32, #tpu.memory_space<vmem>>, vector<16xf32>,
          %add3A_211 = arith.addf %add3A_203, %get3A_210 : vector<16xf32>
          %mul3A_212 = arith.mulf %get3A_210, %get3A_210 : vector<16xf32>
          %add3A_213 = arith.addf %add3A_205, %mul3A_212 : vector<16xf32>
          %add3A_214 = arith.constant 12 : i32
          %add3A_215 = arith.addi %mul3A_163, %add3A_214 : i32
          %get3A_216 = arith.index_cast %add3A_215 : i32 to index
          %get3A_217 = arith.constant 0 : index
          %get3A_218 = tpu.vector_load %arg14[%get3A_216, %get3A_217] {strides = array<i32>} : memref<1664x16xf32, #tpu.memory_space<vmem>>, vector<16xf32>,
          %add3A_219 = arith.addf %add3A_211, %get3A_218 : vector<16xf32>
          %mul3A_220 = arith.mulf %get3A_218, %get3A_218 : vector<16xf32>
          %add3A_221 = arith.addf %add3A_213, %mul3A_220 : vector<16xf32>
          %add3A_222 = arith.constant 14 : i32
          %add3A_223 = arith.addi %mul3A_163, %add3A_222 : i32
          %get3A_224 = arith.index_cast %add3A_223 : i32 to index
          %get3A_225 = arith.constant 0 : index
          %get3A_226 = tpu.vector_load %arg14[%get3A_224, %get3A_225] {strides = array<i32>} : memref<1664x16xf32, #tpu.memory_space<vmem>>, vector<16xf32>,
          %add3A_227 = arith.addf %add3A_219, %get3A_226 : vector<16xf32>
          %mul3A_228 = arith.mulf %get3A_226, %get3A_226 : vector<16xf32>
          %add3A_229 = arith.addf %add3A_221, %mul3A_228 : vector<16xf32>
          %add3A_230 = arith.constant 16 : i32
          %add3A_231 = arith.addi %mul3A_163, %add3A_230 : i32
          %get3A_232 = arith.index_cast %add3A_231 : i32 to index
          %get3A_233 = arith.constant 0 : index
          %get3A_234 = tpu.vector_load %arg14[%get3A_232, %get3A_233] {strides = array<i32>} : memref<1664x16xf32, #tpu.memory_space<vmem>>, vector<16xf32>,
          %add3A_235 = arith.addf %add3A_227, %get3A_234 : vector<16xf32>
          %mul3A_236 = arith.mulf %get3A_234, %get3A_234 : vector<16xf32>
          %add3A_237 = arith.addf %add3A_229, %mul3A_236 : vector<16xf32>
          %add3A_238 = arith.constant 18 : i32
          %add3A_239 = arith.addi %mul3A_163, %add3A_238 : i32
          %get3A_240 = arith.index_cast %add3A_239 : i32 to index
          %get3A_241 = arith.constant 0 : index
          %get3A_242 = tpu.vector_load %arg14[%get3A_240, %get3A_241] {strides = array<i32>} : memref<1664x16xf32, #tpu.memory_space<vmem>>, vector<16xf32>,
          %add3A_243 = arith.addf %add3A_235, %get3A_242 : vector<16xf32>
          %mul3A_244 = arith.mulf %get3A_242, %get3A_242 : vector<16xf32>
          %add3A_245 = arith.addf %add3A_237, %mul3A_244 : vector<16xf32>
          %add3A_246 = arith.constant 20 : i32
          %add3A_247 = arith.addi %mul3A_163, %add3A_246 : i32
          %get3A_248 = arith.index_cast %add3A_247 : i32 to index
          %get3A_249 = arith.constant 0 : index
          %get3A_250 = tpu.vector_load %arg14[%get3A_248, %get3A_249] {strides = array<i32>} : memref<1664x16xf32, #tpu.memory_space<vmem>>, vector<16xf32>,
          %add3A_251 = arith.addf %add3A_243, %get3A_250 : vector<16xf32>
          %mul3A_252 = arith.mulf %get3A_250, %get3A_250 : vector<16xf32>
          %add3A_253 = arith.addf %add3A_245, %mul3A_252 : vector<16xf32>
          %add3A_254 = arith.constant 22 : i32
          %add3A_255 = arith.addi %mul3A_163, %add3A_254 : i32
          %get3A_256 = arith.index_cast %add3A_255 : i32 to index
          %get3A_257 = arith.constant 0 : index
          %get3A_258 = tpu.vector_load %arg14[%get3A_256, %get3A_257] {strides = array<i32>} : memref<1664x16xf32, #tpu.memory_space<vmem>>, vector<16xf32>,
          %add3A_259 = arith.addf %add3A_251, %get3A_258 : vector<16xf32>
          %mul3A_260 = arith.mulf %get3A_258, %get3A_258 : vector<16xf32>
          %add3A_261 = arith.addf %add3A_253, %mul3A_260 : vector<16xf32>
          %add3A_262 = arith.constant 24 : i32
          %add3A_263 = arith.addi %mul3A_163, %add3A_262 : i32
          %get3A_264 = arith.index_cast %add3A_263 : i32 to index
          %get3A_265 = arith.constant 0 : index
          %get3A_266 = tpu.vector_load %arg14[%get3A_264, %get3A_265] {strides = array<i32>} : memref<1664x16xf32, #tpu.memory_space<vmem>>, vector<16xf32>,
          %add3A_267 = arith.addf %add3A_259, %get3A_266 : vector<16xf32>
          %mul3A_268 = arith.mulf %get3A_266, %get3A_266 : vector<16xf32>
          %add3A_269 = arith.addf %add3A_261, %mul3A_268 : vector<16xf32>
          %add3A_270 = arith.constant 3 : i32
          %add3A_271 = arith.addi %mul3A_163, %add3A_270 : i32
          %get3A_272 = arith.index_cast %add3A_271 : i32 to index
          %get3A_273 = arith.constant 0 : index
          %get3A_274 = tpu.vector_load %arg14[%get3A_272, %get3A_273] {strides = array<i32>} : memref<1664x16xf32, #tpu.memory_space<vmem>>, vector<16xf32>,
          %add3A_275 = arith.addf %get3A_171, %get3A_274 : vector<16xf32>
          %mul3A_276 = arith.mulf %get3A_274, %get3A_274 : vector<16xf32>
          %add3A_277 = arith.addf %mul3A_173, %mul3A_276 : vector<16xf32>
          %add3A_278 = arith.constant 5 : i32
          %add3A_279 = arith.addi %mul3A_163, %add3A_278 : i32
          %get3A_280 = arith.index_cast %add3A_279 : i32 to index
          %get3A_281 = arith.constant 0 : index
          %get3A_282 = tpu.vector_load %arg14[%get3A_280, %get3A_281] {strides = array<i32>} : memref<1664x16xf32, #tpu.memory_space<vmem>>, vector<16xf32>,
          %add3A_283 = arith.addf %add3A_275, %get3A_282 : vector<16xf32>
          %mul3A_284 = arith.mulf %get3A_282, %get3A_282 : vector<16xf32>
          %add3A_285 = arith.addf %add3A_277, %mul3A_284 : vector<16xf32>
          %add3A_286 = arith.constant 7 : i32
          %add3A_287 = arith.addi %mul3A_163, %add3A_286 : i32
          %get3A_288 = arith.index_cast %add3A_287 : i32 to index
          %get3A_289 = arith.constant 0 : index
          %get3A_290 = tpu.vector_load %arg14[%get3A_288, %get3A_289] {strides = array<i32>} : memref<1664x16xf32, #tpu.memory_space<vmem>>, vector<16xf32>,
          %add3A_291 = arith.addf %add3A_283, %get3A_290 : vector<16xf32>
          %mul3A_292 = arith.mulf %get3A_290, %get3A_290 : vector<16xf32>
          %add3A_293 = arith.addf %add3A_285, %mul3A_292 : vector<16xf32>
          %add3A_294 = arith.constant 9 : i32
          %add3A_295 = arith.addi %mul3A_163, %add3A_294 : i32
          %get3A_296 = arith.index_cast %add3A_295 : i32 to index
          %get3A_297 = arith.constant 0 : index
          %get3A_298 = tpu.vector_load %arg14[%get3A_296, %get3A_297] {strides = array<i32>} : memref<1664x16xf32, #tpu.memory_space<vmem>>, vector<16xf32>,
          %add3A_299 = arith.addf %add3A_291, %get3A_298 : vector<16xf32>
          %mul3A_300 = arith.mulf %get3A_298, %get3A_298 : vector<16xf32>
          %add3A_301 = arith.addf %add3A_293, %mul3A_300 : vector<16xf32>
          %add3A_302 = arith.constant 11 : i32
          %add3A_303 = arith.addi %mul3A_163, %add3A_302 : i32
          %get3A_304 = arith.index_cast %add3A_303 : i32 to index
          %get3A_305 = arith.constant 0 : index
          %get3A_306 = tpu.vector_load %arg14[%get3A_304, %get3A_305] {strides = array<i32>} : memref<1664x16xf32, #tpu.memory_space<vmem>>, vector<16xf32>,
          %add3A_307 = arith.addf %add3A_299, %get3A_306 : vector<16xf32>
          %mul3A_308 = arith.mulf %get3A_306, %get3A_306 : vector<16xf32>
          %add3A_309 = arith.addf %add3A_301, %mul3A_308 : vector<16xf32>
          %add3A_310 = arith.constant 13 : i32
          %add3A_311 = arith.addi %mul3A_163, %add3A_310 : i32
          %get3A_312 = arith.index_cast %add3A_311 : i32 to index
          %get3A_313 = arith.constant 0 : index
          %get3A_314 = tpu.vector_load %arg14[%get3A_312, %get3A_313] {strides = array<i32>} : memref<1664x16xf32, #tpu.memory_space<vmem>>, vector<16xf32>,
          %add3A_315 = arith.addf %add3A_307, %get3A_314 : vector<16xf32>
          %mul3A_316 = arith.mulf %get3A_314, %get3A_314 : vector<16xf32>
          %add3A_317 = arith.addf %add3A_309, %mul3A_316 : vector<16xf32>
          %add3A_318 = arith.constant 15 : i32
          %add3A_319 = arith.addi %mul3A_163, %add3A_318 : i32
          %get3A_320 = arith.index_cast %add3A_319 : i32 to index
          %get3A_321 = arith.constant 0 : index
          %get3A_322 = tpu.vector_load %arg14[%get3A_320, %get3A_321] {strides = array<i32>} : memref<1664x16xf32, #tpu.memory_space<vmem>>, vector<16xf32>,
          %add3A_323 = arith.addf %add3A_315, %get3A_322 : vector<16xf32>
          %mul3A_324 = arith.mulf %get3A_322, %get3A_322 : vector<16xf32>
          %add3A_325 = arith.addf %add3A_317, %mul3A_324 : vector<16xf32>
          %add3A_326 = arith.constant 17 : i32
          %add3A_327 = arith.addi %mul3A_163, %add3A_326 : i32
          %get3A_328 = arith.index_cast %add3A_327 : i32 to index
          %get3A_329 = arith.constant 0 : index
          %get3A_330 = tpu.vector_load %arg14[%get3A_328, %get3A_329] {strides = array<i32>} : memref<1664x16xf32, #tpu.memory_space<vmem>>, vector<16xf32>,
          %add3A_331 = arith.addf %add3A_323, %get3A_330 : vector<16xf32>
          %mul3A_332 = arith.mulf %get3A_330, %get3A_330 : vector<16xf32>
          %add3A_333 = arith.addf %add3A_325, %mul3A_332 : vector<16xf32>
          %add3A_334 = arith.constant 19 : i32
          %add3A_335 = arith.addi %mul3A_163, %add3A_334 : i32
          %get3A_336 = arith.index_cast %add3A_335 : i32 to index
          %get3A_337 = arith.constant 0 : index
          %get3A_338 = tpu.vector_load %arg14[%get3A_336, %get3A_337] {strides = array<i32>} : memref<1664x16xf32, #tpu.memory_space<vmem>>, vector<16xf32>,
          %add3A_339 = arith.addf %add3A_331, %get3A_338 : vector<16xf32>
          %mul3A_340 = arith.mulf %get3A_338, %get3A_338 : vector<16xf32>
          %add3A_341 = arith.addf %add3A_333, %mul3A_340 : vector<16xf32>
          %add3A_342 = arith.constant 21 : i32
          %add3A_343 = arith.addi %mul3A_163, %add3A_342 : i32
          %get3A_344 = arith.index_cast %add3A_343 : i32 to index
          %get3A_345 = arith.constant 0 : index
          %get3A_346 = tpu.vector_load %arg14[%get3A_344, %get3A_345] {strides = array<i32>} : memref<1664x16xf32, #tpu.memory_space<vmem>>, vector<16xf32>,
          %add3A_347 = arith.addf %add3A_339, %get3A_346 : vector<16xf32>
          %mul3A_348 = arith.mulf %get3A_346, %get3A_346 : vector<16xf32>
          %add3A_349 = arith.addf %add3A_341, %mul3A_348 : vector<16xf32>
          %add3A_350 = arith.constant 23 : i32
          %add3A_351 = arith.addi %mul3A_163, %add3A_350 : i32
          %get3A_352 = arith.index_cast %add3A_351 : i32 to index
          %get3A_353 = arith.constant 0 : index
          %get3A_354 = tpu.vector_load %arg14[%get3A_352, %get3A_353] {strides = array<i32>} : memref<1664x16xf32, #tpu.memory_space<vmem>>, vector<16xf32>,
          %add3A_355 = arith.addf %add3A_347, %get3A_354 : vector<16xf32>
          %mul3A_356 = arith.mulf %get3A_354, %get3A_354 : vector<16xf32>
          %add3A_357 = arith.addf %add3A_349, %mul3A_356 : vector<16xf32>
          %add3A_358 = arith.constant 25 : i32
          %add3A_359 = arith.addi %mul3A_163, %add3A_358 : i32
          %get3A_360 = arith.index_cast %add3A_359 : i32 to index
          %get3A_361 = arith.constant 0 : index
          %get3A_362 = tpu.vector_load %arg14[%get3A_360, %get3A_361] {strides = array<i32>} : memref<1664x16xf32, #tpu.memory_space<vmem>>, vector<16xf32>,
          %add3A_363 = arith.addf %add3A_355, %get3A_362 : vector<16xf32>
          %mul3A_364 = arith.mulf %get3A_362, %get3A_362 : vector<16xf32>
          %add3A_365 = arith.addf %add3A_357, %mul3A_364 : vector<16xf32>
          %add3A_366 = arith.addf %add3A_267, %add3A_363 : vector<16xf32>
          %add3A_367 = arith.addf %add3A_269, %add3A_365 : vector<16xf32>
          %get3A_368 = arith.index_cast %mul3A_163 : i32 to index
          %get3A_369 = tpu.vector_load %arg18[%get3A_368] {strides = array<i32>} : memref<1696xf32, #tpu.memory_space<vmem>>, vector<16xf32>,
          %add3A_370 = arith.constant 16 : i32
          %add3A_371 = arith.addi %mul3A_163, %add3A_370 : i32
          %get3A_372 = arith.index_cast %add3A_371 : i32 to index
          %get3A_373 = tpu.vector_load %arg18[%get3A_372] {strides = array<i32>} : memref<1696xf32, #tpu.memory_space<vmem>>, vector<16xf32>,
          %lt3A_374 = arith.constant 10 : i32
          %lt3A_375 = vector.broadcast %lt3A_374 : i32 to vector<16xi32>
          %lt3A_376 = arith.cmpi slt, %iota3A, %lt3A_375 : vector<16xi32>
          %jit3A = arith.constant 0.000000e+00 : f32
          %broadcast_in_dim3A_377 = vector.broadcast %jit3A : f32 to vector<16xf32>
          %select_n3A = arith.select %lt3A_376, %get3A_373, %broadcast_in_dim3A_377 : vector<16xi1>, vector<16xf32>
          %add3A_378 = arith.addf %get3A_369, %select_n3A : vector<16xf32>
          %mul3A_379 = arith.mulf %add3A_366, %add3A_366 : vector<16xf32>
          %sub3A_380 = arith.subf %mul3A_379, %add3A_367 : vector<16xf32>
          %mul3A_381 = arith.constant 5.000000e-01 : f32
          %mul3A_382 = vector.broadcast %mul3A_381 : f32 to vector<16xf32>
          %mul3A_383 = arith.mulf %mul3A_382, %sub3A_380 : vector<16xf32>
          %add3A_384 = arith.addf %add3A_378, %mul3A_383 : vector<16xf32>
          %reduce_sum3A = arith.constant true
          %reduce_sum3A_385 = vector.broadcast %reduce_sum3A : i1 to vector<16xi1>
          %reduce_sum3A_386 = tpu.scan <sum>, %add3A_384 masked %reduce_sum3A_385 : vector<16xf32>, vector<16xi1> -> vector<16xf32>
          %reduce_sum3A_387 = vector.extract %reduce_sum3A_386[15] : f32 from vector<16xf32>
          %eq3A = vector.broadcast %scan3A_159 : i32 to vector<16xi32>
          %eq3A_388 = arith.cmpi eq, %iota3A, %eq3A : vector<16xi32>
          %broadcast_in_dim3A_389 = vector.broadcast %reduce_sum3A_387 : f32 to vector<16xf32>
          %select_n3A_390 = arith.select %eq3A_388, %broadcast_in_dim3A_389, %scan3A_160 : vector<16xi1>, vector<16xf32>
          scf.yield %select_n3A_390 : vector<16xf32>
        }
        %scan3A_146 = arith.constant 16 : i32
        %add3A_147 = arith.addf %scan3A_145, %get3A_3 : vector<16xf32>
        %neg3A = arith.constant 0.000000e+00 : f32
        %neg3A_148 = vector.broadcast %neg3A : f32 to vector<16xf32>
        %neg3A_149 = arith.subf %neg3A_148, %add3A_147 : vector<16xf32>
        %exp3A = math.exp %neg3A_149 : vector<16xf32>
        %add3A_150 = arith.constant 1.000000e+00 : f32
        %add3A_151 = vector.broadcast %add3A_150 : f32 to vector<16xf32>
        %add3A_152 = arith.addf %add3A_151, %exp3A : vector<16xf32>
        %div3A = arith.constant 1.000000e+00 : f32
        %div3A_153 = vector.broadcast %div3A : f32 to vector<16xf32>
        %div3A_154 = arith.divf %div3A_153, %add3A_152 : vector<16xf32>
        %mul3A_155 = arith.constant 64 : i32
        %mul3A_156 = arith.muli %add3A_114, %mul3A_155 : i32
        %add3A_157 = arith.addi %mul3A_156, %mul3A_139 : i32
        %swap3A = arith.index_cast %add3A_157 : i32 to index
        %swap3A_158 = tpu.vector_load %arg19[%swap3A] {strides = array<i32>} : memref<512xf32, #tpu.memory_space<vmem>>, vector<16xf32>,
        tpu.vector_store %arg19[%swap3A], %div3A_154 {strides = array<i32>} : memref<512xf32, #tpu.memory_space<vmem>>, vector<16xf32>,
      }
      %scan3A_136 = arith.constant 4 : i32
    }
    %scan3A_34 = arith.constant 2 : i32
    %mul3A_35 = arith.constant 512 : i32
    %mul3A_36 = arith.muli %add3A, %mul3A_35 : i32
    "tpu.region"() ({
      %run_scoped3A = tpu.sem_alloc : memref<!tpu.dma_semaphore, #tpu.memory_space<semaphore_mem>>
      %dma_start3A_37 = tpu.memref_slice %arg6[%mul3A_36] : memref<16384xf32, #tpu.memory_space<hbm>> -> memref<512xf32, #tpu.memory_space<hbm>>
      %dma_start3A_38 = tpu.memref_slice %arg6[%mul3A_36] : memref<16384xf32, #tpu.memory_space<hbm>> -> memref<512xf32, #tpu.memory_space<hbm>>
      tpu.enqueue_dma source(%arg19 : memref<512xf32, #tpu.memory_space<vmem>>) target(%dma_start3A_38 : memref<512xf32, #tpu.memory_space<hbm>>) target_semaphore(%run_scoped3A : memref<!tpu.dma_semaphore, #tpu.memory_space<semaphore_mem>>)
      %dma_wait3A = tpu.memref_slice %arg6[%mul3A_36] : memref<16384xf32, #tpu.memory_space<hbm>> -> memref<512xf32, #tpu.memory_space<hbm>>
      %dma_wait3A_39 = tpu.memref_slice %arg6[%mul3A_36] : memref<16384xf32, #tpu.memory_space<hbm>> -> memref<512xf32, #tpu.memory_space<hbm>>
      tpu.wait_dma2 semaphore(%run_scoped3A : memref<!tpu.dma_semaphore, #tpu.memory_space<semaphore_mem>>) src(%arg19 : memref<512xf32, #tpu.memory_space<vmem>>) dst(%dma_wait3A_39 : memref<512xf32, #tpu.memory_space<hbm>>)
      tpu.yield
    }) : () -> ()
    return
  }
}

</mosaic_0001>

<sc_bundles>
// kernel: kernel.4.cloned.1.call-start
scs
__scs_entry_jumppad:
0x0: {  	(pc) =	sbr.rel $0x88, $3  }
0x1: {  	(tag) =	ssettag $0x0;
	lr =	simm.s32 $0x1  }
0x2: {  	[smem:$0x3F9C] =	sst lr;
	_ =	strace $0xD0000000  }
0x3: {  	_ = 	snop  }
0x4: {  	_ = 	snop  }
0x5: {  	_ = 	snop  }
0x6: {  	_ = 	snop  }
0x7: {  	_ = 	snop  }
__scs_overlays_trampoline_lowered:
0x8: {  	[smem:$0x3FAB] =	sst s0  }
0x9: {  	[smem:$0x3FAC] =	sst s1  }
0xa: {  	[smem:$0x3FAD] =	sst s2  }
0xb: {  	[smem:$0x3FAE] =	sst s3  }
0xc: {  	[smem:$0x3FAF] =	sst s4  }
0xd: {  	[smem:$0x3FB0] =	sst s5  }
0xe: {  	[smem:$0x3FB1] =	sst s6  }
0xf: {  	[smem:$0x3FB2] =	sst s7  }
0x10: {  	[smem:$0x3FB3] =	sst s8  }
0x11: {  	[smem:$0x3FB4] =	sst s9;
	s0 =	simm.s32 @!p0 $0x0  }
0x12: {  	s1 =	sld [smem:$0x3F9A];
	s0 =	simm.s32 @p0 $0x1  }
0x13: {  	[smem:$0x3FB5] =	sst s0;
	s0 =	simm.s32 @!p1 $0x0  }
0x14: {  	s2 =	sld [smem:$0x3F99];
	s0 =	simm.s32 @p1 $0x1  }
0x15: {  	[smem:$0x3FB6] =	sst s0;
	s0 =	simm.s32 @!p2 $0x0  }
0x16: {  	s3 =	sld [smem:$0x3FDB];
	s0 =	simm.s32 @p2 $0x1  }
0x17: {  	s4 =	simm.s32 $0x1BF5;
	[smem:$0x3FB8] =	sst s0  }
0x18: {  	s0 =	sld [smem:$0x3F9B];
	_ =	swait.ge [sflag:s4], $0x0  }
0x19: {  	s7 =	sld [smem:$0x3F9C]  }
0x1a: {  	s8 =	sadd.s32 $0xFFFFE003, lr  }
0x1b: {  	s9 =	sadd.s32 $0xFFFFFEF7, lr;
	s5 =	simm.s32 $0xFFFFFFFF;
	p2 =	slt.u32 s8, $0xFFFFF086  }
0x1c: {  	p1 =	slt.u32 s9, $0xF7A;
	s5 =	simm.s32 @!p2 $0x0  }
0x1d: {  	s5 =	simm.s32 @p1 $0x1;
	p0 =	seq.s32 s7, s2  }
0x1e: {  	s7 =	smul.u32 @!p0 $0xF7A, s2;
	p2 =	seq.s32 @!p0 s5, $0x0  }
0x1f: {  	s9 =	smul.u32 $0xF7A, s1;
	s8 =	simm.s32 @!p0 $0x1BF5;
	p2 =	por !p2, p0  }
0x20: {  	[sflag:s8] =	ssyncset.s32 @!p0 $0xFFFFF086;
	s6 =	sadd.s32 @!p0 s3, s7;
	s7 =	simm.s32 @!p0 $0x108  }
0x21: {  	s3 =	sadd.s32 s3, s9;
	s6 =	sadd.s32 @!p0 $0x88, s6;
	s7 =	simm.s32 @p2 $0x1082  }
0x22: {  	[simem:s7], [sflag:s8] =	dma.local @!p0 [hbm:s6], $0xF7A  }
0x23: {  	s9 =	sor.u32 $0xD0000000, s2;
	s6 =	simm.s32 $0x108;
	_ =	swait.ge @!p0 [sflag:s8], $0x0  }
0x24: {  	s3 =	sadd.s32 $0x88, s3;
	s6 =	simm.s32 @!p1 $0x1082;
	[sflag:s4] =	ssyncset.s32 $0xFFFFF086  }
0x25: {  	[simem:s6], [sflag:s4] =	dma.local [hbm:s3], $0xF7A  }
0x26: {  	[smem:$0x3F9C] =	sst s1;
	(tag) =	ssettag s2;
	_ =	strace s9  }
0x27: {  	s1 =	sld [smem:$0x3FAC]  }
0x28: {  	s2 =	sld [smem:$0x3FAD]  }
0x29: {  	s4 =	sld [smem:$0x3FAF]  }
0x2a: {  	p0 =	seq.s32 s5, $0x0;
	s5 =	sld [smem:$0x3FB0]  }
0x2b: {  	s6 =	sld [smem:$0x3FB1]  }
0x2c: {  	s7 =	sld [smem:$0x3FB2]  }
0x2d: {  	s3 =	simm.s32 $0x108;
	s8 =	sld [smem:$0x3FB3]  }
0x2e: {  	s3 =	simm.s32 @!p0 $0x1082;
	s9 =	sld [smem:$0x3FB4]  }
0x2f: {  	lr =	sadd.s32 s0, s3;
	s0 =	sld [smem:$0x3FAB]  }
0x30: {  	s3 =	sld [smem:$0x3FAE]  }
0x31: {  	[smem:$0x3FB7] =	sst s10  }
0x32: {  	s10 =	sld [smem:$0x3FB5];
	_ =	sdelay $0x3  }
0x33: {  	p0 =	seq.s32 s10, $0x1;
	s10 =	sld [smem:$0x3FB7];
	_ =	sdelay $0x3  }
0x34: {  	[smem:$0x3FB7] =	sst s10  }
0x35: {  	s10 =	sld [smem:$0x3FB6];
	_ =	sdelay $0x3  }
0x36: {  	p1 =	seq.s32 s10, $0x1;
	s10 =	sld [smem:$0x3FB7];
	_ =	sdelay $0x3  }
0x37: {  	[smem:$0x3FB7] =	sst s10  }
0x38: {  	s10 =	sld [smem:$0x3FB8]  }
0x39: {  	_ = 	snop;
	(pc) =	sbr.ind lr, $3  }
0x3a: {  	_ = 	snop  }
0x3b: {  	_ = 	snop  }
0x3c: {  	p2 =	seq.s32 s10, $0x1;
	s10 =	sld [smem:$0x3FB7]  }
0x3d: {  	_ =	shalt  }
0x3e: {  	_ =	shalt  }
0x3f: {  	_ =	shalt  }
0x40: {  	_ =	shalt  }
0x41: {  	_ =	shalt  }
0x42: {  	_ =	shalt  }
0x43: {  	_ =	shalt  }
0x44: {  	_ =	shalt  }
0x45: {  	_ =	shalt  }
0x46: {  	_ =	shalt  }
0x47: {  	_ =	shalt  }
0x48: {  	_ =	shalt  }
0x49: {  	_ =	shalt  }
0x4a: {  	_ =	shalt  }
0x4b: {  	_ =	shalt  }
0x4c: {  	_ =	shalt  }
0x4d: {  	_ =	shalt  }
0x4e: {  	_ =	shalt  }
0x4f: {  	_ =	shalt  }
0x50: {  	_ =	shalt  }
0x51: {  	_ =	shalt  }
0x52: {  	_ =	shalt  }
0x53: {  	_ =	shalt  }
0x54: {  	_ =	shalt  }
0x55: {  	_ =	shalt  }
0x56: {  	_ =	shalt  }
0x57: {  	_ =	shalt  }
0x58: {  	_ =	shalt  }
0x59: {  	_ =	shalt  }
0x5a: {  	_ =	shalt  }
0x5b: {  	_ =	shalt  }
0x5c: {  	_ =	shalt  }
0x5d: {  	_ =	shalt  }
0x5e: {  	_ =	shalt  }
0x5f: {  	_ =	shalt  }
0x60: {  	_ =	shalt  }
0x61: {  	_ =	shalt  }
0x62: {  	_ =	shalt  }
0x63: {  	_ =	shalt  }
0x64: {  	_ =	shalt  }
0x65: {  	_ =	shalt  }
0x66: {  	_ =	shalt  }
0x67: {  	_ =	shalt  }
0x68: {  	_ =	shalt  }
0x69: {  	_ =	shalt  }
0x6a: {  	_ =	shalt  }
0x6b: {  	_ =	shalt  }
0x6c: {  	_ =	shalt  }
0x6d: {  	_ =	shalt  }
0x6e: {  	_ =	shalt  }
0x6f: {  	_ =	shalt  }
0x70: {  	_ =	shalt  }
0x71: {  	_ =	shalt  }
0x72: {  	_ =	shalt  }
0x73: {  	_ =	shalt  }
0x74: {  	_ =	shalt  }
0x75: {  	_ =	shalt  }
0x76: {  	_ =	shalt  }
0x77: {  	_ =	shalt  }
0x78: {  	_ =	shalt  }
0x79: {  	_ =	shalt  }
0x7a: {  	_ =	shalt  }
0x7b: {  	_ =	shalt  }
0x7c: {  	_ =	shalt  }
0x7d: {  	_ =	shalt  }
0x7e: {  	_ =	shalt  }
0x7f: {  	_ =	shalt  }
0x80: {  	_ =	shalt  }
0x81: {  	_ =	shalt  }
0x82: {  	_ =	shalt  }
0x83: {  	_ =	shalt  }
0x84: {  	_ =	shalt  }
0x85: {  	_ =	shalt  }
0x86: {  	_ =	shalt  }
0x87: {  	_ =	shalt  }
.Lfunc_end0:
.L_simem_size_0:
called_computation_lowered:
.L_overlay_start_0:
0x88: {  	s2 =	sld [smem:$0x3FD9]  }
0x89: {  	s3 =	sld [smem:$0x3FFE];
	_ =	sdelay $0x1  }
0x8a: {  	s1 =	srdreg.scid  }
0x8b: {  	s0 =	sand.u32 $0x1, s1  }
0x8c: {  	s14 =	sshll.u32 s0, $0xA;
	s2 =	sadd.s32 s3, s2  }
0x8d: {  	s2 =	sadd.s32 s2, s14  }
0x8e: {  	[smem:$0x3FC3] =	sst s2  }
0x8f: {  	_ = 	snop  }
0x90: {  	s2 =	sld [smem:$0x3FD0];
	_ =	sdelay $0x2  }
0x91: {  	s4 =	simm.s32 $0xA;
	s5 =	simm.s32 $0x10;
	s15 =	sld [smem:$0x3FC7]  }
0x92: {  	[smem:s5], [sflag:s4] =	dma.local [hbm:s2], $0x1  }
0x93: {  	_ =	swait.eq [sflag:s4], $0x1  }
0x94: {  	[sflag:s4] =	ssyncset.done $0x0  }
0x95: {  	[sflag:s4] =	ssyncadd.s32 $0xFFFFFFFF  }
0x96: {  	s16 =	sld [smem:$0x11];
	(tm) =	ssettm $0x1  }
0x97: {  	s17 =	sld [smem:$0x3FFB];
	_ =	sdelay $0x3  }
0x98: {  	_ =	strace s17  }
0x99: {  	s4 =	sld [smem:$0x3FFC];
	_ =	sdelay $0x3  }
0x9a: {  	_ =	strace s4  }
0x9b: {  	s4 =	sld [smem:$0x3FFD];
	_ =	sdelay $0x3  }
0x9c: {  	_ =	strace s4  }
0x9d: {  	_ =	strace $0x8FFFFFFF  }
0x9e: {  	s18 =	sld [smem:$0x3FDB];
	_ =	sdelay $0x1  }
0x9f: {  	s19 =	simm.s32 $_scs_section_size  }
0xa0: {  	s6 =	simm.s32 $_size__tile_overlayer_lowered;
	s7 =	simm.s32 $_tile_overlayer_lowered  }
0xa1: {  	s22 =	simm.s32 $0x1BFF;
	s21 =	sshll.u32 s7, $0x1;
	s4 =	sadd.s32 s19, s18  }
0xa2: {  	s8 =	simm.s32 $0x0;
	s20 =	sshll.u32 s6, $0x1;
	s6 =	sadd.s32 s21, s4  }
0xa3: {  	[timem:s8], [sflag:s22] =	dma.local [hbm:s6], s20  }
0xa4: {  	_ =	swait.ge [sflag:s22], s20  }
0xa5: {  	s5 =	ssub.s32 $0x0, s20;
	[sflag:s22] =	ssyncset.done $0x0  }
0xa6: {  	[sflag:s22] =	ssyncadd.s32 s5;
	_ =	sdelay $0x1  }
0xa7: {  	s23 =	simm.s32 $0x1B8B  }
0xa8: {  	_ =	swait.ge [sflag:s23], $0x1  }
0xa9: {  	[sflag:s23] =	ssyncset.done $0x0  }
0xaa: {  	s25 =	simm.s32 $0x1B8E;
	s24 =	sld [smem:$0x3FFE];
	[sflag:s23] =	ssyncadd.s32 $0xFFFFFFFF  }
0xab: {  	s26 =	simm.s32 $execute0_lowered;
	[smem:$0x3FD2] =	sst s25  }
0xac: {  	s6 =	sshll.u32 s26, $0x1;
	_ =	strace $0x80000046;
	[dreg:$0x1] =	wrdreg $0xFFFFFFFF  }
0xad: {  	s28 =	simm.s32 $_size_execute0_lowered;
	s4 =	sadd.s32 s4, s6;
	[dreg:$0x0] =	wrdreg $0x0  }
0xae: {  	s6 =	sshll.u32 s28, $0x1;
	[dreg:$0x2] =	wrdreg s4  }
0xaf: {  	[dreg:$0x3] =	wrdreg s6  }
0xb0: {  	[dreg:$0x4] =	wrdreg $0xC0  }
0xb1: {  	_ =	task [dreg:s8], $0x5FFFF  }
0xb2: {  	[dreg:$0x1] =	wrdreg $0xFFFFFFFF  }
0xb3: {  	[dreg:$0x0] =	wrdreg $0x60  }
0xb4: {  	[dreg:$0x2] =	wrdreg s15  }
0xb5: {  	[dreg:$0x3] =	wrdreg s16  }
0xb6: {  	[dreg:$0x4] =	wrdreg s24  }
0xb7: {  	[dreg:$0x5] =	wrdreg $0x9  }
0xb8: {  	_ =	task.clear_ibuf [dreg:s8], $0x6FFFF;
	_ =	strace $0x90000046  }
0xb9: {  	s29 =	simm.s32 $0x9;
	_ =	strace $0x80000048  }
0xba: {  	_ =	swait.ge [sflag:s29], $0x1  }
0xbb: {  	[sflag:s29] =	ssyncadd.s32 $0xFFFFFFFF  }
0xbc: {  	_ =	strace $0x90000048  }
0xbd: {  	_ =	sfence  }
0xbe: {  	s30 =	sld [smem:$0x0];
	_ =	sdelay $0x2  }
0xbf: {  	s31 =	sshll.u32 s1, $0xD;
	s1 =	sshrl.u32 s1, $0x2  }
0xc0: {  	s3 =	sand.u32 $0x4000, s31;
	s1 =	sadd.s32 s1, s30  }
0xc1: {  	s0 =	sor.u32 s3, s0;
	s1 =	sshll.u32 s1, $0x11  }
0xc2: {  	s0 =	sor.u32 s1, s0  }
0xc3: {  	s0 =	sadd.s32 $0x8F2B, s0  }
0xc4: {  	[sflag:s0] =	ssyncadd.remote.s32 $0x1  }
0xc5: {  	_ =	sfence.sel $0xFFFF  }
0xc6: {  	[dreg:$0x0] =	wrdreg $0xFFFFFFFF;
	(pc) =	sbr.abs _section_cstart, $3  }
0xc7: {  	[dreg:$0x1] =	wrdreg $0xFFFFFFFF  }
0xc8: {  	_ =	task.clear_ibuf [dreg:s8], $0x2FFFF;
	_ =	strace $0x9FFFFFFF  }
0xc9: {  	(tm) =	ssettm $0x7FFFFFFF  }
tec
execute0_lowered:
.L_overlay_start_1:
0x0: {  	(tag) =	ssettag $0x1  }
0x1: {  	s4 =	rddreg [dreg:$0x0];
	s0 =	srdreg.scid  }
0x2: {  	s1 =	stileid.u32;
	s5 =	rddreg [dreg:$0x1]  }
0x3: {  	s2 =	rddreg [dreg:$0x2];
	s3 =	simm.s32 $0x0;
	s0 =	sand.u32 $0x1, s0  }
0x4: {  	s1 =	sshll.u32 s1, $0x1;
	[smem:$0x7FF] =	sst s3;
	s7 =	sadd.s32 $0xA00, s2  }
0x5: {  	s22 =	sadd.s32 $0x80, s5;
	_ =	strace $0x80000047;
	[dreg:$0x6] =	wrdreg s7  }
0x6: {  	s2 =	sadd.s32 $0x1E8E00, s2;
	s6 =	sor.u32 s0, s1;
	[dreg:$0x8] =	wrdreg s22  }
0x7: {  	s0 =	ssub.s32 $0x2, s0;
	[dreg:$0x9] =	wrdreg s2;
	s1 =	smul.u32 $0x2400, s6  }
0x8: {  	s21 =	sshrl.u32 s0, $0x1;
	s29 =	sor.u32 $0x20, s6;
	[dreg:$0x5] =	wrdreg s6  }
0x9: {  	s31 =	sor.u32 $0x40, s6;
	s0 =	ssub.s32 s0, s21;
	[dreg:$0xf] =	wrdreg s29  }
0xa: {  	v0 =	vlaneseq.u32;
	[dreg:$0x10] =	wrdreg s31;
	s1 =	sshrl.u32 s1, $0x3;
	s0 =	smax.u32 s0, $0x1  }
0xb: {  	v0 =	vmul.u32 $0x10, v0;
	s1 =	sadd.s32 s4, s1;
	[dreg:$0x11] =	wrdreg s0  }
0xc: {  	s23 =	sadd.s32 $0xF4280, s1;
	[dreg:$0x7] =	wrdreg s1  }
.Ltmp0:
0xd: {  	v1 =	vor.u32 $0x1, v0;
	v2 =	vor.u32 $0x2, v0;
	v3 =	vor.u32 $0x3, v0;
	s24 =	sadd.s32 $0x9000, s1;
	[dreg:$0xa] =	wrdreg s23;
	(pc) =	sbr.rel .LBB2_1-.Ltmp0, $4  }
0xe: {  	s20 =	simm.s32 $0xD800;
	v4 =	vor.u32 $0x4, v0;
	v5 =	vor.u32 $0x5, v0;
	v6 =	vor.u32 $0x6, v0;
	s25 =	sadd.s32 $0xFD280, s1;
	[dreg:$0xb] =	wrdreg s24  }
0xf: {  	s28 =	simm.s32 $0x12000;
	v7 =	vor.u32 $0x7, v0;
	v8 =	vor.u32 $0x8, v0;
	v9 =	vor.u32 $0x9, v0;
	s26 =	sadd.s32 $0x12000, s1;
	[dreg:$0xc] =	wrdreg s25  }
0x10: {  	s30 =	simm.s32 $0x16800;
	v10 =	vor.u32 $0xA, v0;
	v11 =	vor.u32 $0xB, v0;
	v12 =	vor.u32 $0xC, v0;
	s1 =	sadd.s32 $0x106280, s1;
	[dreg:$0xd] =	wrdreg s26  }
0x11: {  	p0 =	sne.s32 s6, $0x1F;
	v13 =	vor.u32 $0xD, v0;
	v14 =	vor.u32 $0xE, v0;
	v15 =	vor.u32 $0xF, v0;
	s6 =	simm.s32 $0x0;
	[dreg:$0xe] =	wrdreg s1  }
.LBB2_20:
0x12: {  	s0 =	simm.s32 $0x4  }
0x13: {  	_ =	swait.ge [sflag:s0], $0x4800  }
0x14: {  	[sflag:s0] =	ssyncset.done $0x0  }
0x15: {  	s29 =	simm.s32 $0x5;
	[sflag:s0] =	ssyncadd.s32 $0xFFFFB800  }
0x16: {  	_ =	swait.ge [sflag:s29], $0x4800  }
0x17: {  	[sflag:s29] =	ssyncset.done $0x0  }
0x18: {  	s1 =	simm.s32 $0x6;
	[sflag:s29] =	ssyncadd.s32 $0xFFFFB800  }
0x19: {  	_ =	swait.ge [sflag:s1], $0x4800  }
0x1a: {  	s6 =	rddreg [dreg:$0x12]  }
0x1b: {  	s31 =	rddreg [dreg:$0x11];
	s6 =	sadd.s32 $0x1, s6  }
0x1c: {  	p1 =	sne.s32 s6, s31  }
.Ltmp1:
0x1d: {  	_ = 	snop;
	(pc) =	sbr.rel @!p1 .LBB2_21-.Ltmp1, $3  }
0x1e: {  	_ =	sdelay $0x1  }
0x1f: {  	[sflag:s1] =	ssyncset.done $0x0  }
0x20: {  	[sflag:s1] =	ssyncadd.s32 $0xFFFFB800  }
.LBB2_1:
.Ltmp2:
0x21: {  	(pc) =	sbr.rel @p0 .LBB2_5-.Ltmp2, $1  }
0x22: {  	_ =	sdelay $0x3  }
0x23: {  	s3 =	simm.s32 $0x0;
	s0 =	rddreg [dreg:$0x1];
	s1 =	simm.s32 $0x7  }
0x24: {  	[tilespmem:s3], [sflag:$0x7] =	stream.linear.gather [hbm4b:s0+s3], $0x400, $0x38;
	[tilespmem:$0x1B000] =	vst v63  }
0x25: {  	_ =	swait.ge [sflag:s1], $0x400  }
0x26: {  	[sflag:s1] =	ssyncset.done $0x0  }
0x27: {  	s2 =	simm.s32 $0x2400;
	s26 =	rddreg [dreg:$0x8];
	[sflag:s1] =	ssyncadd.s32 $0xFFFFFC00  }
0x28: {  	[tilespmem:s2], [sflag:$0x7] =	stream.linear.gather [hbm4b:s26+s3], $0x400, $0x38;
	[tilespmem:$0x1B000] =	vst v63  }
0x29: {  	_ =	swait.ge [sflag:s1], $0x400  }
0x2a: {  	[sflag:s1] =	ssyncset.done $0x0  }
0x2b: {  	s29 =	simm.s32 $0x2790;
	s31 =	simm.s32 $0x100;
	[sflag:s1] =	ssyncadd.s32 $0xFFFFFC00  }
0x2c: {  	v17 =	vor.u32 s31, v0;
	v16 =	vld [tilespmem:s29+$0xFFFFD880]  }
0x2d: {  	v18 =	vor.u32 s3, v0;
	v19 =	vld [tilespmem:s29+$0xFFFFD870];
	_ =	sdelay $0x3  }
0x2e: {  	[tilespmem:v17+s20+$0x0] =	vst.idx.msk $0xffff, v16  }
0x2f: {  	[tilespmem:v18+s20+$0x0] =	vst.idx.msk $0xffff, v19;
	v17 =	vor.u32 s31, v1;
	v16 =	vld [tilespmem:s29+$0xFFFFD900]  }
0x30: {  	v18 =	vor.u32 s3, v1;
	v19 =	vld [tilespmem:s29+$0xFFFFD8F0];
	_ =	sdelay $0x3  }
0x31: {  	[tilespmem:v17+s20+$0x0] =	vst.idx.msk $0xffff, v16  }
0x32: {  	[tilespmem:v18+s20+$0x0] =	vst.idx.msk $0xffff, v19;
	v17 =	vor.u32 s31, v2;
	v16 =	vld [tilespmem:s29+$0xFFFFD980]  }
0x33: {  	v18 =	vor.u32 s3, v2;
	v19 =	vld [tilespmem:s29+$0xFFFFD970];
	_ =	sdelay $0x3  }
0x34: {  	[tilespmem:v17+s20+$0x0] =	vst.idx.msk $0xffff, v16  }
0x35: {  	[tilespmem:v18+s20+$0x0] =	vst.idx.msk $0xffff, v19;
	v17 =	vor.u32 s31, v3;
	v16 =	vld [tilespmem:s29+$0xFFFFDA00]  }
0x36: {  	v18 =	vor.u32 s3, v3;
	v19 =	vld [tilespmem:s29+$0xFFFFD9F0];
	_ =	sdelay $0x3  }
0x37: {  	[tilespmem:v17+s20+$0x0] =	vst.idx.msk $0xffff, v16  }
0x38: {  	[tilespmem:v18+s20+$0x0] =	vst.idx.msk $0xffff, v19;
	v17 =	vor.u32 s31, v4;
	v16 =	vld [tilespmem:s29+$0xFFFFDA80]  }
0x39: {  	v18 =	vor.u32 s3, v4;
	v19 =	vld [tilespmem:s29+$0xFFFFDA70];
	_ =	sdelay $0x2  }
0x3a: {  	s8 =	simm.s32 $0x27B0;
	s4 =	simm.s32 $0x200  }
0x3b: {  	v22 =	vor.u32 s4, v0;
	v23 =	vld [tilespmem:s8+$0xFFFFD870];
	[tilespmem:v17+s20+$0x0] =	vst.idx.msk $0xffff, v16  }
0x3c: {  	[tilespmem:v18+s20+$0x0] =	vst.idx.msk $0xffff, v19;
	v17 =	vor.u32 s31, v5;
	v16 =	vld [tilespmem:s29+$0xFFFFDB00]  }
0x3d: {  	s9 =	simm.s32 $0x300;
	v18 =	vor.u32 s3, v5;
	v19 =	vld [tilespmem:s29+$0xFFFFDAF0]  }
0x3e: {  	v21 =	vor.u32 s9, v0;
	v20 =	vld [tilespmem:s8+$0xFFFFD880];
	_ =	sdelay $0x1  }
0x3f: {  	[tilespmem:v22+s20+$0x0] =	vst.idx.msk $0xffff, v23  }
0x40: {  	v22 =	vor.u32 s4, v1;
	v23 =	vld [tilespmem:s8+$0xFFFFD8F0];
	[tilespmem:v17+s20+$0x0] =	vst.idx.msk $0xffff, v16  }
0x41: {  	[tilespmem:v18+s20+$0x0] =	vst.idx.msk $0xffff, v19;
	v17 =	vor.u32 s31, v6;
	v16 =	vld [tilespmem:s29+$0xFFFFDB80]  }
0x42: {  	[tilespmem:v21+s20+$0x0] =	vst.idx.msk $0xffff, v20;
	v18 =	vor.u32 s3, v6;
	v19 =	vld [tilespmem:s29+$0xFFFFDB70]  }
0x43: {  	v21 =	vor.u32 s9, v1;
	v20 =	vld [tilespmem:s8+$0xFFFFD900];
	_ =	sdelay $0x1  }
0x44: {  	[tilespmem:v22+s20+$0x0] =	vst.idx.msk $0xffff, v23  }
0x45: {  	v22 =	vor.u32 s4, v2;
	v23 =	vld [tilespmem:s8+$0xFFFFD970];
	[tilespmem:v17+s20+$0x0] =	vst.idx.msk $0xffff, v16  }
0x46: {  	[tilespmem:v18+s20+$0x0] =	vst.idx.msk $0xffff, v19;
	v17 =	vor.u32 s31, v7;
	v16 =	vld [tilespmem:s29+$0xFFFFDC00]  }
0x47: {  	[tilespmem:v21+s20+$0x0] =	vst.idx.msk $0xffff, v20;
	v18 =	vor.u32 s3, v7;
	v19 =	vld [tilespmem:s29+$0xFFFFDBF0]  }
0x48: {  	v21 =	vor.u32 s9, v2;
	v20 =	vld [tilespmem:s8+$0xFFFFD980];
	_ =	sdelay $0x1  }
0x49: {  	[tilespmem:v22+s20+$0x0] =	vst.idx.msk $0xffff, v23  }
0x4a: {  	v22 =	vor.u32 s4, v3;
	v23 =	vld [tilespmem:s8+$0xFFFFD9F0];
	[tilespmem:v17+s20+$0x0] =	vst.idx.msk $0xffff, v16  }
0x4b: {  	[tilespmem:v18+s20+$0x0] =	vst.idx.msk $0xffff, v19;
	v17 =	vor.u32 s31, v8;
	v16 =	vld [tilespmem:s29+$0xFFFFFC80]  }
0x4c: {  	[tilespmem:v21+s20+$0x0] =	vst.idx.msk $0xffff, v20;
	v18 =	vor.u32 s3, v8;
	v19 =	vld [tilespmem:s29+$0xFFFFFC70]  }
0x4d: {  	v21 =	vor.u32 s9, v3;
	v20 =	vld [tilespmem:s8+$0xFFFFDA00];
	_ =	sdelay $0x1  }
0x4e: {  	[tilespmem:v22+s20+$0x0] =	vst.idx.msk $0xffff, v23  }
0x4f: {  	v22 =	vor.u32 s4, v4;
	v23 =	vld [tilespmem:s8+$0xFFFFDA70];
	[tilespmem:v17+s20+$0x0] =	vst.idx.msk $0xffff, v16  }
0x50: {  	[tilespmem:v18+s20+$0x0] =	vst.idx.msk $0xffff, v19;
	v17 =	vor.u32 s31, v9;
	v16 =	vld [tilespmem:s29+$0xFFFFFD00]  }
0x51: {  	[tilespmem:v21+s20+$0x0] =	vst.idx.msk $0xffff, v20;
	v18 =	vor.u32 s3, v9;
	v19 =	vld [tilespmem:s29+$0xFFFFFCF0]  }
0x52: {  	s7 =	simm.s32 $0x500;
	s2 =	simm.s32 $0x27D0;
	v21 =	vor.u32 s9, v4;
	v20 =	vld [tilespmem:s8+$0xFFFFDA80]  }
0x53: {  	s5 =	simm.s32 $0x400;
	v25 =	vor.u32 s7, v0;
	v24 =	vld [tilespmem:s2+$0xFFFFD880]  }
0x54: {  	v26 =	vor.u32 s5, v0;
	v27 =	vld [tilespmem:s2+$0xFFFFD870];
	[tilespmem:v22+s20+$0x0] =	vst.idx.msk $0xffff, v23  }
0x55: {  	v22 =	vor.u32 s4, v5;
	v23 =	vld [tilespmem:s8+$0xFFFFDAF0];
	[tilespmem:v17+s20+$0x0] =	vst.idx.msk $0xffff, v16  }
0x56: {  	[tilespmem:v18+s20+$0x0] =	vst.idx.msk $0xffff, v19;
	v17 =	vor.u32 s31, v10;
	v16 =	vld [tilespmem:s29+$0xFFFFFD80]  }
0x57: {  	[tilespmem:v21+s20+$0x0] =	vst.idx.msk $0xffff, v20;
	v18 =	vor.u32 s3, v10;
	v19 =	vld [tilespmem:s29+$0xFFFFFD70]  }
0x58: {  	[tilespmem:v25+s20+$0x0] =	vst.idx.msk $0xffff, v24;
	v21 =	vor.u32 s9, v5;
	v20 =	vld [tilespmem:s8+$0xFFFFDB00]  }
0x59: {  	[tilespmem:v26+s20+$0x0] =	vst.idx.msk $0xffff, v27;
	v25 =	vor.u32 s7, v1;
	v24 =	vld [tilespmem:s2+$0xFFFFD900]  }
0x5a: {  	v26 =	vor.u32 s5, v1;
	v27 =	vld [tilespmem:s2+$0xFFFFD8F0];
	[tilespmem:v22+s20+$0x0] =	vst.idx.msk $0xffff, v23  }
0x5b: {  	v22 =	vor.u32 s4, v6;
	v23 =	vld [tilespmem:s8+$0xFFFFDB70];
	[tilespmem:v17+s20+$0x0] =	vst.idx.msk $0xffff, v16  }
0x5c: {  	[tilespmem:v18+s20+$0x0] =	vst.idx.msk $0xffff, v19;
	v17 =	vor.u32 s31, v11;
	v16 =	vld [tilespmem:s29+$0xFFFFFE00]  }
0x5d: {  	[tilespmem:v21+s20+$0x0] =	vst.idx.msk $0xffff, v20;
	v18 =	vor.u32 s3, v11;
	v19 =	vld [tilespmem:s29+$0xFFFFFDF0]  }
0x5e: {  	[tilespmem:v25+s20+$0x0] =	vst.idx.msk $0xffff, v24;
	v21 =	vor.u32 s9, v6;
	v20 =	vld [tilespmem:s8+$0xFFFFDB80]  }
0x5f: {  	[tilespmem:v26+s20+$0x0] =	vst.idx.msk $0xffff, v27;
	v25 =	vor.u32 s7, v2;
	v24 =	vld [tilespmem:s2+$0xFFFFD980]  }
0x60: {  	v26 =	vor.u32 s5, v2;
	v27 =	vld [tilespmem:s2+$0xFFFFD970];
	[tilespmem:v22+s20+$0x0] =	vst.idx.msk $0xffff, v23  }
0x61: {  	v22 =	vor.u32 s4, v7;
	v23 =	vld [tilespmem:s8+$0xFFFFDBF0];
	[tilespmem:v17+s20+$0x0] =	vst.idx.msk $0xffff, v16  }
0x62: {  	[tilespmem:v18+s20+$0x0] =	vst.idx.msk $0xffff, v19;
	v17 =	vor.u32 s31, v12;
	v16 =	vld [tilespmem:s29+$0xFFFFFE80]  }
0x63: {  	[tilespmem:v21+s20+$0x0] =	vst.idx.msk $0xffff, v20;
	v18 =	vor.u32 s3, v12;
	v19 =	vld [tilespmem:s29+$0xFFFFFE70]  }
0x64: {  	[tilespmem:v25+s20+$0x0] =	vst.idx.msk $0xffff, v24;
	v21 =	vor.u32 s9, v7;
	v20 =	vld [tilespmem:s8+$0xFFFFDC00]  }
0x65: {  	[tilespmem:v26+s20+$0x0] =	vst.idx.msk $0xffff, v27;
	v26 =	vor.u32 s7, v3;
	v24 =	vld [tilespmem:s2+$0xFFFFDA00]  }
0x66: {  	v27 =	vor.u32 s5, v3;
	v28 =	vld [tilespmem:s2+$0xFFFFD9F0];
	[tilespmem:v22+s20+$0x0] =	vst.idx.msk $0xffff, v23  }
0x67: {  	v22 =	vor.u32 s4, v8;
	v23 =	vld [tilespmem:s8+$0xFFFFFC70];
	[tilespmem:v17+s20+$0x0] =	vst.idx.msk $0xffff, v16  }
0x68: {  	[tilespmem:v18+s20+$0x0] =	vst.idx.msk $0xffff, v19;
	v17 =	vor.u32 s31, v13;
	v16 =	vld [tilespmem:s29+$0xFFFFFF00]  }
0x69: {  	[tilespmem:v21+s20+$0x0] =	vst.idx.msk $0xffff, v20;
	v18 =	vor.u32 s3, v13;
	v19 =	vld [tilespmem:s29+$0xFFFFFEF0]  }
0x6a: {  	[tilespmem:v26+s20+$0x0] =	vst.idx.msk $0xffff, v24;
	v21 =	vor.u32 s9, v8;
	v20 =	vld [tilespmem:s8+$0xFFFFFC80]  }
0x6b: {  	v40 =	vor.u32 s7, v4;
	[tilespmem:v27+s20+$0x0] =	vst.idx.msk $0xffff, v28;
	v39 =	vld [tilespmem:s2+$0xFFFFDA80]  }
0x6c: {  	v41 =	vor.u32 s5, v4;
	v42 =	vld [tilespmem:s2+$0xFFFFDA70];
	[tilespmem:v22+s20+$0x0] =	vst.idx.msk $0xffff, v23  }
0x6d: {  	v37 =	vor.u32 s4, v9;
	v26 =	vld [tilespmem:s8+$0xFFFFFCF0];
	[tilespmem:v17+s20+$0x0] =	vst.idx.msk $0xffff, v16  }
0x6e: {  	v30 =	vor.u32 s31, v14;
	[tilespmem:v18+s20+$0x0] =	vst.idx.msk $0xffff, v19;
	v29 =	vld [tilespmem:s29+$0xFFFFFF80]  }
0x6f: {  	v34 =	vor.u32 s3, v14;
	[tilespmem:v21+s20+$0x0] =	vst.idx.msk $0xffff, v20;
	v20 =	vld [tilespmem:s29+$0xFFFFFF70]  }
0x70: {  	v36 =	vor.u32 s9, v9;
	[tilespmem:v40+s20+$0x0] =	vst.idx.msk $0xffff, v39;
	v22 =	vld [tilespmem:s8+$0xFFFFFD00]  }
0x71: {  	v33 =	vor.u32 s5, v5;
	[tilespmem:v41+s20+$0x0] =	vst.idx.msk $0xffff, v42  }
0x72: {  	v32 =	vor.u32 s5, v6;
	v31 =	vor.u32 s5, v7;
	v28 =	vor.u32 s5, v10;
	[tilespmem:v37+s20+$0x0] =	vst.idx.msk $0xffff, v26  }
0x73: {  	v27 =	vor.u32 s5, v11;
	v24 =	vor.u32 s5, v12;
	v40 =	vor.u32 s9, v10;
	[tilespmem:v30+s20+$0x0] =	vst.idx.msk $0xffff, v29  }
0x74: {  	v42 =	vor.u32 s7, v5;
	v37 =	vor.u32 s31, v15;
	[tilespmem:v34+s20+$0x0] =	vst.idx.msk $0xffff, v20;
	v35 =	vld [tilespmem:s29+$0x0]  }
0x75: {  	v25 =	vor.u32 s4, v10;
	v23 =	vor.u32 s4, v11;
	[tilespmem:v36+s20+$0x0] =	vst.idx.msk $0xffff, v22;
	v16 =	vor.u32 s3, v15;
	v36 =	vld [tilespmem:s29+$0xFFFFFFF0]  }
0x76: {  	v21 =	vor.u32 s4, v12;
	v22 =	vor.u32 s5, v13;
	v26 =	vor.u32 s5, v15;
	v38 =	vld [tilespmem:s8+$0xFFFFFD80]  }
0x77: {  	v39 =	vld [tilespmem:s8+$0xFFFFFD70];
	v19 =	vor.u32 s4, v13;
	v18 =	vor.u32 s4, v14;
	v17 =	vor.u32 s4, v15  }
0x78: {  	s0 =	simm.s32 $0x4;
	s1 =	simm.s32 $0x600;
	v41 =	vld [tilespmem:s2+$0xFFFFDB00];
	s3 =	simm.s32 $0x27D0;
	v30 =	vor.u32 s5, v8;
	v29 =	vor.u32 s5, v9;
	v20 =	vor.u32 s5, v14  }
.LBB2_3:
0x79: {  	v43 =	vor.u32 s1, v0;
	v44 =	vor.u32 s1, v1;
	v45 =	vor.u32 s1, v2;
	s4 =	sadd.s32 $0x100, s1;
	s0 =	sadd.s32 $0x2, s0;
	v46 =	vld [tilespmem:s2+$0xFFFFDAF0];
	s3 =	sadd.s32 $0x20, s3;
	[tilespmem:v37+s20+$0x0] =	vst.idx.msk $0xffff, v35  }
0x7a: {  	v35 =	vor.u32 s1, v3;
	v34 =	vor.u32 s1, v4;
	v37 =	vld [tilespmem:s3+$0xFFFFD880];
	v47 =	vor.u32 s4, v0;
	p1 =	slt.u32 s0, $0x6;
	[tilespmem:v16+s20+$0x0] =	vst.idx.msk $0xffff, v36;
	v16 =	vmovc v17;
	v17 =	vmovc v26  }
0x7b: {  	v48 =	vor.u32 s1, v6;
	v49 =	vor.u32 s1, v7;
	v26 =	vor.u32 s1, v5;
	v36 =	vld [tilespmem:s3+$0xFFFFD870];
	[tilespmem:v40+s20+$0x0] =	vst.idx.msk $0xffff, v38  }
0x7c: {  	v50 =	vor.u32 s1, v9;
	v38 =	vor.u32 s1, v8;
	v40 =	vor.u32 s9, v11;
	[tilespmem:v25+s20+$0x0] =	vst.idx.msk $0xffff, v39;
	v39 =	vld [tilespmem:s8+$0xFFFFFE00];
	v25 =	vmovc v28  }
0x7d: {  	v51 =	vor.u32 s1, v11;
	v52 =	vor.u32 s1, v12;
	v28 =	vor.u32 s1, v10;
	[tilespmem:v42+s20+$0x0] =	vst.idx.msk $0xffff, v41;
	v41 =	vld [tilespmem:s8+$0xFFFFFDF0]  }
0x7e: {  	v53 =	vor.u32 s1, v14;
	v54 =	vor.u32 s7, v6;
	v42 =	vor.u32 s1, v13;
	[tilespmem:v33+s20+$0x0] =	vst.idx.msk $0xffff, v46;
	v46 =	vld [tilespmem:s2+$0xFFFFDB80];
	v33 =	vmovc v26  }
0x7f: {  	v26 =	vor.u32 s1, v15;
	[tilespmem:v47+s20+$0x0] =	vst.idx.msk $0xffff, v37;
	v37 =	vld [tilespmem:s2+$0xFFFFDB70]  }
0x80: {  	[tilespmem:v43+s20+$0x0] =	vst.idx.msk $0xffff, v36;
	v36 =	vld [tilespmem:s3+$0xFFFFD900];
	v43 =	vor.u32 s4, v1  }
0x81: {  	v47 =	vld [tilespmem:s3+$0xFFFFD8F0];
	[tilespmem:v40+s20+$0x0] =	vst.idx.msk $0xffff, v39  }
0x82: {  	v40 =	vor.u32 s9, v12;
	[tilespmem:v23+s20+$0x0] =	vst.idx.msk $0xffff, v41;
	v39 =	vld [tilespmem:s8+$0xFFFFFE80];
	v23 =	vmov v27;
	v27 =	vmov v51  }
0x83: {  	[tilespmem:v54+s20+$0x0] =	vst.idx.msk $0xffff, v46;
	v41 =	vld [tilespmem:s8+$0xFFFFFE70]  }
0x84: {  	v46 =	vor.u32 s7, v7;
	[tilespmem:v32+s20+$0x0] =	vst.idx.msk $0xffff, v37;
	v37 =	vld [tilespmem:s2+$0xFFFFDC00];
	v32 =	vmov v48  }
0x85: {  	[tilespmem:v43+s20+$0x0] =	vst.idx.msk $0xffff, v36;
	v36 =	vld [tilespmem:s2+$0xFFFFDBF0]  }
0x86: {  	[tilespmem:v44+s20+$0x0] =	vst.idx.msk $0xffff, v47;
	v43 =	vld [tilespmem:s3+$0xFFFFD980];
	v44 =	vor.u32 s4, v2  }
0x87: {  	v47 =	vld [tilespmem:s3+$0xFFFFD970];
	[tilespmem:v40+s20+$0x0] =	vst.idx.msk $0xffff, v39  }
0x88: {  	v40 =	vor.u32 s9, v13;
	[tilespmem:v21+s20+$0x0] =	vst.idx.msk $0xffff, v41;
	v39 =	vld [tilespmem:s8+$0xFFFFFF00];
	v21 =	vmov v24;
	v24 =	vmov v52  }
0x89: {  	[tilespmem:v46+s20+$0x0] =	vst.idx.msk $0xffff, v37;
	v37 =	vld [tilespmem:s8+$0xFFFFFEF0]  }
0x8a: {  	v41 =	vor.u32 s7, v8;
	[tilespmem:v31+s20+$0x0] =	vst.idx.msk $0xffff, v36;
	v36 =	vld [tilespmem:s2+$0xFFFFFC80];
	v31 =	vmov v49  }
0x8b: {  	[tilespmem:v44+s20+$0x0] =	vst.idx.msk $0xffff, v43;
	v43 =	vld [tilespmem:s2+$0xFFFFFC70]  }
0x8c: {  	[tilespmem:v45+s20+$0x0] =	vst.idx.msk $0xffff, v47;
	v44 =	vld [tilespmem:s3+$0xFFFFDA00];
	v45 =	vor.u32 s4, v3  }
0x8d: {  	v46 =	vld [tilespmem:s3+$0xFFFFD9F0];
	[tilespmem:v40+s20+$0x0] =	vst.idx.msk $0xffff, v39  }
0x8e: {  	v39 =	vor.u32 s9, v14;
	[tilespmem:v19+s20+$0x0] =	vst.idx.msk $0xffff, v37;
	v37 =	vld [tilespmem:s8+$0xFFFFFF80];
	v19 =	vmov v22;
	v22 =	vmov v42  }
0x8f: {  	[tilespmem:v41+s20+$0x0] =	vst.idx.msk $0xffff, v36;
	v36 =	vld [tilespmem:s8+$0xFFFFFF70]  }
0x90: {  	v41 =	vor.u32 s7, v9;
	[tilespmem:v30+s20+$0x0] =	vst.idx.msk $0xffff, v43;
	v40 =	vld [tilespmem:s2+$0xFFFFFD00];
	v30 =	vmov v38  }
0x91: {  	[tilespmem:v45+s20+$0x0] =	vst.idx.msk $0xffff, v44;
	v38 =	vld [tilespmem:s2+$0xFFFFFCF0]  }
0x92: {  	v43 =	vor.u32 s4, v4;
	[tilespmem:v35+s20+$0x0] =	vst.idx.msk $0xffff, v46;
	v42 =	vld [tilespmem:s3+$0xFFFFDA80]  }
0x93: {  	v44 =	vld [tilespmem:s3+$0xFFFFDA70];
	[tilespmem:v39+s20+$0x0] =	vst.idx.msk $0xffff, v37  }
.Ltmp3:
0x94: {  	v37 =	vor.u32 s9, v15;
	s9 =	smov.u32 s7;
	s7 =	smov.u32 s4;
	[tilespmem:v18+s20+$0x0] =	vst.idx.msk $0xffff, v36;
	v35 =	vld [tilespmem:s8+$0x0];
	v18 =	vmov v20;
	v20 =	vmov v53;
	(pc) =	sbr.rel @p1 .LBB2_3-.Ltmp3, $4  }
0x95: {  	[tilespmem:v41+s20+$0x0] =	vst.idx.msk $0xffff, v40;
	v36 =	vld [tilespmem:s8+$0xFFFFFFF0];
	s8 =	smov.u32 s2;
	s2 =	smov.u32 s3  }
0x96: {  	v40 =	vor.u32 s9, v10;
	[tilespmem:v29+s20+$0x0] =	vst.idx.msk $0xffff, v38;
	v38 =	vld [tilespmem:s8+$0xFFFFFD80];
	v29 =	vmov v50  }
0x97: {  	[tilespmem:v43+s20+$0x0] =	vst.idx.msk $0xffff, v42;
	v39 =	vld [tilespmem:s8+$0xFFFFFD70]  }
0x98: {  	s1 =	sadd.s32 $0x200, s1;
	v42 =	vor.u32 s7, v5;
	[tilespmem:v34+s20+$0x0] =	vst.idx.msk $0xffff, v44;
	v41 =	vld [tilespmem:s3+$0xFFFFDB00]  }
0x99: {  	v34 =	vld [tilespmem:s2+$0xFFFFDAF0];
	_ =	sdelay $0x3  }
0x9a: {  	[tilespmem:v42+s20+$0x0] =	vst.idx.msk $0xffff, v41  }
0x9b: {  	v47 =	vor.u32 s7, v6;
	[tilespmem:v33+s20+$0x0] =	vst.idx.msk $0xffff, v34;
	v46 =	vld [tilespmem:s2+$0xFFFFDB80]  }
0x9c: {  	v48 =	vld [tilespmem:s2+$0xFFFFDB70];
	_ =	sdelay $0x3  }
0x9d: {  	[tilespmem:v47+s20+$0x0] =	vst.idx.msk $0xffff, v46  }
0x9e: {  	v50 =	vor.u32 s7, v7;
	[tilespmem:v32+s20+$0x0] =	vst.idx.msk $0xffff, v48;
	v49 =	vld [tilespmem:s2+$0xFFFFDC00]  }
0x9f: {  	v51 =	vld [tilespmem:s2+$0xFFFFDBF0];
	_ =	sdelay $0x3  }
0xa0: {  	[tilespmem:v50+s20+$0x0] =	vst.idx.msk $0xffff, v49  }
0xa1: {  	v53 =	vor.u32 s7, v8;
	[tilespmem:v31+s20+$0x0] =	vst.idx.msk $0xffff, v51;
	v52 =	vld [tilespmem:s2+$0xFFFFFC80]  }
0xa2: {  	v54 =	vld [tilespmem:s2+$0xFFFFFC70];
	_ =	sdelay $0x3  }
0xa3: {  	[tilespmem:v53+s20+$0x0] =	vst.idx.msk $0xffff, v52  }
0xa4: {  	v56 =	vor.u32 s7, v9;
	[tilespmem:v30+s20+$0x0] =	vst.idx.msk $0xffff, v54;
	v55 =	vld [tilespmem:s2+$0xFFFFFD00]  }
0xa5: {  	v57 =	vld [tilespmem:s2+$0xFFFFFCF0];
	_ =	sdelay $0x3  }
0xa6: {  	[tilespmem:v56+s20+$0x0] =	vst.idx.msk $0xffff, v55  }
0xa7: {  	v59 =	vor.u32 s7, v10;
	[tilespmem:v29+s20+$0x0] =	vst.idx.msk $0xffff, v57;
	v58 =	vld [tilespmem:s2+$0xFFFFFD80]  }
0xa8: {  	v60 =	vld [tilespmem:s2+$0xFFFFFD70];
	_ =	sdelay $0x1  }
0xa9: {  	[tilespmem:v40+s20+$0x0] =	vst.idx.msk $0xffff, v38  }
0xaa: {  	v62 =	vor.u32 s9, v11;
	[tilespmem:v25+s20+$0x0] =	vst.idx.msk $0xffff, v39;
	v61 =	vld [tilespmem:s8+$0xFFFFFE00]  }
0xab: {  	v63 =	vld [tilespmem:s8+$0xFFFFFDF0];
	[tilespmem:v59+s20+$0x0] =	vst.idx.msk $0xffff, v58  }
0xac: {  	v38 =	vor.u32 s7, v11;
	[tilespmem:v28+s20+$0x0] =	vst.idx.msk $0xffff, v60;
	v34 =	vld [tilespmem:s2+$0xFFFFFE00]  }
0xad: {  	v39 =	vld [tilespmem:s2+$0xFFFFFDF0];
	_ =	sdelay $0x1  }
0xae: {  	[tilespmem:v62+s20+$0x0] =	vst.idx.msk $0xffff, v61  }
0xaf: {  	v41 =	vor.u32 s9, v12;
	[tilespmem:v23+s20+$0x0] =	vst.idx.msk $0xffff, v63;
	v40 =	vld [tilespmem:s8+$0xFFFFFE80]  }
0xb0: {  	v42 =	vld [tilespmem:s8+$0xFFFFFE70];
	[tilespmem:v38+s20+$0x0] =	vst.idx.msk $0xffff, v34  }
0xb1: {  	v44 =	vor.u32 s7, v12;
	[tilespmem:v27+s20+$0x0] =	vst.idx.msk $0xffff, v39;
	v43 =	vld [tilespmem:s2+$0xFFFFFE80]  }
0xb2: {  	v45 =	vld [tilespmem:s2+$0xFFFFFE70];
	_ =	sdelay $0x1  }
0xb3: {  	[tilespmem:v41+s20+$0x0] =	vst.idx.msk $0xffff, v40  }
0xb4: {  	v47 =	vor.u32 s9, v13;
	[tilespmem:v21+s20+$0x0] =	vst.idx.msk $0xffff, v42;
	v46 =	vld [tilespmem:s8+$0xFFFFFF00]  }
0xb5: {  	v48 =	vld [tilespmem:s8+$0xFFFFFEF0];
	[tilespmem:v44+s20+$0x0] =	vst.idx.msk $0xffff, v43  }
0xb6: {  	v50 =	vor.u32 s7, v13;
	[tilespmem:v24+s20+$0x0] =	vst.idx.msk $0xffff, v45;
	v49 =	vld [tilespmem:s2+$0xFFFFFF00]  }
0xb7: {  	v51 =	vld [tilespmem:s2+$0xFFFFFEF0];
	_ =	sdelay $0x1  }
0xb8: {  	[tilespmem:v47+s20+$0x0] =	vst.idx.msk $0xffff, v46  }
0xb9: {  	[tilespmem:v19+s20+$0x0] =	vst.idx.msk $0xffff, v48;
	v52 =	vld [tilespmem:s8+$0xFFFFFF80];
	v53 =	vor.u32 s9, v14  }
0xba: {  	v54 =	vld [tilespmem:s8+$0xFFFFFF70];
	[tilespmem:v50+s20+$0x0] =	vst.idx.msk $0xffff, v49  }
0xbb: {  	v56 =	vor.u32 s7, v14;
	[tilespmem:v22+s20+$0x0] =	vst.idx.msk $0xffff, v51;
	v55 =	vld [tilespmem:s2+$0xFFFFFF80]  }
0xbc: {  	v57 =	vld [tilespmem:s2+$0xFFFFFF70];
	_ =	sdelay $0x1  }
0xbd: {  	[tilespmem:v53+s20+$0x0] =	vst.idx.msk $0xffff, v52  }
0xbe: {  	[tilespmem:v18+s20+$0x0] =	vst.idx.msk $0xffff, v54;
	v58 =	vld [tilespmem:s8+$0x0];
	v59 =	vor.u32 s9, v15  }
0xbf: {  	v60 =	vld [tilespmem:s8+$0xFFFFFFF0];
	[tilespmem:v56+s20+$0x0] =	vst.idx.msk $0xffff, v55  }
0xc0: {  	v62 =	vor.u32 s7, v15;
	[tilespmem:v20+s20+$0x0] =	vst.idx.msk $0xffff, v57;
	v61 =	vld [tilespmem:s2+$0x0]  }
0xc1: {  	[tilespmem:v37+s20+$0x0] =	vst.idx.msk $0xffff, v35;
	v63 =	vld [tilespmem:s2+$0xFFFFFFF0]  }
0xc2: {  	[tilespmem:v16+s20+$0x0] =	vst.idx.msk $0xffff, v36  }
0xc3: {  	[tilespmem:v59+s20+$0x0] =	vst.idx.msk $0xffff, v58  }
0xc4: {  	[tilespmem:v17+s20+$0x0] =	vst.idx.msk $0xffff, v60  }
0xc5: {  	[tilespmem:v62+s20+$0x0] =	vst.idx.msk $0xffff, v61  }
0xc6: {  	[tilespmem:v26+s20+$0x0] =	vst.idx.msk $0xffff, v63  }
0xc7: {  	s0 =	simm.s32 $0x0;
	s31 =	simm.s32 $0x7;
	s1 =	rddreg [dreg:$0x9]  }
0xc8: {  	[hbm4b:s1+s0] =	stream.linear.scatter [tilespmem:s20], [sflag:$0x7], $0x800, $0x38;
	[tilespmem:$0x1B000] =	vst v63  }
0xc9: {  	_ =	swait.ge [sflag:s31], $0x800  }
0xca: {  	[sflag:s31] =	ssyncset.done $0x0  }
0xcb: {  	[sflag:s31] =	ssyncadd.s32 $0xFFFFF800  }
.LBB2_5:
0xcc: {  	s21 =	simm.s32 $0x0;
	s0 =	rddreg [dreg:$0x7]  }
0xcd: {  	[tilespmem:s21], [sflag:$0x1] =	stream.linear.gather [hbm4b:s0+s21], $0x2400, $0x38;
	[tilespmem:$0x1B000] =	vst v63  }
0xce: {  	s18 =	rddreg [dreg:$0xa];
	s1 =	simm.s32 $0x2400  }
0xcf: {  	[tilespmem:s1], [sflag:$0x1] =	stream.linear.gather [hbm4b:s18+s21], $0x2400, $0x38;
	[tilespmem:$0x1B000] =	vst v63  }
0xd0: {  	s19 =	rddreg [dreg:$0xb];
	s22 =	simm.s32 $0x4800  }
0xd1: {  	[tilespmem:s22], [sflag:$0x2] =	stream.linear.gather [hbm4b:s19+s21], $0x2400, $0x38;
	[tilespmem:$0x1B000] =	vst v63  }
0xd2: {  	s23 =	rddreg [dreg:$0xc];
	s24 =	simm.s32 $0x6C00  }
0xd3: {  	[tilespmem:s24], [sflag:$0x2] =	stream.linear.gather [hbm4b:s23+s21], $0x2400, $0x38;
	[tilespmem:$0x1B000] =	vst v63  }
.Ltmp4:
0xd4: {  	[dreg:$0x12] =	wrdreg s6;
	(pc) =	sbr.rel .LBB2_6-.Ltmp4, $4  }
0xd5: {  	s25 =	rddreg [dreg:$0xd];
	s26 =	simm.s32 $0x9000  }
0xd6: {  	[tilespmem:s26], [sflag:$0x3] =	stream.linear.gather [hbm4b:s25+s21], $0x2400, $0x38;
	[tilespmem:$0x1B000] =	vst v63  }
0xd7: {  	s29 =	rddreg [dreg:$0xe];
	s31 =	simm.s32 $0xB400  }
0xd8: {  	[tilespmem:s31], [sflag:$0x3] =	stream.linear.gather [hbm4b:s29+s21], $0x2400, $0x38;
	[tilespmem:$0x1B000] =	vst v63  }
.LBB2_18:
0xd9: {  	_ =	sdelay $0x3  }
0xda: {  	[tilespmem:v37+s30+$0x0] =	vst.idx.msk $0xffff, v44  }
0xdb: {  	v37 =	vld [tilespmem:s0+$0x200];
	_ =	sdelay $0x2  }
0xdc: {  	[tilespmem:v45+s30+$0x0] =	vst.idx.msk $0xffff, v43  }
0xdd: {  	v55 =	vor.u32 s7, v5;
	v43 =	vld [tilespmem:s24+$0x280]  }
0xde: {  	s1 =	sadd.s32 $0x2, s17;
	[tilespmem:v36+s30+$0x0] =	vst.idx.msk $0xffff, v37  }
0xdf: {  	s13 =	sand.u32 $0x7, s1;
	v36 =	vld [tilespmem:s0+$0x280]  }
0xe0: {  	s14 =	sadd.s32 $0x100, s4;
	s0 =	sshll.u32 s13, $0x4  }
0xe1: {  	s0 =	sadd.s32 s0, s14  }
0xe2: {  	[tilespmem:v55+s30+$0x0] =	vst.idx.msk $0xffff, v43;
	s1 =	sor.u32 $0x300, s0  }
0xe3: {  	v57 =	vor.u32 s10, v6;
	v56 =	vld [tilespmem:s1+$0x9000]  }
0xe4: {  	[tilespmem:v34+s30+$0x0] =	vst.idx.msk $0xffff, v36  }
0xe5: {  	v34 =	vld [tilespmem:s20+$0x9000];
	_ =	sdelay $0x2  }
0xe6: {  	s0 =	sor.u32 $0x380, s0;
	[tilespmem:v57+s30+$0x0] =	vst.idx.msk $0xffff, v56  }
0xe7: {  	v59 =	vor.u32 s10, v7;
	v58 =	vld [tilespmem:s0+$0x9000]  }
0xe8: {  	[tilespmem:v33+s30+$0x0] =	vst.idx.msk $0xffff, v34  }
0xe9: {  	v33 =	vld [tilespmem:s15+$0x9000];
	_ =	sdelay $0x2  }
0xea: {  	s15 =	sadd.s32 $0xB400, s28;
	[tilespmem:v59+s30+$0x0] =	vst.idx.msk $0xffff, v58  }
0xeb: {  	s16 =	sor.u32 s11, s15;
	s3 =	rddreg [dreg:$0x4]  }
0xec: {  	v61 =	vor.u32 s10, v8;
	v60 =	vld [tilespmem:s16+$0x0];
	s0 =	sor.u32 s3, s15;
	[tilespmem:v32+s30+$0x0] =	vst.idx.msk $0xffff, v33  }
0xed: {  	v32 =	vld [tilespmem:s0+$0x0];
	_ =	sdelay $0x2  }
0xee: {  	s17 =	sadd.s32 $0xB480, s28  }
0xef: {  	v62 =	vld [tilespmem:s26+$0x0];
	s18 =	sor.u32 s11, s17;
	[tilespmem:v61+s30+$0x0] =	vst.idx.msk $0xffff, v60  }
0xf0: {  	v63 =	vor.u32 s10, v9;
	s0 =	sor.u32 s3, s17;
	v34 =	vld [tilespmem:s18+$0x0];
	[tilespmem:v31+s30+$0x0] =	vst.idx.msk $0xffff, v32  }
0xf1: {  	v31 =	vld [tilespmem:s0+$0x0];
	_ =	sdelay $0x1  }
0xf2: {  	s20 =	sor.u32 s8, s25;
	[tilespmem:v42+s30+$0x0] =	vst.idx.msk $0xffff, v41  }
0xf3: {  	s21 =	sor.u32 s9, s25;
	s22 =	sadd.s32 $0xB500, s28;
	v42 =	vor.u32 s19, v10;
	[tilespmem:v27+s30+$0x0] =	vst.idx.msk $0xffff, v62;
	v41 =	vld [tilespmem:s20+$0x0]  }
0xf4: {  	s24 =	sor.u32 s11, s22;
	v27 =	vld [tilespmem:s21+$0x0];
	[tilespmem:v63+s30+$0x0] =	vst.idx.msk $0xffff, v34  }
0xf5: {  	v44 =	vor.u32 s10, v10;
	s0 =	sor.u32 s3, s22;
	v43 =	vld [tilespmem:s24+$0x0];
	[tilespmem:v35+s30+$0x0] =	vst.idx.msk $0xffff, v31  }
0xf6: {  	v31 =	vld [tilespmem:s0+$0x0]  }
0xf7: {  	s25 =	sadd.s32 $0xB580, s23  }
0xf8: {  	s26 =	sor.u32 s8, s25;
	[tilespmem:v42+s30+$0x0] =	vst.idx.msk $0xffff, v41  }
0xf9: {  	v45 =	vor.u32 s19, v11;
	s29 =	sadd.s32 $0xB580, s28;
	[tilespmem:v24+s30+$0x0] =	vst.idx.msk $0xffff, v27;
	v32 =	vld [tilespmem:s26+$0x0];
	s0 =	sor.u32 s9, s25  }
0xfa: {  	s31 =	sor.u32 s11, s29;
	v24 =	vld [tilespmem:s0+$0x0];
	[tilespmem:v44+s30+$0x0] =	vst.idx.msk $0xffff, v43  }
0xfb: {  	v47 =	vor.u32 s10, v11;
	s2 =	sor.u32 s3, s29;
	v46 =	vld [tilespmem:s31+$0x0];
	[tilespmem:v29+s30+$0x0] =	vst.idx.msk $0xffff, v31  }
0xfc: {  	v29 =	vld [tilespmem:s2+$0x0]  }
0xfd: {  	s4 =	sadd.s32 $0xB600, s23  }
0xfe: {  	s5 =	sor.u32 s8, s4;
	[tilespmem:v45+s30+$0x0] =	vst.idx.msk $0xffff, v32  }
0xff: {  	v49 =	vor.u32 s19, v12;
	s7 =	sadd.s32 $0xB600, s28;
	v48 =	vld [tilespmem:s5+$0x0];
	s0 =	sor.u32 s9, s4;
	[tilespmem:v23+s30+$0x0] =	vst.idx.msk $0xffff, v24  }
0x100: {  	s12 =	sor.u32 s11, s7;
	v23 =	vld [tilespmem:s0+$0x0];
	[tilespmem:v47+s30+$0x0] =	vst.idx.msk $0xffff, v46  }
0x101: {  	v51 =	vor.u32 s10, v12;
	s1 =	sor.u32 s3, s7;
	v50 =	vld [tilespmem:s12+$0x0];
	[tilespmem:v28+s30+$0x0] =	vst.idx.msk $0xffff, v29  }
0x102: {  	v28 =	vld [tilespmem:s1+$0x0]  }
0x103: {  	s13 =	sadd.s32 $0xB680, s23  }
0x104: {  	s14 =	sor.u32 s8, s13;
	[tilespmem:v49+s30+$0x0] =	vst.idx.msk $0xffff, v48  }
0x105: {  	v53 =	vor.u32 s19, v13;
	s15 =	sadd.s32 $0xB680, s28;
	v52 =	vld [tilespmem:s14+$0x0];
	s0 =	sor.u32 s9, s13;
	[tilespmem:v21+s30+$0x0] =	vst.idx.msk $0xffff, v23  }
0x106: {  	s16 =	sor.u32 s11, s15;
	v21 =	vld [tilespmem:s0+$0x0];
	[tilespmem:v51+s30+$0x0] =	vst.idx.msk $0xffff, v50  }
0x107: {  	v55 =	vor.u32 s10, v13;
	s1 =	sor.u32 s3, s15;
	v54 =	vld [tilespmem:s16+$0x0];
	[tilespmem:v26+s30+$0x0] =	vst.idx.msk $0xffff, v28  }
0x108: {  	v26 =	vld [tilespmem:s1+$0x0]  }
0x109: {  	s17 =	sadd.s32 $0xB700, s23  }
0x10a: {  	s18 =	sor.u32 s8, s17;
	[tilespmem:v53+s30+$0x0] =	vst.idx.msk $0xffff, v52  }
0x10b: {  	v57 =	vor.u32 s19, v14;
	s20 =	sadd.s32 $0xB700, s28;
	v56 =	vld [tilespmem:s18+$0x0];
	s0 =	sor.u32 s9, s17;
	[tilespmem:v20+s30+$0x0] =	vst.idx.msk $0xffff, v21  }
0x10c: {  	s21 =	sor.u32 s11, s20;
	v20 =	vld [tilespmem:s0+$0x0];
	[tilespmem:v55+s30+$0x0] =	vst.idx.msk $0xffff, v54  }
0x10d: {  	v59 =	vor.u32 s10, v14;
	s1 =	sor.u32 s3, s20;
	v58 =	vld [tilespmem:s21+$0x0];
	[tilespmem:v22+s30+$0x0] =	vst.idx.msk $0xffff, v26  }
0x10e: {  	v22 =	vld [tilespmem:s1+$0x0]  }
0x10f: {  	[tilespmem:v17+s30+$0x0] =	vst.idx.msk $0xffff, v38;
	s22 =	sadd.s32 $0xB780, s23  }
0x110: {  	v17 =	vld [tilespmem:s6+$0x0];
	s23 =	sor.u32 s8, s22;
	[tilespmem:v57+s30+$0x0] =	vst.idx.msk $0xffff, v56  }
0x111: {  	v61 =	vor.u32 s19, v15;
	s24 =	sadd.s32 $0xB780, s28;
	v60 =	vld [tilespmem:s23+$0x0];
	s0 =	sor.u32 s9, s22;
	[tilespmem:v19+s30+$0x0] =	vst.idx.msk $0xffff, v20  }
0x112: {  	s25 =	sor.u32 s11, s24;
	v19 =	vld [tilespmem:s0+$0x0];
	[tilespmem:v59+s30+$0x0] =	vst.idx.msk $0xffff, v58  }
0x113: {  	v63 =	vor.u32 s10, v15;
	s1 =	sor.u32 s3, s24;
	v62 =	vld [tilespmem:s25+$0x0];
	[tilespmem:v30+s30+$0x0] =	vst.idx.msk $0xffff, v22  }
0x114: {  	[tilespmem:v40+s30+$0x0] =	vst.idx.msk $0xffff, v39;
	v22 =	vld [tilespmem:s1+$0x0]  }
0x115: {  	[tilespmem:v16+s30+$0x0] =	vst.idx.msk $0xffff, v17  }
0x116: {  	[tilespmem:v61+s30+$0x0] =	vst.idx.msk $0xffff, v60  }
0x117: {  	[tilespmem:v18+s30+$0x0] =	vst.idx.msk $0xffff, v19  }
0x118: {  	s2 =	rddreg [dreg:$0x16];
	[tilespmem:v63+s30+$0x0] =	vst.idx.msk $0xffff, v62  }
0x119: {  	s26 =	smul.u32 $0x900, s2;
	[tilespmem:v25+s30+$0x0] =	vst.idx.msk $0xffff, v22  }
0x11a: {  	p1 =	sgt.u32 s2, $0x303;
	s29 =	rddreg [dreg:$0x6]  }
0x11b: {  	s31 =	simm.s32 $0x0;
	s1 =	smul.u32 @!p1 $0x2400, s2;
	s0 =	sadd.s32 s29, s26  }
0x11c: {  	[hbm4b:s0+s31] =	stream.linear.scatter [tilespmem:s30], [sflag:$0x6], $0x4800, $0x38;
	[tilespmem:$0x1B000] =	vst v63  }
0x11d: {  	s0 =	sshrl.u32 @!p1 s1, $0x3;
	s1 =	rddreg [dreg:$0x0]  }
0x11e: {  	s28 =	simm.s32 $0x12000;
	s20 =	simm.s32 $0xD800;
	s0 =	sadd.s32 @!p1 s1, s0  }
0x11f: {  	s2 =	simm.s32 @!p1 $0x0;
	s3 =	simm.s32 @!p1 $0x9000;
	s1 =	sadd.s32 @!p1 $0x1B000, s0  }
0x120: {  	[tilespmem:s3], [sflag:$0x3] =	stream.linear.gather @!p1 [hbm4b:s1+s2], $0x2400, $0x38;
	[tilespmem:$0x1B000] =	vst v63  }
0x121: {  	s21 =	rddreg [dreg:$0x13];
	s0 =	sadd.s32 @!p1 $0x10F280, s0;
	s1 =	simm.s32 @!p1 $0xB400  }
0x122: {  	[tilespmem:s1], [sflag:$0x3] =	stream.linear.gather @!p1 [hbm4b:s0+s2], $0x2400, $0x38;
	[tilespmem:$0x1B000] =	vst v63  }
.LBB2_19:
0x123: {  	s21 =	sadd.s32 $0x1, s21  }
0x124: {  	p1 =	sne.s32 s21, $0xB  }
.Ltmp5:
0x125: {  	_ = 	snop;
	(pc) =	sbr.rel @!p1 .LBB2_20-.Ltmp5, $1  }
0x126: {  	_ =	sdelay $0x3  }
.LBB2_6:
0x127: {  	s1 =	smul.u32 $0x60, s21  }
0x128: {  	s0 =	rddreg [dreg:$0x5]  }
0x129: {  	s23 =	sor.u32 s0, s1  }
0x12a: {  	p1 =	slt.u32 s23, $0x364  }
.Ltmp6:
0x12b: {  	_ = 	snop;
	(pc) =	sbr.rel @!p1 .LBB2_7-.Ltmp6, $3  }
0x12c: {  	_ =	sdelay $0x1  }
0x12d: {  	[dreg:$0x13] =	wrdreg s21  }
0x12e: {  	[dreg:$0x14] =	wrdreg s1  }
0x12f: {  	s0 =	simm.s32 $0x1  }
0x130: {  	_ =	swait.ge [sflag:s0], $0x2400  }
0x131: {  	[sflag:s0] =	ssyncset.done $0x0  }
0x132: {  	[sflag:s0] =	ssyncadd.s32 $0xFFFFDC00  }
0x133: {  	_ =	swait.ge [sflag:s0], $0x2400  }
0x134: {  	p1 =	seq.s32 s21, $0x0;
	[sflag:s0] =	ssyncset.done $0x0  }
0x135: {  	[sflag:s0] =	ssyncadd.s32 $0xFFFFDC00;
	s0 =	simm.s32 @!p1 $0x4  }
0x136: {  	s7 =	simm.s32 $0x0;
	s1 =	simm.s32 $0x0;
	_ =	swait.ge @!p1 [sflag:s0], $0x4800  }
0x137: {  	s1 =	sand.u32 $0x60, s1;
	s18 =	sand.u32 $0x3C00, s7;
	[sflag:s0] =	ssyncset.done @!p1 $0x0  }
0x138: {  	s2 =	sor.u32 s1, s18;
	[sflag:s0] =	ssyncadd.s32 @!p1 $0xFFFFB800;
	s0 =	simm.s32 $0x0  }
0x139: {  	s3 =	simm.s32 $0x10;
	v16 =	vld [tilespmem:s2+$0x0];
	v17 =	vor.u32 s0, v0  }
0x13a: {  	s3 =	sand.u32 $0x70, s3  }
0x13b: {  	s4 =	simm.s32 $0x100;
	s5 =	sor.u32 s3, s18  }
0x13c: {  	v18 =	vor.u32 s4, v0;
	v19 =	vld [tilespmem:s5+$0x0];
	_ =	sdelay $0x1  }
0x13d: {  	[tilespmem:v17+s20+$0x0] =	vst.idx.msk $0xffff, v16  }
0x13e: {  	v17 =	vor.u32 s0, v1;
	v16 =	vld [tilespmem:s2+$0x80];
	_ =	sdelay $0x1  }
0x13f: {  	[tilespmem:v18+s20+$0x0] =	vst.idx.msk $0xffff, v19  }
0x140: {  	v18 =	vor.u32 s4, v1;
	v19 =	vld [tilespmem:s5+$0x80];
	_ =	sdelay $0x1  }
0x141: {  	[tilespmem:v17+s20+$0x0] =	vst.idx.msk $0xffff, v16  }
0x142: {  	v17 =	vor.u32 s0, v2;
	v16 =	vld [tilespmem:s2+$0x100];
	_ =	sdelay $0x1  }
0x143: {  	[tilespmem:v18+s20+$0x0] =	vst.idx.msk $0xffff, v19  }
0x144: {  	v18 =	vor.u32 s4, v2;
	v19 =	vld [tilespmem:s5+$0x100];
	_ =	sdelay $0x1  }
0x145: {  	[tilespmem:v17+s20+$0x0] =	vst.idx.msk $0xffff, v16  }
0x146: {  	v17 =	vor.u32 s0, v3;
	v16 =	vld [tilespmem:s2+$0x180];
	_ =	sdelay $0x1  }
0x147: {  	[tilespmem:v18+s20+$0x0] =	vst.idx.msk $0xffff, v19  }
0x148: {  	v18 =	vor.u32 s4, v3;
	v19 =	vld [tilespmem:s5+$0x180];
	_ =	sdelay $0x1  }
0x149: {  	[tilespmem:v17+s20+$0x0] =	vst.idx.msk $0xffff, v16  }
0x14a: {  	v17 =	vor.u32 s0, v4;
	v16 =	vld [tilespmem:s2+$0x200];
	_ =	sdelay $0x1  }
0x14b: {  	[tilespmem:v18+s20+$0x0] =	vst.idx.msk $0xffff, v19  }
0x14c: {  	v18 =	vor.u32 s4, v4;
	v19 =	vld [tilespmem:s5+$0x200];
	_ =	sdelay $0x1  }
0x14d: {  	s6 =	simm.s32 $0x20;
	s8 =	simm.s32 $0x100;
	[tilespmem:v17+s20+$0x0] =	vst.idx.msk $0xffff, v16  }
0x14e: {  	s24 =	sand.u32 $0x60, s6;
	s8 =	sand.u32 $0x3C00, s8;
	v17 =	vor.u32 s0, v5;
	v16 =	vld [tilespmem:s2+$0x280]  }
0x14f: {  	s9 =	simm.s32 $0x200;
	s6 =	sor.u32 s24, s8  }
0x150: {  	s12 =	simm.s32 $0x30;
	v21 =	vor.u32 s9, v0;
	s10 =	sand.u32 $0x3, s7;
	v20 =	vld [tilespmem:s6+$0x0];
	[tilespmem:v18+s20+$0x0] =	vst.idx.msk $0xffff, v19  }
0x151: {  	s19 =	sand.u32 $0x70, s12;
	s10 =	sshll.u32 s10, $0x5;
	v18 =	vor.u32 s4, v5;
	v19 =	vld [tilespmem:s5+$0x280]  }
0x152: {  	s10 =	sadd.s32 $0x0, s10;
	s5 =	simm.s32 $0x300;
	s2 =	sor.u32 s19, s8  }
0x153: {  	s7 =	sand.u32 $0x7, s7;
	s11 =	sor.u32 $0x300, s10;
	v22 =	vor.u32 s5, v0;
	v23 =	vld [tilespmem:s2+$0x0];
	[tilespmem:v17+s20+$0x0] =	vst.idx.msk $0xffff, v16  }
0x154: {  	s7 =	sshll.u32 s7, $0x4;
	v17 =	vor.u32 s0, v6;
	v16 =	vld [tilespmem:s11+$0x0]  }
0x155: {  	s7 =	sadd.s32 $0x10, s7;
	[tilespmem:v21+s20+$0x0] =	vst.idx.msk $0xffff, v20  }
0x156: {  	s13 =	sor.u32 $0x300, s7;
	v21 =	vor.u32 s9, v1;
	v20 =	vld [tilespmem:s6+$0x80];
	[tilespmem:v18+s20+$0x0] =	vst.idx.msk $0xffff, v19  }
0x157: {  	v18 =	vor.u32 s4, v6;
	v19 =	vld [tilespmem:s13+$0x0]  }
0x158: {  	[tilespmem:v22+s20+$0x0] =	vst.idx.msk $0xffff, v23  }
0x159: {  	s10 =	sor.u32 $0x380, s10;
	v22 =	vor.u32 s5, v1;
	v23 =	vld [tilespmem:s2+$0x80];
	[tilespmem:v17+s20+$0x0] =	vst.idx.msk $0xffff, v16  }
0x15a: {  	v17 =	vor.u32 s0, v7;
	v16 =	vld [tilespmem:s10+$0x0]  }
0x15b: {  	[tilespmem:v21+s20+$0x0] =	vst.idx.msk $0xffff, v20  }
0x15c: {  	s7 =	sor.u32 $0x380, s7;
	v21 =	vor.u32 s9, v2;
	v20 =	vld [tilespmem:s6+$0x100];
	[tilespmem:v18+s20+$0x0] =	vst.idx.msk $0xffff, v19  }
0x15d: {  	v18 =	vor.u32 s4, v7;
	v19 =	vld [tilespmem:s7+$0x0]  }
0x15e: {  	s14 =	sadd.s32 $0x2400, s18;
	[tilespmem:v22+s20+$0x0] =	vst.idx.msk $0xffff, v23  }
0x15f: {  	s15 =	sor.u32 s1, s14;
	v22 =	vor.u32 s5, v2;
	v23 =	vld [tilespmem:s2+$0x100];
	[tilespmem:v17+s20+$0x0] =	vst.idx.msk $0xffff, v16  }
0x160: {  	v17 =	vor.u32 s0, v8;
	v16 =	vld [tilespmem:s15+$0x0]  }
0x161: {  	[tilespmem:v21+s20+$0x0] =	vst.idx.msk $0xffff, v20  }
0x162: {  	v21 =	vor.u32 s9, v3;
	v20 =	vld [tilespmem:s6+$0x180];
	s7 =	sor.u32 s3, s14;
	[tilespmem:v18+s20+$0x0] =	vst.idx.msk $0xffff, v19  }
0x163: {  	v18 =	vor.u32 s4, v8;
	v19 =	vld [tilespmem:s7+$0x0]  }
0x164: {  	s16 =	sadd.s32 $0x2480, s18;
	[tilespmem:v22+s20+$0x0] =	vst.idx.msk $0xffff, v23  }
0x165: {  	s17 =	sor.u32 s1, s16;
	v22 =	vor.u32 s5, v3;
	v23 =	vld [tilespmem:s2+$0x180];
	[tilespmem:v17+s20+$0x0] =	vst.idx.msk $0xffff, v16  }
0x166: {  	v17 =	vor.u32 s0, v9;
	v16 =	vld [tilespmem:s17+$0x0]  }
0x167: {  	[tilespmem:v21+s20+$0x0] =	vst.idx.msk $0xffff, v20  }
0x168: {  	v21 =	vor.u32 s9, v4;
	v20 =	vld [tilespmem:s6+$0x200];
	s7 =	sor.u32 s3, s16;
	[tilespmem:v18+s20+$0x0] =	vst.idx.msk $0xffff, v19  }
0x169: {  	v18 =	vor.u32 s4, v9;
	v19 =	vld [tilespmem:s7+$0x0]  }
0x16a: {  	s22 =	sadd.s32 $0x2500, s18;
	[tilespmem:v22+s20+$0x0] =	vst.idx.msk $0xffff, v23  }
0x16b: {  	s25 =	sor.u32 s1, s22;
	v22 =	vor.u32 s5, v4;
	v23 =	vld [tilespmem:s2+$0x200];
	[tilespmem:v17+s20+$0x0] =	vst.idx.msk $0xffff, v16  }
0x16c: {  	v17 =	vor.u32 s0, v10;
	v16 =	vld [tilespmem:s25+$0x0]  }
0x16d: {  	s26 =	simm.s32 $0x40;
	s12 =	sor.u32 s3, s22;
	[tilespmem:v21+s20+$0x0] =	vst.idx.msk $0xffff, v20;
	s14 =	simm.s32 $0x200  }
0x16e: {  	v21 =	vor.u32 s9, v5;
	v20 =	vld [tilespmem:s6+$0x280];
	s6 =	simm.s32 $0x500;
	s10 =	sand.u32 $0x60, s26;
	s13 =	sand.u32 $0x3C00, s14;
	[tilespmem:v18+s20+$0x0] =	vst.idx.msk $0xffff, v19  }
0x16f: {  	s11 =	simm.s32 $0x400;
	s7 =	sor.u32 s10, s13;
	s17 =	simm.s32 $0x1;
	v18 =	vor.u32 s4, v10;
	v19 =	vld [tilespmem:s12+$0x0]  }
0x170: {  	v25 =	vor.u32 s11, v0;
	s15 =	simm.s32 $0x50;
	v24 =	vld [tilespmem:s7+$0x0];
	s16 =	sand.u32 $0x3, s17;
	[tilespmem:v22+s20+$0x0] =	vst.idx.msk $0xffff, v23;
	s25 =	sadd.s32 $0x2580, s18  }
0x171: {  	s29 =	sshll.u32 s16, $0x5;
	v22 =	vor.u32 s5, v5;
	s12 =	sand.u32 $0x70, s15;
	v23 =	vld [tilespmem:s2+$0x280];
	s16 =	sor.u32 s1, s25;
	[tilespmem:v17+s20+$0x0] =	vst.idx.msk $0xffff, v16  }
0x172: {  	s15 =	sadd.s32 $0x100, s29;
	s31 =	sor.u32 s12, s13;
	s2 =	simm.s32 $0x2;
	v17 =	vor.u32 s0, v11;
	v16 =	vld [tilespmem:s16+$0x0]  }
0x173: {  	v26 =	vor.u32 s6, v0;
	[tilespmem:v21+s20+$0x0] =	vst.idx.msk $0xffff, v20;
	s26 =	sor.u32 $0x300, s15;
	v27 =	vld [tilespmem:s31+$0x0];
	s22 =	sand.u32 $0x7, s2  }
0x174: {  	v21 =	vor.u32 s9, v6;
	s25 =	sor.u32 s3, s25;
	v20 =	vld [tilespmem:s26+$0x0];
	[tilespmem:v18+s20+$0x0] =	vst.idx.msk $0xffff, v19;
	s16 =	sshll.u32 s22, $0x4  }
0x175: {  	[tilespmem:v25+s20+$0x0] =	vst.idx.msk $0xffff, v24;
	v18 =	vor.u32 s4, v11;
	v19 =	vld [tilespmem:s25+$0x0];
	s16 =	sadd.s32 $0x110, s16  }
0x176: {  	v25 =	vor.u32 s11, v1;
	s29 =	sadd.s32 $0x2600, s18;
	v24 =	vld [tilespmem:s7+$0x80];
	[tilespmem:v22+s20+$0x0] =	vst.idx.msk $0xffff, v23;
	s26 =	sor.u32 $0x300, s16  }
0x177: {  	v22 =	vor.u32 s5, v6;
	s22 =	sor.u32 s1, s29;
	v23 =	vld [tilespmem:s26+$0x0];
	[tilespmem:v17+s20+$0x0] =	vst.idx.msk $0xffff, v16  }
0x178: {  	[tilespmem:v26+s20+$0x0] =	vst.idx.msk $0xffff, v27;
	v17 =	vor.u32 s0, v12;
	v16 =	vld [tilespmem:s22+$0x0]  }
0x179: {  	s15 =	sor.u32 $0x380, s15;
	v26 =	vor.u32 s6, v1;
	[tilespmem:v21+s20+$0x0] =	vst.idx.msk $0xffff, v20;
	v27 =	vld [tilespmem:s31+$0x80]  }
0x17a: {  	s29 =	sor.u32 s3, s29;
	v21 =	vor.u32 s9, v7;
	v20 =	vld [tilespmem:s15+$0x0];
	[tilespmem:v18+s20+$0x0] =	vst.idx.msk $0xffff, v19  }
0x17b: {  	[tilespmem:v25+s20+$0x0] =	vst.idx.msk $0xffff, v24;
	v18 =	vor.u32 s4, v12;
	v19 =	vld [tilespmem:s29+$0x0]  }
0x17c: {  	v25 =	vor.u32 s11, v2;
	v24 =	vld [tilespmem:s7+$0x100];
	s16 =	sor.u32 $0x380, s16;
	s22 =	sadd.s32 $0x2680, s18;
	[tilespmem:v22+s20+$0x0] =	vst.idx.msk $0xffff, v23  }
0x17d: {  	s25 =	sor.u32 s1, s22;
	v22 =	vor.u32 s5, v7;
	v23 =	vld [tilespmem:s16+$0x0];
	[tilespmem:v17+s20+$0x0] =	vst.idx.msk $0xffff, v16  }
0x17e: {  	s26 =	sadd.s32 $0x2400, s8;
	[tilespmem:v26+s20+$0x0] =	vst.idx.msk $0xffff, v27;
	v26 =	vor.u32 s0, v13;
	v17 =	vld [tilespmem:s25+$0x0]  }
0x17f: {  	s29 =	sor.u32 s24, s26;
	v27 =	vor.u32 s6, v2;
	[tilespmem:v21+s20+$0x0] =	vst.idx.msk $0xffff, v20;
	v29 =	vld [tilespmem:s31+$0x100]  }
0x180: {  	v21 =	vor.u32 s9, v8;
	v20 =	vld [tilespmem:s29+$0x0];
	s16 =	sor.u32 s3, s22;
	[tilespmem:v18+s20+$0x0] =	vst.idx.msk $0xffff, v19  }
0x181: {  	[tilespmem:v25+s20+$0x0] =	vst.idx.msk $0xffff, v24;
	v18 =	vor.u32 s4, v13;
	v25 =	vld [tilespmem:s16+$0x0]  }
0x182: {  	v31 =	vor.u32 s11, v3;
	v30 =	vld [tilespmem:s7+$0x180];
	s22 =	sadd.s32 $0x2700, s18;
	s16 =	sor.u32 s19, s26;
	[tilespmem:v22+s20+$0x0] =	vst.idx.msk $0xffff, v23  }
0x183: {  	v38 =	vor.u32 s4, v14;
	s25 =	sor.u32 s1, s22;
	v23 =	vor.u32 s5, v8;
	v32 =	vld [tilespmem:s16+$0x0];
	[tilespmem:v26+s20+$0x0] =	vst.idx.msk $0xffff, v17  }
0x184: {  	v42 =	vor.u32 s9, v9;
	v36 =	vor.u32 s0, v14;
	s26 =	sadd.s32 $0x2480, s8;
	[tilespmem:v27+s20+$0x0] =	vst.idx.msk $0xffff, v29;
	v27 =	vld [tilespmem:s25+$0x0]  }
0x185: {  	v43 =	vor.u32 s9, v10;
	v37 =	vor.u32 s6, v3;
	v35 =	vor.u32 s6, v4;
	[tilespmem:v21+s20+$0x0] =	vst.idx.msk $0xffff, v20;
	s29 =	sor.u32 s24, s26;
	v39 =	vld [tilespmem:s31+$0x180]  }
0x186: {  	v34 =	vor.u32 s6, v5;
	v33 =	vor.u32 s6, v6;
	v46 =	vor.u32 s11, v4;
	v40 =	vld [tilespmem:s29+$0x0];
	s16 =	sor.u32 s3, s22;
	[tilespmem:v18+s20+$0x0] =	vst.idx.msk $0xffff, v25  }
0x187: {  	v28 =	vor.u32 s5, v9;
	v24 =	vor.u32 s5, v11;
	v16 =	vor.u32 s4, v15;
	[tilespmem:v31+s20+$0x0] =	vst.idx.msk $0xffff, v30;
	v47 =	vld [tilespmem:s16+$0x0]  }
0x188: {  	v19 =	vor.u32 s5, v13;
	v31 =	vor.u32 s6, v7;
	v30 =	vor.u32 s6, v8;
	v44 =	vld [tilespmem:s7+$0x200];
	s22 =	sadd.s32 $0x2780, s18;
	s16 =	sor.u32 s19, s26;
	[tilespmem:v23+s20+$0x0] =	vst.idx.msk $0xffff, v32  }
0x189: {  	p1 =	sne.s32 s21, $0x0;
	v29 =	vor.u32 s6, v10;
	v21 =	vor.u32 s6, v14;
	v20 =	vor.u32 s6, v15;
	s25 =	sor.u32 s1, s22;
	v41 =	vld [tilespmem:s16+$0x0];
	[tilespmem:v36+s20+$0x0] =	vst.idx.msk $0xffff, v27  }
0x18a: {  	s4 =	simm.s32 $0x4;
	v22 =	vor.u32 s5, v12;
	s18 =	sor.u32 s3, s22;
	v26 =	vor.u32 s5, v10;
	s26 =	sadd.s32 $0x2500, s8;
	[tilespmem:v37+s20+$0x0] =	vst.idx.msk $0xffff, v39;
	v37 =	vor.u32 s0, v15;
	v36 =	vld [tilespmem:s25+$0x0]  }
0x18b: {  	s3 =	simm.s32 $0x700;
	v18 =	vor.u32 s5, v14;
	v17 =	vor.u32 s5, v15;
	v25 =	vor.u32 s6, v12;
	s5 =	simm.s32 $0x200;
	[tilespmem:v42+s20+$0x0] =	vst.idx.msk $0xffff, v40;
	s29 =	sor.u32 s24, s26;
	v45 =	vld [tilespmem:s31+$0x200]  }
0x18c: {  	s1 =	simm.s32 $0x110;
	s0 =	simm.s32 $0x70;
	v32 =	vor.u32 s6, v9;
	v23 =	vor.u32 s6, v13;
	v42 =	vld [tilespmem:s29+$0x0];
	v27 =	vor.u32 s6, v11;
	[tilespmem:v38+s20+$0x0] =	vst.idx.msk $0xffff, v47;
	s25 =	sor.u32 s19, s26  }
.LBB2_9:
0x18d: {  	s6 =	sadd.s32 $0xFFFFFFF0, s0;
	v47 =	vor.u32 s3, v0;
	v48 =	vor.u32 s3, v1;
	v40 =	vor.u32 s3, v2;
	s4 =	sadd.s32 $0x2, s4;
	[tilespmem:v46+s20+$0x0] =	vst.idx.msk $0xffff, v44;
	s14 =	sadd.s32 $0x100, s14;
	v44 =	vld [tilespmem:s18+$0x0]  }
0x18e: {  	v38 =	vor.u32 s3, v3;
	v39 =	vor.u32 s3, v4;
	v49 =	vor.u32 s11, v5;
	s6 =	sand.u32 $0x60, s6;
	s16 =	sand.u32 $0x3C00, s14;
	p2 =	slt.u32 s4, $0x46;
	v46 =	vld [tilespmem:s7+$0x280];
	[tilespmem:v28+s20+$0x0] =	vst.idx.msk $0xffff, v41;
	v28 =	vmovc v32  }
0x18f: {  	s15 =	sadd.s32 $0xFFFFFF00, s3;
	v50 =	vor.u32 s3, v6;
	v51 =	vor.u32 s3, v7;
	s17 =	sadd.s32 $0x1, s17;
	v41 =	vor.u32 s3, v5;
	s7 =	sor.u32 s6, s16;
	v52 =	vld [tilespmem:s25+$0x0];
	[tilespmem:v37+s20+$0x0] =	vst.idx.msk $0xffff, v36  }
0x190: {  	s26 =	sadd.s32 $0x2580, s8;
	v53 =	vor.u32 s15, v0;
	v32 =	vor.u32 s3, v9;
	s18 =	sand.u32 $0x3, s17;
	s25 =	sand.u32 $0x70, s0;
	v36 =	vor.u32 s3, v8;
	v37 =	vld [tilespmem:s7+$0x0];
	[tilespmem:v35+s20+$0x0] =	vst.idx.msk $0xffff, v45;
	v35 =	vmovc v39  }
0x191: {  	v54 =	vor.u32 s3, v11;
	v55 =	vor.u32 s3, v12;
	s29 =	sor.u32 s24, s26;
	s18 =	sshll.u32 s18, $0x5;
	v45 =	vor.u32 s3, v10;
	v56 =	vld [tilespmem:s31+$0x280];
	s31 =	sor.u32 s25, s16;
	[tilespmem:v43+s20+$0x0] =	vst.idx.msk $0xffff, v42  }
0x192: {  	v57 =	vor.u32 s9, v11;
	s2 =	sadd.s32 $0x2, s2;
	s26 =	sor.u32 s19, s26;
	v39 =	vor.u32 s3, v14;
	s22 =	sadd.s32 s18, s5;
	v42 =	vor.u32 s3, v13;
	v43 =	vld [tilespmem:s29+$0x0];
	[tilespmem:v16+s20+$0x0] =	vst.idx.msk $0xffff, v44;
	v16 =	vmovc v17;
	v17 =	vmovc v20  }
0x193: {  	s18 =	sand.u32 $0x7, s2;
	s5 =	smov.u32 s14;
	v20 =	vor.u32 s3, v15;
	s29 =	sor.u32 $0x300, s22;
	v44 =	vld [tilespmem:s31+$0x0];
	[tilespmem:v49+s20+$0x0] =	vst.idx.msk $0xffff, v46  }
0x194: {  	s1 =	sadd.s32 $0x100, s1;
	s21 =	sshll.u32 s18, $0x4;
	s18 =	smov.u32 s19;
	v49 =	vor.u32 s11, v6;
	v46 =	vld [tilespmem:s29+$0x0];
	[tilespmem:v26+s20+$0x0] =	vst.idx.msk $0xffff, v52;
	v26 =	vmov v29;
	v29 =	vmov v45  }
0x195: {  	s19 =	smov.u32 s12;
	s12 =	smov.u32 s25;
	s21 =	sadd.s32 s21, s1;
	[tilespmem:v53+s20+$0x0] =	vst.idx.msk $0xffff, v37;
	v37 =	vld [tilespmem:s26+$0x0]  }
0x196: {  	s25 =	sor.u32 $0x300, s21;
	v52 =	vor.u32 s15, v1;
	s26 =	sadd.s32 $0x2600, s8;
	v45 =	vld [tilespmem:s7+$0x80];
	[tilespmem:v34+s20+$0x0] =	vst.idx.msk $0xffff, v56;
	v34 =	vmov v41  }
0x197: {  	v41 =	vld [tilespmem:s25+$0x0];
	[tilespmem:v57+s20+$0x0] =	vst.idx.msk $0xffff, v43;
	s25 =	sor.u32 s24, s26;
	s26 =	sor.u32 s18, s26  }
0x198: {  	[tilespmem:v47+s20+$0x0] =	vst.idx.msk $0xffff, v44;
	v43 =	vld [tilespmem:s25+$0x0];
	v44 =	vor.u32 s9, v12  }
0x199: {  	s22 =	sor.u32 $0x380, s22;
	v47 =	vld [tilespmem:s31+$0x80];
	[tilespmem:v49+s20+$0x0] =	vst.idx.msk $0xffff, v46  }
0x19a: {  	v49 =	vor.u32 s11, v7;
	v46 =	vld [tilespmem:s22+$0x0];
	[tilespmem:v24+s20+$0x0] =	vst.idx.msk $0xffff, v37;
	v24 =	vmov v27;
	v27 =	vmov v54  }
0x19b: {  	[tilespmem:v52+s20+$0x0] =	vst.idx.msk $0xffff, v45;
	v37 =	vld [tilespmem:s26+$0x0]  }
0x19c: {  	s21 =	sor.u32 $0x380, s21;
	s22 =	sadd.s32 $0x2680, s8;
	v52 =	vor.u32 s15, v2;
	v45 =	vld [tilespmem:s7+$0x100];
	[tilespmem:v33+s20+$0x0] =	vst.idx.msk $0xffff, v41;
	v33 =	vmov v50  }
0x19d: {  	v41 =	vld [tilespmem:s21+$0x0];
	[tilespmem:v44+s20+$0x0] =	vst.idx.msk $0xffff, v43;
	s21 =	sor.u32 s24, s22;
	s22 =	sor.u32 s18, s22  }
0x19e: {  	s25 =	sadd.s32 $0x2400, s13;
	v44 =	vor.u32 s9, v13;
	[tilespmem:v48+s20+$0x0] =	vst.idx.msk $0xffff, v47;
	v43 =	vld [tilespmem:s21+$0x0]  }
0x19f: {  	s21 =	sor.u32 s10, s25;
	s25 =	sor.u32 s19, s25;
	v47 =	vld [tilespmem:s31+$0x100];
	[tilespmem:v49+s20+$0x0] =	vst.idx.msk $0xffff, v46  }
0x1a0: {  	v48 =	vor.u32 s11, v8;
	v46 =	vld [tilespmem:s21+$0x0];
	[tilespmem:v22+s20+$0x0] =	vst.idx.msk $0xffff, v37;
	v22 =	vmov v25;
	v25 =	vmov v55  }
0x1a1: {  	[tilespmem:v52+s20+$0x0] =	vst.idx.msk $0xffff, v45;
	v37 =	vld [tilespmem:s22+$0x0]  }
0x1a2: {  	v49 =	vor.u32 s15, v3;
	s21 =	sadd.s32 $0x2700, s8;
	v45 =	vld [tilespmem:s7+$0x180];
	[tilespmem:v31+s20+$0x0] =	vst.idx.msk $0xffff, v41;
	v31 =	vmov v51  }
0x1a3: {  	s22 =	sor.u32 s24, s21;
	s21 =	sor.u32 s18, s21;
	v41 =	vld [tilespmem:s25+$0x0];
	[tilespmem:v44+s20+$0x0] =	vst.idx.msk $0xffff, v43  }
0x1a4: {  	s25 =	sadd.s32 $0x2480, s13;
	v43 =	vor.u32 s9, v14;
	[tilespmem:v40+s20+$0x0] =	vst.idx.msk $0xffff, v47;
	v40 =	vld [tilespmem:s22+$0x0]  }
0x1a5: {  	s22 =	sor.u32 s10, s25;
	s25 =	sor.u32 s19, s25;
	v47 =	vld [tilespmem:s31+$0x180];
	[tilespmem:v48+s20+$0x0] =	vst.idx.msk $0xffff, v46  }
0x1a6: {  	v50 =	vor.u32 s11, v9;
	v48 =	vld [tilespmem:s22+$0x0];
	[tilespmem:v19+s20+$0x0] =	vst.idx.msk $0xffff, v37;
	v19 =	vmov v23;
	v23 =	vmov v42  }
0x1a7: {  	[tilespmem:v49+s20+$0x0] =	vst.idx.msk $0xffff, v45;
	v49 =	vld [tilespmem:s21+$0x0]  }
.Ltmp7:
0x1a8: {  	v46 =	vor.u32 s15, v4;
	s21 =	sadd.s32 $0x2780, s8;
	s8 =	smov.u32 s13;
	v44 =	vld [tilespmem:s7+$0x200];
	[tilespmem:v30+s20+$0x0] =	vst.idx.msk $0xffff, v41;
	v30 =	vmov v36;
	(pc) =	sbr.rel @p2 .LBB2_9-.Ltmp7, $4  }
0x1a9: {  	s13 =	sor.u32 s24, s21;
	s18 =	sor.u32 s18, s21;
	s24 =	smov.u32 s10;
	v41 =	vld [tilespmem:s25+$0x0];
	[tilespmem:v43+s20+$0x0] =	vst.idx.msk $0xffff, v40  }
0x1aa: {  	v37 =	vor.u32 s9, v15;
	s21 =	sadd.s32 $0x2500, s8;
	s10 =	smov.u32 s6;
	[tilespmem:v38+s20+$0x0] =	vst.idx.msk $0xffff, v47;
	v36 =	vld [tilespmem:s13+$0x0];
	s13 =	smov.u32 s16  }
0x1ab: {  	s9 =	smov.u32 s11;
	s6 =	sor.u32 s24, s21;
	s25 =	sor.u32 s19, s21;
	v45 =	vld [tilespmem:s31+$0x200];
	[tilespmem:v50+s20+$0x0] =	vst.idx.msk $0xffff, v48  }
0x1ac: {  	s0 =	sadd.s32 $0x20, s0;
	s3 =	sadd.s32 $0x200, s3;
	s11 =	smov.u32 s15;
	v43 =	vor.u32 s9, v10;
	v42 =	vld [tilespmem:s6+$0x0];
	[tilespmem:v18+s20+$0x0] =	vst.idx.msk $0xffff, v49;
	v18 =	vmov v21;
	v21 =	vmov v39  }
0x1ad: {  	_ =	sdelay $0x3  }
0x1ae: {  	[tilespmem:v46+s20+$0x0] =	vst.idx.msk $0xffff, v44  }
0x1af: {  	v39 =	vor.u32 s11, v5;
	v38 =	vld [tilespmem:s7+$0x280];
	[tilespmem:v35+s20+$0x0] =	vst.idx.msk $0xffff, v45  }
0x1b0: {  	s0 =	sadd.s32 $0x1, s17;
	v35 =	vld [tilespmem:s31+$0x280]  }
0x1b1: {  	s2 =	sadd.s32 $0x2, s2;
	s0 =	sand.u32 $0x3, s0  }
0x1b2: {  	s2 =	sand.u32 $0x7, s2;
	s0 =	sshll.u32 s0, $0x5  }
0x1b3: {  	s1 =	sadd.s32 $0x100, s1;
	s2 =	sshll.u32 s2, $0x4;
	s0 =	sadd.s32 s0, s5  }
0x1b4: {  	s1 =	sadd.s32 s2, s1;
	s3 =	sor.u32 $0x300, s0;
	[tilespmem:v39+s20+$0x0] =	vst.idx.msk $0xffff, v38  }
0x1b5: {  	v59 =	vor.u32 s11, v6;
	s2 =	sor.u32 $0x300, s1;
	v38 =	vld [tilespmem:s3+$0x0];
	[tilespmem:v34+s20+$0x0] =	vst.idx.msk $0xffff, v35  }
0x1b6: {  	v34 =	vld [tilespmem:s2+$0x0];
	_ =	sdelay $0x3  }
0x1b7: {  	s0 =	sor.u32 $0x380, s0;
	[tilespmem:v59+s20+$0x0] =	vst.idx.msk $0xffff, v38  }
0x1b8: {  	v61 =	vor.u32 s11, v7;
	s4 =	sor.u32 $0x380, s1;
	v60 =	vld [tilespmem:s0+$0x0];
	[tilespmem:v33+s20+$0x0] =	vst.idx.msk $0xffff, v34  }
0x1b9: {  	v33 =	vld [tilespmem:s4+$0x0];
	_ =	sdelay $0x2  }
0x1ba: {  	s5 =	sadd.s32 $0x2400, s13  }
0x1bb: {  	s6 =	sor.u32 s10, s5;
	[tilespmem:v61+s20+$0x0] =	vst.idx.msk $0xffff, v60  }
0x1bc: {  	v63 =	vor.u32 s11, v8;
	s0 =	sor.u32 s12, s5;
	v62 =	vld [tilespmem:s6+$0x0];
	[tilespmem:v31+s20+$0x0] =	vst.idx.msk $0xffff, v33  }
0x1bd: {  	v31 =	vld [tilespmem:s0+$0x0];
	_ =	sdelay $0x2  }
0x1be: {  	s7 =	sadd.s32 $0x2480, s13  }
0x1bf: {  	s14 =	sor.u32 s10, s7;
	[tilespmem:v63+s20+$0x0] =	vst.idx.msk $0xffff, v62  }
0x1c0: {  	v39 =	vor.u32 s11, v9;
	s0 =	sor.u32 s12, s7;
	v38 =	vld [tilespmem:s14+$0x0];
	[tilespmem:v30+s20+$0x0] =	vst.idx.msk $0xffff, v31  }
0x1c1: {  	v30 =	vld [tilespmem:s0+$0x0];
	_ =	sdelay $0x2  }
0x1c2: {  	s15 =	sadd.s32 $0x2500, s13;
	[tilespmem:v28+s20+$0x0] =	vst.idx.msk $0xffff, v41  }
0x1c3: {  	s16 =	sor.u32 s10, s15;
	v28 =	vld [tilespmem:s25+$0x0];
	[tilespmem:v39+s20+$0x0] =	vst.idx.msk $0xffff, v38  }
0x1c4: {  	v41 =	vor.u32 s11, v10;
	s0 =	sor.u32 s12, s15;
	v40 =	vld [tilespmem:s16+$0x0];
	[tilespmem:v32+s20+$0x0] =	vst.idx.msk $0xffff, v30  }
0x1c5: {  	v30 =	vld [tilespmem:s0+$0x0]  }
0x1c6: {  	s17 =	sadd.s32 $0x2580, s8  }
0x1c7: {  	s21 =	sor.u32 s24, s17;
	[tilespmem:v43+s20+$0x0] =	vst.idx.msk $0xffff, v42  }
0x1c8: {  	v44 =	vor.u32 s9, v11;
	s22 =	sadd.s32 $0x2580, s13;
	v43 =	vld [tilespmem:s21+$0x0];
	[tilespmem:v26+s20+$0x0] =	vst.idx.msk $0xffff, v28;
	s0 =	sor.u32 s19, s17  }
0x1c9: {  	s25 =	sor.u32 s10, s22;
	v26 =	vld [tilespmem:s0+$0x0];
	[tilespmem:v41+s20+$0x0] =	vst.idx.msk $0xffff, v40  }
0x1ca: {  	v46 =	vor.u32 s11, v11;
	s26 =	sor.u32 s12, s22;
	v45 =	vld [tilespmem:s25+$0x0];
	[tilespmem:v29+s20+$0x0] =	vst.idx.msk $0xffff, v30  }
0x1cb: {  	v29 =	vld [tilespmem:s26+$0x0]  }
0x1cc: {  	s29 =	sadd.s32 $0x2600, s8  }
0x1cd: {  	s31 =	sor.u32 s24, s29;
	[tilespmem:v44+s20+$0x0] =	vst.idx.msk $0xffff, v43  }
0x1ce: {  	v48 =	vor.u32 s9, v12;
	s2 =	sadd.s32 $0x2600, s13;
	v47 =	vld [tilespmem:s31+$0x0];
	s0 =	sor.u32 s19, s29;
	[tilespmem:v24+s20+$0x0] =	vst.idx.msk $0xffff, v26  }
0x1cf: {  	s3 =	sor.u32 s10, s2;
	v24 =	vld [tilespmem:s0+$0x0];
	[tilespmem:v46+s20+$0x0] =	vst.idx.msk $0xffff, v45  }
0x1d0: {  	v50 =	vor.u32 s11, v12;
	s1 =	sor.u32 s12, s2;
	v49 =	vld [tilespmem:s3+$0x0];
	[tilespmem:v27+s20+$0x0] =	vst.idx.msk $0xffff, v29  }
0x1d1: {  	v27 =	vld [tilespmem:s1+$0x0]  }
0x1d2: {  	s4 =	sadd.s32 $0x2680, s8  }
0x1d3: {  	[tilespmem:v48+s20+$0x0] =	vst.idx.msk $0xffff, v47;
	s5 =	sor.u32 s24, s4  }
0x1d4: {  	v52 =	vor.u32 s9, v13;
	v51 =	vld [tilespmem:s5+$0x0];
	s6 =	sadd.s32 $0x2680, s13;
	s0 =	sor.u32 s19, s4;
	[tilespmem:v22+s20+$0x0] =	vst.idx.msk $0xffff, v24  }
0x1d5: {  	s7 =	sor.u32 s10, s6;
	v22 =	vld [tilespmem:s0+$0x0];
	[tilespmem:v50+s20+$0x0] =	vst.idx.msk $0xffff, v49  }
0x1d6: {  	v54 =	vor.u32 s11, v13;
	s1 =	sor.u32 s12, s6;
	v53 =	vld [tilespmem:s7+$0x0];
	[tilespmem:v25+s20+$0x0] =	vst.idx.msk $0xffff, v27  }
0x1d7: {  	v25 =	vld [tilespmem:s1+$0x0]  }
0x1d8: {  	s14 =	sadd.s32 $0x2700, s8  }
0x1d9: {  	[tilespmem:v52+s20+$0x0] =	vst.idx.msk $0xffff, v51;
	s15 =	sor.u32 s24, s14  }
0x1da: {  	v56 =	vor.u32 s9, v14;
	v55 =	vld [tilespmem:s15+$0x0];
	s16 =	sadd.s32 $0x2700, s13;
	s0 =	sor.u32 s19, s14;
	[tilespmem:v19+s20+$0x0] =	vst.idx.msk $0xffff, v22  }
0x1db: {  	s17 =	sor.u32 s10, s16;
	v19 =	vld [tilespmem:s0+$0x0];
	[tilespmem:v54+s20+$0x0] =	vst.idx.msk $0xffff, v53  }
0x1dc: {  	v58 =	vor.u32 s11, v14;
	s1 =	sor.u32 s12, s16;
	v57 =	vld [tilespmem:s17+$0x0];
	[tilespmem:v23+s20+$0x0] =	vst.idx.msk $0xffff, v25  }
0x1dd: {  	v23 =	vld [tilespmem:s1+$0x0]  }
0x1de: {  	s21 =	sadd.s32 $0x2780, s8  }
0x1df: {  	s22 =	sor.u32 s24, s21;
	v59 =	vld [tilespmem:s18+$0x0];
	[tilespmem:v56+s20+$0x0] =	vst.idx.msk $0xffff, v55  }
0x1e0: {  	v61 =	vor.u32 s9, v15;
	s24 =	sadd.s32 $0x2780, s13;
	v60 =	vld [tilespmem:s22+$0x0];
	s0 =	sor.u32 s19, s21;
	[tilespmem:v18+s20+$0x0] =	vst.idx.msk $0xffff, v19  }
0x1e1: {  	s25 =	sor.u32 s10, s24;
	v18 =	vld [tilespmem:s0+$0x0];
	[tilespmem:v58+s20+$0x0] =	vst.idx.msk $0xffff, v57  }
0x1e2: {  	v63 =	vor.u32 s11, v15;
	s1 =	sor.u32 s12, s24;
	v62 =	vld [tilespmem:s25+$0x0];
	[tilespmem:v21+s20+$0x0] =	vst.idx.msk $0xffff, v23  }
0x1e3: {  	[tilespmem:v37+s20+$0x0] =	vst.idx.msk $0xffff, v36;
	v21 =	vld [tilespmem:s1+$0x0]  }
0x1e4: {  	[tilespmem:v16+s20+$0x0] =	vst.idx.msk $0xffff, v59  }
0x1e5: {  	[tilespmem:v61+s20+$0x0] =	vst.idx.msk $0xffff, v60  }
0x1e6: {  	[tilespmem:v17+s20+$0x0] =	vst.idx.msk $0xffff, v18  }
0x1e7: {  	[tilespmem:v63+s20+$0x0] =	vst.idx.msk $0xffff, v62  }
0x1e8: {  	s26 =	smul.u32 $0x900, s23;
	[tilespmem:v20+s20+$0x0] =	vst.idx.msk $0xffff, v21  }
0x1e9: {  	p2 =	sgt.u32 s23, $0x303;
	s29 =	rddreg [dreg:$0x6]  }
0x1ea: {  	s31 =	simm.s32 $0x0;
	s1 =	smul.u32 @!p2 $0x2400, s23;
	s0 =	sadd.s32 s29, s26  }
0x1eb: {  	[hbm4b:s0+s31] =	stream.linear.scatter [tilespmem:s20], [sflag:$0x4], $0x4800, $0x38;
	[tilespmem:$0x1B000] =	vst v63  }
0x1ec: {  	s0 =	sshrl.u32 @!p2 s1, $0x3;
	s1 =	rddreg [dreg:$0x0]  }
0x1ed: {  	s0 =	sadd.s32 @!p2 s1, s0  }
.Ltmp8:
0x1ee: {  	s2 =	simm.s32 @!p2 $0x0;
	s1 =	sadd.s32 @!p2 $0x1B000, s0;
	(pc) =	sbr.rel .LBB2_11-.Ltmp8, $4  }
0x1ef: {  	[tilespmem:s2], [sflag:$0x1] =	stream.linear.gather @!p2 [hbm4b:s1+s2], $0x2400, $0x38;
	[tilespmem:$0x1B000] =	vst v63  }
0x1f0: {  	s21 =	rddreg [dreg:$0x13];
	s0 =	sadd.s32 @!p2 $0x10F280, s0;
	s1 =	simm.s32 @!p2 $0x2400  }
0x1f1: {  	[tilespmem:s1], [sflag:$0x1] =	stream.linear.gather @!p2 [hbm4b:s0+s2], $0x2400, $0x38;
	[tilespmem:$0x1B000] =	vst v63  }
0x1f2: {  	s1 =	rddreg [dreg:$0x14]  }
.LBB2_7:
0x1f3: {  	p1 =	sne.s32 s21, $0x0  }
.LBB2_11:
0x1f4: {  	s0 =	rddreg [dreg:$0xf]  }
0x1f5: {  	s0 =	sadd.s32 s0, s1  }
0x1f6: {  	p2 =	sgt.u32 s0, $0x363  }
.Ltmp9:
0x1f7: {  	_ = 	snop;
	(pc) =	sbr.rel @p2 .LBB2_15-.Ltmp9, $1  }
0x1f8: {  	_ =	sdelay $0x3  }
0x1f9: {  	[dreg:$0x15] =	wrdreg s0;
	s16 =	simm.s32 $0x2  }
0x1fa: {  	_ =	swait.ge [sflag:s16], $0x2400  }
0x1fb: {  	[sflag:s16] =	ssyncset.done $0x0  }
0x1fc: {  	[sflag:s16] =	ssyncadd.s32 $0xFFFFDC00  }
0x1fd: {  	_ =	swait.ge [sflag:s16], $0x2400  }
0x1fe: {  	[sflag:s16] =	ssyncset.done $0x0  }
0x1ff: {  	s0 =	simm.s32 @p1 $0x5;
	s5 =	simm.s32 $0x0;
	[sflag:s16] =	ssyncadd.s32 $0xFFFFDC00  }
0x200: {  	s1 =	simm.s32 $0x10;
	s3 =	sand.u32 $0x3C00, s5;
	_ =	swait.ge @p1 [sflag:s0], $0x4800  }
0x201: {  	s18 =	sand.u32 $0x70, s1;
	s6 =	sadd.s32 $0x4800, s3;
	[sflag:s0] =	ssyncset.done @p1 $0x0  }
0x202: {  	s2 =	simm.s32 $0x100;
	s17 =	sor.u32 s18, s6;
	[sflag:s0] =	ssyncadd.s32 @p1 $0xFFFFB800  }
0x203: {  	s19 =	simm.s32 $0x0;
	v17 =	vor.u32 s2, v0;
	v16 =	vld [tilespmem:s17+$0x0]  }
0x204: {  	s1 =	sand.u32 $0x60, s19  }
0x205: {  	s4 =	simm.s32 $0x0;
	s7 =	sor.u32 s1, s6  }
0x206: {  	v18 =	vor.u32 s4, v0;
	v19 =	vld [tilespmem:s7+$0x0];
	_ =	sdelay $0x1  }
0x207: {  	[tilespmem:v17+s28+$0x0] =	vst.idx.msk $0xffff, v16  }
0x208: {  	v17 =	vor.u32 s2, v1;
	v16 =	vld [tilespmem:s17+$0x80];
	_ =	sdelay $0x1  }
0x209: {  	[tilespmem:v18+s28+$0x0] =	vst.idx.msk $0xffff, v19  }
0x20a: {  	v18 =	vor.u32 s4, v1;
	v19 =	vld [tilespmem:s7+$0x80];
	_ =	sdelay $0x1  }
0x20b: {  	[tilespmem:v17+s28+$0x0] =	vst.idx.msk $0xffff, v16  }
0x20c: {  	v17 =	vor.u32 s2, v2;
	v16 =	vld [tilespmem:s17+$0x100];
	_ =	sdelay $0x1  }
0x20d: {  	[tilespmem:v18+s28+$0x0] =	vst.idx.msk $0xffff, v19  }
0x20e: {  	v18 =	vor.u32 s4, v2;
	v19 =	vld [tilespmem:s7+$0x100];
	_ =	sdelay $0x1  }
0x20f: {  	[tilespmem:v17+s28+$0x0] =	vst.idx.msk $0xffff, v16  }
0x210: {  	v17 =	vor.u32 s2, v3;
	v16 =	vld [tilespmem:s17+$0x180];
	_ =	sdelay $0x1  }
0x211: {  	[tilespmem:v18+s28+$0x0] =	vst.idx.msk $0xffff, v19  }
0x212: {  	v18 =	vor.u32 s4, v3;
	v19 =	vld [tilespmem:s7+$0x180];
	_ =	sdelay $0x1  }
0x213: {  	[tilespmem:v17+s28+$0x0] =	vst.idx.msk $0xffff, v16  }
0x214: {  	v17 =	vor.u32 s2, v4;
	v16 =	vld [tilespmem:s17+$0x200];
	_ =	sdelay $0x1  }
0x215: {  	[tilespmem:v18+s28+$0x0] =	vst.idx.msk $0xffff, v19  }
0x216: {  	v18 =	vor.u32 s4, v4;
	v19 =	vld [tilespmem:s7+$0x200]  }
0x217: {  	s20 =	simm.s32 $0x100  }
0x218: {  	s21 =	simm.s32 $0x30;
	s8 =	sand.u32 $0x3C00, s20;
	[tilespmem:v17+s28+$0x0] =	vst.idx.msk $0xffff, v16  }
0x219: {  	s24 =	sand.u32 $0x70, s21;
	s10 =	sadd.s32 $0x4800, s8;
	v17 =	vor.u32 s2, v5;
	v16 =	vld [tilespmem:s17+$0x280]  }
0x21a: {  	s19 =	simm.s32 $0x300;
	s6 =	sor.u32 s24, s10  }
0x21b: {  	s23 =	simm.s32 $0x20;
	s22 =	sand.u32 $0x7, s5;
	v21 =	vor.u32 s19, v0;
	v20 =	vld [tilespmem:s6+$0x0];
	[tilespmem:v18+s28+$0x0] =	vst.idx.msk $0xffff, v19  }
0x21c: {  	s25 =	sand.u32 $0x3, s5;
	s9 =	sand.u32 $0x60, s23;
	s0 =	sshll.u32 s22, $0x4;
	v18 =	vor.u32 s4, v5;
	v19 =	vld [tilespmem:s7+$0x280]  }
0x21d: {  	s5 =	simm.s32 $0x200;
	s29 =	sor.u32 s9, s10;
	s11 =	sadd.s32 $0x10, s0  }
0x21e: {  	v22 =	vor.u32 s5, v0;
	v23 =	vld [tilespmem:s29+$0x0];
	s26 =	sor.u32 $0x300, s11;
	[tilespmem:v17+s28+$0x0] =	vst.idx.msk $0xffff, v16  }
0x21f: {  	s12 =	sshll.u32 s25, $0x5;
	v17 =	vor.u32 s2, v6;
	v16 =	vld [tilespmem:s26+$0x4800]  }
0x220: {  	s30 =	sadd.s32 $0x0, s12;
	[tilespmem:v21+s28+$0x0] =	vst.idx.msk $0xffff, v20  }
0x221: {  	s12 =	sor.u32 $0x300, s30;
	v21 =	vor.u32 s19, v1;
	v20 =	vld [tilespmem:s6+$0x80];
	[tilespmem:v18+s28+$0x0] =	vst.idx.msk $0xffff, v19  }
0x222: {  	v18 =	vor.u32 s4, v6;
	v19 =	vld [tilespmem:s12+$0x4800]  }
0x223: {  	[tilespmem:v22+s28+$0x0] =	vst.idx.msk $0xffff, v23  }
0x224: {  	s13 =	sor.u32 $0x380, s11;
	v22 =	vor.u32 s5, v1;
	v23 =	vld [tilespmem:s29+$0x80];
	[tilespmem:v17+s28+$0x0] =	vst.idx.msk $0xffff, v16  }
0x225: {  	v17 =	vor.u32 s2, v7;
	v16 =	vld [tilespmem:s13+$0x4800]  }
0x226: {  	[tilespmem:v21+s28+$0x0] =	vst.idx.msk $0xffff, v20  }
0x227: {  	v21 =	vor.u32 s19, v2;
	v20 =	vld [tilespmem:s6+$0x100];
	s7 =	sor.u32 $0x380, s30;
	[tilespmem:v18+s28+$0x0] =	vst.idx.msk $0xffff, v19  }
0x228: {  	v18 =	vor.u32 s4, v7;
	v19 =	vld [tilespmem:s7+$0x4800]  }
0x229: {  	s14 =	sadd.s32 $0x6C00, s3;
	[tilespmem:v22+s28+$0x0] =	vst.idx.msk $0xffff, v23  }
0x22a: {  	s15 =	sor.u32 s18, s14;
	v22 =	vor.u32 s5, v2;
	v23 =	vld [tilespmem:s29+$0x100];
	[tilespmem:v17+s28+$0x0] =	vst.idx.msk $0xffff, v16  }
0x22b: {  	v17 =	vor.u32 s2, v8;
	v16 =	vld [tilespmem:s15+$0x0]  }
0x22c: {  	[tilespmem:v21+s28+$0x0] =	vst.idx.msk $0xffff, v20  }
0x22d: {  	v21 =	vor.u32 s19, v3;
	v20 =	vld [tilespmem:s6+$0x180];
	s7 =	sor.u32 s1, s14;
	[tilespmem:v18+s28+$0x0] =	vst.idx.msk $0xffff, v19  }
0x22e: {  	v18 =	vor.u32 s4, v8;
	v19 =	vld [tilespmem:s7+$0x0]  }
0x22f: {  	s16 =	sadd.s32 $0x6C80, s3;
	[tilespmem:v22+s28+$0x0] =	vst.idx.msk $0xffff, v23  }
0x230: {  	v22 =	vor.u32 s5, v3;
	v23 =	vld [tilespmem:s29+$0x180];
	s17 =	sor.u32 s18, s16;
	[tilespmem:v17+s28+$0x0] =	vst.idx.msk $0xffff, v16  }
0x231: {  	v17 =	vor.u32 s2, v9;
	v16 =	vld [tilespmem:s17+$0x0]  }
0x232: {  	[tilespmem:v21+s28+$0x0] =	vst.idx.msk $0xffff, v20  }
0x233: {  	v21 =	vor.u32 s19, v4;
	v20 =	vld [tilespmem:s6+$0x200];
	s7 =	sor.u32 s1, s16;
	[tilespmem:v18+s28+$0x0] =	vst.idx.msk $0xffff, v19  }
0x234: {  	v18 =	vor.u32 s4, v9;
	v19 =	vld [tilespmem:s7+$0x0]  }
0x235: {  	s20 =	sadd.s32 $0x6D00, s3;
	[tilespmem:v22+s28+$0x0] =	vst.idx.msk $0xffff, v23  }
0x236: {  	s21 =	sor.u32 s18, s20;
	v22 =	vor.u32 s5, v4;
	v23 =	vld [tilespmem:s29+$0x200];
	[tilespmem:v17+s28+$0x0] =	vst.idx.msk $0xffff, v16  }
0x237: {  	s13 =	simm.s32 $0x200;
	v17 =	vor.u32 s2, v10;
	v16 =	vld [tilespmem:s21+$0x0]  }
0x238: {  	s25 =	simm.s32 $0x40;
	[tilespmem:v21+s28+$0x0] =	vst.idx.msk $0xffff, v20;
	s14 =	simm.s32 $0x50;
	s10 =	sand.u32 $0x3C00, s13  }
0x239: {  	v21 =	vor.u32 s19, v5;
	v20 =	vld [tilespmem:s6+$0x280];
	s11 =	sand.u32 $0x70, s14;
	s15 =	sadd.s32 $0x4800, s10;
	s7 =	sor.u32 s1, s20;
	[tilespmem:v18+s28+$0x0] =	vst.idx.msk $0xffff, v19  }
0x23a: {  	s31 =	sor.u32 s11, s15;
	s17 =	simm.s32 $0x2;
	v18 =	vor.u32 s4, v10;
	v19 =	vld [tilespmem:s7+$0x0];
	s7 =	simm.s32 $0x500  }
0x23b: {  	[tilespmem:v22+s28+$0x0] =	vst.idx.msk $0xffff, v23;
	s12 =	sand.u32 $0x60, s25;
	s16 =	sadd.s32 $0x6D80, s3;
	v24 =	vld [tilespmem:s31+$0x0];
	s22 =	sand.u32 $0x7, s17;
	v25 =	vor.u32 s7, v0  }
0x23c: {  	v22 =	vor.u32 s5, v5;
	v23 =	vld [tilespmem:s29+$0x280];
	s23 =	sor.u32 s18, s16;
	s0 =	sor.u32 s12, s15;
	s6 =	sshll.u32 s22, $0x4;
	[tilespmem:v17+s28+$0x0] =	vst.idx.msk $0xffff, v16  }
0x23d: {  	s22 =	simm.s32 $0x1;
	s21 =	sadd.s32 $0x110, s6;
	s6 =	simm.s32 $0x400;
	v17 =	vor.u32 s2, v11;
	v16 =	vld [tilespmem:s23+$0x0]  }
0x23e: {  	[tilespmem:v21+s28+$0x0] =	vst.idx.msk $0xffff, v20;
	v27 =	vld [tilespmem:s0+$0x0];
	s22 =	sand.u32 $0x3, s22;
	s26 =	sor.u32 $0x300, s21;
	v26 =	vor.u32 s6, v0  }
0x23f: {  	v21 =	vor.u32 s19, v6;
	s16 =	sor.u32 s1, s16;
	s29 =	sshll.u32 s22, $0x5;
	v20 =	vld [tilespmem:s26+$0x4800];
	[tilespmem:v18+s28+$0x0] =	vst.idx.msk $0xffff, v19  }
0x240: {  	s15 =	sadd.s32 $0x100, s29;
	v18 =	vor.u32 s4, v11;
	v19 =	vld [tilespmem:s16+$0x0];
	[tilespmem:v25+s28+$0x0] =	vst.idx.msk $0xffff, v24  }
0x241: {  	s30 =	sadd.s32 $0x6E00, s3;
	[tilespmem:v22+s28+$0x0] =	vst.idx.msk $0xffff, v23;
	v25 =	vor.u32 s7, v1;
	s23 =	sor.u32 $0x300, s15;
	v24 =	vld [tilespmem:s31+$0x80]  }
0x242: {  	v23 =	vor.u32 s5, v6;
	s20 =	sor.u32 s18, s30;
	v22 =	vld [tilespmem:s23+$0x4800];
	[tilespmem:v17+s28+$0x0] =	vst.idx.msk $0xffff, v16  }
0x243: {  	[tilespmem:v26+s28+$0x0] =	vst.idx.msk $0xffff, v27;
	v17 =	vor.u32 s2, v12;
	v16 =	vld [tilespmem:s20+$0x0]  }
0x244: {  	s21 =	sor.u32 $0x380, s21;
	v26 =	vor.u32 s6, v1;
	[tilespmem:v21+s28+$0x0] =	vst.idx.msk $0xffff, v20;
	v27 =	vld [tilespmem:s0+$0x80]  }
0x245: {  	s16 =	sor.u32 s1, s30;
	v21 =	vor.u32 s19, v7;
	v20 =	vld [tilespmem:s21+$0x4800];
	[tilespmem:v18+s28+$0x0] =	vst.idx.msk $0xffff, v19  }
0x246: {  	v18 =	vor.u32 s4, v12;
	v19 =	vld [tilespmem:s16+$0x0];
	[tilespmem:v25+s28+$0x0] =	vst.idx.msk $0xffff, v24  }
0x247: {  	s25 =	sadd.s32 $0x6E80, s3;
	v28 =	vor.u32 s7, v2;
	s15 =	sor.u32 $0x380, s15;
	[tilespmem:v23+s28+$0x0] =	vst.idx.msk $0xffff, v22;
	v25 =	vld [tilespmem:s31+$0x100]  }
0x248: {  	v30 =	vor.u32 s5, v7;
	s26 =	sor.u32 s18, s25;
	v31 =	vld [tilespmem:s15+$0x4800];
	[tilespmem:v17+s28+$0x0] =	vst.idx.msk $0xffff, v16  }
0x249: {  	v29 =	vor.u32 s2, v13;
	v35 =	vor.u32 s4, v13;
	s29 =	sadd.s32 $0x6C00, s8;
	[tilespmem:v26+s28+$0x0] =	vst.idx.msk $0xffff, v27;
	v22 =	vld [tilespmem:s26+$0x0]  }
0x24a: {  	v46 =	vor.u32 s2, v14;
	v38 =	vor.u32 s6, v2;
	s30 =	sor.u32 s24, s29;
	[tilespmem:v21+s28+$0x0] =	vst.idx.msk $0xffff, v20;
	v40 =	vld [tilespmem:s0+$0x100]  }
0x24b: {  	v33 =	vor.u32 s19, v8;
	v39 =	vor.u32 s5, v8;
	s16 =	sor.u32 s1, s25;
	v32 =	vld [tilespmem:s30+$0x0];
	[tilespmem:v18+s28+$0x0] =	vst.idx.msk $0xffff, v19  }
0x24c: {  	v42 =	vor.u32 s7, v3;
	v37 =	vor.u32 s6, v3;
	v26 =	vld [tilespmem:s16+$0x0];
	[tilespmem:v28+s28+$0x0] =	vst.idx.msk $0xffff, v25  }
0x24d: {  	v36 =	vor.u32 s6, v4;
	v34 =	vor.u32 s6, v5;
	v27 =	vor.u32 s5, v9;
	s20 =	sadd.s32 $0x6F00, s3;
	[tilespmem:v30+s28+$0x0] =	vst.idx.msk $0xffff, v31;
	v25 =	vld [tilespmem:s31+$0x180]  }
0x24e: {  	v24 =	vor.u32 s5, v10;
	v23 =	vor.u32 s5, v11;
	v21 =	vor.u32 s5, v12;
	s22 =	sor.u32 s18, s20;
	[tilespmem:v29+s28+$0x0] =	vst.idx.msk $0xffff, v22  }
0x24f: {  	s21 =	sor.u32 s9, s29;
	v20 =	vor.u32 s5, v13;
	v17 =	vor.u32 s4, v14;
	v16 =	vor.u32 s4, v15;
	[tilespmem:v38+s28+$0x0] =	vst.idx.msk $0xffff, v40;
	v45 =	vld [tilespmem:s22+$0x0]  }
0x250: {  	s23 =	simm.s32 $0x2;
	s25 =	sadd.s32 $0x6C80, s8;
	s3 =	sadd.s32 $0x6F80, s3;
	v19 =	vor.u32 s5, v14;
	v18 =	vor.u32 s5, v15;
	v31 =	vor.u32 s6, v8;
	v47 =	vld [tilespmem:s21+$0x0];
	[tilespmem:v33+s28+$0x0] =	vst.idx.msk $0xffff, v32  }
0x251: {  	s29 =	sor.u32 s24, s25;
	s30 =	sor.u32 s1, s20;
	s4 =	simm.s32 $0x110;
	v28 =	vor.u32 s6, v11;
	v30 =	vor.u32 s6, v14;
	v40 =	vor.u32 s2, v15;
	v44 =	vld [tilespmem:s0+$0x180];
	[tilespmem:v35+s28+$0x0] =	vst.idx.msk $0xffff, v26  }
0x252: {  	s26 =	sand.u32 $0x3, s23;
	s16 =	simm.s32 $0x4;
	s2 =	simm.s32 $0x500;
	v33 =	vor.u32 s6, v6;
	v32 =	vor.u32 s6, v7;
	v41 =	vld [tilespmem:s29+$0x0];
	[tilespmem:v42+s28+$0x0] =	vst.idx.msk $0xffff, v25;
	v42 =	vor.u32 s19, v9  }
0x253: {  	s5 =	sshll.u32 s26, $0x5;
	s26 =	sor.u32 s9, s25;
	s25 =	sadd.s32 $0x6D00, s8;
	v35 =	vor.u32 s6, v9;
	v29 =	vor.u32 s6, v10;
	v26 =	vor.u32 s6, v12;
	v38 =	vld [tilespmem:s30+$0x0]  }
0x254: {  	s5 =	sadd.s32 $0x200, s5;
	v22 =	vor.u32 s6, v13;
	v25 =	vor.u32 s6, v15;
	s6 =	sor.u32 s1, s3;
	s3 =	sor.u32 s18, s3;
	v43 =	vld [tilespmem:s31+$0x200];
	[tilespmem:v46+s28+$0x0] =	vst.idx.msk $0xffff, v45;
	v45 =	vor.u32 s7, v4  }
0x255: {  	s15 =	sor.u32 $0x300, s5;
	s5 =	sor.u32 $0x380, s5;
	s1 =	simm.s32 $0x3;
	[tilespmem:v39+s28+$0x0] =	vst.idx.msk $0xffff, v47;
	v39 =	vld [tilespmem:s3+$0x0]  }
.LBB2_13:
0x256: {  	s3 =	sand.u32 $0x3, s1  }
0x257: {  	v46 =	vld [tilespmem:s26+$0x0];
	s21 =	sor.u32 s9, s25;
	[tilespmem:v42+s28+$0x0] =	vst.idx.msk $0xffff, v41;
	s18 =	sor.u32 s24, s25;
	s13 =	sadd.s32 $0x100, s13  }
0x258: {  	v41 =	vor.u32 s19, v10;
	s16 =	sadd.s32 $0x2, s16;
	s22 =	sshll.u32 s3, $0x5;
	[tilespmem:v37+s28+$0x0] =	vst.idx.msk $0xffff, v44;
	v37 =	vld [tilespmem:s18+$0x0];
	s3 =	smov.u32 s19  }
0x259: {  	s14 =	sadd.s32 $0x20, s14;
	s17 =	sadd.s32 $0x2, s17;
	s25 =	sand.u32 $0x3C00, s13;
	v42 =	vld [tilespmem:s0+$0x200];
	[tilespmem:v45+s28+$0x0] =	vst.idx.msk $0xffff, v43  }
0x25a: {  	s18 =	sand.u32 $0x70, s14;
	p2 =	slt.u32 s16, $0x46;
	v44 =	vor.u32 s7, v5;
	s19 =	sadd.s32 $0x4800, s25;
	v43 =	vld [tilespmem:s31+$0x280];
	[tilespmem:v17+s28+$0x0] =	vst.idx.msk $0xffff, v38;
	v17 =	vmov v19;
	v19 =	vmov v30  }
0x25b: {  	s29 =	sadd.s32 $0x6D80, s8;
	s7 =	sadd.s32 $0x200, s7;
	s31 =	sor.u32 s18, s19;
	v30 =	vld [tilespmem:s6+$0x0];
	[tilespmem:v40+s28+$0x0] =	vst.idx.msk $0xffff, v39  }
0x25c: {  	s4 =	sadd.s32 $0x100, s4;
	s26 =	sand.u32 $0x7, s17;
	s6 =	sadd.s32 $0xFFFFFFF0, s14;
	v39 =	vor.u32 s7, v0;
	v38 =	vld [tilespmem:s31+$0x0];
	[tilespmem:v27+s28+$0x0] =	vst.idx.msk $0xffff, v46;
	v27 =	vmov v35  }
0x25d: {  	s20 =	simm.s32 $0x12000;
	s26 =	sshll.u32 s26, $0x4;
	v40 =	vld [tilespmem:s21+$0x0];
	[tilespmem:v41+s28+$0x0] =	vst.idx.msk $0xffff, v37;
	s21 =	sor.u32 s24, s29  }
0x25e: {  	s23 =	sadd.s32 $0xFFFFFF00, s7;
	s30 =	sadd.s32 s26, s4;
	s28 =	sand.u32 $0x60, s6;
	[tilespmem:v36+s20+$0x0] =	vst.idx.msk $0xffff, v42;
	v41 =	vld [tilespmem:s21+$0x0];
	v42 =	vor.u32 s3, v11  }
0x25f: {  	v45 =	vor.u32 s23, v0;
	v47 =	vor.u32 s23, v2;
	v46 =	vor.u32 s23, v1;
	s6 =	sadd.s32 s22, s13;
	v48 =	vld [tilespmem:s0+$0x280];
	s0 =	sor.u32 s28, s19;
	[tilespmem:v44+s20+$0x0] =	vst.idx.msk $0xffff, v43;
	s19 =	sor.u32 $0x300, s30  }
0x260: {  	v37 =	vor.u32 s23, v3;
	s22 =	sor.u32 s9, s29;
	v36 =	vor.u32 s23, v4;
	s21 =	sor.u32 $0x300, s6;
	s26 =	sor.u32 $0x380, s6;
	v44 =	vor.u32 s2, v6;
	v43 =	vld [tilespmem:s19+$0x4800];
	[tilespmem:v16+s20+$0x0] =	vst.idx.msk $0xffff, v30;
	v16 =	vmovc v18;
	v18 =	vmovc v25  }
0x261: {  	v50 =	vor.u32 s23, v6;
	v51 =	vor.u32 s23, v7;
	s6 =	smov.u32 s9;
	v25 =	vor.u32 s23, v5;
	s19 =	smov.u32 s2;
	s2 =	smov.u32 s7;
	v49 =	vld [tilespmem:s0+$0x0];
	[tilespmem:v39+s20+$0x0] =	vst.idx.msk $0xffff, v38  }
0x262: {  	v52 =	vor.u32 s23, v8;
	v35 =	vor.u32 s23, v9;
	s29 =	sadd.s32 $0x6E00, s8;
	s9 =	smov.u32 s12;
	s12 =	smov.u32 s28;
	v39 =	vor.u32 s7, v1;
	v38 =	vld [tilespmem:s31+$0x80];
	[tilespmem:v24+s20+$0x0] =	vst.idx.msk $0xffff, v40;
	v24 =	vmovc v29  }
0x263: {  	v53 =	vor.u32 s23, v12;
	s28 =	sor.u32 s24, s29;
	v29 =	vor.u32 s23, v10;
	v40 =	vor.u32 s23, v11;
	v54 =	vld [tilespmem:s22+$0x0];
	s22 =	sor.u32 s6, s29;
	[tilespmem:v42+s20+$0x0] =	vst.idx.msk $0xffff, v41  }
0x264: {  	v55 =	vor.u32 s23, v13;
	v30 =	vor.u32 s23, v14;
	v42 =	vor.u32 s3, v12;
	[tilespmem:v34+s20+$0x0] =	vst.idx.msk $0xffff, v48;
	v41 =	vld [tilespmem:s28+$0x0];
	v34 =	vmovc v25  }
0x265: {  	v25 =	vor.u32 s23, v15;
	s23 =	sor.u32 $0x380, s30;
	v48 =	vld [tilespmem:s15+$0x4800];
	[tilespmem:v44+s20+$0x0] =	vst.idx.msk $0xffff, v43;
	s15 =	smov.u32 s21  }
0x266: {  	v44 =	vor.u32 s19, v7;
	[tilespmem:v45+s20+$0x0] =	vst.idx.msk $0xffff, v49;
	v43 =	vld [tilespmem:s23+$0x4800]  }
0x267: {  	v45 =	vld [tilespmem:s0+$0x80];
	[tilespmem:v39+s20+$0x0] =	vst.idx.msk $0xffff, v38  }
0x268: {  	s21 =	sadd.s32 $0x6E80, s8;
	v39 =	vor.u32 s7, v2;
	v38 =	vld [tilespmem:s31+$0x100];
	[tilespmem:v23+s20+$0x0] =	vst.idx.msk $0xffff, v54;
	v23 =	vmov v28;
	v28 =	vmov v40  }
0x269: {  	v40 =	vld [tilespmem:s22+$0x0];
	s22 =	sor.u32 s6, s21;
	[tilespmem:v42+s20+$0x0] =	vst.idx.msk $0xffff, v41;
	s21 =	sor.u32 s24, s21  }
0x26a: {  	s23 =	sadd.s32 $0x6C00, s10;
	v42 =	vor.u32 s3, v13;
	[tilespmem:v33+s20+$0x0] =	vst.idx.msk $0xffff, v48;
	v41 =	vld [tilespmem:s21+$0x0];
	v33 =	vmov v50  }
0x26b: {  	s21 =	sor.u32 s9, s23;
	s23 =	sor.u32 s11, s23;
	v48 =	vld [tilespmem:s5+$0x4800];
	[tilespmem:v44+s20+$0x0] =	vst.idx.msk $0xffff, v43;
	s5 =	smov.u32 s26  }
0x26c: {  	v44 =	vor.u32 s19, v8;
	[tilespmem:v46+s20+$0x0] =	vst.idx.msk $0xffff, v45;
	v43 =	vld [tilespmem:s23+$0x0]  }
0x26d: {  	v45 =	vld [tilespmem:s0+$0x100];
	[tilespmem:v39+s20+$0x0] =	vst.idx.msk $0xffff, v38  }
0x26e: {  	s23 =	sadd.s32 $0x6F00, s8;
	v39 =	vor.u32 s7, v3;
	v38 =	vld [tilespmem:s31+$0x180];
	[tilespmem:v21+s20+$0x0] =	vst.idx.msk $0xffff, v40;
	v21 =	vmov v26;
	v26 =	vmov v53  }
0x26f: {  	v40 =	vld [tilespmem:s22+$0x0];
	s22 =	sor.u32 s6, s23;
	[tilespmem:v42+s20+$0x0] =	vst.idx.msk $0xffff, v41;
	s23 =	sor.u32 s24, s23  }
0x270: {  	s28 =	sadd.s32 $0x6C80, s10;
	[tilespmem:v32+s20+$0x0] =	vst.idx.msk $0xffff, v48;
	v46 =	vld [tilespmem:s23+$0x0];
	v48 =	vor.u32 s3, v14;
	v32 =	vmov v51  }
0x271: {  	s26 =	sor.u32 s9, s28;
	v49 =	vld [tilespmem:s21+$0x0];
	[tilespmem:v44+s20+$0x0] =	vst.idx.msk $0xffff, v43;
	s21 =	sor.u32 s11, s28;
	s28 =	simm.s32 $0x12000  }
.Ltmp10:
0x272: {  	v42 =	vor.u32 s19, v9;
	[tilespmem:v47+s28+$0x0] =	vst.idx.msk $0xffff, v45;
	v41 =	vld [tilespmem:s21+$0x0];
	(pc) =	sbr.rel @p2 .LBB2_13-.Ltmp10, $4  }
0x273: {  	v44 =	vld [tilespmem:s0+$0x180];
	[tilespmem:v39+s28+$0x0] =	vst.idx.msk $0xffff, v38  }
0x274: {  	v45 =	vor.u32 s7, v4;
	s21 =	sadd.s32 $0x6F80, s8;
	s8 =	smov.u32 s10;
	s10 =	smov.u32 s25;
	v43 =	vld [tilespmem:s31+$0x200];
	[tilespmem:v20+s28+$0x0] =	vst.idx.msk $0xffff, v40;
	v20 =	vmov v22;
	v22 =	vmov v55  }
0x275: {  	s6 =	sor.u32 s6, s21;
	s21 =	sor.u32 s24, s21;
	s24 =	smov.u32 s11;
	v38 =	vld [tilespmem:s22+$0x0];
	[tilespmem:v48+s28+$0x0] =	vst.idx.msk $0xffff, v46  }
0x276: {  	s1 =	sadd.s32 $0x1, s1;
	s25 =	sadd.s32 $0x6D00, s8;
	s11 =	smov.u32 s18;
	v40 =	vor.u32 s3, v15;
	[tilespmem:v31+s28+$0x0] =	vst.idx.msk $0xffff, v49;
	v39 =	vld [tilespmem:s21+$0x0];
	v31 =	vmov v52  }
0x277: {  	_ =	sdelay $0x3  }
0x278: {  	[tilespmem:v37+s28+$0x0] =	vst.idx.msk $0xffff, v44  }
0x279: {  	v37 =	vld [tilespmem:s0+$0x200];
	_ =	sdelay $0x3  }
0x27a: {  	[tilespmem:v45+s28+$0x0] =	vst.idx.msk $0xffff, v43  }
0x27b: {  	v55 =	vor.u32 s7, v5;
	v43 =	vld [tilespmem:s31+$0x280];
	[tilespmem:v36+s28+$0x0] =	vst.idx.msk $0xffff, v37  }
0x27c: {  	s1 =	sadd.s32 $0x2, s17;
	v36 =	vld [tilespmem:s0+$0x280]  }
0x27d: {  	s13 =	sand.u32 $0x7, s1  }
0x27e: {  	s14 =	sadd.s32 $0x100, s4;
	s0 =	sshll.u32 s13, $0x4  }
0x27f: {  	s0 =	sadd.s32 s0, s14  }
0x280: {  	[tilespmem:v55+s28+$0x0] =	vst.idx.msk $0xffff, v43;
	s1 =	sor.u32 $0x300, s0  }
0x281: {  	v57 =	vor.u32 s2, v6;
	v56 =	vld [tilespmem:s1+$0x4800];
	[tilespmem:v34+s28+$0x0] =	vst.idx.msk $0xffff, v36  }
0x282: {  	v34 =	vld [tilespmem:s15+$0x4800];
	_ =	sdelay $0x3  }
0x283: {  	s0 =	sor.u32 $0x380, s0;
	[tilespmem:v57+s28+$0x0] =	vst.idx.msk $0xffff, v56  }
0x284: {  	v59 =	vor.u32 s2, v7;
	v58 =	vld [tilespmem:s0+$0x4800];
	[tilespmem:v33+s28+$0x0] =	vst.idx.msk $0xffff, v34  }
0x285: {  	v33 =	vld [tilespmem:s5+$0x4800];
	_ =	sdelay $0x2  }
0x286: {  	s15 =	sadd.s32 $0x6C00, s10  }
0x287: {  	s16 =	sor.u32 s11, s15;
	[tilespmem:v59+s28+$0x0] =	vst.idx.msk $0xffff, v58  }
0x288: {  	v61 =	vor.u32 s2, v8;
	s0 =	sor.u32 s12, s15;
	v60 =	vld [tilespmem:s16+$0x0];
	[tilespmem:v32+s28+$0x0] =	vst.idx.msk $0xffff, v33  }
0x289: {  	v32 =	vld [tilespmem:s0+$0x0];
	_ =	sdelay $0x2  }
0x28a: {  	s17 =	sadd.s32 $0x6C80, s10  }
0x28b: {  	v62 =	vld [tilespmem:s26+$0x0];
	s18 =	sor.u32 s11, s17;
	[tilespmem:v61+s28+$0x0] =	vst.idx.msk $0xffff, v60  }
0x28c: {  	v63 =	vor.u32 s2, v9;
	s0 =	sor.u32 s12, s17;
	v34 =	vld [tilespmem:s18+$0x0];
	[tilespmem:v31+s28+$0x0] =	vst.idx.msk $0xffff, v32  }
0x28d: {  	v31 =	vld [tilespmem:s0+$0x0];
	_ =	sdelay $0x1  }
0x28e: {  	[tilespmem:v42+s28+$0x0] =	vst.idx.msk $0xffff, v41;
	s20 =	sor.u32 s24, s25  }
0x28f: {  	s21 =	sor.u32 s9, s25;
	v42 =	vor.u32 s19, v10;
	s22 =	sadd.s32 $0x6D00, s10;
	v41 =	vld [tilespmem:s20+$0x0];
	[tilespmem:v27+s28+$0x0] =	vst.idx.msk $0xffff, v62  }
0x290: {  	s23 =	sor.u32 s11, s22;
	v27 =	vld [tilespmem:s21+$0x0];
	[tilespmem:v63+s28+$0x0] =	vst.idx.msk $0xffff, v34  }
0x291: {  	v44 =	vor.u32 s2, v10;
	s0 =	sor.u32 s12, s22;
	v43 =	vld [tilespmem:s23+$0x0];
	[tilespmem:v35+s28+$0x0] =	vst.idx.msk $0xffff, v31  }
0x292: {  	v31 =	vld [tilespmem:s0+$0x0]  }
0x293: {  	s25 =	sadd.s32 $0x6D80, s8  }
0x294: {  	s26 =	sor.u32 s24, s25;
	[tilespmem:v42+s28+$0x0] =	vst.idx.msk $0xffff, v41  }
0x295: {  	s29 =	sadd.s32 $0x6D80, s10;
	v45 =	vor.u32 s19, v11;
	[tilespmem:v24+s28+$0x0] =	vst.idx.msk $0xffff, v27;
	v32 =	vld [tilespmem:s26+$0x0];
	s0 =	sor.u32 s9, s25  }
0x296: {  	s31 =	sor.u32 s11, s29;
	v24 =	vld [tilespmem:s0+$0x0];
	[tilespmem:v44+s28+$0x0] =	vst.idx.msk $0xffff, v43  }
0x297: {  	v47 =	vor.u32 s2, v11;
	s1 =	sor.u32 s12, s29;
	v46 =	vld [tilespmem:s31+$0x0];
	[tilespmem:v29+s28+$0x0] =	vst.idx.msk $0xffff, v31  }
0x298: {  	v29 =	vld [tilespmem:s1+$0x0]  }
0x299: {  	s3 =	sadd.s32 $0x6E00, s8  }
0x29a: {  	s4 =	sor.u32 s24, s3;
	[tilespmem:v45+s28+$0x0] =	vst.idx.msk $0xffff, v32  }
0x29b: {  	v49 =	vor.u32 s19, v12;
	s5 =	sadd.s32 $0x6E00, s10;
	v48 =	vld [tilespmem:s4+$0x0];
	s0 =	sor.u32 s9, s3;
	[tilespmem:v23+s28+$0x0] =	vst.idx.msk $0xffff, v24  }
0x29c: {  	s7 =	sor.u32 s11, s5;
	v23 =	vld [tilespmem:s0+$0x0];
	[tilespmem:v47+s28+$0x0] =	vst.idx.msk $0xffff, v46  }
0x29d: {  	v51 =	vor.u32 s2, v12;
	s1 =	sor.u32 s12, s5;
	v50 =	vld [tilespmem:s7+$0x0];
	[tilespmem:v28+s28+$0x0] =	vst.idx.msk $0xffff, v29  }
0x29e: {  	v28 =	vld [tilespmem:s1+$0x0]  }
0x29f: {  	s13 =	sadd.s32 $0x6E80, s8  }
0x2a0: {  	s14 =	sor.u32 s24, s13;
	[tilespmem:v49+s28+$0x0] =	vst.idx.msk $0xffff, v48  }
0x2a1: {  	v53 =	vor.u32 s19, v13;
	s15 =	sadd.s32 $0x6E80, s10;
	v52 =	vld [tilespmem:s14+$0x0];
	s0 =	sor.u32 s9, s13;
	[tilespmem:v21+s28+$0x0] =	vst.idx.msk $0xffff, v23  }
0x2a2: {  	s16 =	sor.u32 s11, s15;
	v21 =	vld [tilespmem:s0+$0x0];
	[tilespmem:v51+s28+$0x0] =	vst.idx.msk $0xffff, v50  }
0x2a3: {  	v55 =	vor.u32 s2, v13;
	s1 =	sor.u32 s12, s15;
	v54 =	vld [tilespmem:s16+$0x0];
	[tilespmem:v26+s28+$0x0] =	vst.idx.msk $0xffff, v28  }
0x2a4: {  	v26 =	vld [tilespmem:s1+$0x0]  }
0x2a5: {  	s17 =	sadd.s32 $0x6F00, s8  }
0x2a6: {  	s18 =	sor.u32 s24, s17;
	[tilespmem:v53+s28+$0x0] =	vst.idx.msk $0xffff, v52  }
0x2a7: {  	s20 =	sadd.s32 $0x6F00, s10;
	v57 =	vor.u32 s19, v14;
	v56 =	vld [tilespmem:s18+$0x0];
	s0 =	sor.u32 s9, s17;
	[tilespmem:v20+s28+$0x0] =	vst.idx.msk $0xffff, v21  }
0x2a8: {  	s21 =	sor.u32 s11, s20;
	v20 =	vld [tilespmem:s0+$0x0];
	[tilespmem:v55+s28+$0x0] =	vst.idx.msk $0xffff, v54  }
0x2a9: {  	v59 =	vor.u32 s2, v14;
	s1 =	sor.u32 s12, s20;
	v58 =	vld [tilespmem:s21+$0x0];
	[tilespmem:v22+s28+$0x0] =	vst.idx.msk $0xffff, v26  }
0x2aa: {  	v22 =	vld [tilespmem:s1+$0x0]  }
0x2ab: {  	[tilespmem:v17+s28+$0x0] =	vst.idx.msk $0xffff, v38;
	s22 =	sadd.s32 $0x6F80, s8  }
0x2ac: {  	v17 =	vld [tilespmem:s6+$0x0];
	s23 =	sor.u32 s24, s22;
	[tilespmem:v57+s28+$0x0] =	vst.idx.msk $0xffff, v56  }
0x2ad: {  	v61 =	vor.u32 s19, v15;
	s24 =	sadd.s32 $0x6F80, s10;
	v60 =	vld [tilespmem:s23+$0x0];
	s0 =	sor.u32 s9, s22;
	[tilespmem:v19+s28+$0x0] =	vst.idx.msk $0xffff, v20  }
0x2ae: {  	s25 =	sor.u32 s11, s24;
	v19 =	vld [tilespmem:s0+$0x0];
	[tilespmem:v59+s28+$0x0] =	vst.idx.msk $0xffff, v58  }
0x2af: {  	v63 =	vor.u32 s2, v15;
	s1 =	sor.u32 s12, s24;
	v62 =	vld [tilespmem:s25+$0x0];
	[tilespmem:v30+s28+$0x0] =	vst.idx.msk $0xffff, v22  }
0x2b0: {  	[tilespmem:v40+s28+$0x0] =	vst.idx.msk $0xffff, v39;
	v22 =	vld [tilespmem:s1+$0x0]  }
0x2b1: {  	[tilespmem:v16+s28+$0x0] =	vst.idx.msk $0xffff, v17  }
0x2b2: {  	[tilespmem:v61+s28+$0x0] =	vst.idx.msk $0xffff, v60  }
0x2b3: {  	[tilespmem:v18+s28+$0x0] =	vst.idx.msk $0xffff, v19  }
0x2b4: {  	s2 =	rddreg [dreg:$0x15];
	[tilespmem:v63+s28+$0x0] =	vst.idx.msk $0xffff, v62  }
0x2b5: {  	s26 =	smul.u32 $0x900, s2;
	[tilespmem:v25+s28+$0x0] =	vst.idx.msk $0xffff, v22  }
0x2b6: {  	p2 =	sgt.u32 s2, $0x303;
	s29 =	rddreg [dreg:$0x6]  }
0x2b7: {  	s31 =	simm.s32 $0x0;
	s1 =	smul.u32 @!p2 $0x2400, s2;
	s0 =	sadd.s32 s29, s26  }
0x2b8: {  	[hbm4b:s0+s31] =	stream.linear.scatter [tilespmem:s28], [sflag:$0x5], $0x4800, $0x38;
	[tilespmem:$0x1B000] =	vst v63  }
0x2b9: {  	s0 =	sshrl.u32 @!p2 s1, $0x3;
	s1 =	rddreg [dreg:$0x0]  }
0x2ba: {  	s0 =	sadd.s32 @!p2 s1, s0  }
0x2bb: {  	s2 =	simm.s32 @!p2 $0x0;
	s3 =	simm.s32 @!p2 $0x4800;
	s1 =	sadd.s32 @!p2 $0x1B000, s0  }
0x2bc: {  	[tilespmem:s3], [sflag:$0x2] =	stream.linear.gather @!p2 [hbm4b:s1+s2], $0x2400, $0x38;
	[tilespmem:$0x1B000] =	vst v63  }
0x2bd: {  	s21 =	rddreg [dreg:$0x13];
	s0 =	sadd.s32 @!p2 $0x10F280, s0;
	s1 =	simm.s32 @!p2 $0x6C00  }
0x2be: {  	[tilespmem:s1], [sflag:$0x2] =	stream.linear.gather @!p2 [hbm4b:s0+s2], $0x2400, $0x38;
	[tilespmem:$0x1B000] =	vst v63  }
0x2bf: {  	s30 =	simm.s32 $0x16800;
	s20 =	simm.s32 $0xD800;
	s1 =	rddreg [dreg:$0x14]  }
.LBB2_15:
0x2c0: {  	s0 =	rddreg [dreg:$0x10]  }
0x2c1: {  	s0 =	sadd.s32 s0, s1  }
0x2c2: {  	p2 =	sgt.u32 s0, $0x363  }
.Ltmp11:
0x2c3: {  	_ = 	snop;
	(pc) =	sbr.rel @p2 .LBB2_19-.Ltmp11, $1  }
0x2c4: {  	_ =	sdelay $0x3  }
0x2c5: {  	[dreg:$0x16] =	wrdreg s0;
	s16 =	simm.s32 $0x3  }
0x2c6: {  	_ =	swait.ge [sflag:s16], $0x2400  }
0x2c7: {  	[sflag:s16] =	ssyncset.done $0x0  }
0x2c8: {  	[sflag:s16] =	ssyncadd.s32 $0xFFFFDC00  }
0x2c9: {  	_ =	swait.ge [sflag:s16], $0x2400  }
0x2ca: {  	s0 =	simm.s32 @p1 $0x6;
	s5 =	simm.s32 $0x0;
	[sflag:s16] =	ssyncset.done $0x0  }
0x2cb: {  	s1 =	simm.s32 $0x10;
	s2 =	simm.s32 $0x100;
	[sflag:s16] =	ssyncadd.s32 $0xFFFFDC00  }
0x2cc: {  	s19 =	simm.s32 $0x0;
	s3 =	sand.u32 $0x3C00, s5;
	_ =	swait.ge @p1 [sflag:s0], $0x4800  }
0x2cd: {  	s18 =	sand.u32 $0x70, s1;
	s6 =	sadd.s32 $0x9000, s3;
	[sflag:s0] =	ssyncset.done @p1 $0x0  }
0x2ce: {  	s1 =	sand.u32 $0x60, s19;
	s17 =	sor.u32 s18, s6;
	[sflag:s0] =	ssyncadd.s32 @p1 $0xFFFFB800  }
0x2cf: {  	s4 =	simm.s32 $0x0;
	v17 =	vor.u32 s2, v0;
	s7 =	sor.u32 s1, s6;
	v16 =	vld [tilespmem:s17+$0x0]  }
0x2d0: {  	v18 =	vor.u32 s4, v0;
	v19 =	vld [tilespmem:s7+$0x0];
	_ =	sdelay $0x3  }
0x2d1: {  	[tilespmem:v17+s30+$0x0] =	vst.idx.msk $0xffff, v16  }
0x2d2: {  	v17 =	vor.u32 s2, v1;
	[tilespmem:v18+s30+$0x0] =	vst.idx.msk $0xffff, v19;
	v16 =	vld [tilespmem:s17+$0x80]  }
0x2d3: {  	v18 =	vor.u32 s4, v1;
	v19 =	vld [tilespmem:s7+$0x80];
	_ =	sdelay $0x3  }
0x2d4: {  	[tilespmem:v17+s30+$0x0] =	vst.idx.msk $0xffff, v16  }
0x2d5: {  	v17 =	vor.u32 s2, v2;
	[tilespmem:v18+s30+$0x0] =	vst.idx.msk $0xffff, v19;
	v16 =	vld [tilespmem:s17+$0x100]  }
0x2d6: {  	v18 =	vor.u32 s4, v2;
	v19 =	vld [tilespmem:s7+$0x100];
	_ =	sdelay $0x3  }
0x2d7: {  	[tilespmem:v17+s30+$0x0] =	vst.idx.msk $0xffff, v16  }
0x2d8: {  	v17 =	vor.u32 s2, v3;
	[tilespmem:v18+s30+$0x0] =	vst.idx.msk $0xffff, v19;
	v16 =	vld [tilespmem:s17+$0x180]  }
0x2d9: {  	v18 =	vor.u32 s4, v3;
	v19 =	vld [tilespmem:s7+$0x180];
	_ =	sdelay $0x3  }
0x2da: {  	[tilespmem:v17+s30+$0x0] =	vst.idx.msk $0xffff, v16  }
0x2db: {  	v17 =	vor.u32 s2, v4;
	[tilespmem:v18+s30+$0x0] =	vst.idx.msk $0xffff, v19;
	v16 =	vld [tilespmem:s17+$0x200]  }
0x2dc: {  	s20 =	simm.s32 $0x100;
	v18 =	vor.u32 s4, v4;
	v19 =	vld [tilespmem:s7+$0x200]  }
0x2dd: {  	s21 =	simm.s32 $0x30;
	s23 =	sand.u32 $0x3C00, s20  }
0x2de: {  	s8 =	sand.u32 $0x70, s21;
	s10 =	sadd.s32 $0x9000, s23  }
0x2df: {  	s19 =	simm.s32 $0x300;
	s6 =	sor.u32 s8, s10  }
0x2e0: {  	v21 =	vor.u32 s19, v0;
	v20 =	vld [tilespmem:s6+$0x0];
	[tilespmem:v17+s30+$0x0] =	vst.idx.msk $0xffff, v16  }
0x2e1: {  	s24 =	simm.s32 $0x20;
	v17 =	vor.u32 s2, v5;
	[tilespmem:v18+s30+$0x0] =	vst.idx.msk $0xffff, v19;
	v16 =	vld [tilespmem:s17+$0x280]  }
0x2e2: {  	s22 =	sand.u32 $0x7, s5;
	s9 =	sand.u32 $0x60, s24;
	v18 =	vor.u32 s4, v5;
	v19 =	vld [tilespmem:s7+$0x280]  }
0x2e3: {  	s25 =	sand.u32 $0x3, s5;
	s5 =	simm.s32 $0x200;
	s29 =	sor.u32 s9, s10  }
0x2e4: {  	v22 =	vor.u32 s5, v0;
	s0 =	sshll.u32 s22, $0x4;
	v23 =	vld [tilespmem:s29+$0x0]  }
0x2e5: {  	s12 =	sshll.u32 s25, $0x5;
	s11 =	sadd.s32 $0x10, s0;
	[tilespmem:v21+s30+$0x0] =	vst.idx.msk $0xffff, v20  }
0x2e6: {  	s31 =	sadd.s32 $0x0, s12;
	s26 =	sor.u32 $0x300, s11;
	v21 =	vor.u32 s19, v1;
	v20 =	vld [tilespmem:s6+$0x80];
	[tilespmem:v17+s30+$0x0] =	vst.idx.msk $0xffff, v16  }
0x2e7: {  	s12 =	sor.u32 $0x300, s31;
	v17 =	vor.u32 s2, v6;
	[tilespmem:v18+s30+$0x0] =	vst.idx.msk $0xffff, v19;
	v16 =	vld [tilespmem:s26+$0x9000]  }
0x2e8: {  	v18 =	vor.u32 s4, v6;
	v19 =	vld [tilespmem:s12+$0x9000]  }
0x2e9: {  	[tilespmem:v22+s30+$0x0] =	vst.idx.msk $0xffff, v23  }
0x2ea: {  	v22 =	vor.u32 s5, v1;
	v23 =	vld [tilespmem:s29+$0x80]  }
0x2eb: {  	[tilespmem:v21+s30+$0x0] =	vst.idx.msk $0xffff, v20  }
0x2ec: {  	s13 =	sor.u32 $0x380, s11;
	v21 =	vor.u32 s19, v2;
	v20 =	vld [tilespmem:s6+$0x100];
	[tilespmem:v17+s30+$0x0] =	vst.idx.msk $0xffff, v16  }
0x2ed: {  	s7 =	sor.u32 $0x380, s31;
	v17 =	vor.u32 s2, v7;
	[tilespmem:v18+s30+$0x0] =	vst.idx.msk $0xffff, v19;
	v16 =	vld [tilespmem:s13+$0x9000]  }
0x2ee: {  	v18 =	vor.u32 s4, v7;
	v19 =	vld [tilespmem:s7+$0x9000]  }
0x2ef: {  	[tilespmem:v22+s30+$0x0] =	vst.idx.msk $0xffff, v23  }
0x2f0: {  	v22 =	vor.u32 s5, v2;
	v23 =	vld [tilespmem:s29+$0x100]  }
0x2f1: {  	s14 =	sadd.s32 $0xB400, s3;
	[tilespmem:v21+s30+$0x0] =	vst.idx.msk $0xffff, v20  }
0x2f2: {  	s15 =	sor.u32 s18, s14;
	v21 =	vor.u32 s19, v3;
	v20 =	vld [tilespmem:s6+$0x180];
	[tilespmem:v17+s30+$0x0] =	vst.idx.msk $0xffff, v16  }
0x2f3: {  	s7 =	sor.u32 s1, s14;
	v17 =	vor.u32 s2, v8;
	[tilespmem:v18+s30+$0x0] =	vst.idx.msk $0xffff, v19;
	v16 =	vld [tilespmem:s15+$0x0]  }
0x2f4: {  	v18 =	vor.u32 s4, v8;
	v19 =	vld [tilespmem:s7+$0x0]  }
0x2f5: {  	[tilespmem:v22+s30+$0x0] =	vst.idx.msk $0xffff, v23  }
0x2f6: {  	v22 =	vor.u32 s5, v3;
	v23 =	vld [tilespmem:s29+$0x180]  }
0x2f7: {  	s16 =	sadd.s32 $0xB480, s3;
	[tilespmem:v21+s30+$0x0] =	vst.idx.msk $0xffff, v20  }
0x2f8: {  	v21 =	vor.u32 s19, v4;
	v20 =	vld [tilespmem:s6+$0x200];
	s17 =	sor.u32 s18, s16;
	[tilespmem:v17+s30+$0x0] =	vst.idx.msk $0xffff, v16  }
0x2f9: {  	s7 =	sor.u32 s1, s16;
	v17 =	vor.u32 s2, v9;
	[tilespmem:v18+s30+$0x0] =	vst.idx.msk $0xffff, v19;
	v16 =	vld [tilespmem:s17+$0x0]  }
0x2fa: {  	v18 =	vor.u32 s4, v9;
	v19 =	vld [tilespmem:s7+$0x0]  }
0x2fb: {  	[tilespmem:v22+s30+$0x0] =	vst.idx.msk $0xffff, v23  }
0x2fc: {  	v22 =	vor.u32 s5, v4;
	v23 =	vld [tilespmem:s29+$0x200]  }
0x2fd: {  	s20 =	sadd.s32 $0xB500, s3;
	[tilespmem:v21+s30+$0x0] =	vst.idx.msk $0xffff, v20  }
0x2fe: {  	s21 =	sor.u32 s18, s20;
	v21 =	vor.u32 s19, v5;
	v20 =	vld [tilespmem:s6+$0x280];
	[tilespmem:v17+s30+$0x0] =	vst.idx.msk $0xffff, v16  }
0x2ff: {  	s13 =	simm.s32 $0x200;
	s7 =	sor.u32 s1, s20;
	s17 =	simm.s32 $0x2;
	v17 =	vor.u32 s2, v10;
	[tilespmem:v18+s30+$0x0] =	vst.idx.msk $0xffff, v19;
	v16 =	vld [tilespmem:s21+$0x0]  }
0x300: {  	s14 =	simm.s32 $0x50;
	s28 =	sand.u32 $0x3C00, s13;
	s22 =	sand.u32 $0x7, s17;
	v18 =	vor.u32 s4, v10;
	v19 =	vld [tilespmem:s7+$0x0]  }
0x301: {  	[tilespmem:v22+s30+$0x0] =	vst.idx.msk $0xffff, v23;
	s11 =	sand.u32 $0x70, s14;
	s15 =	sadd.s32 $0x9000, s28;
	s6 =	sshll.u32 s22, $0x4  }
0x302: {  	v23 =	vld [tilespmem:s29+$0x280];
	s24 =	sor.u32 s11, s15;
	s7 =	simm.s32 $0x500;
	s21 =	sadd.s32 $0x110, s6  }
0x303: {  	[tilespmem:v21+s30+$0x0] =	vst.idx.msk $0xffff, v20;
	s16 =	sadd.s32 $0xB580, s3;
	v24 =	vld [tilespmem:s24+$0x0];
	v25 =	vor.u32 s7, v0;
	s29 =	sor.u32 $0x300, s21  }
0x304: {  	v21 =	vor.u32 s19, v6;
	s26 =	simm.s32 $0x40;
	s25 =	sor.u32 s18, s16;
	v20 =	vld [tilespmem:s29+$0x9000];
	[tilespmem:v17+s30+$0x0] =	vst.idx.msk $0xffff, v16  }
0x305: {  	s31 =	sand.u32 $0x60, s26;
	v17 =	vor.u32 s2, v11;
	[tilespmem:v18+s30+$0x0] =	vst.idx.msk $0xffff, v19;
	v16 =	vld [tilespmem:s25+$0x0]  }
0x306: {  	v22 =	vor.u32 s5, v5;
	s16 =	sor.u32 s1, s16;
	[dreg:$0x4] =	wrdreg s31  }
0x307: {  	s0 =	sor.u32 s31, s15;
	s6 =	simm.s32 $0x400;
	v18 =	vor.u32 s4, v11;
	s25 =	simm.s32 $0x1;
	v19 =	vld [tilespmem:s16+$0x0]  }
0x308: {  	v26 =	vor.u32 s6, v0;
	s25 =	sand.u32 $0x3, s25;
	v27 =	vld [tilespmem:s0+$0x0];
	[tilespmem:v25+s30+$0x0] =	vst.idx.msk $0xffff, v24  }
0x309: {  	s12 =	sadd.s32 $0xB600, s3;
	s21 =	sor.u32 $0x380, s21;
	v25 =	vor.u32 s7, v1;
	[tilespmem:v21+s30+$0x0] =	vst.idx.msk $0xffff, v20;
	s10 =	sshll.u32 s25, $0x5;
	v24 =	vld [tilespmem:s24+$0x80]  }
0x30a: {  	s20 =	sor.u32 s18, s12;
	v21 =	vor.u32 s19, v7;
	v20 =	vld [tilespmem:s21+$0x9000];
	s15 =	sadd.s32 $0x100, s10;
	[tilespmem:v17+s30+$0x0] =	vst.idx.msk $0xffff, v16  }
0x30b: {  	[tilespmem:v22+s30+$0x0] =	vst.idx.msk $0xffff, v23;
	s22 =	sor.u32 $0x300, s15;
	v17 =	vor.u32 s2, v12;
	v16 =	vld [tilespmem:s20+$0x0]  }
0x30c: {  	v23 =	vor.u32 s5, v6;
	s16 =	sor.u32 s1, s12;
	v22 =	vld [tilespmem:s22+$0x9000];
	[tilespmem:v18+s30+$0x0] =	vst.idx.msk $0xffff, v19  }
0x30d: {  	v18 =	vor.u32 s4, v12;
	[tilespmem:v26+s30+$0x0] =	vst.idx.msk $0xffff, v27;
	v19 =	vld [tilespmem:s16+$0x0]  }
0x30e: {  	s31 =	sadd.s32 $0xB400, s23;
	v26 =	vor.u32 s6, v1;
	v27 =	vld [tilespmem:s0+$0x80];
	[tilespmem:v25+s30+$0x0] =	vst.idx.msk $0xffff, v24  }
0x30f: {  	s26 =	sadd.s32 $0xB680, s3;
	v28 =	vor.u32 s7, v2;
	s10 =	sor.u32 s8, s31;
	[tilespmem:v21+s30+$0x0] =	vst.idx.msk $0xffff, v20;
	v25 =	vld [tilespmem:s24+$0x100]  }
0x310: {  	v33 =	vor.u32 s19, v8;
	s29 =	sor.u32 s18, s26;
	v32 =	vld [tilespmem:s10+$0x0];
	[tilespmem:v17+s30+$0x0] =	vst.idx.msk $0xffff, v16  }
0x311: {  	v29 =	vor.u32 s2, v13;
	s15 =	sor.u32 $0x380, s15;
	[tilespmem:v23+s30+$0x0] =	vst.idx.msk $0xffff, v22;
	v22 =	vld [tilespmem:s29+$0x0]  }
0x312: {  	v35 =	vor.u32 s4, v13;
	v30 =	vor.u32 s5, v7;
	s16 =	sor.u32 s1, s26;
	v31 =	vld [tilespmem:s15+$0x9000];
	[tilespmem:v18+s30+$0x0] =	vst.idx.msk $0xffff, v19  }
0x313: {  	v46 =	vor.u32 s2, v14;
	v39 =	vor.u32 s5, v8;
	[tilespmem:v26+s30+$0x0] =	vst.idx.msk $0xffff, v27;
	v26 =	vld [tilespmem:s16+$0x0]  }
0x314: {  	v38 =	vor.u32 s6, v2;
	v42 =	vor.u32 s7, v3;
	v40 =	vld [tilespmem:s0+$0x100];
	[tilespmem:v28+s30+$0x0] =	vst.idx.msk $0xffff, v25  }
0x315: {  	v37 =	vor.u32 s6, v3;
	v36 =	vor.u32 s6, v4;
	v34 =	vor.u32 s6, v5;
	s12 =	sadd.s32 $0xB700, s3;
	[tilespmem:v33+s30+$0x0] =	vst.idx.msk $0xffff, v32;
	v25 =	vld [tilespmem:s24+$0x180]  }
0x316: {  	v24 =	vor.u32 s5, v10;
	v21 =	vor.u32 s5, v12;
	v20 =	vor.u32 s5, v13;
	s16 =	sor.u32 s18, s12;
	[tilespmem:v29+s30+$0x0] =	vst.idx.msk $0xffff, v22  }
0x317: {  	s21 =	sor.u32 s9, s31;
	s22 =	sadd.s32 $0xB480, s23;
	v23 =	vor.u32 s5, v11;
	v17 =	vor.u32 s4, v14;
	v16 =	vor.u32 s4, v15;
	[tilespmem:v30+s30+$0x0] =	vst.idx.msk $0xffff, v31;
	v45 =	vld [tilespmem:s16+$0x0]  }
0x318: {  	s20 =	simm.s32 $0x2;
	v27 =	vor.u32 s5, v9;
	v19 =	vor.u32 s5, v14;
	v18 =	vor.u32 s5, v15;
	s29 =	sor.u32 s8, s22;
	v47 =	vld [tilespmem:s21+$0x0];
	[tilespmem:v35+s30+$0x0] =	vst.idx.msk $0xffff, v26  }
0x319: {  	s3 =	sadd.s32 $0xB780, s3;
	s31 =	sor.u32 s1, s12;
	s26 =	sand.u32 $0x3, s20;
	v33 =	vor.u32 s6, v6;
	v32 =	vor.u32 s6, v7;
	v28 =	vor.u32 s6, v11;
	v41 =	vld [tilespmem:s29+$0x0];
	[tilespmem:v38+s30+$0x0] =	vst.idx.msk $0xffff, v40  }
0x31a: {  	s25 =	sadd.s32 $0xB500, s23;
	s10 =	simm.s32 $0x500;
	s5 =	sshll.u32 s26, $0x5;
	v31 =	vor.u32 s6, v8;
	v30 =	vor.u32 s6, v14;
	v38 =	vld [tilespmem:s31+$0x0];
	[tilespmem:v42+s30+$0x0] =	vst.idx.msk $0xffff, v25;
	v42 =	vor.u32 s19, v9  }
0x31b: {  	s4 =	simm.s32 $0x110;
	s26 =	sor.u32 s9, s22;
	s5 =	sadd.s32 $0x200, s5;
	v29 =	vor.u32 s6, v10;
	v22 =	vor.u32 s6, v13;
	v35 =	vor.u32 s6, v9;
	v44 =	vld [tilespmem:s0+$0x180]  }
0x31c: {  	s20 =	sor.u32 $0x300, s5;
	v26 =	vor.u32 s6, v12;
	v25 =	vor.u32 s6, v15;
	s6 =	sor.u32 s1, s3;
	s3 =	sor.u32 s18, s3;
	v43 =	vld [tilespmem:s24+$0x200];
	[tilespmem:v46+s30+$0x0] =	vst.idx.msk $0xffff, v45;
	v45 =	vor.u32 s7, v4  }
0x31d: {  	s15 =	sor.u32 $0x380, s5;
	s16 =	simm.s32 $0x4;
	v40 =	vor.u32 s2, v15;
	s1 =	simm.s32 $0x3;
	[tilespmem:v39+s30+$0x0] =	vst.idx.msk $0xffff, v47;
	v39 =	vld [tilespmem:s3+$0x0]  }
.LBB2_17:
0x31e: {  	s3 =	sand.u32 $0x3, s1;
	s21 =	sor.u32 s9, s25;
	s18 =	sor.u32 s8, s25  }
0x31f: {  	v46 =	vld [tilespmem:s26+$0x0];
	[tilespmem:v42+s30+$0x0] =	vst.idx.msk $0xffff, v41;
	s13 =	sadd.s32 $0x100, s13;
	s14 =	sadd.s32 $0x20, s14;
	v54 =	vor.u32 s7, v5;
	s7 =	sadd.s32 $0x200, s7  }
0x320: {  	[tilespmem:v37+s30+$0x0] =	vst.idx.msk $0xffff, v44;
	v52 =	vor.u32 s19, v10;
	s17 =	sadd.s32 $0x2, s17;
	s2 =	smov.u32 s11;
	s11 =	smov.u32 s28;
	v51 =	vld [tilespmem:s18+$0x0]  }
0x321: {  	s29 =	sadd.s32 $0xB580, s23;
	s26 =	sshll.u32 s3, $0x5;
	s25 =	sand.u32 $0x3C00, s13;
	v53 =	vld [tilespmem:s0+$0x200];
	[tilespmem:v45+s30+$0x0] =	vst.idx.msk $0xffff, v43  }
0x322: {  	s3 =	smov.u32 s19;
	s18 =	sand.u32 $0x70, s14;
	[tilespmem:v17+s30+$0x0] =	vst.idx.msk $0xffff, v38;
	s19 =	sadd.s32 $0x9000, s25;
	v43 =	vld [tilespmem:s24+$0x280]  }
0x323: {  	s4 =	sadd.s32 $0x100, s4;
	s12 =	simm.s32 $0x16800;
	v17 =	vmov v19;
	v19 =	vmov v30;
	v30 =	vld [tilespmem:s6+$0x0];
	[tilespmem:v40+s30+$0x0] =	vst.idx.msk $0xffff, v39;
	s24 =	sor.u32 s18, s19  }
0x324: {  	s5 =	sadd.s32 $0xFFFFFFF0, s14;
	v56 =	vor.u32 s7, v0;
	s28 =	sand.u32 $0x7, s17;
	s22 =	sor.u32 s8, s29;
	v55 =	vld [tilespmem:s24+$0x0];
	[tilespmem:v27+s30+$0x0] =	vst.idx.msk $0xffff, v46  }
0x325: {  	v60 =	vor.u32 s10, v6;
	s29 =	sor.u32 s9, s29;
	s28 =	sshll.u32 s28, $0x4;
	s31 =	sand.u32 $0x60, s5;
	v57 =	vld [tilespmem:s21+$0x0];
	[tilespmem:v52+s30+$0x0] =	vst.idx.msk $0xffff, v51  }
0x326: {  	v61 =	vor.u32 s7, v1;
	v58 =	vor.u32 s3, v11;
	s5 =	sadd.s32 s26, s13;
	s28 =	sadd.s32 s28, s4;
	s30 =	sadd.s32 $0xFFFFFF00, s7;
	[tilespmem:v36+s12+$0x0] =	vst.idx.msk $0xffff, v53;
	v41 =	vld [tilespmem:s22+$0x0]  }
0x327: {  	s6 =	smov.u32 s9;
	v63 =	vor.u32 s3, v12;
	s26 =	sor.u32 $0x380, s5;
	v59 =	vor.u32 s30, v0;
	v48 =	vld [tilespmem:s0+$0x280];
	[tilespmem:v54+s12+$0x0] =	vst.idx.msk $0xffff, v43;
	s22 =	sor.u32 $0x300, s28  }
0x328: {  	v46 =	vor.u32 s30, v1;
	v47 =	vor.u32 s30, v2;
	s0 =	sor.u32 s31, s19;
	v37 =	vor.u32 s30, v3;
	[tilespmem:v16+s12+$0x0] =	vst.idx.msk $0xffff, v30;
	s19 =	smov.u32 s10;
	s10 =	rddreg [dreg:$0x4];
	v43 =	vld [tilespmem:s22+$0x9000]  }
0x329: {  	s21 =	sor.u32 $0x300, s5;
	v36 =	vor.u32 s30, v4;
	v16 =	vmovc v18;
	v18 =	vmovc v25;
	v25 =	vor.u32 s30, v5;
	v50 =	vor.u32 s30, v6;
	v49 =	vld [tilespmem:s0+$0x0];
	s9 =	smov.u32 s10;
	s10 =	smov.u32 s31;
	[tilespmem:v56+s12+$0x0] =	vst.idx.msk $0xffff, v55  }
0x32a: {  	v27 =	vmovc v35;
	s5 =	smov.u32 s7;
	v51 =	vor.u32 s30, v7;
	v52 =	vor.u32 s30, v8;
	v35 =	vor.u32 s30, v9;
	s22 =	sadd.s32 $0xB600, s23;
	[dreg:$0x4] =	wrdreg s10;
	v38 =	vld [tilespmem:s24+$0x80];
	[tilespmem:v24+s12+$0x0] =	vst.idx.msk $0xffff, v57  }
0x32b: {  	v62 =	vor.u32 s30, v11;
	v53 =	vor.u32 s30, v12;
	v30 =	vor.u32 s30, v14;
	s10 =	smov.u32 s5;
	s5 =	sor.u32 s6, s22;
	s22 =	sor.u32 s8, s22;
	v54 =	vld [tilespmem:s29+$0x0];
	[tilespmem:v58+s12+$0x0] =	vst.idx.msk $0xffff, v41  }
0x32c: {  	v55 =	vor.u32 s30, v13;
	v24 =	vmovc v29;
	v29 =	vor.u32 s30, v10;
	[tilespmem:v34+s12+$0x0] =	vst.idx.msk $0xffff, v48;
	v34 =	vmovc v25;
	v25 =	vor.u32 s30, v15;
	s30 =	simm.s32 $0x16800;
	v41 =	vld [tilespmem:s22+$0x0]  }
0x32d: {  	s12 =	sor.u32 $0x380, s28;
	v48 =	vld [tilespmem:s20+$0x9000];
	[tilespmem:v60+s30+$0x0] =	vst.idx.msk $0xffff, v43  }
0x32e: {  	v56 =	vor.u32 s19, v7;
	[tilespmem:v59+s30+$0x0] =	vst.idx.msk $0xffff, v49;
	v43 =	vld [tilespmem:s12+$0x9000]  }
0x32f: {  	v45 =	vld [tilespmem:s0+$0x80];
	[tilespmem:v61+s30+$0x0] =	vst.idx.msk $0xffff, v38  }
0x330: {  	v57 =	vor.u32 s7, v2;
	s22 =	sadd.s32 $0xB680, s23;
	v38 =	vld [tilespmem:s24+$0x100];
	[tilespmem:v23+s30+$0x0] =	vst.idx.msk $0xffff, v54  }
0x331: {  	s20 =	smov.u32 s21;
	s21 =	sor.u32 s8, s22;
	v58 =	vld [tilespmem:s5+$0x0];
	[tilespmem:v63+s30+$0x0] =	vst.idx.msk $0xffff, v41  }
0x332: {  	s28 =	sadd.s32 $0xB400, s11;
	v59 =	vor.u32 s3, v13;
	[tilespmem:v33+s30+$0x0] =	vst.idx.msk $0xffff, v48;
	v41 =	vld [tilespmem:s21+$0x0]  }
0x333: {  	s31 =	sor.u32 s9, s28;
	s28 =	sor.u32 s2, s28;
	v48 =	vld [tilespmem:s15+$0x9000];
	[tilespmem:v56+s30+$0x0] =	vst.idx.msk $0xffff, v43  }
0x334: {  	v60 =	vor.u32 s19, v8;
	[tilespmem:v46+s30+$0x0] =	vst.idx.msk $0xffff, v45;
	v43 =	vld [tilespmem:s28+$0x0]  }
0x335: {  	v45 =	vld [tilespmem:s0+$0x100];
	[tilespmem:v57+s30+$0x0] =	vst.idx.msk $0xffff, v38  }
0x336: {  	s29 =	sor.u32 s6, s22;
	v61 =	vor.u32 s7, v3;
	s5 =	sadd.s32 $0xB700, s23;
	v38 =	vld [tilespmem:s24+$0x180];
	[tilespmem:v21+s30+$0x0] =	vst.idx.msk $0xffff, v58  }
0x337: {  	s15 =	smov.u32 s26;
	s26 =	sor.u32 s8, s5;
	v40 =	vld [tilespmem:s29+$0x0];
	[tilespmem:v59+s30+$0x0] =	vst.idx.msk $0xffff, v41  }
0x338: {  	s16 =	sadd.s32 $0x2, s16;
	v23 =	vmov v28;
	v28 =	vmov v62;
	v63 =	vor.u32 s3, v14;
	s28 =	sadd.s32 $0xB480, s11;
	[tilespmem:v32+s30+$0x0] =	vst.idx.msk $0xffff, v48;
	v62 =	vld [tilespmem:s26+$0x0]  }
0x339: {  	p1 =	slt.u32 s16, $0x46;
	s29 =	sor.u32 s2, s28;
	v49 =	vld [tilespmem:s31+$0x0];
	[tilespmem:v60+s30+$0x0] =	vst.idx.msk $0xffff, v43  }
.Ltmp12:
0x33a: {  	[tilespmem:v47+s30+$0x0] =	vst.idx.msk $0xffff, v45;
	v41 =	vld [tilespmem:s29+$0x0];
	(pc) =	sbr.rel @p1 .LBB2_17-.Ltmp12, $4  }
0x33b: {  	s1 =	sadd.s32 $0x1, s1;
	s12 =	sor.u32 s6, s5;
	v44 =	vld [tilespmem:s0+$0x180];
	[tilespmem:v61+s30+$0x0] =	vst.idx.msk $0xffff, v38  }
0x33c: {  	s26 =	sor.u32 s9, s28;
	s31 =	sadd.s32 $0xB780, s23;
	s23 =	smov.u32 s11;
	v43 =	vld [tilespmem:s24+$0x200];
	[tilespmem:v20+s30+$0x0] =	vst.idx.msk $0xffff, v40  }
0x33d: {  	v42 =	vor.u32 s19, v9;
	v33 =	vmovc v50;
	v21 =	vmovc v26;
	v26 =	vmov v53;
	v32 =	vmov v51;
	s28 =	smov.u32 s25;
	s11 =	smov.u32 s18;
	s21 =	sor.u32 s8, s31;
	v38 =	vld [tilespmem:s12+$0x0];
	[tilespmem:v63+s30+$0x0] =	vst.idx.msk $0xffff, v62  }
0x33e: {  	v45 =	vor.u32 s7, v4;
	s6 =	sor.u32 s6, s31;
	s8 =	smov.u32 s2;
	s25 =	sadd.s32 $0xB500, s23;
	v20 =	vmovc v22;
	v22 =	vmovc v55;
	v40 =	vor.u32 s3, v15;
	[tilespmem:v31+s30+$0x0] =	vst.idx.msk $0xffff, v49;
	v31 =	vmov v52;
	v39 =	vld [tilespmem:s21+$0x0]  }
.Ltmp13:
0x33f: {  	_ = 	snop;
	(pc) =	sbr.rel .LBB2_18-.Ltmp13, $1  }
0x340: {  	_ =	sdelay $0x3  }
.LBB2_21:
0x341: {  	_ =	sfence.sel $0x180000  }
0x342: {  	[bflag:$0x0] =	sbarrier.arrive $0xFFFF  }
0x343: {  	_ =	strace $0x90000047  }
0x344: {  	s0 =	stileid.u32;
	[bflag:$0x2] =	sbarrier.arrive $0xFFFF  }
0x345: {  	p0 =	sne.s32 s0, $0x0;
	s0 =	rddreg [dreg:$0x3]  }
0x346: {  	s0 =	sadd.s32 @!p0 $0x100000, s0  }
0x347: {  	[sflag:s0] =	ssyncadd.tile.s32 @!p0 $0x1;
	_ =	shalt  }
.Lfunc_end2:
_tile_overlayer_lowered:
.L_overlay_start_2:
0x348: {  	(tag) =	ssettag $0x2  }
0x349: {  	s0 =	rddreg [dreg:$0x0];
	s2 =	stileid.u32  }
0x34a: {  	s1 =	rddreg [dreg:$0x1];
	p0 =	sne.s32 s2, $0x0  }
0x34b: {  	s3 =	rddreg [dreg:$0x2];
	[bflag:$0x3] =	sbarrier.arrive $0xFFFF;
	s2 =	simm.s32 @!p0 $0x1C07  }
0x34c: {  	[timem:s3], [sflag:s2] =	dma.local @!p0 [hbm:s0], s1  }
0x34d: {  	s0 =	simm.s32 @!p0 $0x7  }
0x34e: {  	_ =	swait.ge @!p0 [sflag:s0], s1  }
0x34f: {  	s1 =	ssub.s32 @!p0 $0x0, s1;
	[sflag:s0] =	ssyncset.done @!p0 $0x0  }
0x350: {  	[sflag:s0] =	ssyncadd.s32 @!p0 s1  }
0x351: {  	[bflag:$0x3] =	sbarrier.arrive $0xFFFF  }
0x352: {  	_ =	shalt  }

// kernel: kernel.7.cloned.1.call-start
scs
__scs_entry_jumppad:
0x0: {  	(pc) =	sbr.rel $0x88, $3  }
0x1: {  	(tag) =	ssettag $0x0;
	lr =	simm.s32 $0x1  }
0x2: {  	[smem:$0x3F9C] =	sst lr;
	_ =	strace $0xD0000000  }
0x3: {  	_ = 	snop  }
0x4: {  	_ = 	snop  }
0x5: {  	_ = 	snop  }
0x6: {  	_ = 	snop  }
0x7: {  	_ = 	snop  }
__scs_overlays_trampoline_lowered:
0x8: {  	[smem:$0x3FAB] =	sst s0  }
0x9: {  	[smem:$0x3FAC] =	sst s1  }
0xa: {  	[smem:$0x3FAD] =	sst s2  }
0xb: {  	[smem:$0x3FAE] =	sst s3  }
0xc: {  	[smem:$0x3FAF] =	sst s4  }
0xd: {  	[smem:$0x3FB0] =	sst s5  }
0xe: {  	[smem:$0x3FB1] =	sst s6  }
0xf: {  	[smem:$0x3FB2] =	sst s7  }
0x10: {  	[smem:$0x3FB3] =	sst s8  }
0x11: {  	[smem:$0x3FB4] =	sst s9;
	s0 =	simm.s32 @!p0 $0x0  }
0x12: {  	s1 =	sld [smem:$0x3F9A];
	s0 =	simm.s32 @p0 $0x1  }
0x13: {  	[smem:$0x3FB5] =	sst s0;
	s0 =	simm.s32 @!p1 $0x0  }
0x14: {  	s2 =	sld [smem:$0x3F99];
	s0 =	simm.s32 @p1 $0x1  }
0x15: {  	[smem:$0x3FB6] =	sst s0;
	s0 =	simm.s32 @!p2 $0x0  }
0x16: {  	s3 =	sld [smem:$0x3FDB];
	s0 =	simm.s32 @p2 $0x1  }
0x17: {  	s4 =	simm.s32 $0x1BF5;
	[smem:$0x3FB8] =	sst s0  }
0x18: {  	s0 =	sld [smem:$0x3F9B];
	_ =	swait.ge [sflag:s4], $0x0  }
0x19: {  	s7 =	sld [smem:$0x3F9C]  }
0x1a: {  	s8 =	sadd.s32 $0xFFFFE003, lr  }
0x1b: {  	s9 =	sadd.s32 $0xFFFFFEF7, lr;
	s5 =	simm.s32 $0xFFFFFFFF;
	p2 =	slt.u32 s8, $0xFFFFF086  }
0x1c: {  	p1 =	slt.u32 s9, $0xF7A;
	s5 =	simm.s32 @!p2 $0x0  }
0x1d: {  	s5 =	simm.s32 @p1 $0x1;
	p0 =	seq.s32 s7, s2  }
0x1e: {  	s7 =	smul.u32 @!p0 $0xF7A, s2;
	p2 =	seq.s32 @!p0 s5, $0x0  }
0x1f: {  	s9 =	smul.u32 $0xF7A, s1;
	s8 =	simm.s32 @!p0 $0x1BF5;
	p2 =	por !p2, p0  }
0x20: {  	[sflag:s8] =	ssyncset.s32 @!p0 $0xFFFFF086;
	s6 =	sadd.s32 @!p0 s3, s7;
	s7 =	simm.s32 @!p0 $0x108  }
0x21: {  	s3 =	sadd.s32 s3, s9;
	s6 =	sadd.s32 @!p0 $0x88, s6;
	s7 =	simm.s32 @p2 $0x1082  }
0x22: {  	[simem:s7], [sflag:s8] =	dma.local @!p0 [hbm:s6], $0xF7A  }
0x23: {  	s9 =	sor.u32 $0xD0000000, s2;
	s6 =	simm.s32 $0x108;
	_ =	swait.ge @!p0 [sflag:s8], $0x0  }
0x24: {  	s3 =	sadd.s32 $0x88, s3;
	s6 =	simm.s32 @!p1 $0x1082;
	[sflag:s4] =	ssyncset.s32 $0xFFFFF086  }
0x25: {  	[simem:s6], [sflag:s4] =	dma.local [hbm:s3], $0xF7A  }
0x26: {  	[smem:$0x3F9C] =	sst s1;
	(tag) =	ssettag s2;
	_ =	strace s9  }
0x27: {  	s1 =	sld [smem:$0x3FAC]  }
0x28: {  	s2 =	sld [smem:$0x3FAD]  }
0x29: {  	s4 =	sld [smem:$0x3FAF]  }
0x2a: {  	p0 =	seq.s32 s5, $0x0;
	s5 =	sld [smem:$0x3FB0]  }
0x2b: {  	s6 =	sld [smem:$0x3FB1]  }
0x2c: {  	s7 =	sld [smem:$0x3FB2]  }
0x2d: {  	s3 =	simm.s32 $0x108;
	s8 =	sld [smem:$0x3FB3]  }
0x2e: {  	s3 =	simm.s32 @!p0 $0x1082;
	s9 =	sld [smem:$0x3FB4]  }
0x2f: {  	lr =	sadd.s32 s0, s3;
	s0 =	sld [smem:$0x3FAB]  }
0x30: {  	s3 =	sld [smem:$0x3FAE]  }
0x31: {  	[smem:$0x3FB7] =	sst s10  }
0x32: {  	s10 =	sld [smem:$0x3FB5];
	_ =	sdelay $0x3  }
0x33: {  	p0 =	seq.s32 s10, $0x1;
	s10 =	sld [smem:$0x3FB7];
	_ =	sdelay $0x3  }
0x34: {  	[smem:$0x3FB7] =	sst s10  }
0x35: {  	s10 =	sld [smem:$0x3FB6];
	_ =	sdelay $0x3  }
0x36: {  	p1 =	seq.s32 s10, $0x1;
	s10 =	sld [smem:$0x3FB7];
	_ =	sdelay $0x3  }
0x37: {  	[smem:$0x3FB7] =	sst s10  }
0x38: {  	s10 =	sld [smem:$0x3FB8]  }
0x39: {  	_ = 	snop;
	(pc) =	sbr.ind lr, $3  }
0x3a: {  	_ = 	snop  }
0x3b: {  	_ = 	snop  }
0x3c: {  	p2 =	seq.s32 s10, $0x1;
	s10 =	sld [smem:$0x3FB7]  }
0x3d: {  	_ =	shalt  }
0x3e: {  	_ =	shalt  }
0x3f: {  	_ =	shalt  }
0x40: {  	_ =	shalt  }
0x41: {  	_ =	shalt  }
0x42: {  	_ =	shalt  }
0x43: {  	_ =	shalt  }
0x44: {  	_ =	shalt  }
0x45: {  	_ =	shalt  }
0x46: {  	_ =	shalt  }
0x47: {  	_ =	shalt  }
0x48: {  	_ =	shalt  }
0x49: {  	_ =	shalt  }
0x4a: {  	_ =	shalt  }
0x4b: {  	_ =	shalt  }
0x4c: {  	_ =	shalt  }
0x4d: {  	_ =	shalt  }
0x4e: {  	_ =	shalt  }
0x4f: {  	_ =	shalt  }
0x50: {  	_ =	shalt  }
0x51: {  	_ =	shalt  }
0x52: {  	_ =	shalt  }
0x53: {  	_ =	shalt  }
0x54: {  	_ =	shalt  }
0x55: {  	_ =	shalt  }
0x56: {  	_ =	shalt  }
0x57: {  	_ =	shalt  }
0x58: {  	_ =	shalt  }
0x59: {  	_ =	shalt  }
0x5a: {  	_ =	shalt  }
0x5b: {  	_ =	shalt  }
0x5c: {  	_ =	shalt  }
0x5d: {  	_ =	shalt  }
0x5e: {  	_ =	shalt  }
0x5f: {  	_ =	shalt  }
0x60: {  	_ =	shalt  }
0x61: {  	_ =	shalt  }
0x62: {  	_ =	shalt  }
0x63: {  	_ =	shalt  }
0x64: {  	_ =	shalt  }
0x65: {  	_ =	shalt  }
0x66: {  	_ =	shalt  }
0x67: {  	_ =	shalt  }
0x68: {  	_ =	shalt  }
0x69: {  	_ =	shalt  }
0x6a: {  	_ =	shalt  }
0x6b: {  	_ =	shalt  }
0x6c: {  	_ =	shalt  }
0x6d: {  	_ =	shalt  }
0x6e: {  	_ =	shalt  }
0x6f: {  	_ =	shalt  }
0x70: {  	_ =	shalt  }
0x71: {  	_ =	shalt  }
0x72: {  	_ =	shalt  }
0x73: {  	_ =	shalt  }
0x74: {  	_ =	shalt  }
0x75: {  	_ =	shalt  }
0x76: {  	_ =	shalt  }
0x77: {  	_ =	shalt  }
0x78: {  	_ =	shalt  }
0x79: {  	_ =	shalt  }
0x7a: {  	_ =	shalt  }
0x7b: {  	_ =	shalt  }
0x7c: {  	_ =	shalt  }
0x7d: {  	_ =	shalt  }
0x7e: {  	_ =	shalt  }
0x7f: {  	_ =	shalt  }
0x80: {  	_ =	shalt  }
0x81: {  	_ =	shalt  }
0x82: {  	_ =	shalt  }
0x83: {  	_ =	shalt  }
0x84: {  	_ =	shalt  }
0x85: {  	_ =	shalt  }
0x86: {  	_ =	shalt  }
0x87: {  	_ =	shalt  }
.Lfunc_end0:
.L_simem_size_0:
called_computation.1_lowered:
.L_overlay_start_0:
0x88: {  	s2 =	sld [smem:$0x3FD9]  }
0x89: {  	s3 =	sld [smem:$0x3FFE];
	_ =	sdelay $0x1  }
0x8a: {  	s1 =	srdreg.scid  }
0x8b: {  	s0 =	sand.u32 $0x1, s1  }
0x8c: {  	s14 =	sshll.u32 s0, $0xA;
	s2 =	sadd.s32 s3, s2  }
0x8d: {  	s2 =	sadd.s32 s2, s14  }
0x8e: {  	[smem:$0x3FC3] =	sst s2  }
0x8f: {  	_ = 	snop  }
0x90: {  	s2 =	sld [smem:$0x3FD0];
	_ =	sdelay $0x2  }
0x91: {  	s15 =	simm.s32 $0xA;
	s4 =	simm.s32 $0x10  }
0x92: {  	[smem:s4], [sflag:s15] =	dma.local [hbm:s2], $0x1  }
0x93: {  	_ =	swait.eq [sflag:s15], $0x1  }
0x94: {  	[sflag:s15] =	ssyncset.done $0x0  }
0x95: {  	[sflag:s15] =	ssyncadd.s32 $0xFFFFFFFF  }
0x96: {  	s16 =	sld [smem:$0x11];
	(tm) =	ssettm $0x1  }
0x97: {  	s17 =	sld [smem:$0x3FFB];
	_ =	sdelay $0x3  }
0x98: {  	_ =	strace s17  }
0x99: {  	s3 =	sld [smem:$0x3FFC];
	_ =	sdelay $0x3  }
0x9a: {  	_ =	strace s3  }
0x9b: {  	s3 =	sld [smem:$0x3FFD];
	_ =	sdelay $0x3  }
0x9c: {  	_ =	strace s3  }
0x9d: {  	_ =	strace $0x8FFFFFFF  }
0x9e: {  	s18 =	sld [smem:$0x3FDB];
	_ =	sdelay $0x1  }
0x9f: {  	s19 =	simm.s32 $_scs_section_size  }
0xa0: {  	s5 =	simm.s32 $_size__tile_overlayer_lowered;
	s6 =	simm.s32 $_tile_overlayer_lowered  }
0xa1: {  	s22 =	simm.s32 $0x1BFF;
	s21 =	sshll.u32 s6, $0x1;
	s3 =	sadd.s32 s19, s18  }
0xa2: {  	s7 =	simm.s32 $0x0;
	s20 =	sshll.u32 s5, $0x1;
	s5 =	sadd.s32 s21, s3  }
0xa3: {  	[timem:s7], [sflag:s22] =	dma.local [hbm:s5], s20  }
0xa4: {  	_ =	swait.ge [sflag:s22], s20  }
0xa5: {  	s4 =	ssub.s32 $0x0, s20;
	[sflag:s22] =	ssyncset.done $0x0  }
0xa6: {  	[sflag:s22] =	ssyncadd.s32 s4;
	_ =	sdelay $0x1  }
0xa7: {  	s23 =	simm.s32 $0x1B8B  }
0xa8: {  	_ =	swait.ge [sflag:s23], $0x1  }
0xa9: {  	[sflag:s23] =	ssyncset.done $0x0  }
0xaa: {  	s25 =	simm.s32 $0x1B8E;
	s24 =	sld [smem:$0x3FFE];
	[sflag:s23] =	ssyncadd.s32 $0xFFFFFFFF  }
0xab: {  	s26 =	simm.s32 $execute0_lowered;
	[smem:$0x3FD2] =	sst s25  }
0xac: {  	s5 =	sshll.u32 s26, $0x1;
	_ =	strace $0x80000049;
	[dreg:$0x1] =	wrdreg $0xFFFFFFFF  }
0xad: {  	s28 =	simm.s32 $_size_execute0_lowered;
	s3 =	sadd.s32 s3, s5;
	[dreg:$0x0] =	wrdreg $0x0  }
0xae: {  	s5 =	sshll.u32 s28, $0x1;
	[dreg:$0x2] =	wrdreg s3  }
0xaf: {  	[dreg:$0x3] =	wrdreg s5  }
0xb0: {  	[dreg:$0x4] =	wrdreg $0xC0  }
0xb1: {  	_ =	task [dreg:s7], $0x5FFFF  }
0xb2: {  	[dreg:$0x1] =	wrdreg $0xFFFFFFFF  }
0xb3: {  	[dreg:$0x0] =	wrdreg $0x60  }
0xb4: {  	[dreg:$0x2] =	wrdreg s24  }
0xb5: {  	[dreg:$0x3] =	wrdreg s16  }
0xb6: {  	[dreg:$0x4] =	wrdreg $0x9  }
0xb7: {  	_ =	task.clear_ibuf [dreg:s7], $0x5FFFF;
	_ =	strace $0x90000049  }
0xb8: {  	s29 =	simm.s32 $0x9;
	_ =	strace $0x8000004B  }
0xb9: {  	_ =	swait.ge [sflag:s29], $0x1  }
0xba: {  	[sflag:s29] =	ssyncadd.s32 $0xFFFFFFFF  }
0xbb: {  	_ =	strace $0x9000004B  }
0xbc: {  	_ =	sfence  }
0xbd: {  	s30 =	sld [smem:$0x0];
	_ =	sdelay $0x2  }
0xbe: {  	s31 =	sshll.u32 s1, $0xD;
	s1 =	sshrl.u32 s1, $0x2  }
0xbf: {  	s3 =	sand.u32 $0x4000, s31;
	s1 =	sadd.s32 s1, s30  }
0xc0: {  	s0 =	sor.u32 s3, s0;
	s1 =	sshll.u32 s1, $0x11  }
0xc1: {  	s0 =	sor.u32 s1, s0  }
0xc2: {  	s0 =	sadd.s32 $0x8F2B, s0  }
0xc3: {  	[sflag:s0] =	ssyncadd.remote.s32 $0x1  }
0xc4: {  	_ =	sfence.sel $0xFFFF  }
0xc5: {  	[dreg:$0x0] =	wrdreg $0xFFFFFFFF;
	(pc) =	sbr.abs _section_cstart, $3  }
0xc6: {  	[dreg:$0x1] =	wrdreg $0xFFFFFFFF  }
0xc7: {  	_ =	task.clear_ibuf [dreg:s7], $0x2FFFF;
	_ =	strace $0x9FFFFFFF  }
0xc8: {  	(tm) =	ssettm $0x7FFFFFFF  }
0xc9: {  	_ =	shalt  }
tec
execute0_lowered:
.L_overlay_start_1:
0x0: {  	(tag) =	ssettag $0x1  }
0x1: {  	s0 =	rddreg [dreg:$0x0]  }
0x2: {  	s1 =	rddreg [dreg:$0x1]  }
0x3: {  	s3 =	srdreg.scid;
	s2 =	stileid.u32;
	s14 =	simm.s32 $0x0  }
0x4: {  	s17 =	simm.s32 $0x5;
	s18 =	simm.s32 $0x680;
	s28 =	simm.s32 $0x1380  }
0x5: {  	s29 =	simm.s32 $0x15200;
	s30 =	simm.s32 $0x1CDE0;
	s31 =	simm.s32 $0x2  }
0x6: {  	s6 =	sand.u32 $0x1, s3;
	s22 =	sshll.u32 s2, $0x1;
	[smem:$0x7FF] =	sst s14  }
0x7: {  	s4 =	sadd.s32 $0x1E9000, s0;
	s5 =	sadd.s32 $0xA00, s0;
	s7 =	sor.u32 s6, s22  }
0x8: {  	_ =	strace $0x8000004A;
	s8 =	ssub.s32 $0x2, s6;
	s6 =	sadd.s32 $0x1F6000, s0  }
0x9: {  	s0 =	sadd.s32 $0x214A00, s0;
	s3 =	smul.u32 $0x3400, s7;
	s9 =	sshrl.u32 s8, $0x1  }
0xa: {  	[dreg:$0x3] =	wrdreg s0;
	s7 =	sshll.u32 s7, $0x6;
	s23 =	ssub.s32 s8, s9  }
0xb: {  	s1 =	sadd.s32 s1, s7;
	s7 =	simm.s32 $0x0;
	s10 =	sshrl.u32 s3, $0x3  }
0xc: {  	[dreg:$0x7] =	wrdreg s1;
	s0 =	smax.u32 s23, $0x1;
	s1 =	simm.s32 $0x4  }
0xd: {  	s24 =	sadd.s32 s4, s10;
	[dreg:$0x8] =	wrdreg s0;
	s0 =	simm.s32 $0x3  }
0xe: {  	s25 =	sadd.s32 $0xD0, s24;
	s26 =	sadd.s32 $0x1A0, s24;
	[dreg:$0x4] =	wrdreg s24  }
0xf: {  	s11 =	sadd.s32 $0x340, s24;
	s12 =	sadd.s32 $0x410, s24;
	[dreg:$0x5] =	wrdreg s25  }
0x10: {  	vm0 =	vmmov $0x3ff;
	v0 =	vlaneseq.u32;
	s13 =	sadd.s32 $0x4E0, s24;
	[dreg:$0x6] =	wrdreg s26;
	s26 =	simm.s32 $0x1  }
.LBB2_1:
0x11: {  	[dreg:$0x9] =	wrdreg s7  }
0x12: {  	s2 =	rddreg [dreg:$0x3];
	s9 =	simm.s32 $0x1D680  }
0x13: {  	[tilespmem:s9], [sflag:$0x5] =	stream.linear.gather [hbm4b:s2+s14], $0x10, $0x38;
	[tilespmem:$0x1D690] =	vst v63  }
0x14: {  	_ =	swait.ge [sflag:s17], $0x10  }
0x15: {  	[sflag:s17] =	ssyncset.done $0x0  }
0x16: {  	s10 =	rddreg [dreg:$0x4];
	[sflag:s17] =	ssyncadd.s32 $0xFFFFFFF0  }
0x17: {  	v1 =	vld [tilespmem:$0x1D680];
	[tilespmem:s14], [sflag:$0x5] =	stream.linear.gather [hbm4b:s10+s14], $0x680, $0x38  }
0x18: {  	_ =	swait.ge [sflag:s17], $0x680  }
0x19: {  	[sflag:s17] =	ssyncset.done $0x0  }
0x1a: {  	s15 =	simm.s32 $0x1A00;
	[sflag:s17] =	ssyncadd.s32 $0xFFFFF980  }
0x1b: {  	[tilespmem:s15], [sflag:$0x1] =	stream.indirect.gather [hbm4b:s5+s18], $0x10, s14, s18, $0xb8;
	[tilespmem:$0x1D690] =	vst v63  }
0x1c: {  	s16 =	simm.s32 $0x1BA00  }
0x1d: {  	[tilespmem:s16], [sflag:$0x1] =	stream.indirect.gather [hbm4b:s6+s18], $0x1, s14, s18, $0xb8;
	[tilespmem:$0x1D690] =	vst v63  }
0x1e: {  	s19 =	rddreg [dreg:$0x5]  }
0x1f: {  	[tilespmem:s18], [sflag:$0x5] =	stream.linear.gather [hbm4b:s19+s14], $0x680, $0x38;
	[tilespmem:$0x1D690] =	vst v63  }
0x20: {  	_ =	swait.ge [sflag:s17], $0x680  }
0x21: {  	[sflag:s17] =	ssyncset.done $0x0  }
0x22: {  	s20 =	simm.s32 $0x8200;
	[sflag:s17] =	ssyncadd.s32 $0xFFFFF980  }
0x23: {  	[tilespmem:s20], [sflag:$0x2] =	stream.indirect.gather [hbm4b:s5+s18], $0x10, s18, s18, $0xb8;
	[tilespmem:$0x1D690] =	vst v63  }
0x24: {  	s21 =	simm.s32 $0x1C0A0  }
0x25: {  	[tilespmem:s21], [sflag:$0x2] =	stream.indirect.gather [hbm4b:s6+s18], $0x1, s18, s18, $0xb8;
	[tilespmem:$0x1D690] =	vst v63  }
0x26: {  	s23 =	simm.s32 $0xD00;
	s22 =	rddreg [dreg:$0x6]  }
0x27: {  	[tilespmem:s23], [sflag:$0x5] =	stream.linear.gather [hbm4b:s22+s14], $0x680, $0x38;
	[tilespmem:$0x1D690] =	vst v63  }
0x28: {  	_ =	swait.ge [sflag:s17], $0x680  }
0x29: {  	[sflag:s17] =	ssyncset.done $0x0  }
0x2a: {  	s24 =	simm.s32 $0xEA00;
	[sflag:s17] =	ssyncadd.s32 $0xFFFFF980  }
0x2b: {  	[tilespmem:s24], [sflag:$0x3] =	stream.indirect.gather [hbm4b:s5+s18], $0x10, s23, s18, $0xb8;
	[tilespmem:$0x1D690] =	vst v63  }
0x2c: {  	s25 =	simm.s32 $0x1C740;
	p1 =	por $0x1, $0x1;
	s7 =	simm.s32 $0x0  }
0x2d: {  	[tilespmem:s25], [sflag:$0x3] =	stream.indirect.gather [hbm4b:s6+s18], $0x1, s23, s18, $0xb8;
	[tilespmem:$0x1D690] =	vst v63  }
.LBB2_2:
0x2e: {  	_ =	swait.ge [sflag:s26], $0x6800;
	s20 =	sshllo.u32 s7, $0x2  }
0x2f: {  	[sflag:s26] =	ssyncset.done $0x0;
	s8 =	smul.u32 $0x680, s20  }
0x30: {  	[sflag:s26] =	ssyncadd.s32 $0xFFFF9800  }
0x31: {  	_ =	swait.ge [sflag:s26], $0x680;
	s8 =	sadd.s32 s3, s8  }
0x32: {  	[sflag:s26] =	ssyncset.done $0x0;
	s8 =	sshrl.u32 s8, $0x3  }
0x33: {  	s22 =	simm.s32 $0x0;
	[sflag:s26] =	ssyncadd.s32 $0xFFFFF980;
	s8 =	sadd.s32 s4, s8  }
0x34: {  	[tilespmem:s28], [sflag:$0x5] =	stream.linear.gather [hbm4b:s8+s22], $0x680, $0x38;
	[tilespmem:$0x1D690] =	vst v63  }
0x35: {  	s25 =	sshll.u32 s7, $0x8;
	_ =	swait.ge [sflag:s17], $0x680  }
0x36: {  	s15 =	simm.s32 $0x1BA00;
	s21 =	sand.u32 $0x3FFFFF00, s25;
	[sflag:s17] =	ssyncset.done $0x0  }
0x37: {  	p0 =	por p1, p1;
	s7 =	sadd.s32 $0x1D480, s21;
	[sflag:s17] =	ssyncadd.s32 $0xFFFFF980  }
0x38: {  	[tilespmem:s29], [sflag:$0x4] =	stream.indirect.gather [hbm4b:s5+s18], $0x10, s28, s18, $0xb8;
	[tilespmem:$0x1D690] =	vst v63  }
0x39: {  	s25 =	simm.s32 $0x1AD0;
	v2 =	vmov s7;
	s7 =	simm.s32 $0x0;
	s8 =	simm.s32 $0x0  }
0x3a: {  	[tilespmem:s30], [sflag:$0x4] =	stream.indirect.gather [hbm4b:s6+s18], $0x1, s28, s18, $0xb8;
	[tilespmem:$0x1D690] =	vst v63  }
.LBB2_3:
0x3b: {  	v3 =	vld [tilespmem:s25+$0x70]  }
0x3c: {  	v4 =	vld [tilespmem:s25+$0xFFFFFF30]  }
0x3d: {  	v5 =	vld [tilespmem:s25+$0xFFFFFF40]  }
0x3e: {  	v6 =	vld [tilespmem:s25+$0xFFFFFF50]  }
0x3f: {  	v7 =	vld [tilespmem:s25+$0xFFFFFF60]  }
0x40: {  	v8 =	vld [tilespmem:s25+$0xFFFFFF70]  }
0x41: {  	v9 =	vld [tilespmem:s25+$0xFFFFFF80]  }
0x42: {  	v10 =	vld [tilespmem:s25+$0xFFFFFF90]  }
0x43: {  	v12 =	vld [tilespmem:s25+$0xFFFFFFA0];
	v11 =	vmul.f32 v4, v4;
	v4 =	vadd.f32 v6, v4;
	v6 =	vmul.f32 v6, v6  }
0x44: {  	v14 =	vld [tilespmem:s25+$0xFFFFFFB0];
	v13 =	vmul.f32 v5, v5;
	v5 =	vadd.f32 v7, v5;
	v7 =	vmul.f32 v7, v7  }
0x45: {  	v15 =	vmul.f32 v8, v8;
	v6 =	vadd.f32 v6, v11;
	v4 =	vadd.f32 v8, v4;
	v8 =	vld [tilespmem:s25+$0xFFFFFFC0]  }
0x46: {  	v7 =	vadd.f32 v7, v13;
	v11 =	vld [tilespmem:s25+$0xFFFFFFD0];
	v5 =	vadd.f32 v9, v5;
	v9 =	vmul.f32 v9, v9  }
0x47: {  	v13 =	vld [tilespmem:s25+$0xFFFFFFE0];
	v6 =	vadd.f32 v15, v6;
	v4 =	vadd.f32 v10, v4;
	v10 =	vmul.f32 v10, v10  }
0x48: {  	v15 =	vld [tilespmem:s25+$0xFFFFFFF0];
	v7 =	vadd.f32 v9, v7;
	v5 =	vadd.f32 v12, v5;
	v9 =	vmul.f32 v12, v12  }
0x49: {  	v12 =	vld [tilespmem:s25+$0x0];
	v6 =	vadd.f32 v10, v6;
	v4 =	vadd.f32 v14, v4;
	v10 =	vmul.f32 v14, v14  }
0x4a: {  	v14 =	vld [tilespmem:s25+$0x10];
	v7 =	vadd.f32 v9, v7;
	v5 =	vadd.f32 v8, v5;
	v8 =	vmul.f32 v8, v8  }
0x4b: {  	v9 =	vmul.f32 v11, v11;
	v6 =	vadd.f32 v10, v6;
	v4 =	vadd.f32 v11, v4;
	v10 =	vld [tilespmem:s25+$0x20]  }
0x4c: {  	v11 =	vld [tilespmem:s25+$0x30];
	v7 =	vadd.f32 v8, v7;
	v5 =	vadd.f32 v13, v5;
	v8 =	vmul.f32 v13, v13  }
0x4d: {  	v13 =	vld [tilespmem:s25+$0x40];
	v6 =	vadd.f32 v9, v6;
	v4 =	vadd.f32 v15, v4;
	v9 =	vmul.f32 v15, v15  }
0x4e: {  	v15 =	vld [tilespmem:s25+$0x50];
	v7 =	vadd.f32 v8, v7;
	v5 =	vadd.f32 v12, v5;
	v8 =	vmul.f32 v12, v12  }
0x4f: {  	v12 =	vld [tilespmem:s25+$0x60];
	v6 =	vadd.f32 v9, v6;
	v4 =	vadd.f32 v14, v4;
	v9 =	vmul.f32 v14, v14  }
0x50: {  	v17 =	vld [tilespmem:s25+$0xC0];
	v7 =	vadd.f32 v8, v7;
	v5 =	vadd.f32 v10, v5;
	v8 =	vmul.f32 v10, v10  }
0x51: {  	v10 =	vld [tilespmem:s25+$0x80];
	v6 =	vadd.f32 v9, v6;
	v4 =	vadd.f32 v11, v4;
	v9 =	vmul.f32 v11, v11  }
0x52: {  	v14 =	vld [tilespmem:s25+$0x90];
	v7 =	vadd.f32 v8, v7;
	v5 =	vadd.f32 v13, v5;
	v8 =	vmul.f32 v13, v13  }
0x53: {  	v13 =	vmul.f32 v15, v15;
	v6 =	vadd.f32 v9, v6;
	v9 =	vadd.f32 v15, v4;
	v15 =	vld [tilespmem:s25+$0xA0]  }
0x54: {  	s14 =	sadd.s32 $0x1A0, s25;
	v11 =	vld [tilespmem:s25+$0xB0];
	v16 =	vmul.f32 v12, v12;
	v7 =	vadd.f32 v8, v7;
	v8 =	vadd.f32 v12, v5  }
0x55: {  	v18 =	vmul.f32 v3, v3;
	v4 =	vld [tilespmem:s14+$0x70];
	v6 =	vadd.f32 v13, v6;
	v3 =	vadd.f32 v3, v9  }
0x56: {  	v5 =	vld [tilespmem:s14+$0x50];
	v9 =	vmul.f32 v10, v10;
	v7 =	vadd.f32 v16, v7;
	v8 =	vadd.f32 v10, v8  }
0x57: {  	v12 =	vld [tilespmem:s14+$0xFFFFFF70];
	v10 =	vmul.f32 v14, v14;
	v6 =	vadd.f32 v18, v6;
	v3 =	vadd.f32 v14, v3  }
0x58: {  	v13 =	vld [tilespmem:s14+$0xFFFFFF30];
	v7 =	vadd.f32 v9, v7;
	v8 =	vadd.f32 v15, v8;
	v9 =	vmul.f32 v15, v15  }
0x59: {  	s9 =	sadd.s32 $0x10, s8;
	v14 =	vld [tilespmem:s14+$0xFFFFFF40];
	v6 =	vadd.f32 v10, v6;
	v18 =	vadd.f32 v11, v3;
	v10 =	vmul.f32 v11, v11  }
0x5a: {  	s10 =	sand.u32 $0x6, s8;
	s9 =	sand.u32 $0xFF8, s9;
	v15 =	vld [tilespmem:s14+$0xFFFFFF50];
	v11 =	vadd.f32 v9, v7;
	v8 =	vadd.f32 v17, v8;
	v17 =	vmul.f32 v17, v17  }
0x5b: {  	s23 =	simm.s32 $0x2;
	s24 =	smov.u32 s15;
	s16 =	sor.u32 s10, s9;
	v16 =	vld [tilespmem:s14+$0xFFFFFF60];
	v3 =	vimm.f32 $0.0e+00;
	v7 =	vmov s22;
	v9 =	vadd.f32 v10, v6  }
0x5c: {  	s9 =	sshll.u32 s7, $0x4;
	s10 =	simm.s32 $0x1;
	v6 =	vmul.f32 v4, v4;
	v10 =	vadd.f32 v17, v11;
	v11 =	vadd.f32 v8, v18;
	v8 =	vld [tilespmem:s16+$0x1BA00];
	s16 =	smov.u32 s8  }
.LBB2_4:
0x5d: {  	p1 =	sne.s32 s23, $0xF;
	v17 =	vmul.f32 v12, v12;
	v18 =	vmul.f32 v5, v5;
	v19 =	vld [tilespmem:s24+$0x0];
	vm1 =	veq.s32 v7, v0  }
0x5e: {  	v7 =	vmul.f32 v13, v13;
	v20 =	vld [tilespmem:s14+$0xFFFFFF80];
	v9 =	vadd.f32 v10, v9;
	v10 =	vmul.f32 v11, v11  }
0x5f: {  	v11 =	vmul.f32 v14, v14;
	v13 =	vadd.f32 v15, v13;
	v15 =	vmul.f32 v15, v15;
	v21 =	vld [tilespmem:s14+$0xFFFFFF90]  }
0x60: {  	v14 =	vadd.f32 v16, v14;
	v16 =	vmul.f32 v16, v16;
	v22 =	vld [tilespmem:s14+$0xFFFFFFA0];
	v9 =	vsub.f32 v10, v9  }
0x61: {  	v7 =	vadd.f32 v15, v7;
	v10 =	vadd.f32 v12, v13;
	v12 =	vld [tilespmem:s14+$0xFFFFFFB0];
	v8 =	vnsel vm0, $0x0, v8  }
0x62: {  	v11 =	vadd.f32 v16, v11;
	v13 =	vld [tilespmem:s14+$0xFFFFFFC0];
	v8 =	vadd.f32 v8, v19;
	v9 =	vmul.f32 $5.000000000e-01, v9  }
0x63: {  	v7 =	vadd.f32 v17, v7;
	v15 =	vld [tilespmem:s14+$0xFFFFFFD0];
	v14 =	vadd.f32 v20, v14;
	v16 =	vmul.f32 v20, v20  }
0x64: {  	v10 =	vadd.f32 v21, v10;
	v17 =	vmul.f32 v21, v21;
	v19 =	vld [tilespmem:s14+$0xFFFFFFE0];
	v8 =	vadd.f32 v9, v8  }
0x65: {  	v9 =	vld [tilespmem:s14+$0xFFFFFFF0];
	v11 =	vadd.f32 v16, v11;
	v14 =	vadd.f32 v22, v14;
	v16 =	vmul.f32 v22, v22  }
0x66: {  	v7 =	vadd.f32 v17, v7;
	v10 =	vadd.f32 v12, v10;
	v12 =	vmul.f32 v12, v12;
	v17 =	vld [tilespmem:s14+$0x0];
	(xrf2) =	vadd.scan.msk.f32 $0xffff, v8  }
0x67: {  	v8 =	vld [tilespmem:s14+$0x10];
	v11 =	vadd.f32 v16, v11;
	v14 =	vadd.f32 v13, v14;
	v13 =	vmul.f32 v13, v13  }
0x68: {  	v7 =	vadd.f32 v12, v7;
	v10 =	vadd.f32 v15, v10;
	v12 =	vmul.f32 v15, v15;
	v15 =	vld [tilespmem:s14+$0x20]  }
0x69: {  	v16 =	vld [tilespmem:s14+$0x30];
	v11 =	vadd.f32 v13, v11;
	v13 =	vadd.f32 v19, v14;
	v14 =	vmul.f32 v19, v19  }
0x6a: {  	v7 =	vadd.f32 v12, v7;
	v10 =	vadd.f32 v9, v10;
	v9 =	vmul.f32 v9, v9;
	v12 =	vld [tilespmem:s14+$0x40]  }
0x6b: {  	v11 =	vadd.f32 v14, v11;
	v13 =	vadd.f32 v17, v13;
	v14 =	vmul.f32 v17, v17;
	v17 =	vld [tilespmem:s14+$0x60]  }
0x6c: {  	v7 =	vadd.f32 v9, v7;
	v9 =	vadd.f32 v8, v10;
	v8 =	vmul.f32 v8, v8  }
0x6d: {  	v10 =	vadd.f32 v14, v11;
	v11 =	vadd.f32 v15, v13;
	v19 =	vmul.f32 v15, v15;
	v14 =	vld [tilespmem:s14+$0x80]  }
0x6e: {  	v7 =	vadd.f32 v8, v7;
	v8 =	vadd.f32 v16, v9;
	v9 =	vmul.f32 v16, v16;
	v15 =	vld [tilespmem:s14+$0xB0]  }
0x6f: {  	v16 =	vld [tilespmem:s14+$0x90];
	v10 =	vadd.f32 v19, v10;
	v11 =	vadd.f32 v12, v11;
	v12 =	vmul.f32 v12, v12  }
0x70: {  	v7 =	vadd.f32 v9, v7;
	v5 =	vadd.f32 v5, v8;
	v8 =	vmul.f32 v17, v17;
	v9 =	vld [tilespmem:s14+$0xA0];
	v13, _, _ =	vpop (xrf2)  }
0x71: {  	v10 =	vadd.f32 v12, v10;
	v11 =	vadd.f32 v17, v11;
	v17 =	vld [tilespmem:s14+$0xC0];
	s14 =	sadd.s32 $0x1A0, s14;
	v12 =	vbroadcast v13, $0xF  }
0x72: {  	v7 =	vadd.f32 v18, v7;
	v13 =	vadd.f32 v4, v5;
	v4 =	vld [tilespmem:s14+$0x70];
	v18 =	vmul.f32 v14, v14  }
0x73: {  	v5 =	vld [tilespmem:s14+$0x50];
	v8 =	vadd.f32 v8, v10;
	v10 =	vadd.f32 v14, v11;
	v3 =	vsel vm1, v12, v3  }
0x74: {  	v12 =	vld [tilespmem:s14+$0xFFFFFF70];
	v6 =	vadd.f32 v6, v7;
	v7 =	vadd.f32 v16, v13;
	v11 =	vmul.f32 v16, v16  }
.Ltmp0:
0x75: {  	s16 =	sadd.s32 $0x1A, s16;
	v13 =	vld [tilespmem:s14+$0xFFFFFF30];
	v8 =	vadd.f32 v18, v8;
	v10 =	vadd.f32 v9, v10;
	v9 =	vmul.f32 v9, v9;
	(pc) =	sbr.rel @p1 .LBB2_4-.Ltmp0, $4  }
0x76: {  	s2 =	sadd.s32 $0x10, s16;
	v14 =	vld [tilespmem:s14+$0xFFFFFF40];
	v6 =	vadd.f32 v11, v6;
	v11 =	vadd.f32 v15, v7;
	v7 =	vmul.f32 v15, v15  }
0x77: {  	s19 =	sand.u32 $0x6, s16;
	s2 =	sand.u32 $0xFF8, s2;
	v15 =	vld [tilespmem:s14+$0xFFFFFF50];
	v8 =	vadd.f32 v9, v8;
	v18 =	vadd.f32 v17, v10;
	v10 =	vmul.f32 v17, v17  }
0x78: {  	s2 =	sor.u32 s19, s2;
	v16 =	vld [tilespmem:s14+$0xFFFFFF60];
	v9 =	vadd.f32 v7, v6;
	v7 =	vmov s10;
	s10 =	smov.u32 s23  }
0x79: {  	s24 =	sadd.s32 $0x1A, s24;
	v6 =	vmul.f32 v4, v4;
	s23 =	sadd.s32 $0x1, s23;
	v10 =	vadd.f32 v10, v8;
	v11 =	vadd.f32 v18, v11;
	v8 =	vld [tilespmem:s2+$0x1BA00]  }
0x7a: {  	v17 =	vld [tilespmem:s14+$0xFFFFFF80]  }
0x7b: {  	v18 =	vld [tilespmem:s14+$0xFFFFFF90]  }
0x7c: {  	v19 =	vmul.f32 v13, v13;
	v20 =	vld [tilespmem:s14+$0xFFFFFFA0];
	v59 =	vadd.f32 v15, v13;
	v60 =	vmul.f32 v15, v15  }
0x7d: {  	v22 =	vld [tilespmem:s14+$0xFFFFFFB0];
	v21 =	vmul.f32 v14, v14;
	v61 =	vadd.f32 v16, v14;
	v62 =	vmul.f32 v16, v16  }
0x7e: {  	v63 =	vmul.f32 v12, v12;
	v25 =	vld [tilespmem:s14+$0xFFFFFFC0];
	v15 =	vadd.f32 v60, v19;
	v24 =	vadd.f32 v12, v59  }
0x7f: {  	v26 =	vld [tilespmem:s14+$0xFFFFFFD0];
	v16 =	vadd.f32 v62, v21;
	v14 =	vadd.f32 v17, v61;
	v17 =	vmul.f32 v17, v17  }
0x80: {  	v27 =	vld [tilespmem:s14+$0xFFFFFFE0];
	v15 =	vadd.f32 v63, v15;
	v12 =	vadd.f32 v18, v24;
	v18 =	vmul.f32 v18, v18  }
0x81: {  	v28 =	vld [tilespmem:s14+$0xFFFFFFF0];
	v16 =	vadd.f32 v17, v16;
	v14 =	vadd.f32 v20, v14;
	v20 =	vmul.f32 v20, v20  }
0x82: {  	v30 =	vld [tilespmem:s14+$0x0];
	v29 =	vmul.f32 v22, v22;
	v15 =	vadd.f32 v18, v15;
	v12 =	vadd.f32 v22, v12  }
0x83: {  	v31 =	vld [tilespmem:s14+$0x10];
	v13 =	vmul.f32 v25, v25;
	v16 =	vadd.f32 v20, v16;
	v14 =	vadd.f32 v25, v14  }
0x84: {  	v33 =	vld [tilespmem:s14+$0x20];
	v32 =	vmul.f32 v26, v26;
	v15 =	vadd.f32 v29, v15;
	v12 =	vadd.f32 v26, v12  }
0x85: {  	v34 =	vld [tilespmem:s14+$0x30];
	v19 =	vmul.f32 v27, v27;
	v13 =	vadd.f32 v13, v16;
	v14 =	vadd.f32 v27, v14  }
0x86: {  	v35 =	vld [tilespmem:s14+$0x40];
	v17 =	vmul.f32 v28, v28;
	v15 =	vadd.f32 v32, v15;
	v12 =	vadd.f32 v28, v12  }
0x87: {  	v36 =	vmul.f32 v30, v30;
	v13 =	vadd.f32 v19, v13;
	v14 =	vadd.f32 v30, v14  }
0x88: {  	v37 =	vld [tilespmem:s14+$0x60];
	v38 =	vmul.f32 v31, v31;
	v15 =	vadd.f32 v17, v15;
	v12 =	vadd.f32 v31, v12  }
0x89: {  	v39 =	vmul.f32 v33, v33;
	v13 =	vadd.f32 v36, v13;
	v14 =	vadd.f32 v33, v14  }
0x8a: {  	v40 =	vld [tilespmem:s14+$0x80];
	v16 =	vmul.f32 v34, v34;
	v15 =	vadd.f32 v38, v15;
	v12 =	vadd.f32 v34, v12  }
0x8b: {  	v41 =	vld [tilespmem:s14+$0x90];
	v18 =	vmul.f32 v35, v35;
	v13 =	vadd.f32 v39, v13;
	v14 =	vadd.f32 v35, v14  }
0x8c: {  	v42 =	vmul.f32 v5, v5;
	v44 =	vld [tilespmem:s14+$0xA0];
	v15 =	vadd.f32 v16, v15;
	v43 =	vadd.f32 v5, v12  }
0x8d: {  	v45 =	vld [tilespmem:s14+$0xB0];
	v46 =	vmul.f32 v37, v37;
	v13 =	vadd.f32 v18, v13;
	v14 =	vadd.f32 v37, v14  }
0x8e: {  	v47 =	vld [tilespmem:s14+$0xC0];
	v15 =	vadd.f32 v42, v15;
	v4 =	vadd.f32 v4, v43  }
0x8f: {  	v48 =	vmul.f32 v40, v40;
	v13 =	vadd.f32 v46, v13;
	v14 =	vadd.f32 v40, v14  }
0x90: {  	v49 =	vmul.f32 v41, v41;
	v6 =	vadd.f32 v6, v15;
	v4 =	vadd.f32 v41, v4  }
0x91: {  	s2 =	sadd.s32 $0x1A, s16;
	v12 =	vmul.f32 v44, v44;
	v5 =	vadd.f32 v48, v13;
	v50 =	vadd.f32 v44, v14  }
0x92: {  	s23 =	sadd.s32 $0x10, s2;
	v51 =	vmul.f32 v45, v45;
	v6 =	vadd.f32 v49, v6;
	v4 =	vadd.f32 v45, v4  }
0x93: {  	s2 =	sand.u32 $0x6, s2;
	s14 =	sand.u32 $0xFF8, s23;
	v53 =	vmul.f32 v47, v47;
	v5 =	vadd.f32 v12, v5;
	v52 =	vadd.f32 v47, v50  }
0x94: {  	v54 =	vld [tilespmem:s24+$0x0];
	s2 =	sor.u32 s2, s14;
	v6 =	vadd.f32 v51, v6  }
0x95: {  	s24 =	sadd.s32 $0x1A, s24;
	v55 =	vld [tilespmem:s2+$0x1BA00];
	v5 =	vadd.f32 v53, v5;
	v4 =	vadd.f32 v52, v4  }
0x96: {  	v9 =	vadd.f32 v10, v9;
	v56 =	vmul.f32 v11, v11;
	v57 =	vld [tilespmem:s24+$0x0]  }
0x97: {  	v5 =	vadd.f32 v5, v6;
	v4 =	vmul.f32 v4, v4  }
0x98: {  	v58 =	vsub.f32 v56, v9  }
0x99: {  	v8 =	vnsel vm0, $0x0, v8;
	v4 =	vsub.f32 v4, v5  }
0x9a: {  	v59 =	vadd.f32 v8, v54;
	v60 =	vnsel vm0, $0x0, v55;
	v6 =	vmul.f32 $5.000000000e-01, v58  }
0x9b: {  	v8 =	vadd.f32 v60, v57;
	v4 =	vmul.f32 $5.000000000e-01, v4  }
0x9c: {  	v5 =	vadd.f32 v6, v59  }
0x9d: {  	v4 =	vadd.f32 v4, v8  }
0x9e: {  	(xrf2) =	vadd.scan.msk.f32 $0xffff, v5  }
0x9f: {  	(xrf2) =	vadd.scan.msk.f32 $0xffff, v4;
	_ =	sdelay $0x8  }
0xa0: {  	v61, _, _ =	vpop (xrf2)  }
0xa1: {  	v4 =	vbroadcast v61, $0xF;
	v62, _, _ =	vpop (xrf2)  }
0xa2: {  	vm1 =	veq.s32 v7, v0;
	v63 =	vmov s10;
	v5 =	vbroadcast v62, $0xF  }
0xa3: {  	v3 =	vsel vm1, v4, v3;
	vm1 =	veq.s32 v63, v0  }
0xa4: {  	v3 =	vsel vm1, v5, v3  }
0xa5: {  	v3 =	vadd.f32 v3, v1;
	_ =	sdelay $0x1  }
0xa6: {  	v3 =	vsub.f32 $0.0e+00, v3;
	_ =	sdelay $0x1  }
0xa7: {  	v3 =	vmul.f32 $1.442695020e+00, v3;
	_ =	sdelay $0x1  }
0xa8: {  	(erf) = vpow2.f32 v3;
	_ =	sdelay $0x8  }
0xa9: {  	v3 =	vpop (erf)  }
0xaa: {  	v3 =	vadd.f32 $1.000000000e+00, v3;
	_ =	sdelay $0x1  }
0xab: {  	(erf) = vrcp.f32 v3;
	_ =	sdelay $0x3  }
0xac: {  	s7 =	sadd.s32 $0x1, s7  }
0xad: {  	p1 =	sne.s32 s7, $0x4  }
.Ltmp1:
0xae: {  	_ = 	snop;
	(pc) =	sbr.rel @p1 .LBB2_3-.Ltmp1, $3  }
0xaf: {  	_ =	sdelay $0x1  }
0xb0: {  	v3 =	vpop (erf)  }
0xb1: {  	s8 =	sadd.s32 $0x1A0, s8;
	s15 =	sadd.s32 $0x1A0, s15;
	s25 =	sadd.s32 $0x1A00, s25;
	[tilespmem:v2+s9+$0x0 ss:$0x1] =	vst.idx.msk $0xffff, v3  }
0xb2: {  	_ =	swait.ge [sflag:s31], $0x6800  }
0xb3: {  	[sflag:s31] =	ssyncset.done $0x0  }
0xb4: {  	[sflag:s31] =	ssyncadd.s32 $0xFFFF9800  }
0xb5: {  	_ =	swait.ge [sflag:s31], $0x680  }
0xb6: {  	[sflag:s31] =	ssyncset.done $0x0  }
0xb7: {  	s2 =	simm.s32 @p0 $0x0;
	s7 =	simm.s32 @p0 $0x5;
	[sflag:s31] =	ssyncadd.s32 $0xFFFFF980  }
0xb8: {  	[tilespmem:s2], [sflag:$0x5] =	stream.linear.gather @p0 [hbm4b:s11+s2], $0x680, $0x38;
	[tilespmem:$0x1D690] =	vst v63  }
0xb9: {  	_ =	swait.ge @p0 [sflag:s7], $0x680  }
0xba: {  	s8 =	simm.s32 @p0 $0x1A00;
	[sflag:s7] =	ssyncset.done @p0 $0x0  }
0xbb: {  	s23 =	sadd.s32 $0x1D4C0, s21;
	[sflag:s7] =	ssyncadd.s32 @p0 $0xFFFFF980;
	s7 =	simm.s32 @p0 $0x680  }
0xbc: {  	[tilespmem:s8], [sflag:$0x1] =	stream.indirect.gather @p0 [hbm4b:s5+s7], $0x10, s2, s7, $0xb8;
	[tilespmem:$0x1D690] =	vst v63  }
0xbd: {  	s22 =	simm.s32 $0x0;
	s24 =	simm.s32 $0x1C0A0;
	s8 =	simm.s32 @p0 $0x1BA00  }
0xbe: {  	[tilespmem:s8], [sflag:$0x1] =	stream.indirect.gather @p0 [hbm4b:s6+s7], $0x1, s2, s7, $0xb8;
	[tilespmem:$0x1D690] =	vst v63  }
0xbf: {  	s25 =	simm.s32 $0x82D0;
	s16 =	simm.s32 $0x0;
	v2 =	vmov s23;
	s7 =	simm.s32 $0x0  }
.LBB2_7:
0xc0: {  	v3 =	vld [tilespmem:s25+$0x70]  }
0xc1: {  	v4 =	vld [tilespmem:s25+$0xFFFFFF30]  }
0xc2: {  	v5 =	vld [tilespmem:s25+$0xFFFFFF40]  }
0xc3: {  	v6 =	vld [tilespmem:s25+$0xFFFFFF50]  }
0xc4: {  	v7 =	vld [tilespmem:s25+$0xFFFFFF60]  }
0xc5: {  	v8 =	vld [tilespmem:s25+$0xFFFFFF70]  }
0xc6: {  	v9 =	vld [tilespmem:s25+$0xFFFFFF80]  }
0xc7: {  	v10 =	vld [tilespmem:s25+$0xFFFFFF90]  }
0xc8: {  	v12 =	vld [tilespmem:s25+$0xFFFFFFA0];
	v11 =	vmul.f32 v4, v4;
	v4 =	vadd.f32 v6, v4;
	v6 =	vmul.f32 v6, v6  }
0xc9: {  	v14 =	vld [tilespmem:s25+$0xFFFFFFB0];
	v13 =	vmul.f32 v5, v5;
	v5 =	vadd.f32 v7, v5;
	v7 =	vmul.f32 v7, v7  }
0xca: {  	v15 =	vmul.f32 v8, v8;
	v6 =	vadd.f32 v6, v11;
	v4 =	vadd.f32 v8, v4;
	v8 =	vld [tilespmem:s25+$0xFFFFFFC0]  }
0xcb: {  	v7 =	vadd.f32 v7, v13;
	v11 =	vld [tilespmem:s25+$0xFFFFFFD0];
	v5 =	vadd.f32 v9, v5;
	v9 =	vmul.f32 v9, v9  }
0xcc: {  	v13 =	vld [tilespmem:s25+$0xFFFFFFE0];
	v6 =	vadd.f32 v15, v6;
	v4 =	vadd.f32 v10, v4;
	v10 =	vmul.f32 v10, v10  }
0xcd: {  	v15 =	vld [tilespmem:s25+$0xFFFFFFF0];
	v7 =	vadd.f32 v9, v7;
	v5 =	vadd.f32 v12, v5;
	v9 =	vmul.f32 v12, v12  }
0xce: {  	v12 =	vld [tilespmem:s25+$0x0];
	v6 =	vadd.f32 v10, v6;
	v4 =	vadd.f32 v14, v4;
	v10 =	vmul.f32 v14, v14  }
0xcf: {  	v14 =	vld [tilespmem:s25+$0x10];
	v7 =	vadd.f32 v9, v7;
	v5 =	vadd.f32 v8, v5;
	v8 =	vmul.f32 v8, v8  }
0xd0: {  	v9 =	vmul.f32 v11, v11;
	v6 =	vadd.f32 v10, v6;
	v4 =	vadd.f32 v11, v4;
	v10 =	vld [tilespmem:s25+$0x20]  }
0xd1: {  	v11 =	vld [tilespmem:s25+$0x30];
	v7 =	vadd.f32 v8, v7;
	v5 =	vadd.f32 v13, v5;
	v8 =	vmul.f32 v13, v13  }
0xd2: {  	v13 =	vld [tilespmem:s25+$0x40];
	v6 =	vadd.f32 v9, v6;
	v4 =	vadd.f32 v15, v4;
	v9 =	vmul.f32 v15, v15  }
0xd3: {  	v15 =	vld [tilespmem:s25+$0x50];
	v7 =	vadd.f32 v8, v7;
	v5 =	vadd.f32 v12, v5;
	v8 =	vmul.f32 v12, v12  }
0xd4: {  	v12 =	vld [tilespmem:s25+$0x60];
	v6 =	vadd.f32 v9, v6;
	v4 =	vadd.f32 v14, v4;
	v9 =	vmul.f32 v14, v14  }
0xd5: {  	v17 =	vld [tilespmem:s25+$0xC0];
	v7 =	vadd.f32 v8, v7;
	v5 =	vadd.f32 v10, v5;
	v8 =	vmul.f32 v10, v10  }
0xd6: {  	v10 =	vld [tilespmem:s25+$0x80];
	v6 =	vadd.f32 v9, v6;
	v4 =	vadd.f32 v11, v4;
	v9 =	vmul.f32 v11, v11  }
0xd7: {  	v14 =	vld [tilespmem:s25+$0x90];
	v7 =	vadd.f32 v8, v7;
	v5 =	vadd.f32 v13, v5;
	v8 =	vmul.f32 v13, v13  }
0xd8: {  	v13 =	vmul.f32 v15, v15;
	v6 =	vadd.f32 v9, v6;
	v9 =	vadd.f32 v15, v4;
	v15 =	vld [tilespmem:s25+$0xA0]  }
0xd9: {  	s14 =	sadd.s32 $0x1A0, s25;
	v11 =	vld [tilespmem:s25+$0xB0];
	v16 =	vmul.f32 v12, v12;
	v7 =	vadd.f32 v8, v7;
	v8 =	vadd.f32 v12, v5  }
0xda: {  	v18 =	vmul.f32 v3, v3;
	v4 =	vld [tilespmem:s14+$0x70];
	v6 =	vadd.f32 v13, v6;
	v3 =	vadd.f32 v3, v9  }
0xdb: {  	v5 =	vld [tilespmem:s14+$0x50];
	v9 =	vmul.f32 v10, v10;
	v7 =	vadd.f32 v16, v7;
	v8 =	vadd.f32 v10, v8  }
0xdc: {  	v12 =	vld [tilespmem:s14+$0xFFFFFF70];
	v10 =	vmul.f32 v14, v14;
	v6 =	vadd.f32 v18, v6;
	v3 =	vadd.f32 v14, v3  }
0xdd: {  	v13 =	vld [tilespmem:s14+$0xFFFFFF30];
	v7 =	vadd.f32 v9, v7;
	v8 =	vadd.f32 v15, v8;
	v9 =	vmul.f32 v15, v15  }
0xde: {  	s2 =	sadd.s32 $0x10, s16;
	v14 =	vld [tilespmem:s14+$0xFFFFFF40];
	v6 =	vadd.f32 v10, v6;
	v18 =	vadd.f32 v11, v3;
	v10 =	vmul.f32 v11, v11  }
0xdf: {  	s8 =	sand.u32 $0x6, s16;
	s2 =	sand.u32 $0xFF8, s2;
	v15 =	vld [tilespmem:s14+$0xFFFFFF50];
	v11 =	vadd.f32 v9, v7;
	v8 =	vadd.f32 v17, v8;
	v17 =	vmul.f32 v17, v17  }
0xe0: {  	s9 =	sshll.u32 s7, $0x4;
	s10 =	simm.s32 $0x1;
	s2 =	sor.u32 s8, s2;
	v16 =	vld [tilespmem:s14+$0xFFFFFF60];
	v3 =	vimm.f32 $0.0e+00;
	v7 =	vmov s22;
	v9 =	vadd.f32 v10, v6  }
0xe1: {  	s23 =	simm.s32 $0x2;
	s15 =	smov.u32 s24;
	s8 =	smov.u32 s16;
	v6 =	vmul.f32 v4, v4;
	v10 =	vadd.f32 v17, v11;
	v11 =	vadd.f32 v8, v18;
	v8 =	vld [tilespmem:s2+$0x1C0A0]  }
.LBB2_8:
0xe2: {  	p1 =	sne.s32 s23, $0xF;
	v17 =	vmul.f32 v12, v12;
	v18 =	vmul.f32 v5, v5;
	v19 =	vld [tilespmem:s15+$0x0];
	vm1 =	veq.s32 v7, v0  }
0xe3: {  	v7 =	vmul.f32 v13, v13;
	v20 =	vld [tilespmem:s14+$0xFFFFFF80];
	v9 =	vadd.f32 v10, v9;
	v10 =	vmul.f32 v11, v11  }
0xe4: {  	v11 =	vmul.f32 v14, v14;
	v13 =	vadd.f32 v15, v13;
	v15 =	vmul.f32 v15, v15;
	v21 =	vld [tilespmem:s14+$0xFFFFFF90]  }
0xe5: {  	v14 =	vadd.f32 v16, v14;
	v16 =	vmul.f32 v16, v16;
	v22 =	vld [tilespmem:s14+$0xFFFFFFA0];
	v9 =	vsub.f32 v10, v9  }
0xe6: {  	v7 =	vadd.f32 v15, v7;
	v10 =	vadd.f32 v12, v13;
	v12 =	vld [tilespmem:s14+$0xFFFFFFB0];
	v8 =	vnsel vm0, $0x0, v8  }
0xe7: {  	v11 =	vadd.f32 v16, v11;
	v13 =	vld [tilespmem:s14+$0xFFFFFFC0];
	v8 =	vadd.f32 v8, v19;
	v9 =	vmul.f32 $5.000000000e-01, v9  }
0xe8: {  	v7 =	vadd.f32 v17, v7;
	v15 =	vld [tilespmem:s14+$0xFFFFFFD0];
	v14 =	vadd.f32 v20, v14;
	v16 =	vmul.f32 v20, v20  }
0xe9: {  	v10 =	vadd.f32 v21, v10;
	v17 =	vmul.f32 v21, v21;
	v19 =	vld [tilespmem:s14+$0xFFFFFFE0];
	v8 =	vadd.f32 v9, v8  }
0xea: {  	v9 =	vld [tilespmem:s14+$0xFFFFFFF0];
	v11 =	vadd.f32 v16, v11;
	v14 =	vadd.f32 v22, v14;
	v16 =	vmul.f32 v22, v22  }
0xeb: {  	v7 =	vadd.f32 v17, v7;
	v10 =	vadd.f32 v12, v10;
	v12 =	vmul.f32 v12, v12;
	v17 =	vld [tilespmem:s14+$0x0];
	(xrf2) =	vadd.scan.msk.f32 $0xffff, v8  }
0xec: {  	v8 =	vld [tilespmem:s14+$0x10];
	v11 =	vadd.f32 v16, v11;
	v14 =	vadd.f32 v13, v14;
	v13 =	vmul.f32 v13, v13  }
0xed: {  	v7 =	vadd.f32 v12, v7;
	v10 =	vadd.f32 v15, v10;
	v12 =	vmul.f32 v15, v15;
	v15 =	vld [tilespmem:s14+$0x20]  }
0xee: {  	v16 =	vld [tilespmem:s14+$0x30];
	v11 =	vadd.f32 v13, v11;
	v13 =	vadd.f32 v19, v14;
	v14 =	vmul.f32 v19, v19  }
0xef: {  	v7 =	vadd.f32 v12, v7;
	v10 =	vadd.f32 v9, v10;
	v9 =	vmul.f32 v9, v9;
	v12 =	vld [tilespmem:s14+$0x40]  }
0xf0: {  	v11 =	vadd.f32 v14, v11;
	v13 =	vadd.f32 v17, v13;
	v14 =	vmul.f32 v17, v17;
	v17 =	vld [tilespmem:s14+$0x60]  }
0xf1: {  	v7 =	vadd.f32 v9, v7;
	v9 =	vadd.f32 v8, v10;
	v8 =	vmul.f32 v8, v8  }
0xf2: {  	v10 =	vadd.f32 v14, v11;
	v11 =	vadd.f32 v15, v13;
	v19 =	vmul.f32 v15, v15;
	v14 =	vld [tilespmem:s14+$0x80]  }
0xf3: {  	v7 =	vadd.f32 v8, v7;
	v8 =	vadd.f32 v16, v9;
	v9 =	vmul.f32 v16, v16;
	v15 =	vld [tilespmem:s14+$0xB0]  }
0xf4: {  	v16 =	vld [tilespmem:s14+$0x90];
	v10 =	vadd.f32 v19, v10;
	v11 =	vadd.f32 v12, v11;
	v12 =	vmul.f32 v12, v12  }
0xf5: {  	v7 =	vadd.f32 v9, v7;
	v5 =	vadd.f32 v5, v8;
	v8 =	vmul.f32 v17, v17;
	v9 =	vld [tilespmem:s14+$0xA0];
	v13, _, _ =	vpop (xrf2)  }
0xf6: {  	v10 =	vadd.f32 v12, v10;
	v11 =	vadd.f32 v17, v11;
	v17 =	vld [tilespmem:s14+$0xC0];
	s14 =	sadd.s32 $0x1A0, s14;
	v12 =	vbroadcast v13, $0xF  }
0xf7: {  	v7 =	vadd.f32 v18, v7;
	v13 =	vadd.f32 v4, v5;
	v4 =	vld [tilespmem:s14+$0x70];
	v18 =	vmul.f32 v14, v14  }
0xf8: {  	v5 =	vld [tilespmem:s14+$0x50];
	v8 =	vadd.f32 v8, v10;
	v10 =	vadd.f32 v14, v11;
	v3 =	vsel vm1, v12, v3  }
0xf9: {  	v12 =	vld [tilespmem:s14+$0xFFFFFF70];
	v6 =	vadd.f32 v6, v7;
	v7 =	vadd.f32 v16, v13;
	v11 =	vmul.f32 v16, v16  }
.Ltmp2:
0xfa: {  	s8 =	sadd.s32 $0x1A, s8;
	v13 =	vld [tilespmem:s14+$0xFFFFFF30];
	v8 =	vadd.f32 v18, v8;
	v10 =	vadd.f32 v9, v10;
	v9 =	vmul.f32 v9, v9;
	(pc) =	sbr.rel @p1 .LBB2_8-.Ltmp2, $4  }
0xfb: {  	s2 =	sadd.s32 $0x10, s8;
	v14 =	vld [tilespmem:s14+$0xFFFFFF40];
	v6 =	vadd.f32 v11, v6;
	v11 =	vadd.f32 v15, v7;
	v7 =	vmul.f32 v15, v15  }
0xfc: {  	s19 =	sand.u32 $0x6, s8;
	s2 =	sand.u32 $0xFF8, s2;
	v15 =	vld [tilespmem:s14+$0xFFFFFF50];
	v8 =	vadd.f32 v9, v8;
	v18 =	vadd.f32 v17, v10;
	v10 =	vmul.f32 v17, v17  }
0xfd: {  	s2 =	sor.u32 s19, s2;
	v16 =	vld [tilespmem:s14+$0xFFFFFF60];
	v9 =	vadd.f32 v7, v6;
	v7 =	vmov s10;
	s10 =	smov.u32 s23  }
0xfe: {  	s15 =	sadd.s32 $0x1A, s15;
	v6 =	vmul.f32 v4, v4;
	s23 =	sadd.s32 $0x1, s23;
	v10 =	vadd.f32 v10, v8;
	v11 =	vadd.f32 v18, v11;
	v8 =	vld [tilespmem:s2+$0x1C0A0]  }
0xff: {  	v17 =	vld [tilespmem:s14+$0xFFFFFF80]  }
0x100: {  	v18 =	vld [tilespmem:s14+$0xFFFFFF90]  }
0x101: {  	v19 =	vmul.f32 v13, v13;
	v20 =	vld [tilespmem:s14+$0xFFFFFFA0];
	v59 =	vadd.f32 v15, v13;
	v60 =	vmul.f32 v15, v15  }
0x102: {  	v22 =	vld [tilespmem:s14+$0xFFFFFFB0];
	v21 =	vmul.f32 v14, v14;
	v61 =	vadd.f32 v16, v14;
	v62 =	vmul.f32 v16, v16  }
0x103: {  	v63 =	vmul.f32 v12, v12;
	v25 =	vld [tilespmem:s14+$0xFFFFFFC0];
	v15 =	vadd.f32 v60, v19;
	v24 =	vadd.f32 v12, v59  }
0x104: {  	v26 =	vld [tilespmem:s14+$0xFFFFFFD0];
	v16 =	vadd.f32 v62, v21;
	v14 =	vadd.f32 v17, v61;
	v17 =	vmul.f32 v17, v17  }
0x105: {  	v27 =	vld [tilespmem:s14+$0xFFFFFFE0];
	v15 =	vadd.f32 v63, v15;
	v12 =	vadd.f32 v18, v24;
	v18 =	vmul.f32 v18, v18  }
0x106: {  	v28 =	vld [tilespmem:s14+$0xFFFFFFF0];
	v16 =	vadd.f32 v17, v16;
	v14 =	vadd.f32 v20, v14;
	v20 =	vmul.f32 v20, v20  }
0x107: {  	v30 =	vld [tilespmem:s14+$0x0];
	v29 =	vmul.f32 v22, v22;
	v15 =	vadd.f32 v18, v15;
	v12 =	vadd.f32 v22, v12  }
0x108: {  	v31 =	vld [tilespmem:s14+$0x10];
	v13 =	vmul.f32 v25, v25;
	v16 =	vadd.f32 v20, v16;
	v14 =	vadd.f32 v25, v14  }
0x109: {  	v33 =	vld [tilespmem:s14+$0x20];
	v32 =	vmul.f32 v26, v26;
	v15 =	vadd.f32 v29, v15;
	v12 =	vadd.f32 v26, v12  }
0x10a: {  	v34 =	vld [tilespmem:s14+$0x30];
	v19 =	vmul.f32 v27, v27;
	v13 =	vadd.f32 v13, v16;
	v14 =	vadd.f32 v27, v14  }
0x10b: {  	v35 =	vld [tilespmem:s14+$0x40];
	v17 =	vmul.f32 v28, v28;
	v15 =	vadd.f32 v32, v15;
	v12 =	vadd.f32 v28, v12  }
0x10c: {  	v36 =	vmul.f32 v30, v30;
	v13 =	vadd.f32 v19, v13;
	v14 =	vadd.f32 v30, v14  }
0x10d: {  	v37 =	vld [tilespmem:s14+$0x60];
	v38 =	vmul.f32 v31, v31;
	v15 =	vadd.f32 v17, v15;
	v12 =	vadd.f32 v31, v12  }
0x10e: {  	v39 =	vmul.f32 v33, v33;
	v13 =	vadd.f32 v36, v13;
	v14 =	vadd.f32 v33, v14  }
0x10f: {  	v40 =	vld [tilespmem:s14+$0x80];
	v16 =	vmul.f32 v34, v34;
	v15 =	vadd.f32 v38, v15;
	v12 =	vadd.f32 v34, v12  }
0x110: {  	v41 =	vld [tilespmem:s14+$0x90];
	v18 =	vmul.f32 v35, v35;
	v13 =	vadd.f32 v39, v13;
	v14 =	vadd.f32 v35, v14  }
0x111: {  	v42 =	vmul.f32 v5, v5;
	v44 =	vld [tilespmem:s14+$0xA0];
	v15 =	vadd.f32 v16, v15;
	v43 =	vadd.f32 v5, v12  }
0x112: {  	v45 =	vld [tilespmem:s14+$0xB0];
	v46 =	vmul.f32 v37, v37;
	v13 =	vadd.f32 v18, v13;
	v14 =	vadd.f32 v37, v14  }
0x113: {  	v47 =	vld [tilespmem:s14+$0xC0];
	v15 =	vadd.f32 v42, v15;
	v4 =	vadd.f32 v4, v43  }
0x114: {  	v48 =	vmul.f32 v40, v40;
	v13 =	vadd.f32 v46, v13;
	v14 =	vadd.f32 v40, v14  }
0x115: {  	v49 =	vmul.f32 v41, v41;
	v6 =	vadd.f32 v6, v15;
	v4 =	vadd.f32 v41, v4  }
0x116: {  	s2 =	sadd.s32 $0x1A, s8;
	v12 =	vmul.f32 v44, v44;
	v5 =	vadd.f32 v48, v13;
	v50 =	vadd.f32 v44, v14  }
0x117: {  	s8 =	sadd.s32 $0x10, s2;
	v51 =	vmul.f32 v45, v45;
	v6 =	vadd.f32 v49, v6;
	v4 =	vadd.f32 v45, v4  }
0x118: {  	s2 =	sand.u32 $0x6, s2;
	s8 =	sand.u32 $0xFF8, s8;
	v53 =	vmul.f32 v47, v47;
	v5 =	vadd.f32 v12, v5;
	v52 =	vadd.f32 v47, v50  }
0x119: {  	v54 =	vld [tilespmem:s15+$0x0];
	s2 =	sor.u32 s2, s8;
	v6 =	vadd.f32 v51, v6  }
0x11a: {  	s23 =	sadd.s32 $0x1A, s15;
	v55 =	vld [tilespmem:s2+$0x1C0A0];
	v5 =	vadd.f32 v53, v5;
	v4 =	vadd.f32 v52, v4  }
0x11b: {  	v9 =	vadd.f32 v10, v9;
	v56 =	vmul.f32 v11, v11;
	v57 =	vld [tilespmem:s23+$0x0]  }
0x11c: {  	v5 =	vadd.f32 v5, v6;
	v4 =	vmul.f32 v4, v4  }
0x11d: {  	v58 =	vsub.f32 v56, v9  }
0x11e: {  	v8 =	vnsel vm0, $0x0, v8;
	v4 =	vsub.f32 v4, v5  }
0x11f: {  	v59 =	vadd.f32 v8, v54;
	v60 =	vnsel vm0, $0x0, v55;
	v6 =	vmul.f32 $5.000000000e-01, v58  }
0x120: {  	v8 =	vadd.f32 v60, v57;
	v4 =	vmul.f32 $5.000000000e-01, v4  }
0x121: {  	v5 =	vadd.f32 v6, v59  }
0x122: {  	v4 =	vadd.f32 v4, v8  }
0x123: {  	(xrf2) =	vadd.scan.msk.f32 $0xffff, v5  }
0x124: {  	(xrf2) =	vadd.scan.msk.f32 $0xffff, v4;
	_ =	sdelay $0x8  }
0x125: {  	v61, _, _ =	vpop (xrf2)  }
0x126: {  	v4 =	vbroadcast v61, $0xF;
	v62, _, _ =	vpop (xrf2)  }
0x127: {  	vm1 =	veq.s32 v7, v0;
	v63 =	vmov s10;
	v5 =	vbroadcast v62, $0xF  }
0x128: {  	v3 =	vsel vm1, v4, v3;
	vm1 =	veq.s32 v63, v0  }
0x129: {  	v3 =	vsel vm1, v5, v3  }
0x12a: {  	v3 =	vadd.f32 v3, v1;
	_ =	sdelay $0x1  }
0x12b: {  	v3 =	vsub.f32 $0.0e+00, v3;
	_ =	sdelay $0x1  }
0x12c: {  	v3 =	vmul.f32 $1.442695020e+00, v3;
	_ =	sdelay $0x1  }
0x12d: {  	(erf) = vpow2.f32 v3;
	_ =	sdelay $0x8  }
0x12e: {  	v3 =	vpop (erf)  }
0x12f: {  	v3 =	vadd.f32 $1.000000000e+00, v3;
	_ =	sdelay $0x1  }
0x130: {  	(erf) = vrcp.f32 v3;
	_ =	sdelay $0x3  }
0x131: {  	s7 =	sadd.s32 $0x1, s7  }
0x132: {  	p1 =	sne.s32 s7, $0x4  }
.Ltmp3:
0x133: {  	_ = 	snop;
	(pc) =	sbr.rel @p1 .LBB2_7-.Ltmp3, $3  }
0x134: {  	_ =	sdelay $0x1  }
0x135: {  	v3 =	vpop (erf)  }
0x136: {  	s16 =	sadd.s32 $0x1A0, s16;
	s24 =	sadd.s32 $0x1A0, s24;
	s25 =	sadd.s32 $0x1A00, s25;
	[tilespmem:v2+s9+$0x0 ss:$0x1] =	vst.idx.msk $0xffff, v3  }
0x137: {  	_ =	swait.ge [sflag:s0], $0x6800  }
0x138: {  	[sflag:s0] =	ssyncset.done $0x0  }
0x139: {  	[sflag:s0] =	ssyncadd.s32 $0xFFFF9800  }
0x13a: {  	_ =	swait.ge [sflag:s0], $0x680  }
0x13b: {  	[sflag:s0] =	ssyncset.done $0x0  }
0x13c: {  	s2 =	simm.s32 @p0 $0x0;
	s7 =	simm.s32 @p0 $0x680;
	[sflag:s0] =	ssyncadd.s32 $0xFFFFF980  }
0x13d: {  	[tilespmem:s7], [sflag:$0x5] =	stream.linear.gather @p0 [hbm4b:s12+s2], $0x680, $0x38;
	[tilespmem:$0x1D690] =	vst v63  }
0x13e: {  	s2 =	simm.s32 @p0 $0x5  }
0x13f: {  	_ =	swait.ge @p0 [sflag:s2], $0x680  }
0x140: {  	[sflag:s2] =	ssyncset.done @p0 $0x0  }
0x141: {  	s25 =	sadd.s32 $0x1D500, s21;
	[sflag:s2] =	ssyncadd.s32 @p0 $0xFFFFF980;
	s2 =	simm.s32 @p0 $0x8200  }
0x142: {  	[tilespmem:s2], [sflag:$0x2] =	stream.indirect.gather @p0 [hbm4b:s5+s7], $0x10, s7, s7, $0xb8;
	[tilespmem:$0x1D690] =	vst v63  }
0x143: {  	s21 =	simm.s32 $0x0;
	s22 =	simm.s32 $0x1C740;
	s2 =	simm.s32 @p0 $0x1C0A0  }
0x144: {  	[tilespmem:s2], [sflag:$0x2] =	stream.indirect.gather @p0 [hbm4b:s6+s7], $0x1, s7, s7, $0xb8;
	[tilespmem:$0x1D690] =	vst v63  }
0x145: {  	s24 =	simm.s32 $0xEAD0;
	s16 =	simm.s32 $0x0;
	v2 =	vmov s25;
	s7 =	simm.s32 $0x0  }
.LBB2_11:
0x146: {  	v3 =	vld [tilespmem:s24+$0x70]  }
0x147: {  	v4 =	vld [tilespmem:s24+$0xFFFFFF30]  }
0x148: {  	v5 =	vld [tilespmem:s24+$0xFFFFFF40]  }
0x149: {  	v6 =	vld [tilespmem:s24+$0xFFFFFF50]  }
0x14a: {  	v7 =	vld [tilespmem:s24+$0xFFFFFF60]  }
0x14b: {  	v8 =	vld [tilespmem:s24+$0xFFFFFF70]  }
0x14c: {  	v9 =	vld [tilespmem:s24+$0xFFFFFF80]  }
0x14d: {  	v10 =	vld [tilespmem:s24+$0xFFFFFF90]  }
0x14e: {  	v12 =	vld [tilespmem:s24+$0xFFFFFFA0];
	v11 =	vmul.f32 v4, v4;
	v4 =	vadd.f32 v6, v4;
	v6 =	vmul.f32 v6, v6  }
0x14f: {  	v14 =	vld [tilespmem:s24+$0xFFFFFFB0];
	v13 =	vmul.f32 v5, v5;
	v5 =	vadd.f32 v7, v5;
	v7 =	vmul.f32 v7, v7  }
0x150: {  	v15 =	vmul.f32 v8, v8;
	v6 =	vadd.f32 v6, v11;
	v4 =	vadd.f32 v8, v4;
	v8 =	vld [tilespmem:s24+$0xFFFFFFC0]  }
0x151: {  	v7 =	vadd.f32 v7, v13;
	v11 =	vld [tilespmem:s24+$0xFFFFFFD0];
	v5 =	vadd.f32 v9, v5;
	v9 =	vmul.f32 v9, v9  }
0x152: {  	v13 =	vld [tilespmem:s24+$0xFFFFFFE0];
	v6 =	vadd.f32 v15, v6;
	v4 =	vadd.f32 v10, v4;
	v10 =	vmul.f32 v10, v10  }
0x153: {  	v15 =	vld [tilespmem:s24+$0xFFFFFFF0];
	v7 =	vadd.f32 v9, v7;
	v5 =	vadd.f32 v12, v5;
	v9 =	vmul.f32 v12, v12  }
0x154: {  	v12 =	vld [tilespmem:s24+$0x0];
	v6 =	vadd.f32 v10, v6;
	v4 =	vadd.f32 v14, v4;
	v10 =	vmul.f32 v14, v14  }
0x155: {  	v14 =	vld [tilespmem:s24+$0x10];
	v7 =	vadd.f32 v9, v7;
	v5 =	vadd.f32 v8, v5;
	v8 =	vmul.f32 v8, v8  }
0x156: {  	v9 =	vmul.f32 v11, v11;
	v6 =	vadd.f32 v10, v6;
	v4 =	vadd.f32 v11, v4;
	v10 =	vld [tilespmem:s24+$0x20]  }
0x157: {  	v11 =	vld [tilespmem:s24+$0x30];
	v7 =	vadd.f32 v8, v7;
	v5 =	vadd.f32 v13, v5;
	v8 =	vmul.f32 v13, v13  }
0x158: {  	v13 =	vld [tilespmem:s24+$0x40];
	v6 =	vadd.f32 v9, v6;
	v4 =	vadd.f32 v15, v4;
	v9 =	vmul.f32 v15, v15  }
0x159: {  	v15 =	vld [tilespmem:s24+$0x50];
	v7 =	vadd.f32 v8, v7;
	v5 =	vadd.f32 v12, v5;
	v8 =	vmul.f32 v12, v12  }
0x15a: {  	v12 =	vld [tilespmem:s24+$0x60];
	v6 =	vadd.f32 v9, v6;
	v4 =	vadd.f32 v14, v4;
	v9 =	vmul.f32 v14, v14  }
0x15b: {  	v17 =	vld [tilespmem:s24+$0xC0];
	v7 =	vadd.f32 v8, v7;
	v5 =	vadd.f32 v10, v5;
	v8 =	vmul.f32 v10, v10  }
0x15c: {  	v10 =	vld [tilespmem:s24+$0x80];
	v6 =	vadd.f32 v9, v6;
	v4 =	vadd.f32 v11, v4;
	v9 =	vmul.f32 v11, v11  }
0x15d: {  	v14 =	vld [tilespmem:s24+$0x90];
	v7 =	vadd.f32 v8, v7;
	v5 =	vadd.f32 v13, v5;
	v8 =	vmul.f32 v13, v13  }
0x15e: {  	v13 =	vmul.f32 v15, v15;
	v6 =	vadd.f32 v9, v6;
	v9 =	vadd.f32 v15, v4;
	v15 =	vld [tilespmem:s24+$0xA0]  }
0x15f: {  	s14 =	sadd.s32 $0x1A0, s24;
	v11 =	vld [tilespmem:s24+$0xB0];
	v16 =	vmul.f32 v12, v12;
	v7 =	vadd.f32 v8, v7;
	v8 =	vadd.f32 v12, v5  }
0x160: {  	v18 =	vmul.f32 v3, v3;
	v4 =	vld [tilespmem:s14+$0x70];
	v6 =	vadd.f32 v13, v6;
	v3 =	vadd.f32 v3, v9  }
0x161: {  	v5 =	vld [tilespmem:s14+$0x50];
	v9 =	vmul.f32 v10, v10;
	v7 =	vadd.f32 v16, v7;
	v8 =	vadd.f32 v10, v8  }
0x162: {  	v12 =	vld [tilespmem:s14+$0xFFFFFF70];
	v10 =	vmul.f32 v14, v14;
	v6 =	vadd.f32 v18, v6;
	v3 =	vadd.f32 v14, v3  }
0x163: {  	v13 =	vld [tilespmem:s14+$0xFFFFFF30];
	v7 =	vadd.f32 v9, v7;
	v8 =	vadd.f32 v15, v8;
	v9 =	vmul.f32 v15, v15  }
0x164: {  	s2 =	sadd.s32 $0x10, s16;
	v14 =	vld [tilespmem:s14+$0xFFFFFF40];
	v6 =	vadd.f32 v10, v6;
	v18 =	vadd.f32 v11, v3;
	v10 =	vmul.f32 v11, v11  }
0x165: {  	s8 =	sand.u32 $0x6, s16;
	s2 =	sand.u32 $0xFF8, s2;
	v15 =	vld [tilespmem:s14+$0xFFFFFF50];
	v11 =	vadd.f32 v9, v7;
	v8 =	vadd.f32 v17, v8;
	v17 =	vmul.f32 v17, v17  }
0x166: {  	s9 =	sshll.u32 s7, $0x4;
	s10 =	simm.s32 $0x1;
	s2 =	sor.u32 s8, s2;
	v16 =	vld [tilespmem:s14+$0xFFFFFF60];
	v3 =	vimm.f32 $0.0e+00;
	v7 =	vmov s21;
	v9 =	vadd.f32 v10, v6  }
0x167: {  	s23 =	simm.s32 $0x2;
	s15 =	smov.u32 s22;
	s8 =	smov.u32 s16;
	v6 =	vmul.f32 v4, v4;
	v10 =	vadd.f32 v17, v11;
	v11 =	vadd.f32 v8, v18;
	v8 =	vld [tilespmem:s2+$0x1C740]  }
.LBB2_12:
0x168: {  	p1 =	sne.s32 s23, $0xF;
	v17 =	vmul.f32 v12, v12;
	v18 =	vmul.f32 v5, v5;
	v19 =	vld [tilespmem:s15+$0x0];
	vm1 =	veq.s32 v7, v0  }
0x169: {  	v7 =	vmul.f32 v13, v13;
	v20 =	vld [tilespmem:s14+$0xFFFFFF80];
	v9 =	vadd.f32 v10, v9;
	v10 =	vmul.f32 v11, v11  }
0x16a: {  	v11 =	vmul.f32 v14, v14;
	v13 =	vadd.f32 v15, v13;
	v15 =	vmul.f32 v15, v15;
	v21 =	vld [tilespmem:s14+$0xFFFFFF90]  }
0x16b: {  	v14 =	vadd.f32 v16, v14;
	v16 =	vmul.f32 v16, v16;
	v22 =	vld [tilespmem:s14+$0xFFFFFFA0];
	v9 =	vsub.f32 v10, v9  }
0x16c: {  	v7 =	vadd.f32 v15, v7;
	v10 =	vadd.f32 v12, v13;
	v12 =	vld [tilespmem:s14+$0xFFFFFFB0];
	v8 =	vnsel vm0, $0x0, v8  }
0x16d: {  	v11 =	vadd.f32 v16, v11;
	v13 =	vld [tilespmem:s14+$0xFFFFFFC0];
	v8 =	vadd.f32 v8, v19;
	v9 =	vmul.f32 $5.000000000e-01, v9  }
0x16e: {  	v7 =	vadd.f32 v17, v7;
	v15 =	vld [tilespmem:s14+$0xFFFFFFD0];
	v14 =	vadd.f32 v20, v14;
	v16 =	vmul.f32 v20, v20  }
0x16f: {  	v10 =	vadd.f32 v21, v10;
	v17 =	vmul.f32 v21, v21;
	v19 =	vld [tilespmem:s14+$0xFFFFFFE0];
	v8 =	vadd.f32 v9, v8  }
0x170: {  	v9 =	vld [tilespmem:s14+$0xFFFFFFF0];
	v11 =	vadd.f32 v16, v11;
	v14 =	vadd.f32 v22, v14;
	v16 =	vmul.f32 v22, v22  }
0x171: {  	v7 =	vadd.f32 v17, v7;
	v10 =	vadd.f32 v12, v10;
	v12 =	vmul.f32 v12, v12;
	v17 =	vld [tilespmem:s14+$0x0];
	(xrf2) =	vadd.scan.msk.f32 $0xffff, v8  }
0x172: {  	v8 =	vld [tilespmem:s14+$0x10];
	v11 =	vadd.f32 v16, v11;
	v14 =	vadd.f32 v13, v14;
	v13 =	vmul.f32 v13, v13  }
0x173: {  	v7 =	vadd.f32 v12, v7;
	v10 =	vadd.f32 v15, v10;
	v12 =	vmul.f32 v15, v15;
	v15 =	vld [tilespmem:s14+$0x20]  }
0x174: {  	v16 =	vld [tilespmem:s14+$0x30];
	v11 =	vadd.f32 v13, v11;
	v13 =	vadd.f32 v19, v14;
	v14 =	vmul.f32 v19, v19  }
0x175: {  	v7 =	vadd.f32 v12, v7;
	v10 =	vadd.f32 v9, v10;
	v9 =	vmul.f32 v9, v9;
	v12 =	vld [tilespmem:s14+$0x40]  }
0x176: {  	v11 =	vadd.f32 v14, v11;
	v13 =	vadd.f32 v17, v13;
	v14 =	vmul.f32 v17, v17;
	v17 =	vld [tilespmem:s14+$0x60]  }
0x177: {  	v7 =	vadd.f32 v9, v7;
	v9 =	vadd.f32 v8, v10;
	v8 =	vmul.f32 v8, v8  }
0x178: {  	v10 =	vadd.f32 v14, v11;
	v11 =	vadd.f32 v15, v13;
	v19 =	vmul.f32 v15, v15;
	v14 =	vld [tilespmem:s14+$0x80]  }
0x179: {  	v7 =	vadd.f32 v8, v7;
	v8 =	vadd.f32 v16, v9;
	v9 =	vmul.f32 v16, v16;
	v15 =	vld [tilespmem:s14+$0xB0]  }
0x17a: {  	v16 =	vld [tilespmem:s14+$0x90];
	v10 =	vadd.f32 v19, v10;
	v11 =	vadd.f32 v12, v11;
	v12 =	vmul.f32 v12, v12  }
0x17b: {  	v7 =	vadd.f32 v9, v7;
	v5 =	vadd.f32 v5, v8;
	v8 =	vmul.f32 v17, v17;
	v9 =	vld [tilespmem:s14+$0xA0];
	v13, _, _ =	vpop (xrf2)  }
0x17c: {  	v10 =	vadd.f32 v12, v10;
	v11 =	vadd.f32 v17, v11;
	v17 =	vld [tilespmem:s14+$0xC0];
	s14 =	sadd.s32 $0x1A0, s14;
	v12 =	vbroadcast v13, $0xF  }
0x17d: {  	v7 =	vadd.f32 v18, v7;
	v13 =	vadd.f32 v4, v5;
	v4 =	vld [tilespmem:s14+$0x70];
	v18 =	vmul.f32 v14, v14  }
0x17e: {  	v5 =	vld [tilespmem:s14+$0x50];
	v8 =	vadd.f32 v8, v10;
	v10 =	vadd.f32 v14, v11;
	v3 =	vsel vm1, v12, v3  }
0x17f: {  	v12 =	vld [tilespmem:s14+$0xFFFFFF70];
	v6 =	vadd.f32 v6, v7;
	v7 =	vadd.f32 v16, v13;
	v11 =	vmul.f32 v16, v16  }
.Ltmp4:
0x180: {  	s8 =	sadd.s32 $0x1A, s8;
	v13 =	vld [tilespmem:s14+$0xFFFFFF30];
	v8 =	vadd.f32 v18, v8;
	v10 =	vadd.f32 v9, v10;
	v9 =	vmul.f32 v9, v9;
	(pc) =	sbr.rel @p1 .LBB2_12-.Ltmp4, $4  }
0x181: {  	s2 =	sadd.s32 $0x10, s8;
	v14 =	vld [tilespmem:s14+$0xFFFFFF40];
	v6 =	vadd.f32 v11, v6;
	v11 =	vadd.f32 v15, v7;
	v7 =	vmul.f32 v15, v15  }
0x182: {  	s19 =	sand.u32 $0x6, s8;
	s2 =	sand.u32 $0xFF8, s2;
	v15 =	vld [tilespmem:s14+$0xFFFFFF50];
	v8 =	vadd.f32 v9, v8;
	v18 =	vadd.f32 v17, v10;
	v10 =	vmul.f32 v17, v17  }
0x183: {  	s2 =	sor.u32 s19, s2;
	v16 =	vld [tilespmem:s14+$0xFFFFFF60];
	v9 =	vadd.f32 v7, v6;
	v7 =	vmov s10;
	s10 =	smov.u32 s23  }
0x184: {  	s15 =	sadd.s32 $0x1A, s15;
	v6 =	vmul.f32 v4, v4;
	s23 =	sadd.s32 $0x1, s23;
	v10 =	vadd.f32 v10, v8;
	v11 =	vadd.f32 v18, v11;
	v8 =	vld [tilespmem:s2+$0x1C740]  }
0x185: {  	v17 =	vld [tilespmem:s14+$0xFFFFFF80]  }
0x186: {  	v18 =	vld [tilespmem:s14+$0xFFFFFF90]  }
0x187: {  	v19 =	vmul.f32 v13, v13;
	v20 =	vld [tilespmem:s14+$0xFFFFFFA0];
	v59 =	vadd.f32 v15, v13;
	v60 =	vmul.f32 v15, v15  }
0x188: {  	v22 =	vld [tilespmem:s14+$0xFFFFFFB0];
	v21 =	vmul.f32 v14, v14;
	v61 =	vadd.f32 v16, v14;
	v62 =	vmul.f32 v16, v16  }
0x189: {  	v63 =	vmul.f32 v12, v12;
	v25 =	vld [tilespmem:s14+$0xFFFFFFC0];
	v15 =	vadd.f32 v60, v19;
	v24 =	vadd.f32 v12, v59  }
0x18a: {  	v26 =	vld [tilespmem:s14+$0xFFFFFFD0];
	v16 =	vadd.f32 v62, v21;
	v14 =	vadd.f32 v17, v61;
	v17 =	vmul.f32 v17, v17  }
0x18b: {  	v27 =	vld [tilespmem:s14+$0xFFFFFFE0];
	v15 =	vadd.f32 v63, v15;
	v12 =	vadd.f32 v18, v24;
	v18 =	vmul.f32 v18, v18  }
0x18c: {  	v28 =	vld [tilespmem:s14+$0xFFFFFFF0];
	v16 =	vadd.f32 v17, v16;
	v14 =	vadd.f32 v20, v14;
	v20 =	vmul.f32 v20, v20  }
0x18d: {  	v30 =	vld [tilespmem:s14+$0x0];
	v29 =	vmul.f32 v22, v22;
	v15 =	vadd.f32 v18, v15;
	v12 =	vadd.f32 v22, v12  }
0x18e: {  	v31 =	vld [tilespmem:s14+$0x10];
	v13 =	vmul.f32 v25, v25;
	v16 =	vadd.f32 v20, v16;
	v14 =	vadd.f32 v25, v14  }
0x18f: {  	v33 =	vld [tilespmem:s14+$0x20];
	v32 =	vmul.f32 v26, v26;
	v15 =	vadd.f32 v29, v15;
	v12 =	vadd.f32 v26, v12  }
0x190: {  	v34 =	vld [tilespmem:s14+$0x30];
	v19 =	vmul.f32 v27, v27;
	v13 =	vadd.f32 v13, v16;
	v14 =	vadd.f32 v27, v14  }
0x191: {  	v35 =	vld [tilespmem:s14+$0x40];
	v17 =	vmul.f32 v28, v28;
	v15 =	vadd.f32 v32, v15;
	v12 =	vadd.f32 v28, v12  }
0x192: {  	v36 =	vmul.f32 v30, v30;
	v13 =	vadd.f32 v19, v13;
	v14 =	vadd.f32 v30, v14  }
0x193: {  	v37 =	vld [tilespmem:s14+$0x60];
	v38 =	vmul.f32 v31, v31;
	v15 =	vadd.f32 v17, v15;
	v12 =	vadd.f32 v31, v12  }
0x194: {  	v39 =	vmul.f32 v33, v33;
	v13 =	vadd.f32 v36, v13;
	v14 =	vadd.f32 v33, v14  }
0x195: {  	v40 =	vld [tilespmem:s14+$0x80];
	v16 =	vmul.f32 v34, v34;
	v15 =	vadd.f32 v38, v15;
	v12 =	vadd.f32 v34, v12  }
0x196: {  	v41 =	vld [tilespmem:s14+$0x90];
	v18 =	vmul.f32 v35, v35;
	v13 =	vadd.f32 v39, v13;
	v14 =	vadd.f32 v35, v14  }
0x197: {  	v42 =	vmul.f32 v5, v5;
	v44 =	vld [tilespmem:s14+$0xA0];
	v15 =	vadd.f32 v16, v15;
	v43 =	vadd.f32 v5, v12  }
0x198: {  	v45 =	vld [tilespmem:s14+$0xB0];
	v46 =	vmul.f32 v37, v37;
	v13 =	vadd.f32 v18, v13;
	v14 =	vadd.f32 v37, v14  }
0x199: {  	v47 =	vld [tilespmem:s14+$0xC0];
	v15 =	vadd.f32 v42, v15;
	v4 =	vadd.f32 v4, v43  }
0x19a: {  	v48 =	vmul.f32 v40, v40;
	v13 =	vadd.f32 v46, v13;
	v14 =	vadd.f32 v40, v14  }
0x19b: {  	v49 =	vmul.f32 v41, v41;
	v6 =	vadd.f32 v6, v15;
	v4 =	vadd.f32 v41, v4  }
0x19c: {  	s2 =	sadd.s32 $0x1A, s8;
	v12 =	vmul.f32 v44, v44;
	v5 =	vadd.f32 v48, v13;
	v50 =	vadd.f32 v44, v14  }
0x19d: {  	s8 =	sadd.s32 $0x10, s2;
	v51 =	vmul.f32 v45, v45;
	v6 =	vadd.f32 v49, v6;
	v4 =	vadd.f32 v45, v4  }
0x19e: {  	s2 =	sand.u32 $0x6, s2;
	s8 =	sand.u32 $0xFF8, s8;
	v53 =	vmul.f32 v47, v47;
	v5 =	vadd.f32 v12, v5;
	v52 =	vadd.f32 v47, v50  }
0x19f: {  	v54 =	vld [tilespmem:s15+$0x0];
	s2 =	sor.u32 s2, s8;
	v6 =	vadd.f32 v51, v6  }
0x1a0: {  	s25 =	sadd.s32 $0x1A, s15;
	v55 =	vld [tilespmem:s2+$0x1C740];
	v5 =	vadd.f32 v53, v5;
	v4 =	vadd.f32 v52, v4  }
0x1a1: {  	v9 =	vadd.f32 v10, v9;
	v56 =	vmul.f32 v11, v11;
	v57 =	vld [tilespmem:s25+$0x0]  }
0x1a2: {  	v5 =	vadd.f32 v5, v6;
	v4 =	vmul.f32 v4, v4  }
0x1a3: {  	v58 =	vsub.f32 v56, v9  }
0x1a4: {  	v8 =	vnsel vm0, $0x0, v8;
	v4 =	vsub.f32 v4, v5  }
0x1a5: {  	v59 =	vadd.f32 v8, v54;
	v60 =	vnsel vm0, $0x0, v55;
	v6 =	vmul.f32 $5.000000000e-01, v58  }
0x1a6: {  	v8 =	vadd.f32 v60, v57;
	v4 =	vmul.f32 $5.000000000e-01, v4  }
0x1a7: {  	v5 =	vadd.f32 v6, v59  }
0x1a8: {  	v4 =	vadd.f32 v4, v8  }
0x1a9: {  	(xrf2) =	vadd.scan.msk.f32 $0xffff, v5  }
0x1aa: {  	(xrf2) =	vadd.scan.msk.f32 $0xffff, v4;
	_ =	sdelay $0x8  }
0x1ab: {  	v61, _, _ =	vpop (xrf2)  }
0x1ac: {  	v4 =	vbroadcast v61, $0xF;
	v62, _, _ =	vpop (xrf2)  }
0x1ad: {  	vm1 =	veq.s32 v7, v0;
	v63 =	vmov s10;
	v5 =	vbroadcast v62, $0xF  }
0x1ae: {  	v3 =	vsel vm1, v4, v3;
	vm1 =	veq.s32 v63, v0  }
0x1af: {  	v3 =	vsel vm1, v5, v3  }
0x1b0: {  	v3 =	vadd.f32 v3, v1;
	_ =	sdelay $0x1  }
0x1b1: {  	v3 =	vsub.f32 $0.0e+00, v3;
	_ =	sdelay $0x1  }
0x1b2: {  	v3 =	vmul.f32 $1.442695020e+00, v3;
	_ =	sdelay $0x1  }
0x1b3: {  	(erf) = vpow2.f32 v3;
	_ =	sdelay $0x8  }
0x1b4: {  	v3 =	vpop (erf)  }
0x1b5: {  	v3 =	vadd.f32 $1.000000000e+00, v3;
	_ =	sdelay $0x1  }
0x1b6: {  	(erf) = vrcp.f32 v3;
	_ =	sdelay $0x3  }
0x1b7: {  	s7 =	sadd.s32 $0x1, s7  }
0x1b8: {  	p1 =	sne.s32 s7, $0x4  }
.Ltmp5:
0x1b9: {  	_ = 	snop;
	(pc) =	sbr.rel @p1 .LBB2_11-.Ltmp5, $3  }
0x1ba: {  	_ =	sdelay $0x1  }
0x1bb: {  	v3 =	vpop (erf)  }
0x1bc: {  	s16 =	sadd.s32 $0x1A0, s16;
	s22 =	sadd.s32 $0x1A0, s22;
	s24 =	sadd.s32 $0x1A00, s24;
	[tilespmem:v2+s9+$0x0 ss:$0x1] =	vst.idx.msk $0xffff, v3  }
0x1bd: {  	_ =	swait.ge [sflag:s1], $0x6800  }
0x1be: {  	[sflag:s1] =	ssyncset.done $0x0  }
0x1bf: {  	[sflag:s1] =	ssyncadd.s32 $0xFFFF9800  }
0x1c0: {  	_ =	swait.ge [sflag:s1], $0x680  }
0x1c1: {  	[sflag:s1] =	ssyncset.done $0x0  }
0x1c2: {  	s2 =	simm.s32 @p0 $0x0;
	s7 =	simm.s32 @p0 $0xD00;
	[sflag:s1] =	ssyncadd.s32 $0xFFFFF980  }
0x1c3: {  	[tilespmem:s7], [sflag:$0x5] =	stream.linear.gather @p0 [hbm4b:s13+s2], $0x680, $0x38;
	[tilespmem:$0x1D690] =	vst v63  }
0x1c4: {  	s2 =	simm.s32 @p0 $0x5  }
0x1c5: {  	_ =	swait.ge @p0 [sflag:s2], $0x680  }
0x1c6: {  	[sflag:s2] =	ssyncset.done @p0 $0x0  }
0x1c7: {  	s8 =	simm.s32 @p0 $0xEA00;
	[sflag:s2] =	ssyncadd.s32 @p0 $0xFFFFF980;
	s2 =	simm.s32 @p0 $0x680  }
0x1c8: {  	[tilespmem:s8], [sflag:$0x3] =	stream.indirect.gather @p0 [hbm4b:s5+s2], $0x10, s7, s2, $0xb8;
	[tilespmem:$0x1D690] =	vst v63  }
0x1c9: {  	s25 =	sshll.u32 s20, $0x6;
	s8 =	simm.s32 @p0 $0x1C740  }
0x1ca: {  	[tilespmem:s8], [sflag:$0x3] =	stream.indirect.gather @p0 [hbm4b:s6+s2], $0x1, s7, s2, $0xb8;
	[tilespmem:$0x1D690] =	vst v63  }
0x1cb: {  	s2 =	sand.u32 $0x3FFFFFC0, s25  }
0x1cc: {  	s20 =	simm.s32 $0x0;
	s21 =	simm.s32 $0x1CDE0;
	s2 =	sadd.s32 $0x1D480, s2  }
0x1cd: {  	s22 =	simm.s32 $0x152D0;
	s16 =	simm.s32 $0x0;
	s7 =	simm.s32 $0x0;
	v2 =	vmov s2  }
.LBB2_15:
0x1ce: {  	v3 =	vld [tilespmem:s22+$0x70]  }
0x1cf: {  	v4 =	vld [tilespmem:s22+$0xFFFFFF30]  }
0x1d0: {  	v5 =	vld [tilespmem:s22+$0xFFFFFF40]  }
0x1d1: {  	v6 =	vld [tilespmem:s22+$0xFFFFFF50]  }
0x1d2: {  	v7 =	vld [tilespmem:s22+$0xFFFFFF60]  }
0x1d3: {  	v8 =	vld [tilespmem:s22+$0xFFFFFF70]  }
0x1d4: {  	v9 =	vld [tilespmem:s22+$0xFFFFFF80]  }
0x1d5: {  	v10 =	vld [tilespmem:s22+$0xFFFFFF90]  }
0x1d6: {  	v12 =	vld [tilespmem:s22+$0xFFFFFFA0];
	v11 =	vmul.f32 v4, v4;
	v4 =	vadd.f32 v6, v4;
	v6 =	vmul.f32 v6, v6  }
0x1d7: {  	v14 =	vld [tilespmem:s22+$0xFFFFFFB0];
	v13 =	vmul.f32 v5, v5;
	v5 =	vadd.f32 v7, v5;
	v7 =	vmul.f32 v7, v7  }
0x1d8: {  	v15 =	vmul.f32 v8, v8;
	v6 =	vadd.f32 v6, v11;
	v4 =	vadd.f32 v8, v4;
	v8 =	vld [tilespmem:s22+$0xFFFFFFC0]  }
0x1d9: {  	v7 =	vadd.f32 v7, v13;
	v11 =	vld [tilespmem:s22+$0xFFFFFFD0];
	v5 =	vadd.f32 v9, v5;
	v9 =	vmul.f32 v9, v9  }
0x1da: {  	v13 =	vld [tilespmem:s22+$0xFFFFFFE0];
	v6 =	vadd.f32 v15, v6;
	v4 =	vadd.f32 v10, v4;
	v10 =	vmul.f32 v10, v10  }
0x1db: {  	v15 =	vld [tilespmem:s22+$0xFFFFFFF0];
	v7 =	vadd.f32 v9, v7;
	v5 =	vadd.f32 v12, v5;
	v9 =	vmul.f32 v12, v12  }
0x1dc: {  	v12 =	vld [tilespmem:s22+$0x0];
	v6 =	vadd.f32 v10, v6;
	v4 =	vadd.f32 v14, v4;
	v10 =	vmul.f32 v14, v14  }
0x1dd: {  	v14 =	vld [tilespmem:s22+$0x10];
	v7 =	vadd.f32 v9, v7;
	v5 =	vadd.f32 v8, v5;
	v8 =	vmul.f32 v8, v8  }
0x1de: {  	v9 =	vmul.f32 v11, v11;
	v6 =	vadd.f32 v10, v6;
	v4 =	vadd.f32 v11, v4;
	v10 =	vld [tilespmem:s22+$0x20]  }
0x1df: {  	v11 =	vld [tilespmem:s22+$0x30];
	v7 =	vadd.f32 v8, v7;
	v5 =	vadd.f32 v13, v5;
	v8 =	vmul.f32 v13, v13  }
0x1e0: {  	v13 =	vld [tilespmem:s22+$0x40];
	v6 =	vadd.f32 v9, v6;
	v4 =	vadd.f32 v15, v4;
	v9 =	vmul.f32 v15, v15  }
0x1e1: {  	v15 =	vld [tilespmem:s22+$0x50];
	v7 =	vadd.f32 v8, v7;
	v5 =	vadd.f32 v12, v5;
	v8 =	vmul.f32 v12, v12  }
0x1e2: {  	v12 =	vld [tilespmem:s22+$0x60];
	v6 =	vadd.f32 v9, v6;
	v4 =	vadd.f32 v14, v4;
	v9 =	vmul.f32 v14, v14  }
0x1e3: {  	v17 =	vld [tilespmem:s22+$0xC0];
	v7 =	vadd.f32 v8, v7;
	v5 =	vadd.f32 v10, v5;
	v8 =	vmul.f32 v10, v10  }
0x1e4: {  	v10 =	vld [tilespmem:s22+$0x80];
	v6 =	vadd.f32 v9, v6;
	v4 =	vadd.f32 v11, v4;
	v9 =	vmul.f32 v11, v11  }
0x1e5: {  	v14 =	vld [tilespmem:s22+$0x90];
	v7 =	vadd.f32 v8, v7;
	v5 =	vadd.f32 v13, v5;
	v8 =	vmul.f32 v13, v13  }
0x1e6: {  	v13 =	vmul.f32 v15, v15;
	v6 =	vadd.f32 v9, v6;
	v9 =	vadd.f32 v15, v4;
	v15 =	vld [tilespmem:s22+$0xA0]  }
0x1e7: {  	s14 =	sadd.s32 $0x1A0, s22;
	v11 =	vld [tilespmem:s22+$0xB0];
	v16 =	vmul.f32 v12, v12;
	v7 =	vadd.f32 v8, v7;
	v8 =	vadd.f32 v12, v5  }
0x1e8: {  	v18 =	vmul.f32 v3, v3;
	v4 =	vld [tilespmem:s14+$0x70];
	v6 =	vadd.f32 v13, v6;
	v3 =	vadd.f32 v3, v9  }
0x1e9: {  	v5 =	vld [tilespmem:s14+$0x50];
	v9 =	vmul.f32 v10, v10;
	v7 =	vadd.f32 v16, v7;
	v8 =	vadd.f32 v10, v8  }
0x1ea: {  	v12 =	vld [tilespmem:s14+$0xFFFFFF70];
	v10 =	vmul.f32 v14, v14;
	v6 =	vadd.f32 v18, v6;
	v3 =	vadd.f32 v14, v3  }
0x1eb: {  	v13 =	vld [tilespmem:s14+$0xFFFFFF30];
	v7 =	vadd.f32 v9, v7;
	v8 =	vadd.f32 v15, v8;
	v9 =	vmul.f32 v15, v15  }
0x1ec: {  	s2 =	sadd.s32 $0x10, s16;
	v14 =	vld [tilespmem:s14+$0xFFFFFF40];
	v6 =	vadd.f32 v10, v6;
	v18 =	vadd.f32 v11, v3;
	v10 =	vmul.f32 v11, v11  }
0x1ed: {  	s8 =	sand.u32 $0x6, s16;
	s2 =	sand.u32 $0xFF8, s2;
	v15 =	vld [tilespmem:s14+$0xFFFFFF50];
	v11 =	vadd.f32 v9, v7;
	v8 =	vadd.f32 v17, v8;
	v17 =	vmul.f32 v17, v17  }
0x1ee: {  	s9 =	sshll.u32 s7, $0x4;
	s10 =	simm.s32 $0x1;
	s2 =	sor.u32 s8, s2;
	v16 =	vld [tilespmem:s14+$0xFFFFFF60];
	v3 =	vimm.f32 $0.0e+00;
	v7 =	vmov s20;
	v9 =	vadd.f32 v10, v6  }
0x1ef: {  	s23 =	simm.s32 $0x2;
	s15 =	smov.u32 s21;
	s8 =	smov.u32 s16;
	v6 =	vmul.f32 v4, v4;
	v10 =	vadd.f32 v17, v11;
	v11 =	vadd.f32 v8, v18;
	v8 =	vld [tilespmem:s2+$0x1CDE0]  }
.LBB2_16:
0x1f0: {  	p1 =	sne.s32 s23, $0xF;
	v17 =	vmul.f32 v12, v12;
	v18 =	vmul.f32 v5, v5;
	v19 =	vld [tilespmem:s15+$0x0];
	vm1 =	veq.s32 v7, v0  }
0x1f1: {  	v7 =	vmul.f32 v13, v13;
	v20 =	vld [tilespmem:s14+$0xFFFFFF80];
	v9 =	vadd.f32 v10, v9;
	v10 =	vmul.f32 v11, v11  }
0x1f2: {  	v11 =	vmul.f32 v14, v14;
	v13 =	vadd.f32 v15, v13;
	v15 =	vmul.f32 v15, v15;
	v21 =	vld [tilespmem:s14+$0xFFFFFF90]  }
0x1f3: {  	v14 =	vadd.f32 v16, v14;
	v16 =	vmul.f32 v16, v16;
	v22 =	vld [tilespmem:s14+$0xFFFFFFA0];
	v9 =	vsub.f32 v10, v9  }
0x1f4: {  	v7 =	vadd.f32 v15, v7;
	v10 =	vadd.f32 v12, v13;
	v12 =	vld [tilespmem:s14+$0xFFFFFFB0];
	v8 =	vnsel vm0, $0x0, v8  }
0x1f5: {  	v11 =	vadd.f32 v16, v11;
	v13 =	vld [tilespmem:s14+$0xFFFFFFC0];
	v8 =	vadd.f32 v8, v19;
	v9 =	vmul.f32 $5.000000000e-01, v9  }
0x1f6: {  	v7 =	vadd.f32 v17, v7;
	v15 =	vld [tilespmem:s14+$0xFFFFFFD0];
	v14 =	vadd.f32 v20, v14;
	v16 =	vmul.f32 v20, v20  }
0x1f7: {  	v10 =	vadd.f32 v21, v10;
	v17 =	vmul.f32 v21, v21;
	v19 =	vld [tilespmem:s14+$0xFFFFFFE0];
	v8 =	vadd.f32 v9, v8  }
0x1f8: {  	v9 =	vld [tilespmem:s14+$0xFFFFFFF0];
	v11 =	vadd.f32 v16, v11;
	v14 =	vadd.f32 v22, v14;
	v16 =	vmul.f32 v22, v22  }
0x1f9: {  	v7 =	vadd.f32 v17, v7;
	v10 =	vadd.f32 v12, v10;
	v12 =	vmul.f32 v12, v12;
	v17 =	vld [tilespmem:s14+$0x0];
	(xrf2) =	vadd.scan.msk.f32 $0xffff, v8  }
0x1fa: {  	v8 =	vld [tilespmem:s14+$0x10];
	v11 =	vadd.f32 v16, v11;
	v14 =	vadd.f32 v13, v14;
	v13 =	vmul.f32 v13, v13  }
0x1fb: {  	v7 =	vadd.f32 v12, v7;
	v10 =	vadd.f32 v15, v10;
	v12 =	vmul.f32 v15, v15;
	v15 =	vld [tilespmem:s14+$0x20]  }
0x1fc: {  	v16 =	vld [tilespmem:s14+$0x30];
	v11 =	vadd.f32 v13, v11;
	v13 =	vadd.f32 v19, v14;
	v14 =	vmul.f32 v19, v19  }
0x1fd: {  	v7 =	vadd.f32 v12, v7;
	v10 =	vadd.f32 v9, v10;
	v9 =	vmul.f32 v9, v9;
	v12 =	vld [tilespmem:s14+$0x40]  }
0x1fe: {  	v11 =	vadd.f32 v14, v11;
	v13 =	vadd.f32 v17, v13;
	v14 =	vmul.f32 v17, v17;
	v17 =	vld [tilespmem:s14+$0x60]  }
0x1ff: {  	v7 =	vadd.f32 v9, v7;
	v9 =	vadd.f32 v8, v10;
	v8 =	vmul.f32 v8, v8  }
0x200: {  	v10 =	vadd.f32 v14, v11;
	v11 =	vadd.f32 v15, v13;
	v19 =	vmul.f32 v15, v15;
	v14 =	vld [tilespmem:s14+$0x80]  }
0x201: {  	v7 =	vadd.f32 v8, v7;
	v8 =	vadd.f32 v16, v9;
	v9 =	vmul.f32 v16, v16;
	v15 =	vld [tilespmem:s14+$0xB0]  }
0x202: {  	v16 =	vld [tilespmem:s14+$0x90];
	v10 =	vadd.f32 v19, v10;
	v11 =	vadd.f32 v12, v11;
	v12 =	vmul.f32 v12, v12  }
0x203: {  	v7 =	vadd.f32 v9, v7;
	v5 =	vadd.f32 v5, v8;
	v8 =	vmul.f32 v17, v17;
	v9 =	vld [tilespmem:s14+$0xA0];
	v13, _, _ =	vpop (xrf2)  }
0x204: {  	v10 =	vadd.f32 v12, v10;
	v11 =	vadd.f32 v17, v11;
	v17 =	vld [tilespmem:s14+$0xC0];
	s14 =	sadd.s32 $0x1A0, s14;
	v12 =	vbroadcast v13, $0xF  }
0x205: {  	v7 =	vadd.f32 v18, v7;
	v13 =	vadd.f32 v4, v5;
	v4 =	vld [tilespmem:s14+$0x70];
	v18 =	vmul.f32 v14, v14  }
0x206: {  	v5 =	vld [tilespmem:s14+$0x50];
	v8 =	vadd.f32 v8, v10;
	v10 =	vadd.f32 v14, v11;
	v3 =	vsel vm1, v12, v3  }
0x207: {  	v12 =	vld [tilespmem:s14+$0xFFFFFF70];
	v6 =	vadd.f32 v6, v7;
	v7 =	vadd.f32 v16, v13;
	v11 =	vmul.f32 v16, v16  }
.Ltmp6:
0x208: {  	s8 =	sadd.s32 $0x1A, s8;
	v13 =	vld [tilespmem:s14+$0xFFFFFF30];
	v8 =	vadd.f32 v18, v8;
	v10 =	vadd.f32 v9, v10;
	v9 =	vmul.f32 v9, v9;
	(pc) =	sbr.rel @p1 .LBB2_16-.Ltmp6, $4  }
0x209: {  	s2 =	sadd.s32 $0x10, s8;
	v14 =	vld [tilespmem:s14+$0xFFFFFF40];
	v6 =	vadd.f32 v11, v6;
	v11 =	vadd.f32 v15, v7;
	v7 =	vmul.f32 v15, v15  }
0x20a: {  	s19 =	sand.u32 $0x6, s8;
	s2 =	sand.u32 $0xFF8, s2;
	v15 =	vld [tilespmem:s14+$0xFFFFFF50];
	v8 =	vadd.f32 v9, v8;
	v18 =	vadd.f32 v17, v10;
	v10 =	vmul.f32 v17, v17  }
0x20b: {  	s2 =	sor.u32 s19, s2;
	v16 =	vld [tilespmem:s14+$0xFFFFFF60];
	v9 =	vadd.f32 v7, v6;
	v7 =	vmov s10;
	s10 =	smov.u32 s23  }
0x20c: {  	s15 =	sadd.s32 $0x1A, s15;
	v6 =	vmul.f32 v4, v4;
	s23 =	sadd.s32 $0x1, s23;
	v10 =	vadd.f32 v10, v8;
	v11 =	vadd.f32 v18, v11;
	v8 =	vld [tilespmem:s2+$0x1CDE0]  }
0x20d: {  	v17 =	vld [tilespmem:s14+$0xFFFFFF80]  }
0x20e: {  	v18 =	vld [tilespmem:s14+$0xFFFFFF90]  }
0x20f: {  	v19 =	vmul.f32 v13, v13;
	v20 =	vld [tilespmem:s14+$0xFFFFFFA0];
	v59 =	vadd.f32 v15, v13;
	v60 =	vmul.f32 v15, v15  }
0x210: {  	v22 =	vld [tilespmem:s14+$0xFFFFFFB0];
	v21 =	vmul.f32 v14, v14;
	v61 =	vadd.f32 v16, v14;
	v62 =	vmul.f32 v16, v16  }
0x211: {  	v63 =	vmul.f32 v12, v12;
	v25 =	vld [tilespmem:s14+$0xFFFFFFC0];
	v15 =	vadd.f32 v60, v19;
	v24 =	vadd.f32 v12, v59  }
0x212: {  	v26 =	vld [tilespmem:s14+$0xFFFFFFD0];
	v16 =	vadd.f32 v62, v21;
	v14 =	vadd.f32 v17, v61;
	v17 =	vmul.f32 v17, v17  }
0x213: {  	v27 =	vld [tilespmem:s14+$0xFFFFFFE0];
	v15 =	vadd.f32 v63, v15;
	v12 =	vadd.f32 v18, v24;
	v18 =	vmul.f32 v18, v18  }
0x214: {  	v28 =	vld [tilespmem:s14+$0xFFFFFFF0];
	v16 =	vadd.f32 v17, v16;
	v14 =	vadd.f32 v20, v14;
	v20 =	vmul.f32 v20, v20  }
0x215: {  	v30 =	vld [tilespmem:s14+$0x0];
	v29 =	vmul.f32 v22, v22;
	v15 =	vadd.f32 v18, v15;
	v12 =	vadd.f32 v22, v12  }
0x216: {  	v31 =	vld [tilespmem:s14+$0x10];
	v13 =	vmul.f32 v25, v25;
	v16 =	vadd.f32 v20, v16;
	v14 =	vadd.f32 v25, v14  }
0x217: {  	v33 =	vld [tilespmem:s14+$0x20];
	v32 =	vmul.f32 v26, v26;
	v15 =	vadd.f32 v29, v15;
	v12 =	vadd.f32 v26, v12  }
0x218: {  	v34 =	vld [tilespmem:s14+$0x30];
	v19 =	vmul.f32 v27, v27;
	v13 =	vadd.f32 v13, v16;
	v14 =	vadd.f32 v27, v14  }
0x219: {  	v35 =	vld [tilespmem:s14+$0x40];
	v17 =	vmul.f32 v28, v28;
	v15 =	vadd.f32 v32, v15;
	v12 =	vadd.f32 v28, v12  }
0x21a: {  	v36 =	vmul.f32 v30, v30;
	v13 =	vadd.f32 v19, v13;
	v14 =	vadd.f32 v30, v14  }
0x21b: {  	v37 =	vld [tilespmem:s14+$0x60];
	v38 =	vmul.f32 v31, v31;
	v15 =	vadd.f32 v17, v15;
	v12 =	vadd.f32 v31, v12  }
0x21c: {  	v39 =	vmul.f32 v33, v33;
	v13 =	vadd.f32 v36, v13;
	v14 =	vadd.f32 v33, v14  }
0x21d: {  	v40 =	vld [tilespmem:s14+$0x80];
	v16 =	vmul.f32 v34, v34;
	v15 =	vadd.f32 v38, v15;
	v12 =	vadd.f32 v34, v12  }
0x21e: {  	v41 =	vld [tilespmem:s14+$0x90];
	v18 =	vmul.f32 v35, v35;
	v13 =	vadd.f32 v39, v13;
	v14 =	vadd.f32 v35, v14  }
0x21f: {  	v42 =	vmul.f32 v5, v5;
	v44 =	vld [tilespmem:s14+$0xA0];
	v15 =	vadd.f32 v16, v15;
	v43 =	vadd.f32 v5, v12  }
0x220: {  	v45 =	vld [tilespmem:s14+$0xB0];
	v46 =	vmul.f32 v37, v37;
	v13 =	vadd.f32 v18, v13;
	v14 =	vadd.f32 v37, v14  }
0x221: {  	v47 =	vld [tilespmem:s14+$0xC0];
	v15 =	vadd.f32 v42, v15;
	v4 =	vadd.f32 v4, v43  }
0x222: {  	v48 =	vmul.f32 v40, v40;
	v13 =	vadd.f32 v46, v13;
	v14 =	vadd.f32 v40, v14  }
0x223: {  	v49 =	vmul.f32 v41, v41;
	v6 =	vadd.f32 v6, v15;
	v4 =	vadd.f32 v41, v4  }
0x224: {  	s2 =	sadd.s32 $0x1A, s8;
	v12 =	vmul.f32 v44, v44;
	v5 =	vadd.f32 v48, v13;
	v50 =	vadd.f32 v44, v14  }
0x225: {  	s8 =	sadd.s32 $0x10, s2;
	v51 =	vmul.f32 v45, v45;
	v6 =	vadd.f32 v49, v6;
	v4 =	vadd.f32 v45, v4  }
0x226: {  	s2 =	sand.u32 $0x6, s2;
	s8 =	sand.u32 $0xFF8, s8;
	v53 =	vmul.f32 v47, v47;
	v5 =	vadd.f32 v12, v5;
	v52 =	vadd.f32 v47, v50  }
0x227: {  	v54 =	vld [tilespmem:s15+$0x0];
	s2 =	sor.u32 s2, s8;
	v6 =	vadd.f32 v51, v6  }
0x228: {  	s25 =	sadd.s32 $0x1A, s15;
	v55 =	vld [tilespmem:s2+$0x1CDE0];
	v5 =	vadd.f32 v53, v5;
	v4 =	vadd.f32 v52, v4  }
0x229: {  	v9 =	vadd.f32 v10, v9;
	v56 =	vmul.f32 v11, v11;
	v57 =	vld [tilespmem:s25+$0x0]  }
0x22a: {  	v5 =	vadd.f32 v5, v6;
	v4 =	vmul.f32 v4, v4  }
0x22b: {  	v58 =	vsub.f32 v56, v9  }
0x22c: {  	v8 =	vnsel vm0, $0x0, v8;
	v4 =	vsub.f32 v4, v5  }
0x22d: {  	v59 =	vadd.f32 v8, v54;
	v60 =	vnsel vm0, $0x0, v55;
	v6 =	vmul.f32 $5.000000000e-01, v58  }
0x22e: {  	v8 =	vadd.f32 v60, v57;
	v4 =	vmul.f32 $5.000000000e-01, v4  }
0x22f: {  	v5 =	vadd.f32 v6, v59  }
0x230: {  	v4 =	vadd.f32 v4, v8  }
0x231: {  	(xrf2) =	vadd.scan.msk.f32 $0xffff, v5  }
0x232: {  	(xrf2) =	vadd.scan.msk.f32 $0xffff, v4;
	_ =	sdelay $0x8  }
0x233: {  	v61, _, _ =	vpop (xrf2)  }
0x234: {  	v4 =	vbroadcast v61, $0xF;
	v62, _, _ =	vpop (xrf2)  }
0x235: {  	vm1 =	veq.s32 v7, v0;
	v63 =	vmov s10;
	v5 =	vbroadcast v62, $0xF  }
0x236: {  	v3 =	vsel vm1, v4, v3;
	vm1 =	veq.s32 v63, v0  }
0x237: {  	v3 =	vsel vm1, v5, v3  }
0x238: {  	v3 =	vadd.f32 v3, v1;
	_ =	sdelay $0x1  }
0x239: {  	v3 =	vsub.f32 $0.0e+00, v3;
	_ =	sdelay $0x1  }
0x23a: {  	v3 =	vmul.f32 $1.442695020e+00, v3;
	_ =	sdelay $0x1  }
0x23b: {  	(erf) = vpow2.f32 v3;
	_ =	sdelay $0x8  }
0x23c: {  	v3 =	vpop (erf)  }
0x23d: {  	v3 =	vadd.f32 $1.000000000e+00, v3;
	_ =	sdelay $0x1  }
0x23e: {  	(erf) = vrcp.f32 v3;
	_ =	sdelay $0x3  }
0x23f: {  	s7 =	sadd.s32 $0x1, s7  }
0x240: {  	p1 =	sne.s32 s7, $0x4  }
.Ltmp7:
0x241: {  	_ = 	snop;
	(pc) =	sbr.rel @p1 .LBB2_15-.Ltmp7, $3  }
0x242: {  	_ =	sdelay $0x1  }
0x243: {  	v3 =	vpop (erf)  }
0x244: {  	s16 =	sadd.s32 $0x1A0, s16;
	s21 =	sadd.s32 $0x1A0, s21;
	s22 =	sadd.s32 $0x1A00, s22;
	[tilespmem:v2+s9+$0x0 ss:$0x1] =	vst.idx.msk $0xffff, v3  }
.Ltmp8:
0x245: {  	(pc) =	sbr.rel @p0 .LBB2_2-.Ltmp8, $2  }
0x246: {  	_ =	sdelay $0x2  }
0x247: {  	s7 =	simm.s32 $0x1;
	p1 =	por $0x0, $0x0  }
0x248: {  	s14 =	simm.s32 $0x0;
	s2 =	rddreg [dreg:$0x7];
	s7 =	simm.s32 $0x1D480  }
0x249: {  	[hbm4b:s2+s14] =	stream.linear.scatter [tilespmem:s7], [sflag:$0x5], $0x200, $0x38;
	[tilespmem:$0x1D690] =	vst v63  }
0x24a: {  	_ =	swait.ge [sflag:s17], $0x200  }
0x24b: {  	s24 =	rddreg [dreg:$0x9]  }
0x24c: {  	s25 =	rddreg [dreg:$0x8];
	s7 =	sadd.s32 $0x1, s24  }
0x24d: {  	p0 =	sne.s32 s7, s25  }
.Ltmp9:
0x24e: {  	_ = 	snop;
	(pc) =	sbr.rel @p0 .LBB2_1-.Ltmp9, $3  }
0x24f: {  	_ =	sdelay $0x1  }
0x250: {  	[sflag:s17] =	ssyncset.done $0x0  }
0x251: {  	[sflag:s17] =	ssyncadd.s32 $0xFFFFFE00  }
0x252: {  	_ =	sfence.sel $0x180000  }
0x253: {  	[bflag:$0x0] =	sbarrier.arrive $0xFFFF  }
0x254: {  	_ =	strace $0x9000004A  }
0x255: {  	s0 =	stileid.u32;
	[bflag:$0x2] =	sbarrier.arrive $0xFFFF  }
0x256: {  	p0 =	sne.s32 s0, $0x0;
	s0 =	rddreg [dreg:$0x2]  }
0x257: {  	s0 =	sadd.s32 @!p0 $0x100000, s0  }
0x258: {  	[sflag:s0] =	ssyncadd.tile.s32 @!p0 $0x1;
	_ =	shalt  }
.Lfunc_end2:
_tile_overlayer_lowered:
.L_overlay_start_2:
0x259: {  	(tag) =	ssettag $0x2  }
0x25a: {  	s0 =	rddreg [dreg:$0x0];
	s2 =	stileid.u32  }
0x25b: {  	s1 =	rddreg [dreg:$0x1];
	p0 =	sne.s32 s2, $0x0  }
0x25c: {  	s3 =	rddreg [dreg:$0x2];
	[bflag:$0x3] =	sbarrier.arrive $0xFFFF;
	s2 =	simm.s32 @!p0 $0x1C05  }
0x25d: {  	[timem:s3], [sflag:s2] =	dma.local @!p0 [hbm:s0], s1  }
0x25e: {  	s0 =	simm.s32 @!p0 $0x5  }
0x25f: {  	_ =	swait.ge @!p0 [sflag:s0], s1  }
0x260: {  	s1 =	ssub.s32 @!p0 $0x0, s1;
	[sflag:s0] =	ssyncset.done @!p0 $0x0  }
0x261: {  	[sflag:s0] =	ssyncadd.s32 @!p0 s1  }
0x262: {  	[bflag:$0x3] =	sbarrier.arrive $0xFFFF  }
0x263: {  	_ =	shalt  }

</sc_bundles>
